<compile_context>
chip_gen: v7x
topology: tpu7x:2x2x1
jax: 0.10.2.dev20260603
libtpu: 0.0.44.dev20260713+nightly
codegen_flags: <defaults>
</compile_context>

<pallas_src>
import jax
import jax.numpy as jnp
from jax import lax
from jax.experimental import pallas as pl
from jax.experimental.pallas import tpu as pltpu
from jax.experimental.pallas import tpu_sc as plsc

BATCH = 16384
HIDDEN = 64
NUM_CORES = 2
NUM_SUBCORES = 16
NUM_WORKERS = NUM_CORES * NUM_SUBCORES
B_PER_W = BATCH // NUM_WORKERS
TCOL = 128
NRING = 11
N_STEPS = B_PER_W // NRING
N_REM = B_PER_W - N_STEPS * NRING


def _embed_body(tT, labels_hbm, outT, lab_v, out_vT,
                b0, b1, b2, b3, b4, b5, b6, b7, b8, b9, b10,
                s0, s1, s2, s3, s4, s5, s6, s7, s8, s9, s10):
    wid = lax.axis_index("s") * NUM_CORES + lax.axis_index("c")
    base = pl.multiple_of(wid * B_PER_W, TCOL)
    pltpu.sync_copy(labels_hbm.at[pl.ds(base, B_PER_W)], lab_v)

    bufs = (b0, b1, b2, b3, b4, b5, b6, b7, b8, b9, b10)
    sems = (s0, s1, s2, s3, s4, s5, s6, s7, s8, s9, s10)
    iota = lax.iota(jnp.int32, 16)

    def get_label(i):
        gb = pl.multiple_of((i >> 4) * 16, 16)
        lv = lab_v[pl.ds(gb, 16)]
        return jnp.max(jnp.where(iota == (i & 15), lv, 0))

    def enq(i, k):
        r = get_label(i)
        rb = pl.multiple_of((r >> 7) * TCOL, TCOL)
        pltpu.async_copy(tT.at[:, pl.ds(rb, TCOL)], bufs[k], sems[k])

    def extract(i, k):
        pltpu.make_async_copy(tT.at[:, pl.ds(0, TCOL)], bufs[k],
                              sems[k]).wait()
        r = get_label(i)
        col = jnp.full((16,), r & (TCOL - 1), jnp.int32)
        tv = jnp.full((16,), i, jnp.int32)
        for q in range(HIDDEN // 16):
            cv = iota + q * 16
            vals = plsc.load_gather(bufs[k], [cv, col])
            plsc.store_scatter(out_vT, [cv, tv], vals)

    for k in range(NRING - 1):
        enq(k, k)

    def steady(s, carry):
        for k in range(NRING):
            enq(s * NRING + k - 1, (k - 1) % NRING)
            extract((s - 1) * NRING + k, k)
        return carry

    lax.fori_loop(1, N_STEPS, steady, 0)
    enq(N_STEPS * NRING - 1, NRING - 1)
    for k in range(NRING):
        extract((N_STEPS - 1) * NRING + k, k)
        if k < N_REM:
            enq(N_STEPS * NRING + k, k)
    for k in range(N_REM):
        extract(N_STEPS * NRING + k, k)

    pltpu.sync_copy(out_vT, outT.at[:, pl.ds(base, B_PER_W)])


def kernel(labels, embedding_table):
    tT = embedding_table.T
    mesh = plsc.VectorSubcoreMesh(core_axis_name="c", subcore_axis_name="s")
    run = pl.kernel(
        _embed_body,
        mesh=mesh,
        out_type=jax.ShapeDtypeStruct((HIDDEN, BATCH), jnp.float32),
        scratch_types=[
            pltpu.VMEM((B_PER_W,), jnp.int32),
            pltpu.VMEM((HIDDEN, B_PER_W), jnp.float32),
        ] + [pltpu.VMEM((HIDDEN, TCOL), jnp.float32)] * NRING
          + [pltpu.SemaphoreType.DMA] * NRING,
        compiler_params=pltpu.CompilerParams(
            needs_layout_passes=False, disable_bounds_checks=True),
    )
    outT = run(tT, labels)
    return outT.T

# --- scband reference (transcript-rebuilt; emitter-appended) ---
"""Pipeline reference for scband-label-embedder-56100862820888 (READ-ONLY COPY).

The authoritative reference and input builder live on the scoring server;
editing this copy changes nothing except your own understanding.
"""

import jax, jax.numpy as jnp
import numpy as np

NUM_CLASSES = 1000000
HIDDEN_SIZE = 64
BATCH = 16384

def setup_inputs(seed: int = 0) -> dict:
    key = jax.random.key(seed)
    k_labels, k_table = jax.random.split(key)
    labels = jax.random.randint(k_labels, (BATCH,), 0, NUM_CLASSES, dtype=jnp.int64 if jax.config.jax_enable_x64 else jnp.int32).astype(jnp.int32)
    # nn.Embedding default init: N(0, 1)
    embedding_table = jax.random.normal(k_table, (NUM_CLASSES, HIDDEN_SIZE), dtype=jnp.float32)
    return {"labels": labels, "embedding_table": embedding_table}

def reference(labels, embedding_table):
    # LabelEmbedder.forward: embeddings = self.embedding_table(labels)
    embeddings = jnp.take(embedding_table, labels, axis=0)
    return embeddings

if __name__ == "__main__":
    import jax
    _d = setup_inputs()
    print(jax.jit(kernel)(*tuple(_d.values())))

</pallas_src>

<mosaic_0001>
#map = affine_map<(d0, d1) -> (0, 0)>
#map1 = affine_map<(d0, d1) -> (0)>
module attributes {stable_mosaic.version = 14 : i64} {
  func.func @_embed_body(%arg0: i32, %arg1: i32, %arg2: memref<64x1000000xf32, #tpu.memory_space<hbm>>, %arg3: memref<16384xi32, #tpu.memory_space<hbm>>, %arg4: memref<64x16384xf32, #tpu.memory_space<hbm>>, %arg5: memref<512xi32, #tpu.memory_space<vmem>>, %arg6: memref<64x512xf32, #tpu.memory_space<vmem>>, %arg7: memref<64x128xf32, #tpu.memory_space<vmem>>, %arg8: memref<64x128xf32, #tpu.memory_space<vmem>>, %arg9: memref<64x128xf32, #tpu.memory_space<vmem>>, %arg10: memref<64x128xf32, #tpu.memory_space<vmem>>, %arg11: memref<64x128xf32, #tpu.memory_space<vmem>>, %arg12: memref<64x128xf32, #tpu.memory_space<vmem>>, %arg13: memref<64x128xf32, #tpu.memory_space<vmem>>, %arg14: memref<64x128xf32, #tpu.memory_space<vmem>>, %arg15: memref<64x128xf32, #tpu.memory_space<vmem>>, %arg16: memref<64x128xf32, #tpu.memory_space<vmem>>, %arg17: memref<64x128xf32, #tpu.memory_space<vmem>>, %arg18: memref<!tpu.dma_semaphore, #tpu.memory_space<semaphore_mem>>, %arg19: memref<!tpu.dma_semaphore, #tpu.memory_space<semaphore_mem>>, %arg20: memref<!tpu.dma_semaphore, #tpu.memory_space<semaphore_mem>>, %arg21: memref<!tpu.dma_semaphore, #tpu.memory_space<semaphore_mem>>, %arg22: memref<!tpu.dma_semaphore, #tpu.memory_space<semaphore_mem>>, %arg23: memref<!tpu.dma_semaphore, #tpu.memory_space<semaphore_mem>>, %arg24: memref<!tpu.dma_semaphore, #tpu.memory_space<semaphore_mem>>, %arg25: memref<!tpu.dma_semaphore, #tpu.memory_space<semaphore_mem>>, %arg26: memref<!tpu.dma_semaphore, #tpu.memory_space<semaphore_mem>>, %arg27: memref<!tpu.dma_semaphore, #tpu.memory_space<semaphore_mem>>, %arg28: memref<!tpu.dma_semaphore, #tpu.memory_space<semaphore_mem>>) attributes {dimension_semantics = [#tpu.dimension_semantics<core_parallel>, #tpu.dimension_semantics<subcore_parallel>], iteration_bounds = array<i64: 2, 16>, scalar_prefetch = 0 : i64, scratch_operands = 24 : i64, tpu.core_type = #tpu.core_type<sc_vector_subcore>, window_params = [{transform_indices = #map}, {transform_indices = #map1}, {transform_indices = #map}]} {
    %mul3A = arith.constant 2 : i32
    %mul3A_0 = arith.muli %arg1, %mul3A : i32
    %add3A = arith.addi %mul3A_0, %arg0 : i32
    %mul3A_1 = arith.constant 512 : i32
    %mul3A_2 = arith.muli %add3A, %mul3A_1 : i32
    %multiple_of3A = tpu.assume_multiple %mul3A_2, 128 : i32
    "tpu.region"() ({
      %run_scoped3A = tpu.sem_alloc : memref<!tpu.dma_semaphore, #tpu.memory_space<semaphore_mem>>
      %dma_start3A_1221 = tpu.memref_slice %arg3[%multiple_of3A] : memref<16384xi32, #tpu.memory_space<hbm>> -> memref<512xi32, #tpu.memory_space<hbm>>
      %dma_start3A_1222 = tpu.memref_slice %arg3[%multiple_of3A] : memref<16384xi32, #tpu.memory_space<hbm>> -> memref<512xi32, #tpu.memory_space<hbm>>
      tpu.enqueue_dma source(%dma_start3A_1222 : memref<512xi32, #tpu.memory_space<hbm>>) target(%arg5 : memref<512xi32, #tpu.memory_space<vmem>>) target_semaphore(%run_scoped3A : memref<!tpu.dma_semaphore, #tpu.memory_space<semaphore_mem>>)
      %dma_wait3A_1223 = tpu.memref_slice %arg3[%multiple_of3A] : memref<16384xi32, #tpu.memory_space<hbm>> -> memref<512xi32, #tpu.memory_space<hbm>>
      %dma_wait3A_1224 = tpu.memref_slice %arg3[%multiple_of3A] : memref<16384xi32, #tpu.memory_space<hbm>> -> memref<512xi32, #tpu.memory_space<hbm>>
      tpu.wait_dma2 semaphore(%run_scoped3A : memref<!tpu.dma_semaphore, #tpu.memory_space<semaphore_mem>>) src(%dma_wait3A_1224 : memref<512xi32, #tpu.memory_space<hbm>>) dst(%arg5 : memref<512xi32, #tpu.memory_space<vmem>>)
      tpu.yield
    }) : () -> ()
    %iota3A = tpu.iota {dimensions = array<i32: 0>} : vector<16xi32>
    %multiple_of3A_3 = arith.constant 0 : i32
    %multiple_of3A_4 = tpu.assume_multiple %multiple_of3A_3, 16 : i32
    %get3A = arith.index_cast %multiple_of3A_4 : i32 to index
    %get3A_5 = tpu.vector_load %arg5[%get3A] {strides = array<i32>} : memref<512xi32, #tpu.memory_space<vmem>>, vector<16xi32>,
    %eq3A = arith.constant 0 : i32
    %eq3A_6 = vector.broadcast %eq3A : i32 to vector<16xi32>
    %eq3A_7 = arith.cmpi eq, %iota3A, %eq3A_6 : vector<16xi32>
    %jit3A = arith.constant 0 : i32
    %broadcast_in_dim3A = vector.broadcast %jit3A : i32 to vector<16xi32>
    %select_n3A = arith.select %eq3A_7, %get3A_5, %broadcast_in_dim3A : vector<16xi1>, vector<16xi32>
    %reduce_max3A = arith.constant true
    %reduce_max3A_8 = vector.broadcast %reduce_max3A : i1 to vector<16xi1>
    %reduce_max3A_9 = arith.constant -2147483648 : i32
    %reduce_max3A_10 = vector.broadcast %reduce_max3A_9 : i32 to vector<16xi32>
    %reduce_max3A_11 = arith.xori %select_n3A, %reduce_max3A_10 : vector<16xi32>
    %reduce_max3A_12 = tpu.scan <max>, %reduce_max3A_11 masked %reduce_max3A_8 : vector<16xi32>, vector<16xi1> -> vector<16xi32>
    %reduce_max3A_13 = arith.xori %reduce_max3A_12, %reduce_max3A_10 : vector<16xi32>
    %reduce_max3A_14 = vector.extract %reduce_max3A_13[15] : i32 from vector<16xi32>
    %shift_right_arithmetic3A = arith.constant 7 : i32
    %shift_right_arithmetic3A_15 = arith.shrsi %reduce_max3A_14, %shift_right_arithmetic3A : i32
    %mul3A_16 = arith.constant 128 : i32
    %mul3A_17 = arith.muli %shift_right_arithmetic3A_15, %mul3A_16 : i32
    %multiple_of3A_18 = tpu.assume_multiple %mul3A_17, 128 : i32
    %dma_start3A = arith.constant 0 : i32
    %dma_start3A_19 = tpu.memref_slice %arg2[%dma_start3A, %multiple_of3A_18] : memref<64x1000000xf32, #tpu.memory_space<hbm>> -> memref<64x128xf32, #tpu.memory_space<hbm>>
    %dma_start3A_20 = arith.constant 0 : i32
    %dma_start3A_21 = tpu.memref_slice %arg2[%dma_start3A_20, %multiple_of3A_18] : memref<64x1000000xf32, #tpu.memory_space<hbm>> -> memref<64x128xf32, #tpu.memory_space<hbm>>
    tpu.enqueue_dma source(%dma_start3A_21 : memref<64x128xf32, #tpu.memory_space<hbm>>) target(%arg7 : memref<64x128xf32, #tpu.memory_space<vmem>>) target_semaphore(%arg18 : memref<!tpu.dma_semaphore, #tpu.memory_space<semaphore_mem>>)
    %multiple_of3A_22 = arith.constant 0 : i32
    %multiple_of3A_23 = tpu.assume_multiple %multiple_of3A_22, 16 : i32
    %get3A_24 = arith.index_cast %multiple_of3A_23 : i32 to index
    %get3A_25 = tpu.vector_load %arg5[%get3A_24] {strides = array<i32>} : memref<512xi32, #tpu.memory_space<vmem>>, vector<16xi32>,
    %eq3A_26 = arith.constant 1 : i32
    %eq3A_27 = vector.broadcast %eq3A_26 : i32 to vector<16xi32>
    %eq3A_28 = arith.cmpi eq, %iota3A, %eq3A_27 : vector<16xi32>
    %jit3A_29 = arith.constant 0 : i32
    %broadcast_in_dim3A_30 = vector.broadcast %jit3A_29 : i32 to vector<16xi32>
    %select_n3A_31 = arith.select %eq3A_28, %get3A_25, %broadcast_in_dim3A_30 : vector<16xi1>, vector<16xi32>
    %reduce_max3A_32 = arith.constant true
    %reduce_max3A_33 = vector.broadcast %reduce_max3A_32 : i1 to vector<16xi1>
    %reduce_max3A_34 = arith.constant -2147483648 : i32
    %reduce_max3A_35 = vector.broadcast %reduce_max3A_34 : i32 to vector<16xi32>
    %reduce_max3A_36 = arith.xori %select_n3A_31, %reduce_max3A_35 : vector<16xi32>
    %reduce_max3A_37 = tpu.scan <max>, %reduce_max3A_36 masked %reduce_max3A_33 : vector<16xi32>, vector<16xi1> -> vector<16xi32>
    %reduce_max3A_38 = arith.xori %reduce_max3A_37, %reduce_max3A_35 : vector<16xi32>
    %reduce_max3A_39 = vector.extract %reduce_max3A_38[15] : i32 from vector<16xi32>
    %shift_right_arithmetic3A_40 = arith.constant 7 : i32
    %shift_right_arithmetic3A_41 = arith.shrsi %reduce_max3A_39, %shift_right_arithmetic3A_40 : i32
    %mul3A_42 = arith.constant 128 : i32
    %mul3A_43 = arith.muli %shift_right_arithmetic3A_41, %mul3A_42 : i32
    %multiple_of3A_44 = tpu.assume_multiple %mul3A_43, 128 : i32
    %dma_start3A_45 = arith.constant 0 : i32
    %dma_start3A_46 = tpu.memref_slice %arg2[%dma_start3A_45, %multiple_of3A_44] : memref<64x1000000xf32, #tpu.memory_space<hbm>> -> memref<64x128xf32, #tpu.memory_space<hbm>>
    %dma_start3A_47 = arith.constant 0 : i32
    %dma_start3A_48 = tpu.memref_slice %arg2[%dma_start3A_47, %multiple_of3A_44] : memref<64x1000000xf32, #tpu.memory_space<hbm>> -> memref<64x128xf32, #tpu.memory_space<hbm>>
    tpu.enqueue_dma source(%dma_start3A_48 : memref<64x128xf32, #tpu.memory_space<hbm>>) target(%arg8 : memref<64x128xf32, #tpu.memory_space<vmem>>) target_semaphore(%arg19 : memref<!tpu.dma_semaphore, #tpu.memory_space<semaphore_mem>>)
    %multiple_of3A_49 = arith.constant 0 : i32
    %multiple_of3A_50 = tpu.assume_multiple %multiple_of3A_49, 16 : i32
    %get3A_51 = arith.index_cast %multiple_of3A_50 : i32 to index
    %get3A_52 = tpu.vector_load %arg5[%get3A_51] {strides = array<i32>} : memref<512xi32, #tpu.memory_space<vmem>>, vector<16xi32>,
    %eq3A_53 = arith.constant 2 : i32
    %eq3A_54 = vector.broadcast %eq3A_53 : i32 to vector<16xi32>
    %eq3A_55 = arith.cmpi eq, %iota3A, %eq3A_54 : vector<16xi32>
    %jit3A_56 = arith.constant 0 : i32
    %broadcast_in_dim3A_57 = vector.broadcast %jit3A_56 : i32 to vector<16xi32>
    %select_n3A_58 = arith.select %eq3A_55, %get3A_52, %broadcast_in_dim3A_57 : vector<16xi1>, vector<16xi32>
    %reduce_max3A_59 = arith.constant true
    %reduce_max3A_60 = vector.broadcast %reduce_max3A_59 : i1 to vector<16xi1>
    %reduce_max3A_61 = arith.constant -2147483648 : i32
    %reduce_max3A_62 = vector.broadcast %reduce_max3A_61 : i32 to vector<16xi32>
    %reduce_max3A_63 = arith.xori %select_n3A_58, %reduce_max3A_62 : vector<16xi32>
    %reduce_max3A_64 = tpu.scan <max>, %reduce_max3A_63 masked %reduce_max3A_60 : vector<16xi32>, vector<16xi1> -> vector<16xi32>
    %reduce_max3A_65 = arith.xori %reduce_max3A_64, %reduce_max3A_62 : vector<16xi32>
    %reduce_max3A_66 = vector.extract %reduce_max3A_65[15] : i32 from vector<16xi32>
    %shift_right_arithmetic3A_67 = arith.constant 7 : i32
    %shift_right_arithmetic3A_68 = arith.shrsi %reduce_max3A_66, %shift_right_arithmetic3A_67 : i32
    %mul3A_69 = arith.constant 128 : i32
    %mul3A_70 = arith.muli %shift_right_arithmetic3A_68, %mul3A_69 : i32
    %multiple_of3A_71 = tpu.assume_multiple %mul3A_70, 128 : i32
    %dma_start3A_72 = arith.constant 0 : i32
    %dma_start3A_73 = tpu.memref_slice %arg2[%dma_start3A_72, %multiple_of3A_71] : memref<64x1000000xf32, #tpu.memory_space<hbm>> -> memref<64x128xf32, #tpu.memory_space<hbm>>
    %dma_start3A_74 = arith.constant 0 : i32
    %dma_start3A_75 = tpu.memref_slice %arg2[%dma_start3A_74, %multiple_of3A_71] : memref<64x1000000xf32, #tpu.memory_space<hbm>> -> memref<64x128xf32, #tpu.memory_space<hbm>>
    tpu.enqueue_dma source(%dma_start3A_75 : memref<64x128xf32, #tpu.memory_space<hbm>>) target(%arg9 : memref<64x128xf32, #tpu.memory_space<vmem>>) target_semaphore(%arg20 : memref<!tpu.dma_semaphore, #tpu.memory_space<semaphore_mem>>)
    %multiple_of3A_76 = arith.constant 0 : i32
    %multiple_of3A_77 = tpu.assume_multiple %multiple_of3A_76, 16 : i32
    %get3A_78 = arith.index_cast %multiple_of3A_77 : i32 to index
    %get3A_79 = tpu.vector_load %arg5[%get3A_78] {strides = array<i32>} : memref<512xi32, #tpu.memory_space<vmem>>, vector<16xi32>,
    %eq3A_80 = arith.constant 3 : i32
    %eq3A_81 = vector.broadcast %eq3A_80 : i32 to vector<16xi32>
    %eq3A_82 = arith.cmpi eq, %iota3A, %eq3A_81 : vector<16xi32>
    %jit3A_83 = arith.constant 0 : i32
    %broadcast_in_dim3A_84 = vector.broadcast %jit3A_83 : i32 to vector<16xi32>
    %select_n3A_85 = arith.select %eq3A_82, %get3A_79, %broadcast_in_dim3A_84 : vector<16xi1>, vector<16xi32>
    %reduce_max3A_86 = arith.constant true
    %reduce_max3A_87 = vector.broadcast %reduce_max3A_86 : i1 to vector<16xi1>
    %reduce_max3A_88 = arith.constant -2147483648 : i32
    %reduce_max3A_89 = vector.broadcast %reduce_max3A_88 : i32 to vector<16xi32>
    %reduce_max3A_90 = arith.xori %select_n3A_85, %reduce_max3A_89 : vector<16xi32>
    %reduce_max3A_91 = tpu.scan <max>, %reduce_max3A_90 masked %reduce_max3A_87 : vector<16xi32>, vector<16xi1> -> vector<16xi32>
    %reduce_max3A_92 = arith.xori %reduce_max3A_91, %reduce_max3A_89 : vector<16xi32>
    %reduce_max3A_93 = vector.extract %reduce_max3A_92[15] : i32 from vector<16xi32>
    %shift_right_arithmetic3A_94 = arith.constant 7 : i32
    %shift_right_arithmetic3A_95 = arith.shrsi %reduce_max3A_93, %shift_right_arithmetic3A_94 : i32
    %mul3A_96 = arith.constant 128 : i32
    %mul3A_97 = arith.muli %shift_right_arithmetic3A_95, %mul3A_96 : i32
    %multiple_of3A_98 = tpu.assume_multiple %mul3A_97, 128 : i32
    %dma_start3A_99 = arith.constant 0 : i32
    %dma_start3A_100 = tpu.memref_slice %arg2[%dma_start3A_99, %multiple_of3A_98] : memref<64x1000000xf32, #tpu.memory_space<hbm>> -> memref<64x128xf32, #tpu.memory_space<hbm>>
    %dma_start3A_101 = arith.constant 0 : i32
    %dma_start3A_102 = tpu.memref_slice %arg2[%dma_start3A_101, %multiple_of3A_98] : memref<64x1000000xf32, #tpu.memory_space<hbm>> -> memref<64x128xf32, #tpu.memory_space<hbm>>
    tpu.enqueue_dma source(%dma_start3A_102 : memref<64x128xf32, #tpu.memory_space<hbm>>) target(%arg10 : memref<64x128xf32, #tpu.memory_space<vmem>>) target_semaphore(%arg21 : memref<!tpu.dma_semaphore, #tpu.memory_space<semaphore_mem>>)
    %multiple_of3A_103 = arith.constant 0 : i32
    %multiple_of3A_104 = tpu.assume_multiple %multiple_of3A_103, 16 : i32
    %get3A_105 = arith.index_cast %multiple_of3A_104 : i32 to index
    %get3A_106 = tpu.vector_load %arg5[%get3A_105] {strides = array<i32>} : memref<512xi32, #tpu.memory_space<vmem>>, vector<16xi32>,
    %eq3A_107 = arith.constant 4 : i32
    %eq3A_108 = vector.broadcast %eq3A_107 : i32 to vector<16xi32>
    %eq3A_109 = arith.cmpi eq, %iota3A, %eq3A_108 : vector<16xi32>
    %jit3A_110 = arith.constant 0 : i32
    %broadcast_in_dim3A_111 = vector.broadcast %jit3A_110 : i32 to vector<16xi32>
    %select_n3A_112 = arith.select %eq3A_109, %get3A_106, %broadcast_in_dim3A_111 : vector<16xi1>, vector<16xi32>
    %reduce_max3A_113 = arith.constant true
    %reduce_max3A_114 = vector.broadcast %reduce_max3A_113 : i1 to vector<16xi1>
    %reduce_max3A_115 = arith.constant -2147483648 : i32
    %reduce_max3A_116 = vector.broadcast %reduce_max3A_115 : i32 to vector<16xi32>
    %reduce_max3A_117 = arith.xori %select_n3A_112, %reduce_max3A_116 : vector<16xi32>
    %reduce_max3A_118 = tpu.scan <max>, %reduce_max3A_117 masked %reduce_max3A_114 : vector<16xi32>, vector<16xi1> -> vector<16xi32>
    %reduce_max3A_119 = arith.xori %reduce_max3A_118, %reduce_max3A_116 : vector<16xi32>
    %reduce_max3A_120 = vector.extract %reduce_max3A_119[15] : i32 from vector<16xi32>
    %shift_right_arithmetic3A_121 = arith.constant 7 : i32
    %shift_right_arithmetic3A_122 = arith.shrsi %reduce_max3A_120, %shift_right_arithmetic3A_121 : i32
    %mul3A_123 = arith.constant 128 : i32
    %mul3A_124 = arith.muli %shift_right_arithmetic3A_122, %mul3A_123 : i32
    %multiple_of3A_125 = tpu.assume_multiple %mul3A_124, 128 : i32
    %dma_start3A_126 = arith.constant 0 : i32
    %dma_start3A_127 = tpu.memref_slice %arg2[%dma_start3A_126, %multiple_of3A_125] : memref<64x1000000xf32, #tpu.memory_space<hbm>> -> memref<64x128xf32, #tpu.memory_space<hbm>>
    %dma_start3A_128 = arith.constant 0 : i32
    %dma_start3A_129 = tpu.memref_slice %arg2[%dma_start3A_128, %multiple_of3A_125] : memref<64x1000000xf32, #tpu.memory_space<hbm>> -> memref<64x128xf32, #tpu.memory_space<hbm>>
    tpu.enqueue_dma source(%dma_start3A_129 : memref<64x128xf32, #tpu.memory_space<hbm>>) target(%arg11 : memref<64x128xf32, #tpu.memory_space<vmem>>) target_semaphore(%arg22 : memref<!tpu.dma_semaphore, #tpu.memory_space<semaphore_mem>>)
    %multiple_of3A_130 = arith.constant 0 : i32
    %multiple_of3A_131 = tpu.assume_multiple %multiple_of3A_130, 16 : i32
    %get3A_132 = arith.index_cast %multiple_of3A_131 : i32 to index
    %get3A_133 = tpu.vector_load %arg5[%get3A_132] {strides = array<i32>} : memref<512xi32, #tpu.memory_space<vmem>>, vector<16xi32>,
    %eq3A_134 = arith.constant 5 : i32
    %eq3A_135 = vector.broadcast %eq3A_134 : i32 to vector<16xi32>
    %eq3A_136 = arith.cmpi eq, %iota3A, %eq3A_135 : vector<16xi32>
    %jit3A_137 = arith.constant 0 : i32
    %broadcast_in_dim3A_138 = vector.broadcast %jit3A_137 : i32 to vector<16xi32>
    %select_n3A_139 = arith.select %eq3A_136, %get3A_133, %broadcast_in_dim3A_138 : vector<16xi1>, vector<16xi32>
    %reduce_max3A_140 = arith.constant true
    %reduce_max3A_141 = vector.broadcast %reduce_max3A_140 : i1 to vector<16xi1>
    %reduce_max3A_142 = arith.constant -2147483648 : i32
    %reduce_max3A_143 = vector.broadcast %reduce_max3A_142 : i32 to vector<16xi32>
    %reduce_max3A_144 = arith.xori %select_n3A_139, %reduce_max3A_143 : vector<16xi32>
    %reduce_max3A_145 = tpu.scan <max>, %reduce_max3A_144 masked %reduce_max3A_141 : vector<16xi32>, vector<16xi1> -> vector<16xi32>
    %reduce_max3A_146 = arith.xori %reduce_max3A_145, %reduce_max3A_143 : vector<16xi32>
    %reduce_max3A_147 = vector.extract %reduce_max3A_146[15] : i32 from vector<16xi32>
    %shift_right_arithmetic3A_148 = arith.constant 7 : i32
    %shift_right_arithmetic3A_149 = arith.shrsi %reduce_max3A_147, %shift_right_arithmetic3A_148 : i32
    %mul3A_150 = arith.constant 128 : i32
    %mul3A_151 = arith.muli %shift_right_arithmetic3A_149, %mul3A_150 : i32
    %multiple_of3A_152 = tpu.assume_multiple %mul3A_151, 128 : i32
    %dma_start3A_153 = arith.constant 0 : i32
    %dma_start3A_154 = tpu.memref_slice %arg2[%dma_start3A_153, %multiple_of3A_152] : memref<64x1000000xf32, #tpu.memory_space<hbm>> -> memref<64x128xf32, #tpu.memory_space<hbm>>
    %dma_start3A_155 = arith.constant 0 : i32
    %dma_start3A_156 = tpu.memref_slice %arg2[%dma_start3A_155, %multiple_of3A_152] : memref<64x1000000xf32, #tpu.memory_space<hbm>> -> memref<64x128xf32, #tpu.memory_space<hbm>>
    tpu.enqueue_dma source(%dma_start3A_156 : memref<64x128xf32, #tpu.memory_space<hbm>>) target(%arg12 : memref<64x128xf32, #tpu.memory_space<vmem>>) target_semaphore(%arg23 : memref<!tpu.dma_semaphore, #tpu.memory_space<semaphore_mem>>)
    %multiple_of3A_157 = arith.constant 0 : i32
    %multiple_of3A_158 = tpu.assume_multiple %multiple_of3A_157, 16 : i32
    %get3A_159 = arith.index_cast %multiple_of3A_158 : i32 to index
    %get3A_160 = tpu.vector_load %arg5[%get3A_159] {strides = array<i32>} : memref<512xi32, #tpu.memory_space<vmem>>, vector<16xi32>,
    %eq3A_161 = arith.constant 6 : i32
    %eq3A_162 = vector.broadcast %eq3A_161 : i32 to vector<16xi32>
    %eq3A_163 = arith.cmpi eq, %iota3A, %eq3A_162 : vector<16xi32>
    %jit3A_164 = arith.constant 0 : i32
    %broadcast_in_dim3A_165 = vector.broadcast %jit3A_164 : i32 to vector<16xi32>
    %select_n3A_166 = arith.select %eq3A_163, %get3A_160, %broadcast_in_dim3A_165 : vector<16xi1>, vector<16xi32>
    %reduce_max3A_167 = arith.constant true
    %reduce_max3A_168 = vector.broadcast %reduce_max3A_167 : i1 to vector<16xi1>
    %reduce_max3A_169 = arith.constant -2147483648 : i32
    %reduce_max3A_170 = vector.broadcast %reduce_max3A_169 : i32 to vector<16xi32>
    %reduce_max3A_171 = arith.xori %select_n3A_166, %reduce_max3A_170 : vector<16xi32>
    %reduce_max3A_172 = tpu.scan <max>, %reduce_max3A_171 masked %reduce_max3A_168 : vector<16xi32>, vector<16xi1> -> vector<16xi32>
    %reduce_max3A_173 = arith.xori %reduce_max3A_172, %reduce_max3A_170 : vector<16xi32>
    %reduce_max3A_174 = vector.extract %reduce_max3A_173[15] : i32 from vector<16xi32>
    %shift_right_arithmetic3A_175 = arith.constant 7 : i32
    %shift_right_arithmetic3A_176 = arith.shrsi %reduce_max3A_174, %shift_right_arithmetic3A_175 : i32
    %mul3A_177 = arith.constant 128 : i32
    %mul3A_178 = arith.muli %shift_right_arithmetic3A_176, %mul3A_177 : i32
    %multiple_of3A_179 = tpu.assume_multiple %mul3A_178, 128 : i32
    %dma_start3A_180 = arith.constant 0 : i32
    %dma_start3A_181 = tpu.memref_slice %arg2[%dma_start3A_180, %multiple_of3A_179] : memref<64x1000000xf32, #tpu.memory_space<hbm>> -> memref<64x128xf32, #tpu.memory_space<hbm>>
    %dma_start3A_182 = arith.constant 0 : i32
    %dma_start3A_183 = tpu.memref_slice %arg2[%dma_start3A_182, %multiple_of3A_179] : memref<64x1000000xf32, #tpu.memory_space<hbm>> -> memref<64x128xf32, #tpu.memory_space<hbm>>
    tpu.enqueue_dma source(%dma_start3A_183 : memref<64x128xf32, #tpu.memory_space<hbm>>) target(%arg13 : memref<64x128xf32, #tpu.memory_space<vmem>>) target_semaphore(%arg24 : memref<!tpu.dma_semaphore, #tpu.memory_space<semaphore_mem>>)
    %multiple_of3A_184 = arith.constant 0 : i32
    %multiple_of3A_185 = tpu.assume_multiple %multiple_of3A_184, 16 : i32
    %get3A_186 = arith.index_cast %multiple_of3A_185 : i32 to index
    %get3A_187 = tpu.vector_load %arg5[%get3A_186] {strides = array<i32>} : memref<512xi32, #tpu.memory_space<vmem>>, vector<16xi32>,
    %eq3A_188 = arith.constant 7 : i32
    %eq3A_189 = vector.broadcast %eq3A_188 : i32 to vector<16xi32>
    %eq3A_190 = arith.cmpi eq, %iota3A, %eq3A_189 : vector<16xi32>
    %jit3A_191 = arith.constant 0 : i32
    %broadcast_in_dim3A_192 = vector.broadcast %jit3A_191 : i32 to vector<16xi32>
    %select_n3A_193 = arith.select %eq3A_190, %get3A_187, %broadcast_in_dim3A_192 : vector<16xi1>, vector<16xi32>
    %reduce_max3A_194 = arith.constant true
    %reduce_max3A_195 = vector.broadcast %reduce_max3A_194 : i1 to vector<16xi1>
    %reduce_max3A_196 = arith.constant -2147483648 : i32
    %reduce_max3A_197 = vector.broadcast %reduce_max3A_196 : i32 to vector<16xi32>
    %reduce_max3A_198 = arith.xori %select_n3A_193, %reduce_max3A_197 : vector<16xi32>
    %reduce_max3A_199 = tpu.scan <max>, %reduce_max3A_198 masked %reduce_max3A_195 : vector<16xi32>, vector<16xi1> -> vector<16xi32>
    %reduce_max3A_200 = arith.xori %reduce_max3A_199, %reduce_max3A_197 : vector<16xi32>
    %reduce_max3A_201 = vector.extract %reduce_max3A_200[15] : i32 from vector<16xi32>
    %shift_right_arithmetic3A_202 = arith.constant 7 : i32
    %shift_right_arithmetic3A_203 = arith.shrsi %reduce_max3A_201, %shift_right_arithmetic3A_202 : i32
    %mul3A_204 = arith.constant 128 : i32
    %mul3A_205 = arith.muli %shift_right_arithmetic3A_203, %mul3A_204 : i32
    %multiple_of3A_206 = tpu.assume_multiple %mul3A_205, 128 : i32
    %dma_start3A_207 = arith.constant 0 : i32
    %dma_start3A_208 = tpu.memref_slice %arg2[%dma_start3A_207, %multiple_of3A_206] : memref<64x1000000xf32, #tpu.memory_space<hbm>> -> memref<64x128xf32, #tpu.memory_space<hbm>>
    %dma_start3A_209 = arith.constant 0 : i32
    %dma_start3A_210 = tpu.memref_slice %arg2[%dma_start3A_209, %multiple_of3A_206] : memref<64x1000000xf32, #tpu.memory_space<hbm>> -> memref<64x128xf32, #tpu.memory_space<hbm>>
    tpu.enqueue_dma source(%dma_start3A_210 : memref<64x128xf32, #tpu.memory_space<hbm>>) target(%arg14 : memref<64x128xf32, #tpu.memory_space<vmem>>) target_semaphore(%arg25 : memref<!tpu.dma_semaphore, #tpu.memory_space<semaphore_mem>>)
    %multiple_of3A_211 = arith.constant 0 : i32
    %multiple_of3A_212 = tpu.assume_multiple %multiple_of3A_211, 16 : i32
    %get3A_213 = arith.index_cast %multiple_of3A_212 : i32 to index
    %get3A_214 = tpu.vector_load %arg5[%get3A_213] {strides = array<i32>} : memref<512xi32, #tpu.memory_space<vmem>>, vector<16xi32>,
    %eq3A_215 = arith.constant 8 : i32
    %eq3A_216 = vector.broadcast %eq3A_215 : i32 to vector<16xi32>
    %eq3A_217 = arith.cmpi eq, %iota3A, %eq3A_216 : vector<16xi32>
    %jit3A_218 = arith.constant 0 : i32
    %broadcast_in_dim3A_219 = vector.broadcast %jit3A_218 : i32 to vector<16xi32>
    %select_n3A_220 = arith.select %eq3A_217, %get3A_214, %broadcast_in_dim3A_219 : vector<16xi1>, vector<16xi32>
    %reduce_max3A_221 = arith.constant true
    %reduce_max3A_222 = vector.broadcast %reduce_max3A_221 : i1 to vector<16xi1>
    %reduce_max3A_223 = arith.constant -2147483648 : i32
    %reduce_max3A_224 = vector.broadcast %reduce_max3A_223 : i32 to vector<16xi32>
    %reduce_max3A_225 = arith.xori %select_n3A_220, %reduce_max3A_224 : vector<16xi32>
    %reduce_max3A_226 = tpu.scan <max>, %reduce_max3A_225 masked %reduce_max3A_222 : vector<16xi32>, vector<16xi1> -> vector<16xi32>
    %reduce_max3A_227 = arith.xori %reduce_max3A_226, %reduce_max3A_224 : vector<16xi32>
    %reduce_max3A_228 = vector.extract %reduce_max3A_227[15] : i32 from vector<16xi32>
    %shift_right_arithmetic3A_229 = arith.constant 7 : i32
    %shift_right_arithmetic3A_230 = arith.shrsi %reduce_max3A_228, %shift_right_arithmetic3A_229 : i32
    %mul3A_231 = arith.constant 128 : i32
    %mul3A_232 = arith.muli %shift_right_arithmetic3A_230, %mul3A_231 : i32
    %multiple_of3A_233 = tpu.assume_multiple %mul3A_232, 128 : i32
    %dma_start3A_234 = arith.constant 0 : i32
    %dma_start3A_235 = tpu.memref_slice %arg2[%dma_start3A_234, %multiple_of3A_233] : memref<64x1000000xf32, #tpu.memory_space<hbm>> -> memref<64x128xf32, #tpu.memory_space<hbm>>
    %dma_start3A_236 = arith.constant 0 : i32
    %dma_start3A_237 = tpu.memref_slice %arg2[%dma_start3A_236, %multiple_of3A_233] : memref<64x1000000xf32, #tpu.memory_space<hbm>> -> memref<64x128xf32, #tpu.memory_space<hbm>>
    tpu.enqueue_dma source(%dma_start3A_237 : memref<64x128xf32, #tpu.memory_space<hbm>>) target(%arg15 : memref<64x128xf32, #tpu.memory_space<vmem>>) target_semaphore(%arg26 : memref<!tpu.dma_semaphore, #tpu.memory_space<semaphore_mem>>)
    %multiple_of3A_238 = arith.constant 0 : i32
    %multiple_of3A_239 = tpu.assume_multiple %multiple_of3A_238, 16 : i32
    %get3A_240 = arith.index_cast %multiple_of3A_239 : i32 to index
    %get3A_241 = tpu.vector_load %arg5[%get3A_240] {strides = array<i32>} : memref<512xi32, #tpu.memory_space<vmem>>, vector<16xi32>,
    %eq3A_242 = arith.constant 9 : i32
    %eq3A_243 = vector.broadcast %eq3A_242 : i32 to vector<16xi32>
    %eq3A_244 = arith.cmpi eq, %iota3A, %eq3A_243 : vector<16xi32>
    %jit3A_245 = arith.constant 0 : i32
    %broadcast_in_dim3A_246 = vector.broadcast %jit3A_245 : i32 to vector<16xi32>
    %select_n3A_247 = arith.select %eq3A_244, %get3A_241, %broadcast_in_dim3A_246 : vector<16xi1>, vector<16xi32>
    %reduce_max3A_248 = arith.constant true
    %reduce_max3A_249 = vector.broadcast %reduce_max3A_248 : i1 to vector<16xi1>
    %reduce_max3A_250 = arith.constant -2147483648 : i32
    %reduce_max3A_251 = vector.broadcast %reduce_max3A_250 : i32 to vector<16xi32>
    %reduce_max3A_252 = arith.xori %select_n3A_247, %reduce_max3A_251 : vector<16xi32>
    %reduce_max3A_253 = tpu.scan <max>, %reduce_max3A_252 masked %reduce_max3A_249 : vector<16xi32>, vector<16xi1> -> vector<16xi32>
    %reduce_max3A_254 = arith.xori %reduce_max3A_253, %reduce_max3A_251 : vector<16xi32>
    %reduce_max3A_255 = vector.extract %reduce_max3A_254[15] : i32 from vector<16xi32>
    %shift_right_arithmetic3A_256 = arith.constant 7 : i32
    %shift_right_arithmetic3A_257 = arith.shrsi %reduce_max3A_255, %shift_right_arithmetic3A_256 : i32
    %mul3A_258 = arith.constant 128 : i32
    %mul3A_259 = arith.muli %shift_right_arithmetic3A_257, %mul3A_258 : i32
    %multiple_of3A_260 = tpu.assume_multiple %mul3A_259, 128 : i32
    %dma_start3A_261 = arith.constant 0 : i32
    %dma_start3A_262 = tpu.memref_slice %arg2[%dma_start3A_261, %multiple_of3A_260] : memref<64x1000000xf32, #tpu.memory_space<hbm>> -> memref<64x128xf32, #tpu.memory_space<hbm>>
    %dma_start3A_263 = arith.constant 0 : i32
    %dma_start3A_264 = tpu.memref_slice %arg2[%dma_start3A_263, %multiple_of3A_260] : memref<64x1000000xf32, #tpu.memory_space<hbm>> -> memref<64x128xf32, #tpu.memory_space<hbm>>
    tpu.enqueue_dma source(%dma_start3A_264 : memref<64x128xf32, #tpu.memory_space<hbm>>) target(%arg16 : memref<64x128xf32, #tpu.memory_space<vmem>>) target_semaphore(%arg27 : memref<!tpu.dma_semaphore, #tpu.memory_space<semaphore_mem>>)
    %scan3A = arith.constant 0 : i32
    %scan3A_265 = arith.constant 1 : i32
    %scan3A_266 = arith.constant 45 : i32
    %scan3A_267 = arith.addi %scan3A_265, %scan3A_266 : i32
    %scan3A_268 = arith.constant 1 : i32
    scf.for %scan3A_1221 = %scan3A_265 to %scan3A_267 step %scan3A_268  : i32 {
      %mul3A_1222 = arith.constant 11 : i32
      %mul3A_1223 = arith.muli %scan3A_1221, %mul3A_1222 : i32
      %add3A_1224 = arith.constant 0 : i32
      %add3A_1225 = arith.addi %mul3A_1223, %add3A_1224 : i32
      %sub3A = arith.constant 1 : i32
      %sub3A_1226 = arith.subi %add3A_1225, %sub3A : i32
      %shift_right_arithmetic3A_1227 = arith.constant 4 : i32
      %shift_right_arithmetic3A_1228 = arith.shrsi %sub3A_1226, %shift_right_arithmetic3A_1227 : i32
      %mul3A_1229 = arith.constant 16 : i32
      %mul3A_1230 = arith.muli %shift_right_arithmetic3A_1228, %mul3A_1229 : i32
      %multiple_of3A_1231 = tpu.assume_multiple %mul3A_1230, 16 : i32
      %get3A_1232 = arith.index_cast %multiple_of3A_1231 : i32 to index
      %get3A_1233 = tpu.vector_load %arg5[%get3A_1232] {strides = array<i32>} : memref<512xi32, #tpu.memory_space<vmem>>, vector<16xi32>,
      %and3A_1234 = arith.constant 15 : i32
      %and3A_1235 = arith.andi %sub3A_1226, %and3A_1234 : i32
      %eq3A_1236 = vector.broadcast %and3A_1235 : i32 to vector<16xi32>
      %eq3A_1237 = arith.cmpi eq, %iota3A, %eq3A_1236 : vector<16xi32>
      %jit3A_1238 = arith.constant 0 : i32
      %broadcast_in_dim3A_1239 = vector.broadcast %jit3A_1238 : i32 to vector<16xi32>
      %select_n3A_1240 = arith.select %eq3A_1237, %get3A_1233, %broadcast_in_dim3A_1239 : vector<16xi1>, vector<16xi32>
      %reduce_max3A_1241 = arith.constant true
      %reduce_max3A_1242 = vector.broadcast %reduce_max3A_1241 : i1 to vector<16xi1>
      %reduce_max3A_1243 = arith.constant -2147483648 : i32
      %reduce_max3A_1244 = vector.broadcast %reduce_max3A_1243 : i32 to vector<16xi32>
      %reduce_max3A_1245 = arith.xori %select_n3A_1240, %reduce_max3A_1244 : vector<16xi32>
      %reduce_max3A_1246 = tpu.scan <max>, %reduce_max3A_1245 masked %reduce_max3A_1242 : vector<16xi32>, vector<16xi1> -> vector<16xi32>
      %reduce_max3A_1247 = arith.xori %reduce_max3A_1246, %reduce_max3A_1244 : vector<16xi32>
      %reduce_max3A_1248 = vector.extract %reduce_max3A_1247[15] : i32 from vector<16xi32>
      %shift_right_arithmetic3A_1249 = arith.constant 7 : i32
      %shift_right_arithmetic3A_1250 = arith.shrsi %reduce_max3A_1248, %shift_right_arithmetic3A_1249 : i32
      %mul3A_1251 = arith.constant 128 : i32
      %mul3A_1252 = arith.muli %shift_right_arithmetic3A_1250, %mul3A_1251 : i32
      %multiple_of3A_1253 = tpu.assume_multiple %mul3A_1252, 128 : i32
      %dma_start3A_1254 = arith.constant 0 : i32
      %dma_start3A_1255 = tpu.memref_slice %arg2[%dma_start3A_1254, %multiple_of3A_1253] : memref<64x1000000xf32, #tpu.memory_space<hbm>> -> memref<64x128xf32, #tpu.memory_space<hbm>>
      %dma_start3A_1256 = arith.constant 0 : i32
      %dma_start3A_1257 = tpu.memref_slice %arg2[%dma_start3A_1256, %multiple_of3A_1253] : memref<64x1000000xf32, #tpu.memory_space<hbm>> -> memref<64x128xf32, #tpu.memory_space<hbm>>
      tpu.enqueue_dma source(%dma_start3A_1257 : memref<64x128xf32, #tpu.memory_space<hbm>>) target(%arg17 : memref<64x128xf32, #tpu.memory_space<vmem>>) target_semaphore(%arg28 : memref<!tpu.dma_semaphore, #tpu.memory_space<semaphore_mem>>)
      %sub3A_1258 = arith.constant 1 : i32
      %sub3A_1259 = arith.subi %scan3A_1221, %sub3A_1258 : i32
      %mul3A_1260 = arith.constant 11 : i32
      %mul3A_1261 = arith.muli %sub3A_1259, %mul3A_1260 : i32
      %add3A_1262 = arith.constant 0 : i32
      %add3A_1263 = arith.addi %mul3A_1261, %add3A_1262 : i32
      %dma_wait3A_1264 = arith.constant 0 : i32
      %dma_wait3A_1265 = arith.constant 0 : i32
      %dma_wait3A_1266 = tpu.memref_slice %arg2[%dma_wait3A_1264, %dma_wait3A_1265] : memref<64x1000000xf32, #tpu.memory_space<hbm>> -> memref<64x128xf32, #tpu.memory_space<hbm>>
      %dma_wait3A_1267 = arith.constant 0 : i32
      %dma_wait3A_1268 = arith.constant 0 : i32
      %dma_wait3A_1269 = tpu.memref_slice %arg2[%dma_wait3A_1267, %dma_wait3A_1268] : memref<64x1000000xf32, #tpu.memory_space<hbm>> -> memref<64x128xf32, #tpu.memory_space<hbm>>
      tpu.wait_dma2 semaphore(%arg18 : memref<!tpu.dma_semaphore, #tpu.memory_space<semaphore_mem>>) src(%dma_wait3A_1269 : memref<64x128xf32, #tpu.memory_space<hbm>>) dst(%arg7 : memref<64x128xf32, #tpu.memory_space<vmem>>)
      %shift_right_arithmetic3A_1270 = arith.constant 4 : i32
      %shift_right_arithmetic3A_1271 = arith.shrsi %add3A_1263, %shift_right_arithmetic3A_1270 : i32
      %mul3A_1272 = arith.constant 16 : i32
      %mul3A_1273 = arith.muli %shift_right_arithmetic3A_1271, %mul3A_1272 : i32
      %multiple_of3A_1274 = tpu.assume_multiple %mul3A_1273, 16 : i32
      %get3A_1275 = arith.index_cast %multiple_of3A_1274 : i32 to index
      %get3A_1276 = tpu.vector_load %arg5[%get3A_1275] {strides = array<i32>} : memref<512xi32, #tpu.memory_space<vmem>>, vector<16xi32>,
      %and3A_1277 = arith.constant 15 : i32
      %and3A_1278 = arith.andi %add3A_1263, %and3A_1277 : i32
      %eq3A_1279 = vector.broadcast %and3A_1278 : i32 to vector<16xi32>
      %eq3A_1280 = arith.cmpi eq, %iota3A, %eq3A_1279 : vector<16xi32>
      %jit3A_1281 = arith.constant 0 : i32
      %broadcast_in_dim3A_1282 = vector.broadcast %jit3A_1281 : i32 to vector<16xi32>
      %select_n3A_1283 = arith.select %eq3A_1280, %get3A_1276, %broadcast_in_dim3A_1282 : vector<16xi1>, vector<16xi32>
      %reduce_max3A_1284 = arith.constant true
      %reduce_max3A_1285 = vector.broadcast %reduce_max3A_1284 : i1 to vector<16xi1>
      %reduce_max3A_1286 = arith.constant -2147483648 : i32
      %reduce_max3A_1287 = vector.broadcast %reduce_max3A_1286 : i32 to vector<16xi32>
      %reduce_max3A_1288 = arith.xori %select_n3A_1283, %reduce_max3A_1287 : vector<16xi32>
      %reduce_max3A_1289 = tpu.scan <max>, %reduce_max3A_1288 masked %reduce_max3A_1285 : vector<16xi32>, vector<16xi1> -> vector<16xi32>
      %reduce_max3A_1290 = arith.xori %reduce_max3A_1289, %reduce_max3A_1287 : vector<16xi32>
      %reduce_max3A_1291 = vector.extract %reduce_max3A_1290[15] : i32 from vector<16xi32>
      %and3A_1292 = arith.constant 127 : i32
      %and3A_1293 = arith.andi %reduce_max3A_1291, %and3A_1292 : i32
      %broadcast_in_dim3A_1294 = vector.broadcast %and3A_1293 : i32 to vector<16xi32>
      %broadcast_in_dim3A_1295 = vector.broadcast %add3A_1263 : i32 to vector<16xi32>
      %add3A_1296 = arith.constant 0 : i32
      %add3A_1297 = vector.broadcast %add3A_1296 : i32 to vector<16xi32>
      %add3A_1298 = arith.addi %iota3A, %add3A_1297 : vector<16xi32>
      %gather3A_1299 = tpu.vector_load_idx %arg7[%add3A_1298, %broadcast_in_dim3A_1294] : memref<64x128xf32, #tpu.memory_space<vmem>>[vector<16xi32>, vector<16xi32>], vector<16xf32>,
      tpu.vector_store_idx %arg6[%add3A_1298, %broadcast_in_dim3A_1295], %gather3A_1299 : memref<64x512xf32, #tpu.memory_space<vmem>>[vector<16xi32>, vector<16xi32>], vector<16xf32>,
      %add3A_1300 = arith.constant 16 : i32
      %add3A_1301 = vector.broadcast %add3A_1300 : i32 to vector<16xi32>
      %add3A_1302 = arith.addi %iota3A, %add3A_1301 : vector<16xi32>
      %gather3A_1303 = tpu.vector_load_idx %arg7[%add3A_1302, %broadcast_in_dim3A_1294] : memref<64x128xf32, #tpu.memory_space<vmem>>[vector<16xi32>, vector<16xi32>], vector<16xf32>,
      tpu.vector_store_idx %arg6[%add3A_1302, %broadcast_in_dim3A_1295], %gather3A_1303 : memref<64x512xf32, #tpu.memory_space<vmem>>[vector<16xi32>, vector<16xi32>], vector<16xf32>,
      %add3A_1304 = arith.constant 32 : i32
      %add3A_1305 = vector.broadcast %add3A_1304 : i32 to vector<16xi32>
      %add3A_1306 = arith.addi %iota3A, %add3A_1305 : vector<16xi32>
      %gather3A_1307 = tpu.vector_load_idx %arg7[%add3A_1306, %broadcast_in_dim3A_1294] : memref<64x128xf32, #tpu.memory_space<vmem>>[vector<16xi32>, vector<16xi32>], vector<16xf32>,
      tpu.vector_store_idx %arg6[%add3A_1306, %broadcast_in_dim3A_1295], %gather3A_1307 : memref<64x512xf32, #tpu.memory_space<vmem>>[vector<16xi32>, vector<16xi32>], vector<16xf32>,
      %add3A_1308 = arith.constant 48 : i32
      %add3A_1309 = vector.broadcast %add3A_1308 : i32 to vector<16xi32>
      %add3A_1310 = arith.addi %iota3A, %add3A_1309 : vector<16xi32>
      %gather3A_1311 = tpu.vector_load_idx %arg7[%add3A_1310, %broadcast_in_dim3A_1294] : memref<64x128xf32, #tpu.memory_space<vmem>>[vector<16xi32>, vector<16xi32>], vector<16xf32>,
      tpu.vector_store_idx %arg6[%add3A_1310, %broadcast_in_dim3A_1295], %gather3A_1311 : memref<64x512xf32, #tpu.memory_space<vmem>>[vector<16xi32>, vector<16xi32>], vector<16xf32>,
      %mul3A_1312 = arith.constant 11 : i32
      %mul3A_1313 = arith.muli %scan3A_1221, %mul3A_1312 : i32
      %add3A_1314 = arith.constant 1 : i32
      %add3A_1315 = arith.addi %mul3A_1313, %add3A_1314 : i32
      %sub3A_1316 = arith.constant 1 : i32
      %sub3A_1317 = arith.subi %add3A_1315, %sub3A_1316 : i32
      %shift_right_arithmetic3A_1318 = arith.constant 4 : i32
      %shift_right_arithmetic3A_1319 = arith.shrsi %sub3A_1317, %shift_right_arithmetic3A_1318 : i32
      %mul3A_1320 = arith.constant 16 : i32
      %mul3A_1321 = arith.muli %shift_right_arithmetic3A_1319, %mul3A_1320 : i32
      %multiple_of3A_1322 = tpu.assume_multiple %mul3A_1321, 16 : i32
      %get3A_1323 = arith.index_cast %multiple_of3A_1322 : i32 to index
      %get3A_1324 = tpu.vector_load %arg5[%get3A_1323] {strides = array<i32>} : memref<512xi32, #tpu.memory_space<vmem>>, vector<16xi32>,
      %and3A_1325 = arith.constant 15 : i32
      %and3A_1326 = arith.andi %sub3A_1317, %and3A_1325 : i32
      %eq3A_1327 = vector.broadcast %and3A_1326 : i32 to vector<16xi32>
      %eq3A_1328 = arith.cmpi eq, %iota3A, %eq3A_1327 : vector<16xi32>
      %jit3A_1329 = arith.constant 0 : i32
      %broadcast_in_dim3A_1330 = vector.broadcast %jit3A_1329 : i32 to vector<16xi32>
      %select_n3A_1331 = arith.select %eq3A_1328, %get3A_1324, %broadcast_in_dim3A_1330 : vector<16xi1>, vector<16xi32>
      %reduce_max3A_1332 = arith.constant true
      %reduce_max3A_1333 = vector.broadcast %reduce_max3A_1332 : i1 to vector<16xi1>
      %reduce_max3A_1334 = arith.constant -2147483648 : i32
      %reduce_max3A_1335 = vector.broadcast %reduce_max3A_1334 : i32 to vector<16xi32>
      %reduce_max3A_1336 = arith.xori %select_n3A_1331, %reduce_max3A_1335 : vector<16xi32>
      %reduce_max3A_1337 = tpu.scan <max>, %reduce_max3A_1336 masked %reduce_max3A_1333 : vector<16xi32>, vector<16xi1> -> vector<16xi32>
      %reduce_max3A_1338 = arith.xori %reduce_max3A_1337, %reduce_max3A_1335 : vector<16xi32>
      %reduce_max3A_1339 = vector.extract %reduce_max3A_1338[15] : i32 from vector<16xi32>
      %shift_right_arithmetic3A_1340 = arith.constant 7 : i32
      %shift_right_arithmetic3A_1341 = arith.shrsi %reduce_max3A_1339, %shift_right_arithmetic3A_1340 : i32
      %mul3A_1342 = arith.constant 128 : i32
      %mul3A_1343 = arith.muli %shift_right_arithmetic3A_1341, %mul3A_1342 : i32
      %multiple_of3A_1344 = tpu.assume_multiple %mul3A_1343, 128 : i32
      %dma_start3A_1345 = arith.constant 0 : i32
      %dma_start3A_1346 = tpu.memref_slice %arg2[%dma_start3A_1345, %multiple_of3A_1344] : memref<64x1000000xf32, #tpu.memory_space<hbm>> -> memref<64x128xf32, #tpu.memory_space<hbm>>
      %dma_start3A_1347 = arith.constant 0 : i32
      %dma_start3A_1348 = tpu.memref_slice %arg2[%dma_start3A_1347, %multiple_of3A_1344] : memref<64x1000000xf32, #tpu.memory_space<hbm>> -> memref<64x128xf32, #tpu.memory_space<hbm>>
      tpu.enqueue_dma source(%dma_start3A_1348 : memref<64x128xf32, #tpu.memory_space<hbm>>) target(%arg7 : memref<64x128xf32, #tpu.memory_space<vmem>>) target_semaphore(%arg18 : memref<!tpu.dma_semaphore, #tpu.memory_space<semaphore_mem>>)
      %sub3A_1349 = arith.constant 1 : i32
      %sub3A_1350 = arith.subi %scan3A_1221, %sub3A_1349 : i32
      %mul3A_1351 = arith.constant 11 : i32
      %mul3A_1352 = arith.muli %sub3A_1350, %mul3A_1351 : i32
      %add3A_1353 = arith.constant 1 : i32
      %add3A_1354 = arith.addi %mul3A_1352, %add3A_1353 : i32
      %dma_wait3A_1355 = arith.constant 0 : i32
      %dma_wait3A_1356 = arith.constant 0 : i32
      %dma_wait3A_1357 = tpu.memref_slice %arg2[%dma_wait3A_1355, %dma_wait3A_1356] : memref<64x1000000xf32, #tpu.memory_space<hbm>> -> memref<64x128xf32, #tpu.memory_space<hbm>>
      %dma_wait3A_1358 = arith.constant 0 : i32
      %dma_wait3A_1359 = arith.constant 0 : i32
      %dma_wait3A_1360 = tpu.memref_slice %arg2[%dma_wait3A_1358, %dma_wait3A_1359] : memref<64x1000000xf32, #tpu.memory_space<hbm>> -> memref<64x128xf32, #tpu.memory_space<hbm>>
      tpu.wait_dma2 semaphore(%arg19 : memref<!tpu.dma_semaphore, #tpu.memory_space<semaphore_mem>>) src(%dma_wait3A_1360 : memref<64x128xf32, #tpu.memory_space<hbm>>) dst(%arg8 : memref<64x128xf32, #tpu.memory_space<vmem>>)
      %shift_right_arithmetic3A_1361 = arith.constant 4 : i32
      %shift_right_arithmetic3A_1362 = arith.shrsi %add3A_1354, %shift_right_arithmetic3A_1361 : i32
      %mul3A_1363 = arith.constant 16 : i32
      %mul3A_1364 = arith.muli %shift_right_arithmetic3A_1362, %mul3A_1363 : i32
      %multiple_of3A_1365 = tpu.assume_multiple %mul3A_1364, 16 : i32
      %get3A_1366 = arith.index_cast %multiple_of3A_1365 : i32 to index
      %get3A_1367 = tpu.vector_load %arg5[%get3A_1366] {strides = array<i32>} : memref<512xi32, #tpu.memory_space<vmem>>, vector<16xi32>,
      %and3A_1368 = arith.constant 15 : i32
      %and3A_1369 = arith.andi %add3A_1354, %and3A_1368 : i32
      %eq3A_1370 = vector.broadcast %and3A_1369 : i32 to vector<16xi32>
      %eq3A_1371 = arith.cmpi eq, %iota3A, %eq3A_1370 : vector<16xi32>
      %jit3A_1372 = arith.constant 0 : i32
      %broadcast_in_dim3A_1373 = vector.broadcast %jit3A_1372 : i32 to vector<16xi32>
      %select_n3A_1374 = arith.select %eq3A_1371, %get3A_1367, %broadcast_in_dim3A_1373 : vector<16xi1>, vector<16xi32>
      %reduce_max3A_1375 = arith.constant true
      %reduce_max3A_1376 = vector.broadcast %reduce_max3A_1375 : i1 to vector<16xi1>
      %reduce_max3A_1377 = arith.constant -2147483648 : i32
      %reduce_max3A_1378 = vector.broadcast %reduce_max3A_1377 : i32 to vector<16xi32>
      %reduce_max3A_1379 = arith.xori %select_n3A_1374, %reduce_max3A_1378 : vector<16xi32>
      %reduce_max3A_1380 = tpu.scan <max>, %reduce_max3A_1379 masked %reduce_max3A_1376 : vector<16xi32>, vector<16xi1> -> vector<16xi32>
      %reduce_max3A_1381 = arith.xori %reduce_max3A_1380, %reduce_max3A_1378 : vector<16xi32>
      %reduce_max3A_1382 = vector.extract %reduce_max3A_1381[15] : i32 from vector<16xi32>
      %and3A_1383 = arith.constant 127 : i32
      %and3A_1384 = arith.andi %reduce_max3A_1382, %and3A_1383 : i32
      %broadcast_in_dim3A_1385 = vector.broadcast %and3A_1384 : i32 to vector<16xi32>
      %broadcast_in_dim3A_1386 = vector.broadcast %add3A_1354 : i32 to vector<16xi32>
      %add3A_1387 = arith.constant 0 : i32
      %add3A_1388 = vector.broadcast %add3A_1387 : i32 to vector<16xi32>
      %add3A_1389 = arith.addi %iota3A, %add3A_1388 : vector<16xi32>
      %gather3A_1390 = tpu.vector_load_idx %arg8[%add3A_1389, %broadcast_in_dim3A_1385] : memref<64x128xf32, #tpu.memory_space<vmem>>[vector<16xi32>, vector<16xi32>], vector<16xf32>,
      tpu.vector_store_idx %arg6[%add3A_1389, %broadcast_in_dim3A_1386], %gather3A_1390 : memref<64x512xf32, #tpu.memory_space<vmem>>[vector<16xi32>, vector<16xi32>], vector<16xf32>,
      %add3A_1391 = arith.constant 16 : i32
      %add3A_1392 = vector.broadcast %add3A_1391 : i32 to vector<16xi32>
      %add3A_1393 = arith.addi %iota3A, %add3A_1392 : vector<16xi32>
      %gather3A_1394 = tpu.vector_load_idx %arg8[%add3A_1393, %broadcast_in_dim3A_1385] : memref<64x128xf32, #tpu.memory_space<vmem>>[vector<16xi32>, vector<16xi32>], vector<16xf32>,
      tpu.vector_store_idx %arg6[%add3A_1393, %broadcast_in_dim3A_1386], %gather3A_1394 : memref<64x512xf32, #tpu.memory_space<vmem>>[vector<16xi32>, vector<16xi32>], vector<16xf32>,
      %add3A_1395 = arith.constant 32 : i32
      %add3A_1396 = vector.broadcast %add3A_1395 : i32 to vector<16xi32>
      %add3A_1397 = arith.addi %iota3A, %add3A_1396 : vector<16xi32>
      %gather3A_1398 = tpu.vector_load_idx %arg8[%add3A_1397, %broadcast_in_dim3A_1385] : memref<64x128xf32, #tpu.memory_space<vmem>>[vector<16xi32>, vector<16xi32>], vector<16xf32>,
      tpu.vector_store_idx %arg6[%add3A_1397, %broadcast_in_dim3A_1386], %gather3A_1398 : memref<64x512xf32, #tpu.memory_space<vmem>>[vector<16xi32>, vector<16xi32>], vector<16xf32>,
      %add3A_1399 = arith.constant 48 : i32
      %add3A_1400 = vector.broadcast %add3A_1399 : i32 to vector<16xi32>
      %add3A_1401 = arith.addi %iota3A, %add3A_1400 : vector<16xi32>
      %gather3A_1402 = tpu.vector_load_idx %arg8[%add3A_1401, %broadcast_in_dim3A_1385] : memref<64x128xf32, #tpu.memory_space<vmem>>[vector<16xi32>, vector<16xi32>], vector<16xf32>,
      tpu.vector_store_idx %arg6[%add3A_1401, %broadcast_in_dim3A_1386], %gather3A_1402 : memref<64x512xf32, #tpu.memory_space<vmem>>[vector<16xi32>, vector<16xi32>], vector<16xf32>,
      %mul3A_1403 = arith.constant 11 : i32
      %mul3A_1404 = arith.muli %scan3A_1221, %mul3A_1403 : i32
      %add3A_1405 = arith.constant 2 : i32
      %add3A_1406 = arith.addi %mul3A_1404, %add3A_1405 : i32
      %sub3A_1407 = arith.constant 1 : i32
      %sub3A_1408 = arith.subi %add3A_1406, %sub3A_1407 : i32
      %shift_right_arithmetic3A_1409 = arith.constant 4 : i32
      %shift_right_arithmetic3A_1410 = arith.shrsi %sub3A_1408, %shift_right_arithmetic3A_1409 : i32
      %mul3A_1411 = arith.constant 16 : i32
      %mul3A_1412 = arith.muli %shift_right_arithmetic3A_1410, %mul3A_1411 : i32
      %multiple_of3A_1413 = tpu.assume_multiple %mul3A_1412, 16 : i32
      %get3A_1414 = arith.index_cast %multiple_of3A_1413 : i32 to index
      %get3A_1415 = tpu.vector_load %arg5[%get3A_1414] {strides = array<i32>} : memref<512xi32, #tpu.memory_space<vmem>>, vector<16xi32>,
      %and3A_1416 = arith.constant 15 : i32
      %and3A_1417 = arith.andi %sub3A_1408, %and3A_1416 : i32
      %eq3A_1418 = vector.broadcast %and3A_1417 : i32 to vector<16xi32>
      %eq3A_1419 = arith.cmpi eq, %iota3A, %eq3A_1418 : vector<16xi32>
      %jit3A_1420 = arith.constant 0 : i32
      %broadcast_in_dim3A_1421 = vector.broadcast %jit3A_1420 : i32 to vector<16xi32>
      %select_n3A_1422 = arith.select %eq3A_1419, %get3A_1415, %broadcast_in_dim3A_1421 : vector<16xi1>, vector<16xi32>
      %reduce_max3A_1423 = arith.constant true
      %reduce_max3A_1424 = vector.broadcast %reduce_max3A_1423 : i1 to vector<16xi1>
      %reduce_max3A_1425 = arith.constant -2147483648 : i32
      %reduce_max3A_1426 = vector.broadcast %reduce_max3A_1425 : i32 to vector<16xi32>
      %reduce_max3A_1427 = arith.xori %select_n3A_1422, %reduce_max3A_1426 : vector<16xi32>
      %reduce_max3A_1428 = tpu.scan <max>, %reduce_max3A_1427 masked %reduce_max3A_1424 : vector<16xi32>, vector<16xi1> -> vector<16xi32>
      %reduce_max3A_1429 = arith.xori %reduce_max3A_1428, %reduce_max3A_1426 : vector<16xi32>
      %reduce_max3A_1430 = vector.extract %reduce_max3A_1429[15] : i32 from vector<16xi32>
      %shift_right_arithmetic3A_1431 = arith.constant 7 : i32
      %shift_right_arithmetic3A_1432 = arith.shrsi %reduce_max3A_1430, %shift_right_arithmetic3A_1431 : i32
      %mul3A_1433 = arith.constant 128 : i32
      %mul3A_1434 = arith.muli %shift_right_arithmetic3A_1432, %mul3A_1433 : i32
      %multiple_of3A_1435 = tpu.assume_multiple %mul3A_1434, 128 : i32
      %dma_start3A_1436 = arith.constant 0 : i32
      %dma_start3A_1437 = tpu.memref_slice %arg2[%dma_start3A_1436, %multiple_of3A_1435] : memref<64x1000000xf32, #tpu.memory_space<hbm>> -> memref<64x128xf32, #tpu.memory_space<hbm>>
      %dma_start3A_1438 = arith.constant 0 : i32
      %dma_start3A_1439 = tpu.memref_slice %arg2[%dma_start3A_1438, %multiple_of3A_1435] : memref<64x1000000xf32, #tpu.memory_space<hbm>> -> memref<64x128xf32, #tpu.memory_space<hbm>>
      tpu.enqueue_dma source(%dma_start3A_1439 : memref<64x128xf32, #tpu.memory_space<hbm>>) target(%arg8 : memref<64x128xf32, #tpu.memory_space<vmem>>) target_semaphore(%arg19 : memref<!tpu.dma_semaphore, #tpu.memory_space<semaphore_mem>>)
      %sub3A_1440 = arith.constant 1 : i32
      %sub3A_1441 = arith.subi %scan3A_1221, %sub3A_1440 : i32
      %mul3A_1442 = arith.constant 11 : i32
      %mul3A_1443 = arith.muli %sub3A_1441, %mul3A_1442 : i32
      %add3A_1444 = arith.constant 2 : i32
      %add3A_1445 = arith.addi %mul3A_1443, %add3A_1444 : i32
      %dma_wait3A_1446 = arith.constant 0 : i32
      %dma_wait3A_1447 = arith.constant 0 : i32
      %dma_wait3A_1448 = tpu.memref_slice %arg2[%dma_wait3A_1446, %dma_wait3A_1447] : memref<64x1000000xf32, #tpu.memory_space<hbm>> -> memref<64x128xf32, #tpu.memory_space<hbm>>
      %dma_wait3A_1449 = arith.constant 0 : i32
      %dma_wait3A_1450 = arith.constant 0 : i32
      %dma_wait3A_1451 = tpu.memref_slice %arg2[%dma_wait3A_1449, %dma_wait3A_1450] : memref<64x1000000xf32, #tpu.memory_space<hbm>> -> memref<64x128xf32, #tpu.memory_space<hbm>>
      tpu.wait_dma2 semaphore(%arg20 : memref<!tpu.dma_semaphore, #tpu.memory_space<semaphore_mem>>) src(%dma_wait3A_1451 : memref<64x128xf32, #tpu.memory_space<hbm>>) dst(%arg9 : memref<64x128xf32, #tpu.memory_space<vmem>>)
      %shift_right_arithmetic3A_1452 = arith.constant 4 : i32
      %shift_right_arithmetic3A_1453 = arith.shrsi %add3A_1445, %shift_right_arithmetic3A_1452 : i32
      %mul3A_1454 = arith.constant 16 : i32
      %mul3A_1455 = arith.muli %shift_right_arithmetic3A_1453, %mul3A_1454 : i32
      %multiple_of3A_1456 = tpu.assume_multiple %mul3A_1455, 16 : i32
      %get3A_1457 = arith.index_cast %multiple_of3A_1456 : i32 to index
      %get3A_1458 = tpu.vector_load %arg5[%get3A_1457] {strides = array<i32>} : memref<512xi32, #tpu.memory_space<vmem>>, vector<16xi32>,
      %and3A_1459 = arith.constant 15 : i32
      %and3A_1460 = arith.andi %add3A_1445, %and3A_1459 : i32
      %eq3A_1461 = vector.broadcast %and3A_1460 : i32 to vector<16xi32>
      %eq3A_1462 = arith.cmpi eq, %iota3A, %eq3A_1461 : vector<16xi32>
      %jit3A_1463 = arith.constant 0 : i32
      %broadcast_in_dim3A_1464 = vector.broadcast %jit3A_1463 : i32 to vector<16xi32>
      %select_n3A_1465 = arith.select %eq3A_1462, %get3A_1458, %broadcast_in_dim3A_1464 : vector<16xi1>, vector<16xi32>
      %reduce_max3A_1466 = arith.constant true
      %reduce_max3A_1467 = vector.broadcast %reduce_max3A_1466 : i1 to vector<16xi1>
      %reduce_max3A_1468 = arith.constant -2147483648 : i32
      %reduce_max3A_1469 = vector.broadcast %reduce_max3A_1468 : i32 to vector<16xi32>
      %reduce_max3A_1470 = arith.xori %select_n3A_1465, %reduce_max3A_1469 : vector<16xi32>
      %reduce_max3A_1471 = tpu.scan <max>, %reduce_max3A_1470 masked %reduce_max3A_1467 : vector<16xi32>, vector<16xi1> -> vector<16xi32>
      %reduce_max3A_1472 = arith.xori %reduce_max3A_1471, %reduce_max3A_1469 : vector<16xi32>
      %reduce_max3A_1473 = vector.extract %reduce_max3A_1472[15] : i32 from vector<16xi32>
      %and3A_1474 = arith.constant 127 : i32
      %and3A_1475 = arith.andi %reduce_max3A_1473, %and3A_1474 : i32
      %broadcast_in_dim3A_1476 = vector.broadcast %and3A_1475 : i32 to vector<16xi32>
      %broadcast_in_dim3A_1477 = vector.broadcast %add3A_1445 : i32 to vector<16xi32>
      %add3A_1478 = arith.constant 0 : i32
      %add3A_1479 = vector.broadcast %add3A_1478 : i32 to vector<16xi32>
      %add3A_1480 = arith.addi %iota3A, %add3A_1479 : vector<16xi32>
      %gather3A_1481 = tpu.vector_load_idx %arg9[%add3A_1480, %broadcast_in_dim3A_1476] : memref<64x128xf32, #tpu.memory_space<vmem>>[vector<16xi32>, vector<16xi32>], vector<16xf32>,
      tpu.vector_store_idx %arg6[%add3A_1480, %broadcast_in_dim3A_1477], %gather3A_1481 : memref<64x512xf32, #tpu.memory_space<vmem>>[vector<16xi32>, vector<16xi32>], vector<16xf32>,
      %add3A_1482 = arith.constant 16 : i32
      %add3A_1483 = vector.broadcast %add3A_1482 : i32 to vector<16xi32>
      %add3A_1484 = arith.addi %iota3A, %add3A_1483 : vector<16xi32>
      %gather3A_1485 = tpu.vector_load_idx %arg9[%add3A_1484, %broadcast_in_dim3A_1476] : memref<64x128xf32, #tpu.memory_space<vmem>>[vector<16xi32>, vector<16xi32>], vector<16xf32>,
      tpu.vector_store_idx %arg6[%add3A_1484, %broadcast_in_dim3A_1477], %gather3A_1485 : memref<64x512xf32, #tpu.memory_space<vmem>>[vector<16xi32>, vector<16xi32>], vector<16xf32>,
      %add3A_1486 = arith.constant 32 : i32
      %add3A_1487 = vector.broadcast %add3A_1486 : i32 to vector<16xi32>
      %add3A_1488 = arith.addi %iota3A, %add3A_1487 : vector<16xi32>
      %gather3A_1489 = tpu.vector_load_idx %arg9[%add3A_1488, %broadcast_in_dim3A_1476] : memref<64x128xf32, #tpu.memory_space<vmem>>[vector<16xi32>, vector<16xi32>], vector<16xf32>,
      tpu.vector_store_idx %arg6[%add3A_1488, %broadcast_in_dim3A_1477], %gather3A_1489 : memref<64x512xf32, #tpu.memory_space<vmem>>[vector<16xi32>, vector<16xi32>], vector<16xf32>,
      %add3A_1490 = arith.constant 48 : i32
      %add3A_1491 = vector.broadcast %add3A_1490 : i32 to vector<16xi32>
      %add3A_1492 = arith.addi %iota3A, %add3A_1491 : vector<16xi32>
      %gather3A_1493 = tpu.vector_load_idx %arg9[%add3A_1492, %broadcast_in_dim3A_1476] : memref<64x128xf32, #tpu.memory_space<vmem>>[vector<16xi32>, vector<16xi32>], vector<16xf32>,
      tpu.vector_store_idx %arg6[%add3A_1492, %broadcast_in_dim3A_1477], %gather3A_1493 : memref<64x512xf32, #tpu.memory_space<vmem>>[vector<16xi32>, vector<16xi32>], vector<16xf32>,
      %mul3A_1494 = arith.constant 11 : i32
      %mul3A_1495 = arith.muli %scan3A_1221, %mul3A_1494 : i32
      %add3A_1496 = arith.constant 3 : i32
      %add3A_1497 = arith.addi %mul3A_1495, %add3A_1496 : i32
      %sub3A_1498 = arith.constant 1 : i32
      %sub3A_1499 = arith.subi %add3A_1497, %sub3A_1498 : i32
      %shift_right_arithmetic3A_1500 = arith.constant 4 : i32
      %shift_right_arithmetic3A_1501 = arith.shrsi %sub3A_1499, %shift_right_arithmetic3A_1500 : i32
      %mul3A_1502 = arith.constant 16 : i32
      %mul3A_1503 = arith.muli %shift_right_arithmetic3A_1501, %mul3A_1502 : i32
      %multiple_of3A_1504 = tpu.assume_multiple %mul3A_1503, 16 : i32
      %get3A_1505 = arith.index_cast %multiple_of3A_1504 : i32 to index
      %get3A_1506 = tpu.vector_load %arg5[%get3A_1505] {strides = array<i32>} : memref<512xi32, #tpu.memory_space<vmem>>, vector<16xi32>,
      %and3A_1507 = arith.constant 15 : i32
      %and3A_1508 = arith.andi %sub3A_1499, %and3A_1507 : i32
      %eq3A_1509 = vector.broadcast %and3A_1508 : i32 to vector<16xi32>
      %eq3A_1510 = arith.cmpi eq, %iota3A, %eq3A_1509 : vector<16xi32>
      %jit3A_1511 = arith.constant 0 : i32
      %broadcast_in_dim3A_1512 = vector.broadcast %jit3A_1511 : i32 to vector<16xi32>
      %select_n3A_1513 = arith.select %eq3A_1510, %get3A_1506, %broadcast_in_dim3A_1512 : vector<16xi1>, vector<16xi32>
      %reduce_max3A_1514 = arith.constant true
      %reduce_max3A_1515 = vector.broadcast %reduce_max3A_1514 : i1 to vector<16xi1>
      %reduce_max3A_1516 = arith.constant -2147483648 : i32
      %reduce_max3A_1517 = vector.broadcast %reduce_max3A_1516 : i32 to vector<16xi32>
      %reduce_max3A_1518 = arith.xori %select_n3A_1513, %reduce_max3A_1517 : vector<16xi32>
      %reduce_max3A_1519 = tpu.scan <max>, %reduce_max3A_1518 masked %reduce_max3A_1515 : vector<16xi32>, vector<16xi1> -> vector<16xi32>
      %reduce_max3A_1520 = arith.xori %reduce_max3A_1519, %reduce_max3A_1517 : vector<16xi32>
      %reduce_max3A_1521 = vector.extract %reduce_max3A_1520[15] : i32 from vector<16xi32>
      %shift_right_arithmetic3A_1522 = arith.constant 7 : i32
      %shift_right_arithmetic3A_1523 = arith.shrsi %reduce_max3A_1521, %shift_right_arithmetic3A_1522 : i32
      %mul3A_1524 = arith.constant 128 : i32
      %mul3A_1525 = arith.muli %shift_right_arithmetic3A_1523, %mul3A_1524 : i32
      %multiple_of3A_1526 = tpu.assume_multiple %mul3A_1525, 128 : i32
      %dma_start3A_1527 = arith.constant 0 : i32
      %dma_start3A_1528 = tpu.memref_slice %arg2[%dma_start3A_1527, %multiple_of3A_1526] : memref<64x1000000xf32, #tpu.memory_space<hbm>> -> memref<64x128xf32, #tpu.memory_space<hbm>>
      %dma_start3A_1529 = arith.constant 0 : i32
      %dma_start3A_1530 = tpu.memref_slice %arg2[%dma_start3A_1529, %multiple_of3A_1526] : memref<64x1000000xf32, #tpu.memory_space<hbm>> -> memref<64x128xf32, #tpu.memory_space<hbm>>
      tpu.enqueue_dma source(%dma_start3A_1530 : memref<64x128xf32, #tpu.memory_space<hbm>>) target(%arg9 : memref<64x128xf32, #tpu.memory_space<vmem>>) target_semaphore(%arg20 : memref<!tpu.dma_semaphore, #tpu.memory_space<semaphore_mem>>)
      %sub3A_1531 = arith.constant 1 : i32
      %sub3A_1532 = arith.subi %scan3A_1221, %sub3A_1531 : i32
      %mul3A_1533 = arith.constant 11 : i32
      %mul3A_1534 = arith.muli %sub3A_1532, %mul3A_1533 : i32
      %add3A_1535 = arith.constant 3 : i32
      %add3A_1536 = arith.addi %mul3A_1534, %add3A_1535 : i32
      %dma_wait3A_1537 = arith.constant 0 : i32
      %dma_wait3A_1538 = arith.constant 0 : i32
      %dma_wait3A_1539 = tpu.memref_slice %arg2[%dma_wait3A_1537, %dma_wait3A_1538] : memref<64x1000000xf32, #tpu.memory_space<hbm>> -> memref<64x128xf32, #tpu.memory_space<hbm>>
      %dma_wait3A_1540 = arith.constant 0 : i32
      %dma_wait3A_1541 = arith.constant 0 : i32
      %dma_wait3A_1542 = tpu.memref_slice %arg2[%dma_wait3A_1540, %dma_wait3A_1541] : memref<64x1000000xf32, #tpu.memory_space<hbm>> -> memref<64x128xf32, #tpu.memory_space<hbm>>
      tpu.wait_dma2 semaphore(%arg21 : memref<!tpu.dma_semaphore, #tpu.memory_space<semaphore_mem>>) src(%dma_wait3A_1542 : memref<64x128xf32, #tpu.memory_space<hbm>>) dst(%arg10 : memref<64x128xf32, #tpu.memory_space<vmem>>)
      %shift_right_arithmetic3A_1543 = arith.constant 4 : i32
      %shift_right_arithmetic3A_1544 = arith.shrsi %add3A_1536, %shift_right_arithmetic3A_1543 : i32
      %mul3A_1545 = arith.constant 16 : i32
      %mul3A_1546 = arith.muli %shift_right_arithmetic3A_1544, %mul3A_1545 : i32
      %multiple_of3A_1547 = tpu.assume_multiple %mul3A_1546, 16 : i32
      %get3A_1548 = arith.index_cast %multiple_of3A_1547 : i32 to index
      %get3A_1549 = tpu.vector_load %arg5[%get3A_1548] {strides = array<i32>} : memref<512xi32, #tpu.memory_space<vmem>>, vector<16xi32>,
      %and3A_1550 = arith.constant 15 : i32
      %and3A_1551 = arith.andi %add3A_1536, %and3A_1550 : i32
      %eq3A_1552 = vector.broadcast %and3A_1551 : i32 to vector<16xi32>
      %eq3A_1553 = arith.cmpi eq, %iota3A, %eq3A_1552 : vector<16xi32>
      %jit3A_1554 = arith.constant 0 : i32
      %broadcast_in_dim3A_1555 = vector.broadcast %jit3A_1554 : i32 to vector<16xi32>
      %select_n3A_1556 = arith.select %eq3A_1553, %get3A_1549, %broadcast_in_dim3A_1555 : vector<16xi1>, vector<16xi32>
      %reduce_max3A_1557 = arith.constant true
      %reduce_max3A_1558 = vector.broadcast %reduce_max3A_1557 : i1 to vector<16xi1>
      %reduce_max3A_1559 = arith.constant -2147483648 : i32
      %reduce_max3A_1560 = vector.broadcast %reduce_max3A_1559 : i32 to vector<16xi32>
      %reduce_max3A_1561 = arith.xori %select_n3A_1556, %reduce_max3A_1560 : vector<16xi32>
      %reduce_max3A_1562 = tpu.scan <max>, %reduce_max3A_1561 masked %reduce_max3A_1558 : vector<16xi32>, vector<16xi1> -> vector<16xi32>
      %reduce_max3A_1563 = arith.xori %reduce_max3A_1562, %reduce_max3A_1560 : vector<16xi32>
      %reduce_max3A_1564 = vector.extract %reduce_max3A_1563[15] : i32 from vector<16xi32>
      %and3A_1565 = arith.constant 127 : i32
      %and3A_1566 = arith.andi %reduce_max3A_1564, %and3A_1565 : i32
      %broadcast_in_dim3A_1567 = vector.broadcast %and3A_1566 : i32 to vector<16xi32>
      %broadcast_in_dim3A_1568 = vector.broadcast %add3A_1536 : i32 to vector<16xi32>
      %add3A_1569 = arith.constant 0 : i32
      %add3A_1570 = vector.broadcast %add3A_1569 : i32 to vector<16xi32>
      %add3A_1571 = arith.addi %iota3A, %add3A_1570 : vector<16xi32>
      %gather3A_1572 = tpu.vector_load_idx %arg10[%add3A_1571, %broadcast_in_dim3A_1567] : memref<64x128xf32, #tpu.memory_space<vmem>>[vector<16xi32>, vector<16xi32>], vector<16xf32>,
      tpu.vector_store_idx %arg6[%add3A_1571, %broadcast_in_dim3A_1568], %gather3A_1572 : memref<64x512xf32, #tpu.memory_space<vmem>>[vector<16xi32>, vector<16xi32>], vector<16xf32>,
      %add3A_1573 = arith.constant 16 : i32
      %add3A_1574 = vector.broadcast %add3A_1573 : i32 to vector<16xi32>
      %add3A_1575 = arith.addi %iota3A, %add3A_1574 : vector<16xi32>
      %gather3A_1576 = tpu.vector_load_idx %arg10[%add3A_1575, %broadcast_in_dim3A_1567] : memref<64x128xf32, #tpu.memory_space<vmem>>[vector<16xi32>, vector<16xi32>], vector<16xf32>,
      tpu.vector_store_idx %arg6[%add3A_1575, %broadcast_in_dim3A_1568], %gather3A_1576 : memref<64x512xf32, #tpu.memory_space<vmem>>[vector<16xi32>, vector<16xi32>], vector<16xf32>,
      %add3A_1577 = arith.constant 32 : i32
      %add3A_1578 = vector.broadcast %add3A_1577 : i32 to vector<16xi32>
      %add3A_1579 = arith.addi %iota3A, %add3A_1578 : vector<16xi32>
      %gather3A_1580 = tpu.vector_load_idx %arg10[%add3A_1579, %broadcast_in_dim3A_1567] : memref<64x128xf32, #tpu.memory_space<vmem>>[vector<16xi32>, vector<16xi32>], vector<16xf32>,
      tpu.vector_store_idx %arg6[%add3A_1579, %broadcast_in_dim3A_1568], %gather3A_1580 : memref<64x512xf32, #tpu.memory_space<vmem>>[vector<16xi32>, vector<16xi32>], vector<16xf32>,
      %add3A_1581 = arith.constant 48 : i32
      %add3A_1582 = vector.broadcast %add3A_1581 : i32 to vector<16xi32>
      %add3A_1583 = arith.addi %iota3A, %add3A_1582 : vector<16xi32>
      %gather3A_1584 = tpu.vector_load_idx %arg10[%add3A_1583, %broadcast_in_dim3A_1567] : memref<64x128xf32, #tpu.memory_space<vmem>>[vector<16xi32>, vector<16xi32>], vector<16xf32>,
      tpu.vector_store_idx %arg6[%add3A_1583, %broadcast_in_dim3A_1568], %gather3A_1584 : memref<64x512xf32, #tpu.memory_space<vmem>>[vector<16xi32>, vector<16xi32>], vector<16xf32>,
      %mul3A_1585 = arith.constant 11 : i32
      %mul3A_1586 = arith.muli %scan3A_1221, %mul3A_1585 : i32
      %add3A_1587 = arith.constant 4 : i32
      %add3A_1588 = arith.addi %mul3A_1586, %add3A_1587 : i32
      %sub3A_1589 = arith.constant 1 : i32
      %sub3A_1590 = arith.subi %add3A_1588, %sub3A_1589 : i32
      %shift_right_arithmetic3A_1591 = arith.constant 4 : i32
      %shift_right_arithmetic3A_1592 = arith.shrsi %sub3A_1590, %shift_right_arithmetic3A_1591 : i32
      %mul3A_1593 = arith.constant 16 : i32
      %mul3A_1594 = arith.muli %shift_right_arithmetic3A_1592, %mul3A_1593 : i32
      %multiple_of3A_1595 = tpu.assume_multiple %mul3A_1594, 16 : i32
      %get3A_1596 = arith.index_cast %multiple_of3A_1595 : i32 to index
      %get3A_1597 = tpu.vector_load %arg5[%get3A_1596] {strides = array<i32>} : memref<512xi32, #tpu.memory_space<vmem>>, vector<16xi32>,
      %and3A_1598 = arith.constant 15 : i32
      %and3A_1599 = arith.andi %sub3A_1590, %and3A_1598 : i32
      %eq3A_1600 = vector.broadcast %and3A_1599 : i32 to vector<16xi32>
      %eq3A_1601 = arith.cmpi eq, %iota3A, %eq3A_1600 : vector<16xi32>
      %jit3A_1602 = arith.constant 0 : i32
      %broadcast_in_dim3A_1603 = vector.broadcast %jit3A_1602 : i32 to vector<16xi32>
      %select_n3A_1604 = arith.select %eq3A_1601, %get3A_1597, %broadcast_in_dim3A_1603 : vector<16xi1>, vector<16xi32>
      %reduce_max3A_1605 = arith.constant true
      %reduce_max3A_1606 = vector.broadcast %reduce_max3A_1605 : i1 to vector<16xi1>
      %reduce_max3A_1607 = arith.constant -2147483648 : i32
      %reduce_max3A_1608 = vector.broadcast %reduce_max3A_1607 : i32 to vector<16xi32>
      %reduce_max3A_1609 = arith.xori %select_n3A_1604, %reduce_max3A_1608 : vector<16xi32>
      %reduce_max3A_1610 = tpu.scan <max>, %reduce_max3A_1609 masked %reduce_max3A_1606 : vector<16xi32>, vector<16xi1> -> vector<16xi32>
      %reduce_max3A_1611 = arith.xori %reduce_max3A_1610, %reduce_max3A_1608 : vector<16xi32>
      %reduce_max3A_1612 = vector.extract %reduce_max3A_1611[15] : i32 from vector<16xi32>
      %shift_right_arithmetic3A_1613 = arith.constant 7 : i32
      %shift_right_arithmetic3A_1614 = arith.shrsi %reduce_max3A_1612, %shift_right_arithmetic3A_1613 : i32
      %mul3A_1615 = arith.constant 128 : i32
      %mul3A_1616 = arith.muli %shift_right_arithmetic3A_1614, %mul3A_1615 : i32
      %multiple_of3A_1617 = tpu.assume_multiple %mul3A_1616, 128 : i32
      %dma_start3A_1618 = arith.constant 0 : i32
      %dma_start3A_1619 = tpu.memref_slice %arg2[%dma_start3A_1618, %multiple_of3A_1617] : memref<64x1000000xf32, #tpu.memory_space<hbm>> -> memref<64x128xf32, #tpu.memory_space<hbm>>
      %dma_start3A_1620 = arith.constant 0 : i32
      %dma_start3A_1621 = tpu.memref_slice %arg2[%dma_start3A_1620, %multiple_of3A_1617] : memref<64x1000000xf32, #tpu.memory_space<hbm>> -> memref<64x128xf32, #tpu.memory_space<hbm>>
      tpu.enqueue_dma source(%dma_start3A_1621 : memref<64x128xf32, #tpu.memory_space<hbm>>) target(%arg10 : memref<64x128xf32, #tpu.memory_space<vmem>>) target_semaphore(%arg21 : memref<!tpu.dma_semaphore, #tpu.memory_space<semaphore_mem>>)
      %sub3A_1622 = arith.constant 1 : i32
      %sub3A_1623 = arith.subi %scan3A_1221, %sub3A_1622 : i32
      %mul3A_1624 = arith.constant 11 : i32
      %mul3A_1625 = arith.muli %sub3A_1623, %mul3A_1624 : i32
      %add3A_1626 = arith.constant 4 : i32
      %add3A_1627 = arith.addi %mul3A_1625, %add3A_1626 : i32
      %dma_wait3A_1628 = arith.constant 0 : i32
      %dma_wait3A_1629 = arith.constant 0 : i32
      %dma_wait3A_1630 = tpu.memref_slice %arg2[%dma_wait3A_1628, %dma_wait3A_1629] : memref<64x1000000xf32, #tpu.memory_space<hbm>> -> memref<64x128xf32, #tpu.memory_space<hbm>>
      %dma_wait3A_1631 = arith.constant 0 : i32
      %dma_wait3A_1632 = arith.constant 0 : i32
      %dma_wait3A_1633 = tpu.memref_slice %arg2[%dma_wait3A_1631, %dma_wait3A_1632] : memref<64x1000000xf32, #tpu.memory_space<hbm>> -> memref<64x128xf32, #tpu.memory_space<hbm>>
      tpu.wait_dma2 semaphore(%arg22 : memref<!tpu.dma_semaphore, #tpu.memory_space<semaphore_mem>>) src(%dma_wait3A_1633 : memref<64x128xf32, #tpu.memory_space<hbm>>) dst(%arg11 : memref<64x128xf32, #tpu.memory_space<vmem>>)
      %shift_right_arithmetic3A_1634 = arith.constant 4 : i32
      %shift_right_arithmetic3A_1635 = arith.shrsi %add3A_1627, %shift_right_arithmetic3A_1634 : i32
      %mul3A_1636 = arith.constant 16 : i32
      %mul3A_1637 = arith.muli %shift_right_arithmetic3A_1635, %mul3A_1636 : i32
      %multiple_of3A_1638 = tpu.assume_multiple %mul3A_1637, 16 : i32
      %get3A_1639 = arith.index_cast %multiple_of3A_1638 : i32 to index
      %get3A_1640 = tpu.vector_load %arg5[%get3A_1639] {strides = array<i32>} : memref<512xi32, #tpu.memory_space<vmem>>, vector<16xi32>,
      %and3A_1641 = arith.constant 15 : i32
      %and3A_1642 = arith.andi %add3A_1627, %and3A_1641 : i32
      %eq3A_1643 = vector.broadcast %and3A_1642 : i32 to vector<16xi32>
      %eq3A_1644 = arith.cmpi eq, %iota3A, %eq3A_1643 : vector<16xi32>
      %jit3A_1645 = arith.constant 0 : i32
      %broadcast_in_dim3A_1646 = vector.broadcast %jit3A_1645 : i32 to vector<16xi32>
      %select_n3A_1647 = arith.select %eq3A_1644, %get3A_1640, %broadcast_in_dim3A_1646 : vector<16xi1>, vector<16xi32>
      %reduce_max3A_1648 = arith.constant true
      %reduce_max3A_1649 = vector.broadcast %reduce_max3A_1648 : i1 to vector<16xi1>
      %reduce_max3A_1650 = arith.constant -2147483648 : i32
      %reduce_max3A_1651 = vector.broadcast %reduce_max3A_1650 : i32 to vector<16xi32>
      %reduce_max3A_1652 = arith.xori %select_n3A_1647, %reduce_max3A_1651 : vector<16xi32>
      %reduce_max3A_1653 = tpu.scan <max>, %reduce_max3A_1652 masked %reduce_max3A_1649 : vector<16xi32>, vector<16xi1> -> vector<16xi32>
      %reduce_max3A_1654 = arith.xori %reduce_max3A_1653, %reduce_max3A_1651 : vector<16xi32>
      %reduce_max3A_1655 = vector.extract %reduce_max3A_1654[15] : i32 from vector<16xi32>
      %and3A_1656 = arith.constant 127 : i32
      %and3A_1657 = arith.andi %reduce_max3A_1655, %and3A_1656 : i32
      %broadcast_in_dim3A_1658 = vector.broadcast %and3A_1657 : i32 to vector<16xi32>
      %broadcast_in_dim3A_1659 = vector.broadcast %add3A_1627 : i32 to vector<16xi32>
      %add3A_1660 = arith.constant 0 : i32
      %add3A_1661 = vector.broadcast %add3A_1660 : i32 to vector<16xi32>
      %add3A_1662 = arith.addi %iota3A, %add3A_1661 : vector<16xi32>
      %gather3A_1663 = tpu.vector_load_idx %arg11[%add3A_1662, %broadcast_in_dim3A_1658] : memref<64x128xf32, #tpu.memory_space<vmem>>[vector<16xi32>, vector<16xi32>], vector<16xf32>,
      tpu.vector_store_idx %arg6[%add3A_1662, %broadcast_in_dim3A_1659], %gather3A_1663 : memref<64x512xf32, #tpu.memory_space<vmem>>[vector<16xi32>, vector<16xi32>], vector<16xf32>,
      %add3A_1664 = arith.constant 16 : i32
      %add3A_1665 = vector.broadcast %add3A_1664 : i32 to vector<16xi32>
      %add3A_1666 = arith.addi %iota3A, %add3A_1665 : vector<16xi32>
      %gather3A_1667 = tpu.vector_load_idx %arg11[%add3A_1666, %broadcast_in_dim3A_1658] : memref<64x128xf32, #tpu.memory_space<vmem>>[vector<16xi32>, vector<16xi32>], vector<16xf32>,
      tpu.vector_store_idx %arg6[%add3A_1666, %broadcast_in_dim3A_1659], %gather3A_1667 : memref<64x512xf32, #tpu.memory_space<vmem>>[vector<16xi32>, vector<16xi32>], vector<16xf32>,
      %add3A_1668 = arith.constant 32 : i32
      %add3A_1669 = vector.broadcast %add3A_1668 : i32 to vector<16xi32>
      %add3A_1670 = arith.addi %iota3A, %add3A_1669 : vector<16xi32>
      %gather3A_1671 = tpu.vector_load_idx %arg11[%add3A_1670, %broadcast_in_dim3A_1658] : memref<64x128xf32, #tpu.memory_space<vmem>>[vector<16xi32>, vector<16xi32>], vector<16xf32>,
      tpu.vector_store_idx %arg6[%add3A_1670, %broadcast_in_dim3A_1659], %gather3A_1671 : memref<64x512xf32, #tpu.memory_space<vmem>>[vector<16xi32>, vector<16xi32>], vector<16xf32>,
      %add3A_1672 = arith.constant 48 : i32
      %add3A_1673 = vector.broadcast %add3A_1672 : i32 to vector<16xi32>
      %add3A_1674 = arith.addi %iota3A, %add3A_1673 : vector<16xi32>
      %gather3A_1675 = tpu.vector_load_idx %arg11[%add3A_1674, %broadcast_in_dim3A_1658] : memref<64x128xf32, #tpu.memory_space<vmem>>[vector<16xi32>, vector<16xi32>], vector<16xf32>,
      tpu.vector_store_idx %arg6[%add3A_1674, %broadcast_in_dim3A_1659], %gather3A_1675 : memref<64x512xf32, #tpu.memory_space<vmem>>[vector<16xi32>, vector<16xi32>], vector<16xf32>,
      %mul3A_1676 = arith.constant 11 : i32
      %mul3A_1677 = arith.muli %scan3A_1221, %mul3A_1676 : i32
      %add3A_1678 = arith.constant 5 : i32
      %add3A_1679 = arith.addi %mul3A_1677, %add3A_1678 : i32
      %sub3A_1680 = arith.constant 1 : i32
      %sub3A_1681 = arith.subi %add3A_1679, %sub3A_1680 : i32
      %shift_right_arithmetic3A_1682 = arith.constant 4 : i32
      %shift_right_arithmetic3A_1683 = arith.shrsi %sub3A_1681, %shift_right_arithmetic3A_1682 : i32
      %mul3A_1684 = arith.constant 16 : i32
      %mul3A_1685 = arith.muli %shift_right_arithmetic3A_1683, %mul3A_1684 : i32
      %multiple_of3A_1686 = tpu.assume_multiple %mul3A_1685, 16 : i32
      %get3A_1687 = arith.index_cast %multiple_of3A_1686 : i32 to index
      %get3A_1688 = tpu.vector_load %arg5[%get3A_1687] {strides = array<i32>} : memref<512xi32, #tpu.memory_space<vmem>>, vector<16xi32>,
      %and3A_1689 = arith.constant 15 : i32
      %and3A_1690 = arith.andi %sub3A_1681, %and3A_1689 : i32
      %eq3A_1691 = vector.broadcast %and3A_1690 : i32 to vector<16xi32>
      %eq3A_1692 = arith.cmpi eq, %iota3A, %eq3A_1691 : vector<16xi32>
      %jit3A_1693 = arith.constant 0 : i32
      %broadcast_in_dim3A_1694 = vector.broadcast %jit3A_1693 : i32 to vector<16xi32>
      %select_n3A_1695 = arith.select %eq3A_1692, %get3A_1688, %broadcast_in_dim3A_1694 : vector<16xi1>, vector<16xi32>
      %reduce_max3A_1696 = arith.constant true
      %reduce_max3A_1697 = vector.broadcast %reduce_max3A_1696 : i1 to vector<16xi1>
      %reduce_max3A_1698 = arith.constant -2147483648 : i32
      %reduce_max3A_1699 = vector.broadcast %reduce_max3A_1698 : i32 to vector<16xi32>
      %reduce_max3A_1700 = arith.xori %select_n3A_1695, %reduce_max3A_1699 : vector<16xi32>
      %reduce_max3A_1701 = tpu.scan <max>, %reduce_max3A_1700 masked %reduce_max3A_1697 : vector<16xi32>, vector<16xi1> -> vector<16xi32>
      %reduce_max3A_1702 = arith.xori %reduce_max3A_1701, %reduce_max3A_1699 : vector<16xi32>
      %reduce_max3A_1703 = vector.extract %reduce_max3A_1702[15] : i32 from vector<16xi32>
      %shift_right_arithmetic3A_1704 = arith.constant 7 : i32
      %shift_right_arithmetic3A_1705 = arith.shrsi %reduce_max3A_1703, %shift_right_arithmetic3A_1704 : i32
      %mul3A_1706 = arith.constant 128 : i32
      %mul3A_1707 = arith.muli %shift_right_arithmetic3A_1705, %mul3A_1706 : i32
      %multiple_of3A_1708 = tpu.assume_multiple %mul3A_1707, 128 : i32
      %dma_start3A_1709 = arith.constant 0 : i32
      %dma_start3A_1710 = tpu.memref_slice %arg2[%dma_start3A_1709, %multiple_of3A_1708] : memref<64x1000000xf32, #tpu.memory_space<hbm>> -> memref<64x128xf32, #tpu.memory_space<hbm>>
      %dma_start3A_1711 = arith.constant 0 : i32
      %dma_start3A_1712 = tpu.memref_slice %arg2[%dma_start3A_1711, %multiple_of3A_1708] : memref<64x1000000xf32, #tpu.memory_space<hbm>> -> memref<64x128xf32, #tpu.memory_space<hbm>>
      tpu.enqueue_dma source(%dma_start3A_1712 : memref<64x128xf32, #tpu.memory_space<hbm>>) target(%arg11 : memref<64x128xf32, #tpu.memory_space<vmem>>) target_semaphore(%arg22 : memref<!tpu.dma_semaphore, #tpu.memory_space<semaphore_mem>>)
      %sub3A_1713 = arith.constant 1 : i32
      %sub3A_1714 = arith.subi %scan3A_1221, %sub3A_1713 : i32
      %mul3A_1715 = arith.constant 11 : i32
      %mul3A_1716 = arith.muli %sub3A_1714, %mul3A_1715 : i32
      %add3A_1717 = arith.constant 5 : i32
      %add3A_1718 = arith.addi %mul3A_1716, %add3A_1717 : i32
      %dma_wait3A_1719 = arith.constant 0 : i32
      %dma_wait3A_1720 = arith.constant 0 : i32
      %dma_wait3A_1721 = tpu.memref_slice %arg2[%dma_wait3A_1719, %dma_wait3A_1720] : memref<64x1000000xf32, #tpu.memory_space<hbm>> -> memref<64x128xf32, #tpu.memory_space<hbm>>
      %dma_wait3A_1722 = arith.constant 0 : i32
      %dma_wait3A_1723 = arith.constant 0 : i32
      %dma_wait3A_1724 = tpu.memref_slice %arg2[%dma_wait3A_1722, %dma_wait3A_1723] : memref<64x1000000xf32, #tpu.memory_space<hbm>> -> memref<64x128xf32, #tpu.memory_space<hbm>>
      tpu.wait_dma2 semaphore(%arg23 : memref<!tpu.dma_semaphore, #tpu.memory_space<semaphore_mem>>) src(%dma_wait3A_1724 : memref<64x128xf32, #tpu.memory_space<hbm>>) dst(%arg12 : memref<64x128xf32, #tpu.memory_space<vmem>>)
      %shift_right_arithmetic3A_1725 = arith.constant 4 : i32
      %shift_right_arithmetic3A_1726 = arith.shrsi %add3A_1718, %shift_right_arithmetic3A_1725 : i32
      %mul3A_1727 = arith.constant 16 : i32
      %mul3A_1728 = arith.muli %shift_right_arithmetic3A_1726, %mul3A_1727 : i32
      %multiple_of3A_1729 = tpu.assume_multiple %mul3A_1728, 16 : i32
      %get3A_1730 = arith.index_cast %multiple_of3A_1729 : i32 to index
      %get3A_1731 = tpu.vector_load %arg5[%get3A_1730] {strides = array<i32>} : memref<512xi32, #tpu.memory_space<vmem>>, vector<16xi32>,
      %and3A_1732 = arith.constant 15 : i32
      %and3A_1733 = arith.andi %add3A_1718, %and3A_1732 : i32
      %eq3A_1734 = vector.broadcast %and3A_1733 : i32 to vector<16xi32>
      %eq3A_1735 = arith.cmpi eq, %iota3A, %eq3A_1734 : vector<16xi32>
      %jit3A_1736 = arith.constant 0 : i32
      %broadcast_in_dim3A_1737 = vector.broadcast %jit3A_1736 : i32 to vector<16xi32>
      %select_n3A_1738 = arith.select %eq3A_1735, %get3A_1731, %broadcast_in_dim3A_1737 : vector<16xi1>, vector<16xi32>
      %reduce_max3A_1739 = arith.constant true
      %reduce_max3A_1740 = vector.broadcast %reduce_max3A_1739 : i1 to vector<16xi1>
      %reduce_max3A_1741 = arith.constant -2147483648 : i32
      %reduce_max3A_1742 = vector.broadcast %reduce_max3A_1741 : i32 to vector<16xi32>
      %reduce_max3A_1743 = arith.xori %select_n3A_1738, %reduce_max3A_1742 : vector<16xi32>
      %reduce_max3A_1744 = tpu.scan <max>, %reduce_max3A_1743 masked %reduce_max3A_1740 : vector<16xi32>, vector<16xi1> -> vector<16xi32>
      %reduce_max3A_1745 = arith.xori %reduce_max3A_1744, %reduce_max3A_1742 : vector<16xi32>
      %reduce_max3A_1746 = vector.extract %reduce_max3A_1745[15] : i32 from vector<16xi32>
      %and3A_1747 = arith.constant 127 : i32
      %and3A_1748 = arith.andi %reduce_max3A_1746, %and3A_1747 : i32
      %broadcast_in_dim3A_1749 = vector.broadcast %and3A_1748 : i32 to vector<16xi32>
      %broadcast_in_dim3A_1750 = vector.broadcast %add3A_1718 : i32 to vector<16xi32>
      %add3A_1751 = arith.constant 0 : i32
      %add3A_1752 = vector.broadcast %add3A_1751 : i32 to vector<16xi32>
      %add3A_1753 = arith.addi %iota3A, %add3A_1752 : vector<16xi32>
      %gather3A_1754 = tpu.vector_load_idx %arg12[%add3A_1753, %broadcast_in_dim3A_1749] : memref<64x128xf32, #tpu.memory_space<vmem>>[vector<16xi32>, vector<16xi32>], vector<16xf32>,
      tpu.vector_store_idx %arg6[%add3A_1753, %broadcast_in_dim3A_1750], %gather3A_1754 : memref<64x512xf32, #tpu.memory_space<vmem>>[vector<16xi32>, vector<16xi32>], vector<16xf32>,
      %add3A_1755 = arith.constant 16 : i32
      %add3A_1756 = vector.broadcast %add3A_1755 : i32 to vector<16xi32>
      %add3A_1757 = arith.addi %iota3A, %add3A_1756 : vector<16xi32>
      %gather3A_1758 = tpu.vector_load_idx %arg12[%add3A_1757, %broadcast_in_dim3A_1749] : memref<64x128xf32, #tpu.memory_space<vmem>>[vector<16xi32>, vector<16xi32>], vector<16xf32>,
      tpu.vector_store_idx %arg6[%add3A_1757, %broadcast_in_dim3A_1750], %gather3A_1758 : memref<64x512xf32, #tpu.memory_space<vmem>>[vector<16xi32>, vector<16xi32>], vector<16xf32>,
      %add3A_1759 = arith.constant 32 : i32
      %add3A_1760 = vector.broadcast %add3A_1759 : i32 to vector<16xi32>
      %add3A_1761 = arith.addi %iota3A, %add3A_1760 : vector<16xi32>
      %gather3A_1762 = tpu.vector_load_idx %arg12[%add3A_1761, %broadcast_in_dim3A_1749] : memref<64x128xf32, #tpu.memory_space<vmem>>[vector<16xi32>, vector<16xi32>], vector<16xf32>,
      tpu.vector_store_idx %arg6[%add3A_1761, %broadcast_in_dim3A_1750], %gather3A_1762 : memref<64x512xf32, #tpu.memory_space<vmem>>[vector<16xi32>, vector<16xi32>], vector<16xf32>,
      %add3A_1763 = arith.constant 48 : i32
      %add3A_1764 = vector.broadcast %add3A_1763 : i32 to vector<16xi32>
      %add3A_1765 = arith.addi %iota3A, %add3A_1764 : vector<16xi32>
      %gather3A_1766 = tpu.vector_load_idx %arg12[%add3A_1765, %broadcast_in_dim3A_1749] : memref<64x128xf32, #tpu.memory_space<vmem>>[vector<16xi32>, vector<16xi32>], vector<16xf32>,
      tpu.vector_store_idx %arg6[%add3A_1765, %broadcast_in_dim3A_1750], %gather3A_1766 : memref<64x512xf32, #tpu.memory_space<vmem>>[vector<16xi32>, vector<16xi32>], vector<16xf32>,
      %mul3A_1767 = arith.constant 11 : i32
      %mul3A_1768 = arith.muli %scan3A_1221, %mul3A_1767 : i32
      %add3A_1769 = arith.constant 6 : i32
      %add3A_1770 = arith.addi %mul3A_1768, %add3A_1769 : i32
      %sub3A_1771 = arith.constant 1 : i32
      %sub3A_1772 = arith.subi %add3A_1770, %sub3A_1771 : i32
      %shift_right_arithmetic3A_1773 = arith.constant 4 : i32
      %shift_right_arithmetic3A_1774 = arith.shrsi %sub3A_1772, %shift_right_arithmetic3A_1773 : i32
      %mul3A_1775 = arith.constant 16 : i32
      %mul3A_1776 = arith.muli %shift_right_arithmetic3A_1774, %mul3A_1775 : i32
      %multiple_of3A_1777 = tpu.assume_multiple %mul3A_1776, 16 : i32
      %get3A_1778 = arith.index_cast %multiple_of3A_1777 : i32 to index
      %get3A_1779 = tpu.vector_load %arg5[%get3A_1778] {strides = array<i32>} : memref<512xi32, #tpu.memory_space<vmem>>, vector<16xi32>,
      %and3A_1780 = arith.constant 15 : i32
      %and3A_1781 = arith.andi %sub3A_1772, %and3A_1780 : i32
      %eq3A_1782 = vector.broadcast %and3A_1781 : i32 to vector<16xi32>
      %eq3A_1783 = arith.cmpi eq, %iota3A, %eq3A_1782 : vector<16xi32>
      %jit3A_1784 = arith.constant 0 : i32
      %broadcast_in_dim3A_1785 = vector.broadcast %jit3A_1784 : i32 to vector<16xi32>
      %select_n3A_1786 = arith.select %eq3A_1783, %get3A_1779, %broadcast_in_dim3A_1785 : vector<16xi1>, vector<16xi32>
      %reduce_max3A_1787 = arith.constant true
      %reduce_max3A_1788 = vector.broadcast %reduce_max3A_1787 : i1 to vector<16xi1>
      %reduce_max3A_1789 = arith.constant -2147483648 : i32
      %reduce_max3A_1790 = vector.broadcast %reduce_max3A_1789 : i32 to vector<16xi32>
      %reduce_max3A_1791 = arith.xori %select_n3A_1786, %reduce_max3A_1790 : vector<16xi32>
      %reduce_max3A_1792 = tpu.scan <max>, %reduce_max3A_1791 masked %reduce_max3A_1788 : vector<16xi32>, vector<16xi1> -> vector<16xi32>
      %reduce_max3A_1793 = arith.xori %reduce_max3A_1792, %reduce_max3A_1790 : vector<16xi32>
      %reduce_max3A_1794 = vector.extract %reduce_max3A_1793[15] : i32 from vector<16xi32>
      %shift_right_arithmetic3A_1795 = arith.constant 7 : i32
      %shift_right_arithmetic3A_1796 = arith.shrsi %reduce_max3A_1794, %shift_right_arithmetic3A_1795 : i32
      %mul3A_1797 = arith.constant 128 : i32
      %mul3A_1798 = arith.muli %shift_right_arithmetic3A_1796, %mul3A_1797 : i32
      %multiple_of3A_1799 = tpu.assume_multiple %mul3A_1798, 128 : i32
      %dma_start3A_1800 = arith.constant 0 : i32
      %dma_start3A_1801 = tpu.memref_slice %arg2[%dma_start3A_1800, %multiple_of3A_1799] : memref<64x1000000xf32, #tpu.memory_space<hbm>> -> memref<64x128xf32, #tpu.memory_space<hbm>>
      %dma_start3A_1802 = arith.constant 0 : i32
      %dma_start3A_1803 = tpu.memref_slice %arg2[%dma_start3A_1802, %multiple_of3A_1799] : memref<64x1000000xf32, #tpu.memory_space<hbm>> -> memref<64x128xf32, #tpu.memory_space<hbm>>
      tpu.enqueue_dma source(%dma_start3A_1803 : memref<64x128xf32, #tpu.memory_space<hbm>>) target(%arg12 : memref<64x128xf32, #tpu.memory_space<vmem>>) target_semaphore(%arg23 : memref<!tpu.dma_semaphore, #tpu.memory_space<semaphore_mem>>)
      %sub3A_1804 = arith.constant 1 : i32
      %sub3A_1805 = arith.subi %scan3A_1221, %sub3A_1804 : i32
      %mul3A_1806 = arith.constant 11 : i32
      %mul3A_1807 = arith.muli %sub3A_1805, %mul3A_1806 : i32
      %add3A_1808 = arith.constant 6 : i32
      %add3A_1809 = arith.addi %mul3A_1807, %add3A_1808 : i32
      %dma_wait3A_1810 = arith.constant 0 : i32
      %dma_wait3A_1811 = arith.constant 0 : i32
      %dma_wait3A_1812 = tpu.memref_slice %arg2[%dma_wait3A_1810, %dma_wait3A_1811] : memref<64x1000000xf32, #tpu.memory_space<hbm>> -> memref<64x128xf32, #tpu.memory_space<hbm>>
      %dma_wait3A_1813 = arith.constant 0 : i32
      %dma_wait3A_1814 = arith.constant 0 : i32
      %dma_wait3A_1815 = tpu.memref_slice %arg2[%dma_wait3A_1813, %dma_wait3A_1814] : memref<64x1000000xf32, #tpu.memory_space<hbm>> -> memref<64x128xf32, #tpu.memory_space<hbm>>
      tpu.wait_dma2 semaphore(%arg24 : memref<!tpu.dma_semaphore, #tpu.memory_space<semaphore_mem>>) src(%dma_wait3A_1815 : memref<64x128xf32, #tpu.memory_space<hbm>>) dst(%arg13 : memref<64x128xf32, #tpu.memory_space<vmem>>)
      %shift_right_arithmetic3A_1816 = arith.constant 4 : i32
      %shift_right_arithmetic3A_1817 = arith.shrsi %add3A_1809, %shift_right_arithmetic3A_1816 : i32
      %mul3A_1818 = arith.constant 16 : i32
      %mul3A_1819 = arith.muli %shift_right_arithmetic3A_1817, %mul3A_1818 : i32
      %multiple_of3A_1820 = tpu.assume_multiple %mul3A_1819, 16 : i32
      %get3A_1821 = arith.index_cast %multiple_of3A_1820 : i32 to index
      %get3A_1822 = tpu.vector_load %arg5[%get3A_1821] {strides = array<i32>} : memref<512xi32, #tpu.memory_space<vmem>>, vector<16xi32>,
      %and3A_1823 = arith.constant 15 : i32
      %and3A_1824 = arith.andi %add3A_1809, %and3A_1823 : i32
      %eq3A_1825 = vector.broadcast %and3A_1824 : i32 to vector<16xi32>
      %eq3A_1826 = arith.cmpi eq, %iota3A, %eq3A_1825 : vector<16xi32>
      %jit3A_1827 = arith.constant 0 : i32
      %broadcast_in_dim3A_1828 = vector.broadcast %jit3A_1827 : i32 to vector<16xi32>
      %select_n3A_1829 = arith.select %eq3A_1826, %get3A_1822, %broadcast_in_dim3A_1828 : vector<16xi1>, vector<16xi32>
      %reduce_max3A_1830 = arith.constant true
      %reduce_max3A_1831 = vector.broadcast %reduce_max3A_1830 : i1 to vector<16xi1>
      %reduce_max3A_1832 = arith.constant -2147483648 : i32
      %reduce_max3A_1833 = vector.broadcast %reduce_max3A_1832 : i32 to vector<16xi32>
      %reduce_max3A_1834 = arith.xori %select_n3A_1829, %reduce_max3A_1833 : vector<16xi32>
      %reduce_max3A_1835 = tpu.scan <max>, %reduce_max3A_1834 masked %reduce_max3A_1831 : vector<16xi32>, vector<16xi1> -> vector<16xi32>
      %reduce_max3A_1836 = arith.xori %reduce_max3A_1835, %reduce_max3A_1833 : vector<16xi32>
      %reduce_max3A_1837 = vector.extract %reduce_max3A_1836[15] : i32 from vector<16xi32>
      %and3A_1838 = arith.constant 127 : i32
      %and3A_1839 = arith.andi %reduce_max3A_1837, %and3A_1838 : i32
      %broadcast_in_dim3A_1840 = vector.broadcast %and3A_1839 : i32 to vector<16xi32>
      %broadcast_in_dim3A_1841 = vector.broadcast %add3A_1809 : i32 to vector<16xi32>
      %add3A_1842 = arith.constant 0 : i32
      %add3A_1843 = vector.broadcast %add3A_1842 : i32 to vector<16xi32>
      %add3A_1844 = arith.addi %iota3A, %add3A_1843 : vector<16xi32>
      %gather3A_1845 = tpu.vector_load_idx %arg13[%add3A_1844, %broadcast_in_dim3A_1840] : memref<64x128xf32, #tpu.memory_space<vmem>>[vector<16xi32>, vector<16xi32>], vector<16xf32>,
      tpu.vector_store_idx %arg6[%add3A_1844, %broadcast_in_dim3A_1841], %gather3A_1845 : memref<64x512xf32, #tpu.memory_space<vmem>>[vector<16xi32>, vector<16xi32>], vector<16xf32>,
      %add3A_1846 = arith.constant 16 : i32
      %add3A_1847 = vector.broadcast %add3A_1846 : i32 to vector<16xi32>
      %add3A_1848 = arith.addi %iota3A, %add3A_1847 : vector<16xi32>
      %gather3A_1849 = tpu.vector_load_idx %arg13[%add3A_1848, %broadcast_in_dim3A_1840] : memref<64x128xf32, #tpu.memory_space<vmem>>[vector<16xi32>, vector<16xi32>], vector<16xf32>,
      tpu.vector_store_idx %arg6[%add3A_1848, %broadcast_in_dim3A_1841], %gather3A_1849 : memref<64x512xf32, #tpu.memory_space<vmem>>[vector<16xi32>, vector<16xi32>], vector<16xf32>,
      %add3A_1850 = arith.constant 32 : i32
      %add3A_1851 = vector.broadcast %add3A_1850 : i32 to vector<16xi32>
      %add3A_1852 = arith.addi %iota3A, %add3A_1851 : vector<16xi32>
      %gather3A_1853 = tpu.vector_load_idx %arg13[%add3A_1852, %broadcast_in_dim3A_1840] : memref<64x128xf32, #tpu.memory_space<vmem>>[vector<16xi32>, vector<16xi32>], vector<16xf32>,
      tpu.vector_store_idx %arg6[%add3A_1852, %broadcast_in_dim3A_1841], %gather3A_1853 : memref<64x512xf32, #tpu.memory_space<vmem>>[vector<16xi32>, vector<16xi32>], vector<16xf32>,
      %add3A_1854 = arith.constant 48 : i32
      %add3A_1855 = vector.broadcast %add3A_1854 : i32 to vector<16xi32>
      %add3A_1856 = arith.addi %iota3A, %add3A_1855 : vector<16xi32>
      %gather3A_1857 = tpu.vector_load_idx %arg13[%add3A_1856, %broadcast_in_dim3A_1840] : memref<64x128xf32, #tpu.memory_space<vmem>>[vector<16xi32>, vector<16xi32>], vector<16xf32>,
      tpu.vector_store_idx %arg6[%add3A_1856, %broadcast_in_dim3A_1841], %gather3A_1857 : memref<64x512xf32, #tpu.memory_space<vmem>>[vector<16xi32>, vector<16xi32>], vector<16xf32>,
      %mul3A_1858 = arith.constant 11 : i32
      %mul3A_1859 = arith.muli %scan3A_1221, %mul3A_1858 : i32
      %add3A_1860 = arith.constant 7 : i32
      %add3A_1861 = arith.addi %mul3A_1859, %add3A_1860 : i32
      %sub3A_1862 = arith.constant 1 : i32
      %sub3A_1863 = arith.subi %add3A_1861, %sub3A_1862 : i32
      %shift_right_arithmetic3A_1864 = arith.constant 4 : i32
      %shift_right_arithmetic3A_1865 = arith.shrsi %sub3A_1863, %shift_right_arithmetic3A_1864 : i32
      %mul3A_1866 = arith.constant 16 : i32
      %mul3A_1867 = arith.muli %shift_right_arithmetic3A_1865, %mul3A_1866 : i32
      %multiple_of3A_1868 = tpu.assume_multiple %mul3A_1867, 16 : i32
      %get3A_1869 = arith.index_cast %multiple_of3A_1868 : i32 to index
      %get3A_1870 = tpu.vector_load %arg5[%get3A_1869] {strides = array<i32>} : memref<512xi32, #tpu.memory_space<vmem>>, vector<16xi32>,
      %and3A_1871 = arith.constant 15 : i32
      %and3A_1872 = arith.andi %sub3A_1863, %and3A_1871 : i32
      %eq3A_1873 = vector.broadcast %and3A_1872 : i32 to vector<16xi32>
      %eq3A_1874 = arith.cmpi eq, %iota3A, %eq3A_1873 : vector<16xi32>
      %jit3A_1875 = arith.constant 0 : i32
      %broadcast_in_dim3A_1876 = vector.broadcast %jit3A_1875 : i32 to vector<16xi32>
      %select_n3A_1877 = arith.select %eq3A_1874, %get3A_1870, %broadcast_in_dim3A_1876 : vector<16xi1>, vector<16xi32>
      %reduce_max3A_1878 = arith.constant true
      %reduce_max3A_1879 = vector.broadcast %reduce_max3A_1878 : i1 to vector<16xi1>
      %reduce_max3A_1880 = arith.constant -2147483648 : i32
      %reduce_max3A_1881 = vector.broadcast %reduce_max3A_1880 : i32 to vector<16xi32>
      %reduce_max3A_1882 = arith.xori %select_n3A_1877, %reduce_max3A_1881 : vector<16xi32>
      %reduce_max3A_1883 = tpu.scan <max>, %reduce_max3A_1882 masked %reduce_max3A_1879 : vector<16xi32>, vector<16xi1> -> vector<16xi32>
      %reduce_max3A_1884 = arith.xori %reduce_max3A_1883, %reduce_max3A_1881 : vector<16xi32>
      %reduce_max3A_1885 = vector.extract %reduce_max3A_1884[15] : i32 from vector<16xi32>
      %shift_right_arithmetic3A_1886 = arith.constant 7 : i32
      %shift_right_arithmetic3A_1887 = arith.shrsi %reduce_max3A_1885, %shift_right_arithmetic3A_1886 : i32
      %mul3A_1888 = arith.constant 128 : i32
      %mul3A_1889 = arith.muli %shift_right_arithmetic3A_1887, %mul3A_1888 : i32
      %multiple_of3A_1890 = tpu.assume_multiple %mul3A_1889, 128 : i32
      %dma_start3A_1891 = arith.constant 0 : i32
      %dma_start3A_1892 = tpu.memref_slice %arg2[%dma_start3A_1891, %multiple_of3A_1890] : memref<64x1000000xf32, #tpu.memory_space<hbm>> -> memref<64x128xf32, #tpu.memory_space<hbm>>
      %dma_start3A_1893 = arith.constant 0 : i32
      %dma_start3A_1894 = tpu.memref_slice %arg2[%dma_start3A_1893, %multiple_of3A_1890] : memref<64x1000000xf32, #tpu.memory_space<hbm>> -> memref<64x128xf32, #tpu.memory_space<hbm>>
      tpu.enqueue_dma source(%dma_start3A_1894 : memref<64x128xf32, #tpu.memory_space<hbm>>) target(%arg13 : memref<64x128xf32, #tpu.memory_space<vmem>>) target_semaphore(%arg24 : memref<!tpu.dma_semaphore, #tpu.memory_space<semaphore_mem>>)
      %sub3A_1895 = arith.constant 1 : i32
      %sub3A_1896 = arith.subi %scan3A_1221, %sub3A_1895 : i32
      %mul3A_1897 = arith.constant 11 : i32
      %mul3A_1898 = arith.muli %sub3A_1896, %mul3A_1897 : i32
      %add3A_1899 = arith.constant 7 : i32
      %add3A_1900 = arith.addi %mul3A_1898, %add3A_1899 : i32
      %dma_wait3A_1901 = arith.constant 0 : i32
      %dma_wait3A_1902 = arith.constant 0 : i32
      %dma_wait3A_1903 = tpu.memref_slice %arg2[%dma_wait3A_1901, %dma_wait3A_1902] : memref<64x1000000xf32, #tpu.memory_space<hbm>> -> memref<64x128xf32, #tpu.memory_space<hbm>>
      %dma_wait3A_1904 = arith.constant 0 : i32
      %dma_wait3A_1905 = arith.constant 0 : i32
      %dma_wait3A_1906 = tpu.memref_slice %arg2[%dma_wait3A_1904, %dma_wait3A_1905] : memref<64x1000000xf32, #tpu.memory_space<hbm>> -> memref<64x128xf32, #tpu.memory_space<hbm>>
      tpu.wait_dma2 semaphore(%arg25 : memref<!tpu.dma_semaphore, #tpu.memory_space<semaphore_mem>>) src(%dma_wait3A_1906 : memref<64x128xf32, #tpu.memory_space<hbm>>) dst(%arg14 : memref<64x128xf32, #tpu.memory_space<vmem>>)
      %shift_right_arithmetic3A_1907 = arith.constant 4 : i32
      %shift_right_arithmetic3A_1908 = arith.shrsi %add3A_1900, %shift_right_arithmetic3A_1907 : i32
      %mul3A_1909 = arith.constant 16 : i32
      %mul3A_1910 = arith.muli %shift_right_arithmetic3A_1908, %mul3A_1909 : i32
      %multiple_of3A_1911 = tpu.assume_multiple %mul3A_1910, 16 : i32
      %get3A_1912 = arith.index_cast %multiple_of3A_1911 : i32 to index
      %get3A_1913 = tpu.vector_load %arg5[%get3A_1912] {strides = array<i32>} : memref<512xi32, #tpu.memory_space<vmem>>, vector<16xi32>,
      %and3A_1914 = arith.constant 15 : i32
      %and3A_1915 = arith.andi %add3A_1900, %and3A_1914 : i32
      %eq3A_1916 = vector.broadcast %and3A_1915 : i32 to vector<16xi32>
      %eq3A_1917 = arith.cmpi eq, %iota3A, %eq3A_1916 : vector<16xi32>
      %jit3A_1918 = arith.constant 0 : i32
      %broadcast_in_dim3A_1919 = vector.broadcast %jit3A_1918 : i32 to vector<16xi32>
      %select_n3A_1920 = arith.select %eq3A_1917, %get3A_1913, %broadcast_in_dim3A_1919 : vector<16xi1>, vector<16xi32>
      %reduce_max3A_1921 = arith.constant true
      %reduce_max3A_1922 = vector.broadcast %reduce_max3A_1921 : i1 to vector<16xi1>
      %reduce_max3A_1923 = arith.constant -2147483648 : i32
      %reduce_max3A_1924 = vector.broadcast %reduce_max3A_1923 : i32 to vector<16xi32>
      %reduce_max3A_1925 = arith.xori %select_n3A_1920, %reduce_max3A_1924 : vector<16xi32>
      %reduce_max3A_1926 = tpu.scan <max>, %reduce_max3A_1925 masked %reduce_max3A_1922 : vector<16xi32>, vector<16xi1> -> vector<16xi32>
      %reduce_max3A_1927 = arith.xori %reduce_max3A_1926, %reduce_max3A_1924 : vector<16xi32>
      %reduce_max3A_1928 = vector.extract %reduce_max3A_1927[15] : i32 from vector<16xi32>
      %and3A_1929 = arith.constant 127 : i32
      %and3A_1930 = arith.andi %reduce_max3A_1928, %and3A_1929 : i32
      %broadcast_in_dim3A_1931 = vector.broadcast %and3A_1930 : i32 to vector<16xi32>
      %broadcast_in_dim3A_1932 = vector.broadcast %add3A_1900 : i32 to vector<16xi32>
      %add3A_1933 = arith.constant 0 : i32
      %add3A_1934 = vector.broadcast %add3A_1933 : i32 to vector<16xi32>
      %add3A_1935 = arith.addi %iota3A, %add3A_1934 : vector<16xi32>
      %gather3A_1936 = tpu.vector_load_idx %arg14[%add3A_1935, %broadcast_in_dim3A_1931] : memref<64x128xf32, #tpu.memory_space<vmem>>[vector<16xi32>, vector<16xi32>], vector<16xf32>,
      tpu.vector_store_idx %arg6[%add3A_1935, %broadcast_in_dim3A_1932], %gather3A_1936 : memref<64x512xf32, #tpu.memory_space<vmem>>[vector<16xi32>, vector<16xi32>], vector<16xf32>,
      %add3A_1937 = arith.constant 16 : i32
      %add3A_1938 = vector.broadcast %add3A_1937 : i32 to vector<16xi32>
      %add3A_1939 = arith.addi %iota3A, %add3A_1938 : vector<16xi32>
      %gather3A_1940 = tpu.vector_load_idx %arg14[%add3A_1939, %broadcast_in_dim3A_1931] : memref<64x128xf32, #tpu.memory_space<vmem>>[vector<16xi32>, vector<16xi32>], vector<16xf32>,
      tpu.vector_store_idx %arg6[%add3A_1939, %broadcast_in_dim3A_1932], %gather3A_1940 : memref<64x512xf32, #tpu.memory_space<vmem>>[vector<16xi32>, vector<16xi32>], vector<16xf32>,
      %add3A_1941 = arith.constant 32 : i32
      %add3A_1942 = vector.broadcast %add3A_1941 : i32 to vector<16xi32>
      %add3A_1943 = arith.addi %iota3A, %add3A_1942 : vector<16xi32>
      %gather3A_1944 = tpu.vector_load_idx %arg14[%add3A_1943, %broadcast_in_dim3A_1931] : memref<64x128xf32, #tpu.memory_space<vmem>>[vector<16xi32>, vector<16xi32>], vector<16xf32>,
      tpu.vector_store_idx %arg6[%add3A_1943, %broadcast_in_dim3A_1932], %gather3A_1944 : memref<64x512xf32, #tpu.memory_space<vmem>>[vector<16xi32>, vector<16xi32>], vector<16xf32>,
      %add3A_1945 = arith.constant 48 : i32
      %add3A_1946 = vector.broadcast %add3A_1945 : i32 to vector<16xi32>
      %add3A_1947 = arith.addi %iota3A, %add3A_1946 : vector<16xi32>
      %gather3A_1948 = tpu.vector_load_idx %arg14[%add3A_1947, %broadcast_in_dim3A_1931] : memref<64x128xf32, #tpu.memory_space<vmem>>[vector<16xi32>, vector<16xi32>], vector<16xf32>,
      tpu.vector_store_idx %arg6[%add3A_1947, %broadcast_in_dim3A_1932], %gather3A_1948 : memref<64x512xf32, #tpu.memory_space<vmem>>[vector<16xi32>, vector<16xi32>], vector<16xf32>,
      %mul3A_1949 = arith.constant 11 : i32
      %mul3A_1950 = arith.muli %scan3A_1221, %mul3A_1949 : i32
      %add3A_1951 = arith.constant 8 : i32
      %add3A_1952 = arith.addi %mul3A_1950, %add3A_1951 : i32
      %sub3A_1953 = arith.constant 1 : i32
      %sub3A_1954 = arith.subi %add3A_1952, %sub3A_1953 : i32
      %shift_right_arithmetic3A_1955 = arith.constant 4 : i32
      %shift_right_arithmetic3A_1956 = arith.shrsi %sub3A_1954, %shift_right_arithmetic3A_1955 : i32
      %mul3A_1957 = arith.constant 16 : i32
      %mul3A_1958 = arith.muli %shift_right_arithmetic3A_1956, %mul3A_1957 : i32
      %multiple_of3A_1959 = tpu.assume_multiple %mul3A_1958, 16 : i32
      %get3A_1960 = arith.index_cast %multiple_of3A_1959 : i32 to index
      %get3A_1961 = tpu.vector_load %arg5[%get3A_1960] {strides = array<i32>} : memref<512xi32, #tpu.memory_space<vmem>>, vector<16xi32>,
      %and3A_1962 = arith.constant 15 : i32
      %and3A_1963 = arith.andi %sub3A_1954, %and3A_1962 : i32
      %eq3A_1964 = vector.broadcast %and3A_1963 : i32 to vector<16xi32>
      %eq3A_1965 = arith.cmpi eq, %iota3A, %eq3A_1964 : vector<16xi32>
      %jit3A_1966 = arith.constant 0 : i32
      %broadcast_in_dim3A_1967 = vector.broadcast %jit3A_1966 : i32 to vector<16xi32>
      %select_n3A_1968 = arith.select %eq3A_1965, %get3A_1961, %broadcast_in_dim3A_1967 : vector<16xi1>, vector<16xi32>
      %reduce_max3A_1969 = arith.constant true
      %reduce_max3A_1970 = vector.broadcast %reduce_max3A_1969 : i1 to vector<16xi1>
      %reduce_max3A_1971 = arith.constant -2147483648 : i32
      %reduce_max3A_1972 = vector.broadcast %reduce_max3A_1971 : i32 to vector<16xi32>
      %reduce_max3A_1973 = arith.xori %select_n3A_1968, %reduce_max3A_1972 : vector<16xi32>
      %reduce_max3A_1974 = tpu.scan <max>, %reduce_max3A_1973 masked %reduce_max3A_1970 : vector<16xi32>, vector<16xi1> -> vector<16xi32>
      %reduce_max3A_1975 = arith.xori %reduce_max3A_1974, %reduce_max3A_1972 : vector<16xi32>
      %reduce_max3A_1976 = vector.extract %reduce_max3A_1975[15] : i32 from vector<16xi32>
      %shift_right_arithmetic3A_1977 = arith.constant 7 : i32
      %shift_right_arithmetic3A_1978 = arith.shrsi %reduce_max3A_1976, %shift_right_arithmetic3A_1977 : i32
      %mul3A_1979 = arith.constant 128 : i32
      %mul3A_1980 = arith.muli %shift_right_arithmetic3A_1978, %mul3A_1979 : i32
      %multiple_of3A_1981 = tpu.assume_multiple %mul3A_1980, 128 : i32
      %dma_start3A_1982 = arith.constant 0 : i32
      %dma_start3A_1983 = tpu.memref_slice %arg2[%dma_start3A_1982, %multiple_of3A_1981] : memref<64x1000000xf32, #tpu.memory_space<hbm>> -> memref<64x128xf32, #tpu.memory_space<hbm>>
      %dma_start3A_1984 = arith.constant 0 : i32
      %dma_start3A_1985 = tpu.memref_slice %arg2[%dma_start3A_1984, %multiple_of3A_1981] : memref<64x1000000xf32, #tpu.memory_space<hbm>> -> memref<64x128xf32, #tpu.memory_space<hbm>>
      tpu.enqueue_dma source(%dma_start3A_1985 : memref<64x128xf32, #tpu.memory_space<hbm>>) target(%arg14 : memref<64x128xf32, #tpu.memory_space<vmem>>) target_semaphore(%arg25 : memref<!tpu.dma_semaphore, #tpu.memory_space<semaphore_mem>>)
      %sub3A_1986 = arith.constant 1 : i32
      %sub3A_1987 = arith.subi %scan3A_1221, %sub3A_1986 : i32
      %mul3A_1988 = arith.constant 11 : i32
      %mul3A_1989 = arith.muli %sub3A_1987, %mul3A_1988 : i32
      %add3A_1990 = arith.constant 8 : i32
      %add3A_1991 = arith.addi %mul3A_1989, %add3A_1990 : i32
      %dma_wait3A_1992 = arith.constant 0 : i32
      %dma_wait3A_1993 = arith.constant 0 : i32
      %dma_wait3A_1994 = tpu.memref_slice %arg2[%dma_wait3A_1992, %dma_wait3A_1993] : memref<64x1000000xf32, #tpu.memory_space<hbm>> -> memref<64x128xf32, #tpu.memory_space<hbm>>
      %dma_wait3A_1995 = arith.constant 0 : i32
      %dma_wait3A_1996 = arith.constant 0 : i32
      %dma_wait3A_1997 = tpu.memref_slice %arg2[%dma_wait3A_1995, %dma_wait3A_1996] : memref<64x1000000xf32, #tpu.memory_space<hbm>> -> memref<64x128xf32, #tpu.memory_space<hbm>>
      tpu.wait_dma2 semaphore(%arg26 : memref<!tpu.dma_semaphore, #tpu.memory_space<semaphore_mem>>) src(%dma_wait3A_1997 : memref<64x128xf32, #tpu.memory_space<hbm>>) dst(%arg15 : memref<64x128xf32, #tpu.memory_space<vmem>>)
      %shift_right_arithmetic3A_1998 = arith.constant 4 : i32
      %shift_right_arithmetic3A_1999 = arith.shrsi %add3A_1991, %shift_right_arithmetic3A_1998 : i32
      %mul3A_2000 = arith.constant 16 : i32
      %mul3A_2001 = arith.muli %shift_right_arithmetic3A_1999, %mul3A_2000 : i32
      %multiple_of3A_2002 = tpu.assume_multiple %mul3A_2001, 16 : i32
      %get3A_2003 = arith.index_cast %multiple_of3A_2002 : i32 to index
      %get3A_2004 = tpu.vector_load %arg5[%get3A_2003] {strides = array<i32>} : memref<512xi32, #tpu.memory_space<vmem>>, vector<16xi32>,
      %and3A_2005 = arith.constant 15 : i32
      %and3A_2006 = arith.andi %add3A_1991, %and3A_2005 : i32
      %eq3A_2007 = vector.broadcast %and3A_2006 : i32 to vector<16xi32>
      %eq3A_2008 = arith.cmpi eq, %iota3A, %eq3A_2007 : vector<16xi32>
      %jit3A_2009 = arith.constant 0 : i32
      %broadcast_in_dim3A_2010 = vector.broadcast %jit3A_2009 : i32 to vector<16xi32>
      %select_n3A_2011 = arith.select %eq3A_2008, %get3A_2004, %broadcast_in_dim3A_2010 : vector<16xi1>, vector<16xi32>
      %reduce_max3A_2012 = arith.constant true
      %reduce_max3A_2013 = vector.broadcast %reduce_max3A_2012 : i1 to vector<16xi1>
      %reduce_max3A_2014 = arith.constant -2147483648 : i32
      %reduce_max3A_2015 = vector.broadcast %reduce_max3A_2014 : i32 to vector<16xi32>
      %reduce_max3A_2016 = arith.xori %select_n3A_2011, %reduce_max3A_2015 : vector<16xi32>
      %reduce_max3A_2017 = tpu.scan <max>, %reduce_max3A_2016 masked %reduce_max3A_2013 : vector<16xi32>, vector<16xi1> -> vector<16xi32>
      %reduce_max3A_2018 = arith.xori %reduce_max3A_2017, %reduce_max3A_2015 : vector<16xi32>
      %reduce_max3A_2019 = vector.extract %reduce_max3A_2018[15] : i32 from vector<16xi32>
      %and3A_2020 = arith.constant 127 : i32
      %and3A_2021 = arith.andi %reduce_max3A_2019, %and3A_2020 : i32
      %broadcast_in_dim3A_2022 = vector.broadcast %and3A_2021 : i32 to vector<16xi32>
      %broadcast_in_dim3A_2023 = vector.broadcast %add3A_1991 : i32 to vector<16xi32>
      %add3A_2024 = arith.constant 0 : i32
      %add3A_2025 = vector.broadcast %add3A_2024 : i32 to vector<16xi32>
      %add3A_2026 = arith.addi %iota3A, %add3A_2025 : vector<16xi32>
      %gather3A_2027 = tpu.vector_load_idx %arg15[%add3A_2026, %broadcast_in_dim3A_2022] : memref<64x128xf32, #tpu.memory_space<vmem>>[vector<16xi32>, vector<16xi32>], vector<16xf32>,
      tpu.vector_store_idx %arg6[%add3A_2026, %broadcast_in_dim3A_2023], %gather3A_2027 : memref<64x512xf32, #tpu.memory_space<vmem>>[vector<16xi32>, vector<16xi32>], vector<16xf32>,
      %add3A_2028 = arith.constant 16 : i32
      %add3A_2029 = vector.broadcast %add3A_2028 : i32 to vector<16xi32>
      %add3A_2030 = arith.addi %iota3A, %add3A_2029 : vector<16xi32>
      %gather3A_2031 = tpu.vector_load_idx %arg15[%add3A_2030, %broadcast_in_dim3A_2022] : memref<64x128xf32, #tpu.memory_space<vmem>>[vector<16xi32>, vector<16xi32>], vector<16xf32>,
      tpu.vector_store_idx %arg6[%add3A_2030, %broadcast_in_dim3A_2023], %gather3A_2031 : memref<64x512xf32, #tpu.memory_space<vmem>>[vector<16xi32>, vector<16xi32>], vector<16xf32>,
      %add3A_2032 = arith.constant 32 : i32
      %add3A_2033 = vector.broadcast %add3A_2032 : i32 to vector<16xi32>
      %add3A_2034 = arith.addi %iota3A, %add3A_2033 : vector<16xi32>
      %gather3A_2035 = tpu.vector_load_idx %arg15[%add3A_2034, %broadcast_in_dim3A_2022] : memref<64x128xf32, #tpu.memory_space<vmem>>[vector<16xi32>, vector<16xi32>], vector<16xf32>,
      tpu.vector_store_idx %arg6[%add3A_2034, %broadcast_in_dim3A_2023], %gather3A_2035 : memref<64x512xf32, #tpu.memory_space<vmem>>[vector<16xi32>, vector<16xi32>], vector<16xf32>,
      %add3A_2036 = arith.constant 48 : i32
      %add3A_2037 = vector.broadcast %add3A_2036 : i32 to vector<16xi32>
      %add3A_2038 = arith.addi %iota3A, %add3A_2037 : vector<16xi32>
      %gather3A_2039 = tpu.vector_load_idx %arg15[%add3A_2038, %broadcast_in_dim3A_2022] : memref<64x128xf32, #tpu.memory_space<vmem>>[vector<16xi32>, vector<16xi32>], vector<16xf32>,
      tpu.vector_store_idx %arg6[%add3A_2038, %broadcast_in_dim3A_2023], %gather3A_2039 : memref<64x512xf32, #tpu.memory_space<vmem>>[vector<16xi32>, vector<16xi32>], vector<16xf32>,
      %mul3A_2040 = arith.constant 11 : i32
      %mul3A_2041 = arith.muli %scan3A_1221, %mul3A_2040 : i32
      %add3A_2042 = arith.constant 9 : i32
      %add3A_2043 = arith.addi %mul3A_2041, %add3A_2042 : i32
      %sub3A_2044 = arith.constant 1 : i32
      %sub3A_2045 = arith.subi %add3A_2043, %sub3A_2044 : i32
      %shift_right_arithmetic3A_2046 = arith.constant 4 : i32
      %shift_right_arithmetic3A_2047 = arith.shrsi %sub3A_2045, %shift_right_arithmetic3A_2046 : i32
      %mul3A_2048 = arith.constant 16 : i32
      %mul3A_2049 = arith.muli %shift_right_arithmetic3A_2047, %mul3A_2048 : i32
      %multiple_of3A_2050 = tpu.assume_multiple %mul3A_2049, 16 : i32
      %get3A_2051 = arith.index_cast %multiple_of3A_2050 : i32 to index
      %get3A_2052 = tpu.vector_load %arg5[%get3A_2051] {strides = array<i32>} : memref<512xi32, #tpu.memory_space<vmem>>, vector<16xi32>,
      %and3A_2053 = arith.constant 15 : i32
      %and3A_2054 = arith.andi %sub3A_2045, %and3A_2053 : i32
      %eq3A_2055 = vector.broadcast %and3A_2054 : i32 to vector<16xi32>
      %eq3A_2056 = arith.cmpi eq, %iota3A, %eq3A_2055 : vector<16xi32>
      %jit3A_2057 = arith.constant 0 : i32
      %broadcast_in_dim3A_2058 = vector.broadcast %jit3A_2057 : i32 to vector<16xi32>
      %select_n3A_2059 = arith.select %eq3A_2056, %get3A_2052, %broadcast_in_dim3A_2058 : vector<16xi1>, vector<16xi32>
      %reduce_max3A_2060 = arith.constant true
      %reduce_max3A_2061 = vector.broadcast %reduce_max3A_2060 : i1 to vector<16xi1>
      %reduce_max3A_2062 = arith.constant -2147483648 : i32
      %reduce_max3A_2063 = vector.broadcast %reduce_max3A_2062 : i32 to vector<16xi32>
      %reduce_max3A_2064 = arith.xori %select_n3A_2059, %reduce_max3A_2063 : vector<16xi32>
      %reduce_max3A_2065 = tpu.scan <max>, %reduce_max3A_2064 masked %reduce_max3A_2061 : vector<16xi32>, vector<16xi1> -> vector<16xi32>
      %reduce_max3A_2066 = arith.xori %reduce_max3A_2065, %reduce_max3A_2063 : vector<16xi32>
      %reduce_max3A_2067 = vector.extract %reduce_max3A_2066[15] : i32 from vector<16xi32>
      %shift_right_arithmetic3A_2068 = arith.constant 7 : i32
      %shift_right_arithmetic3A_2069 = arith.shrsi %reduce_max3A_2067, %shift_right_arithmetic3A_2068 : i32
      %mul3A_2070 = arith.constant 128 : i32
      %mul3A_2071 = arith.muli %shift_right_arithmetic3A_2069, %mul3A_2070 : i32
      %multiple_of3A_2072 = tpu.assume_multiple %mul3A_2071, 128 : i32
      %dma_start3A_2073 = arith.constant 0 : i32
      %dma_start3A_2074 = tpu.memref_slice %arg2[%dma_start3A_2073, %multiple_of3A_2072] : memref<64x1000000xf32, #tpu.memory_space<hbm>> -> memref<64x128xf32, #tpu.memory_space<hbm>>
      %dma_start3A_2075 = arith.constant 0 : i32
      %dma_start3A_2076 = tpu.memref_slice %arg2[%dma_start3A_2075, %multiple_of3A_2072] : memref<64x1000000xf32, #tpu.memory_space<hbm>> -> memref<64x128xf32, #tpu.memory_space<hbm>>
      tpu.enqueue_dma source(%dma_start3A_2076 : memref<64x128xf32, #tpu.memory_space<hbm>>) target(%arg15 : memref<64x128xf32, #tpu.memory_space<vmem>>) target_semaphore(%arg26 : memref<!tpu.dma_semaphore, #tpu.memory_space<semaphore_mem>>)
      %sub3A_2077 = arith.constant 1 : i32
      %sub3A_2078 = arith.subi %scan3A_1221, %sub3A_2077 : i32
      %mul3A_2079 = arith.constant 11 : i32
      %mul3A_2080 = arith.muli %sub3A_2078, %mul3A_2079 : i32
      %add3A_2081 = arith.constant 9 : i32
      %add3A_2082 = arith.addi %mul3A_2080, %add3A_2081 : i32
      %dma_wait3A_2083 = arith.constant 0 : i32
      %dma_wait3A_2084 = arith.constant 0 : i32
      %dma_wait3A_2085 = tpu.memref_slice %arg2[%dma_wait3A_2083, %dma_wait3A_2084] : memref<64x1000000xf32, #tpu.memory_space<hbm>> -> memref<64x128xf32, #tpu.memory_space<hbm>>
      %dma_wait3A_2086 = arith.constant 0 : i32
      %dma_wait3A_2087 = arith.constant 0 : i32
      %dma_wait3A_2088 = tpu.memref_slice %arg2[%dma_wait3A_2086, %dma_wait3A_2087] : memref<64x1000000xf32, #tpu.memory_space<hbm>> -> memref<64x128xf32, #tpu.memory_space<hbm>>
      tpu.wait_dma2 semaphore(%arg27 : memref<!tpu.dma_semaphore, #tpu.memory_space<semaphore_mem>>) src(%dma_wait3A_2088 : memref<64x128xf32, #tpu.memory_space<hbm>>) dst(%arg16 : memref<64x128xf32, #tpu.memory_space<vmem>>)
      %shift_right_arithmetic3A_2089 = arith.constant 4 : i32
      %shift_right_arithmetic3A_2090 = arith.shrsi %add3A_2082, %shift_right_arithmetic3A_2089 : i32
      %mul3A_2091 = arith.constant 16 : i32
      %mul3A_2092 = arith.muli %shift_right_arithmetic3A_2090, %mul3A_2091 : i32
      %multiple_of3A_2093 = tpu.assume_multiple %mul3A_2092, 16 : i32
      %get3A_2094 = arith.index_cast %multiple_of3A_2093 : i32 to index
      %get3A_2095 = tpu.vector_load %arg5[%get3A_2094] {strides = array<i32>} : memref<512xi32, #tpu.memory_space<vmem>>, vector<16xi32>,
      %and3A_2096 = arith.constant 15 : i32
      %and3A_2097 = arith.andi %add3A_2082, %and3A_2096 : i32
      %eq3A_2098 = vector.broadcast %and3A_2097 : i32 to vector<16xi32>
      %eq3A_2099 = arith.cmpi eq, %iota3A, %eq3A_2098 : vector<16xi32>
      %jit3A_2100 = arith.constant 0 : i32
      %broadcast_in_dim3A_2101 = vector.broadcast %jit3A_2100 : i32 to vector<16xi32>
      %select_n3A_2102 = arith.select %eq3A_2099, %get3A_2095, %broadcast_in_dim3A_2101 : vector<16xi1>, vector<16xi32>
      %reduce_max3A_2103 = arith.constant true
      %reduce_max3A_2104 = vector.broadcast %reduce_max3A_2103 : i1 to vector<16xi1>
      %reduce_max3A_2105 = arith.constant -2147483648 : i32
      %reduce_max3A_2106 = vector.broadcast %reduce_max3A_2105 : i32 to vector<16xi32>
      %reduce_max3A_2107 = arith.xori %select_n3A_2102, %reduce_max3A_2106 : vector<16xi32>
      %reduce_max3A_2108 = tpu.scan <max>, %reduce_max3A_2107 masked %reduce_max3A_2104 : vector<16xi32>, vector<16xi1> -> vector<16xi32>
      %reduce_max3A_2109 = arith.xori %reduce_max3A_2108, %reduce_max3A_2106 : vector<16xi32>
      %reduce_max3A_2110 = vector.extract %reduce_max3A_2109[15] : i32 from vector<16xi32>
      %and3A_2111 = arith.constant 127 : i32
      %and3A_2112 = arith.andi %reduce_max3A_2110, %and3A_2111 : i32
      %broadcast_in_dim3A_2113 = vector.broadcast %and3A_2112 : i32 to vector<16xi32>
      %broadcast_in_dim3A_2114 = vector.broadcast %add3A_2082 : i32 to vector<16xi32>
      %add3A_2115 = arith.constant 0 : i32
      %add3A_2116 = vector.broadcast %add3A_2115 : i32 to vector<16xi32>
      %add3A_2117 = arith.addi %iota3A, %add3A_2116 : vector<16xi32>
      %gather3A_2118 = tpu.vector_load_idx %arg16[%add3A_2117, %broadcast_in_dim3A_2113] : memref<64x128xf32, #tpu.memory_space<vmem>>[vector<16xi32>, vector<16xi32>], vector<16xf32>,
      tpu.vector_store_idx %arg6[%add3A_2117, %broadcast_in_dim3A_2114], %gather3A_2118 : memref<64x512xf32, #tpu.memory_space<vmem>>[vector<16xi32>, vector<16xi32>], vector<16xf32>,
      %add3A_2119 = arith.constant 16 : i32
      %add3A_2120 = vector.broadcast %add3A_2119 : i32 to vector<16xi32>
      %add3A_2121 = arith.addi %iota3A, %add3A_2120 : vector<16xi32>
      %gather3A_2122 = tpu.vector_load_idx %arg16[%add3A_2121, %broadcast_in_dim3A_2113] : memref<64x128xf32, #tpu.memory_space<vmem>>[vector<16xi32>, vector<16xi32>], vector<16xf32>,
      tpu.vector_store_idx %arg6[%add3A_2121, %broadcast_in_dim3A_2114], %gather3A_2122 : memref<64x512xf32, #tpu.memory_space<vmem>>[vector<16xi32>, vector<16xi32>], vector<16xf32>,
      %add3A_2123 = arith.constant 32 : i32
      %add3A_2124 = vector.broadcast %add3A_2123 : i32 to vector<16xi32>
      %add3A_2125 = arith.addi %iota3A, %add3A_2124 : vector<16xi32>
      %gather3A_2126 = tpu.vector_load_idx %arg16[%add3A_2125, %broadcast_in_dim3A_2113] : memref<64x128xf32, #tpu.memory_space<vmem>>[vector<16xi32>, vector<16xi32>], vector<16xf32>,
      tpu.vector_store_idx %arg6[%add3A_2125, %broadcast_in_dim3A_2114], %gather3A_2126 : memref<64x512xf32, #tpu.memory_space<vmem>>[vector<16xi32>, vector<16xi32>], vector<16xf32>,
      %add3A_2127 = arith.constant 48 : i32
      %add3A_2128 = vector.broadcast %add3A_2127 : i32 to vector<16xi32>
      %add3A_2129 = arith.addi %iota3A, %add3A_2128 : vector<16xi32>
      %gather3A_2130 = tpu.vector_load_idx %arg16[%add3A_2129, %broadcast_in_dim3A_2113] : memref<64x128xf32, #tpu.memory_space<vmem>>[vector<16xi32>, vector<16xi32>], vector<16xf32>,
      tpu.vector_store_idx %arg6[%add3A_2129, %broadcast_in_dim3A_2114], %gather3A_2130 : memref<64x512xf32, #tpu.memory_space<vmem>>[vector<16xi32>, vector<16xi32>], vector<16xf32>,
      %mul3A_2131 = arith.constant 11 : i32
      %mul3A_2132 = arith.muli %scan3A_1221, %mul3A_2131 : i32
      %add3A_2133 = arith.constant 10 : i32
      %add3A_2134 = arith.addi %mul3A_2132, %add3A_2133 : i32
      %sub3A_2135 = arith.constant 1 : i32
      %sub3A_2136 = arith.subi %add3A_2134, %sub3A_2135 : i32
      %shift_right_arithmetic3A_2137 = arith.constant 4 : i32
      %shift_right_arithmetic3A_2138 = arith.shrsi %sub3A_2136, %shift_right_arithmetic3A_2137 : i32
      %mul3A_2139 = arith.constant 16 : i32
      %mul3A_2140 = arith.muli %shift_right_arithmetic3A_2138, %mul3A_2139 : i32
      %multiple_of3A_2141 = tpu.assume_multiple %mul3A_2140, 16 : i32
      %get3A_2142 = arith.index_cast %multiple_of3A_2141 : i32 to index
      %get3A_2143 = tpu.vector_load %arg5[%get3A_2142] {strides = array<i32>} : memref<512xi32, #tpu.memory_space<vmem>>, vector<16xi32>,
      %and3A_2144 = arith.constant 15 : i32
      %and3A_2145 = arith.andi %sub3A_2136, %and3A_2144 : i32
      %eq3A_2146 = vector.broadcast %and3A_2145 : i32 to vector<16xi32>
      %eq3A_2147 = arith.cmpi eq, %iota3A, %eq3A_2146 : vector<16xi32>
      %jit3A_2148 = arith.constant 0 : i32
      %broadcast_in_dim3A_2149 = vector.broadcast %jit3A_2148 : i32 to vector<16xi32>
      %select_n3A_2150 = arith.select %eq3A_2147, %get3A_2143, %broadcast_in_dim3A_2149 : vector<16xi1>, vector<16xi32>
      %reduce_max3A_2151 = arith.constant true
      %reduce_max3A_2152 = vector.broadcast %reduce_max3A_2151 : i1 to vector<16xi1>
      %reduce_max3A_2153 = arith.constant -2147483648 : i32
      %reduce_max3A_2154 = vector.broadcast %reduce_max3A_2153 : i32 to vector<16xi32>
      %reduce_max3A_2155 = arith.xori %select_n3A_2150, %reduce_max3A_2154 : vector<16xi32>
      %reduce_max3A_2156 = tpu.scan <max>, %reduce_max3A_2155 masked %reduce_max3A_2152 : vector<16xi32>, vector<16xi1> -> vector<16xi32>
      %reduce_max3A_2157 = arith.xori %reduce_max3A_2156, %reduce_max3A_2154 : vector<16xi32>
      %reduce_max3A_2158 = vector.extract %reduce_max3A_2157[15] : i32 from vector<16xi32>
      %shift_right_arithmetic3A_2159 = arith.constant 7 : i32
      %shift_right_arithmetic3A_2160 = arith.shrsi %reduce_max3A_2158, %shift_right_arithmetic3A_2159 : i32
      %mul3A_2161 = arith.constant 128 : i32
      %mul3A_2162 = arith.muli %shift_right_arithmetic3A_2160, %mul3A_2161 : i32
      %multiple_of3A_2163 = tpu.assume_multiple %mul3A_2162, 128 : i32
      %dma_start3A_2164 = arith.constant 0 : i32
      %dma_start3A_2165 = tpu.memref_slice %arg2[%dma_start3A_2164, %multiple_of3A_2163] : memref<64x1000000xf32, #tpu.memory_space<hbm>> -> memref<64x128xf32, #tpu.memory_space<hbm>>
      %dma_start3A_2166 = arith.constant 0 : i32
      %dma_start3A_2167 = tpu.memref_slice %arg2[%dma_start3A_2166, %multiple_of3A_2163] : memref<64x1000000xf32, #tpu.memory_space<hbm>> -> memref<64x128xf32, #tpu.memory_space<hbm>>
      tpu.enqueue_dma source(%dma_start3A_2167 : memref<64x128xf32, #tpu.memory_space<hbm>>) target(%arg16 : memref<64x128xf32, #tpu.memory_space<vmem>>) target_semaphore(%arg27 : memref<!tpu.dma_semaphore, #tpu.memory_space<semaphore_mem>>)
      %sub3A_2168 = arith.constant 1 : i32
      %sub3A_2169 = arith.subi %scan3A_1221, %sub3A_2168 : i32
      %mul3A_2170 = arith.constant 11 : i32
      %mul3A_2171 = arith.muli %sub3A_2169, %mul3A_2170 : i32
      %add3A_2172 = arith.constant 10 : i32
      %add3A_2173 = arith.addi %mul3A_2171, %add3A_2172 : i32
      %dma_wait3A_2174 = arith.constant 0 : i32
      %dma_wait3A_2175 = arith.constant 0 : i32
      %dma_wait3A_2176 = tpu.memref_slice %arg2[%dma_wait3A_2174, %dma_wait3A_2175] : memref<64x1000000xf32, #tpu.memory_space<hbm>> -> memref<64x128xf32, #tpu.memory_space<hbm>>
      %dma_wait3A_2177 = arith.constant 0 : i32
      %dma_wait3A_2178 = arith.constant 0 : i32
      %dma_wait3A_2179 = tpu.memref_slice %arg2[%dma_wait3A_2177, %dma_wait3A_2178] : memref<64x1000000xf32, #tpu.memory_space<hbm>> -> memref<64x128xf32, #tpu.memory_space<hbm>>
      tpu.wait_dma2 semaphore(%arg28 : memref<!tpu.dma_semaphore, #tpu.memory_space<semaphore_mem>>) src(%dma_wait3A_2179 : memref<64x128xf32, #tpu.memory_space<hbm>>) dst(%arg17 : memref<64x128xf32, #tpu.memory_space<vmem>>)
      %shift_right_arithmetic3A_2180 = arith.constant 4 : i32
      %shift_right_arithmetic3A_2181 = arith.shrsi %add3A_2173, %shift_right_arithmetic3A_2180 : i32
      %mul3A_2182 = arith.constant 16 : i32
      %mul3A_2183 = arith.muli %shift_right_arithmetic3A_2181, %mul3A_2182 : i32
      %multiple_of3A_2184 = tpu.assume_multiple %mul3A_2183, 16 : i32
      %get3A_2185 = arith.index_cast %multiple_of3A_2184 : i32 to index
      %get3A_2186 = tpu.vector_load %arg5[%get3A_2185] {strides = array<i32>} : memref<512xi32, #tpu.memory_space<vmem>>, vector<16xi32>,
      %and3A_2187 = arith.constant 15 : i32
      %and3A_2188 = arith.andi %add3A_2173, %and3A_2187 : i32
      %eq3A_2189 = vector.broadcast %and3A_2188 : i32 to vector<16xi32>
      %eq3A_2190 = arith.cmpi eq, %iota3A, %eq3A_2189 : vector<16xi32>
      %jit3A_2191 = arith.constant 0 : i32
      %broadcast_in_dim3A_2192 = vector.broadcast %jit3A_2191 : i32 to vector<16xi32>
      %select_n3A_2193 = arith.select %eq3A_2190, %get3A_2186, %broadcast_in_dim3A_2192 : vector<16xi1>, vector<16xi32>
      %reduce_max3A_2194 = arith.constant true
      %reduce_max3A_2195 = vector.broadcast %reduce_max3A_2194 : i1 to vector<16xi1>
      %reduce_max3A_2196 = arith.constant -2147483648 : i32
      %reduce_max3A_2197 = vector.broadcast %reduce_max3A_2196 : i32 to vector<16xi32>
      %reduce_max3A_2198 = arith.xori %select_n3A_2193, %reduce_max3A_2197 : vector<16xi32>
      %reduce_max3A_2199 = tpu.scan <max>, %reduce_max3A_2198 masked %reduce_max3A_2195 : vector<16xi32>, vector<16xi1> -> vector<16xi32>
      %reduce_max3A_2200 = arith.xori %reduce_max3A_2199, %reduce_max3A_2197 : vector<16xi32>
      %reduce_max3A_2201 = vector.extract %reduce_max3A_2200[15] : i32 from vector<16xi32>
      %and3A_2202 = arith.constant 127 : i32
      %and3A_2203 = arith.andi %reduce_max3A_2201, %and3A_2202 : i32
      %broadcast_in_dim3A_2204 = vector.broadcast %and3A_2203 : i32 to vector<16xi32>
      %broadcast_in_dim3A_2205 = vector.broadcast %add3A_2173 : i32 to vector<16xi32>
      %add3A_2206 = arith.constant 0 : i32
      %add3A_2207 = vector.broadcast %add3A_2206 : i32 to vector<16xi32>
      %add3A_2208 = arith.addi %iota3A, %add3A_2207 : vector<16xi32>
      %gather3A_2209 = tpu.vector_load_idx %arg17[%add3A_2208, %broadcast_in_dim3A_2204] : memref<64x128xf32, #tpu.memory_space<vmem>>[vector<16xi32>, vector<16xi32>], vector<16xf32>,
      tpu.vector_store_idx %arg6[%add3A_2208, %broadcast_in_dim3A_2205], %gather3A_2209 : memref<64x512xf32, #tpu.memory_space<vmem>>[vector<16xi32>, vector<16xi32>], vector<16xf32>,
      %add3A_2210 = arith.constant 16 : i32
      %add3A_2211 = vector.broadcast %add3A_2210 : i32 to vector<16xi32>
      %add3A_2212 = arith.addi %iota3A, %add3A_2211 : vector<16xi32>
      %gather3A_2213 = tpu.vector_load_idx %arg17[%add3A_2212, %broadcast_in_dim3A_2204] : memref<64x128xf32, #tpu.memory_space<vmem>>[vector<16xi32>, vector<16xi32>], vector<16xf32>,
      tpu.vector_store_idx %arg6[%add3A_2212, %broadcast_in_dim3A_2205], %gather3A_2213 : memref<64x512xf32, #tpu.memory_space<vmem>>[vector<16xi32>, vector<16xi32>], vector<16xf32>,
      %add3A_2214 = arith.constant 32 : i32
      %add3A_2215 = vector.broadcast %add3A_2214 : i32 to vector<16xi32>
      %add3A_2216 = arith.addi %iota3A, %add3A_2215 : vector<16xi32>
      %gather3A_2217 = tpu.vector_load_idx %arg17[%add3A_2216, %broadcast_in_dim3A_2204] : memref<64x128xf32, #tpu.memory_space<vmem>>[vector<16xi32>, vector<16xi32>], vector<16xf32>,
      tpu.vector_store_idx %arg6[%add3A_2216, %broadcast_in_dim3A_2205], %gather3A_2217 : memref<64x512xf32, #tpu.memory_space<vmem>>[vector<16xi32>, vector<16xi32>], vector<16xf32>,
      %add3A_2218 = arith.constant 48 : i32
      %add3A_2219 = vector.broadcast %add3A_2218 : i32 to vector<16xi32>
      %add3A_2220 = arith.addi %iota3A, %add3A_2219 : vector<16xi32>
      %gather3A_2221 = tpu.vector_load_idx %arg17[%add3A_2220, %broadcast_in_dim3A_2204] : memref<64x128xf32, #tpu.memory_space<vmem>>[vector<16xi32>, vector<16xi32>], vector<16xf32>,
      tpu.vector_store_idx %arg6[%add3A_2220, %broadcast_in_dim3A_2205], %gather3A_2221 : memref<64x512xf32, #tpu.memory_space<vmem>>[vector<16xi32>, vector<16xi32>], vector<16xf32>,
    }
    %scan3A_269 = arith.constant 45 : i32
    %multiple_of3A_270 = arith.constant 496 : i32
    %multiple_of3A_271 = tpu.assume_multiple %multiple_of3A_270, 16 : i32
    %get3A_272 = arith.index_cast %multiple_of3A_271 : i32 to index
    %get3A_273 = tpu.vector_load %arg5[%get3A_272] {strides = array<i32>} : memref<512xi32, #tpu.memory_space<vmem>>, vector<16xi32>,
    %eq3A_274 = arith.constant 9 : i32
    %eq3A_275 = vector.broadcast %eq3A_274 : i32 to vector<16xi32>
    %eq3A_276 = arith.cmpi eq, %iota3A, %eq3A_275 : vector<16xi32>
    %jit3A_277 = arith.constant 0 : i32
    %broadcast_in_dim3A_278 = vector.broadcast %jit3A_277 : i32 to vector<16xi32>
    %select_n3A_279 = arith.select %eq3A_276, %get3A_273, %broadcast_in_dim3A_278 : vector<16xi1>, vector<16xi32>
    %reduce_max3A_280 = arith.constant true
    %reduce_max3A_281 = vector.broadcast %reduce_max3A_280 : i1 to vector<16xi1>
    %reduce_max3A_282 = arith.constant -2147483648 : i32
    %reduce_max3A_283 = vector.broadcast %reduce_max3A_282 : i32 to vector<16xi32>
    %reduce_max3A_284 = arith.xori %select_n3A_279, %reduce_max3A_283 : vector<16xi32>
    %reduce_max3A_285 = tpu.scan <max>, %reduce_max3A_284 masked %reduce_max3A_281 : vector<16xi32>, vector<16xi1> -> vector<16xi32>
    %reduce_max3A_286 = arith.xori %reduce_max3A_285, %reduce_max3A_283 : vector<16xi32>
    %reduce_max3A_287 = vector.extract %reduce_max3A_286[15] : i32 from vector<16xi32>
    %shift_right_arithmetic3A_288 = arith.constant 7 : i32
    %shift_right_arithmetic3A_289 = arith.shrsi %reduce_max3A_287, %shift_right_arithmetic3A_288 : i32
    %mul3A_290 = arith.constant 128 : i32
    %mul3A_291 = arith.muli %shift_right_arithmetic3A_289, %mul3A_290 : i32
    %multiple_of3A_292 = tpu.assume_multiple %mul3A_291, 128 : i32
    %dma_start3A_293 = arith.constant 0 : i32
    %dma_start3A_294 = tpu.memref_slice %arg2[%dma_start3A_293, %multiple_of3A_292] : memref<64x1000000xf32, #tpu.memory_space<hbm>> -> memref<64x128xf32, #tpu.memory_space<hbm>>
    %dma_start3A_295 = arith.constant 0 : i32
    %dma_start3A_296 = tpu.memref_slice %arg2[%dma_start3A_295, %multiple_of3A_292] : memref<64x1000000xf32, #tpu.memory_space<hbm>> -> memref<64x128xf32, #tpu.memory_space<hbm>>
    tpu.enqueue_dma source(%dma_start3A_296 : memref<64x128xf32, #tpu.memory_space<hbm>>) target(%arg17 : memref<64x128xf32, #tpu.memory_space<vmem>>) target_semaphore(%arg28 : memref<!tpu.dma_semaphore, #tpu.memory_space<semaphore_mem>>)
    %dma_wait3A = arith.constant 0 : i32
    %dma_wait3A_297 = arith.constant 0 : i32
    %dma_wait3A_298 = tpu.memref_slice %arg2[%dma_wait3A, %dma_wait3A_297] : memref<64x1000000xf32, #tpu.memory_space<hbm>> -> memref<64x128xf32, #tpu.memory_space<hbm>>
    %dma_wait3A_299 = arith.constant 0 : i32
    %dma_wait3A_300 = arith.constant 0 : i32
    %dma_wait3A_301 = tpu.memref_slice %arg2[%dma_wait3A_299, %dma_wait3A_300] : memref<64x1000000xf32, #tpu.memory_space<hbm>> -> memref<64x128xf32, #tpu.memory_space<hbm>>
    tpu.wait_dma2 semaphore(%arg18 : memref<!tpu.dma_semaphore, #tpu.memory_space<semaphore_mem>>) src(%dma_wait3A_301 : memref<64x128xf32, #tpu.memory_space<hbm>>) dst(%arg7 : memref<64x128xf32, #tpu.memory_space<vmem>>)
    %multiple_of3A_302 = arith.constant 480 : i32
    %multiple_of3A_303 = tpu.assume_multiple %multiple_of3A_302, 16 : i32
    %get3A_304 = arith.index_cast %multiple_of3A_303 : i32 to index
    %get3A_305 = tpu.vector_load %arg5[%get3A_304] {strides = array<i32>} : memref<512xi32, #tpu.memory_space<vmem>>, vector<16xi32>,
    %eq3A_306 = arith.constant 15 : i32
    %eq3A_307 = vector.broadcast %eq3A_306 : i32 to vector<16xi32>
    %eq3A_308 = arith.cmpi eq, %iota3A, %eq3A_307 : vector<16xi32>
    %jit3A_309 = arith.constant 0 : i32
    %broadcast_in_dim3A_310 = vector.broadcast %jit3A_309 : i32 to vector<16xi32>
    %select_n3A_311 = arith.select %eq3A_308, %get3A_305, %broadcast_in_dim3A_310 : vector<16xi1>, vector<16xi32>
    %reduce_max3A_312 = arith.constant true
    %reduce_max3A_313 = vector.broadcast %reduce_max3A_312 : i1 to vector<16xi1>
    %reduce_max3A_314 = arith.constant -2147483648 : i32
    %reduce_max3A_315 = vector.broadcast %reduce_max3A_314 : i32 to vector<16xi32>
    %reduce_max3A_316 = arith.xori %select_n3A_311, %reduce_max3A_315 : vector<16xi32>
    %reduce_max3A_317 = tpu.scan <max>, %reduce_max3A_316 masked %reduce_max3A_313 : vector<16xi32>, vector<16xi1> -> vector<16xi32>
    %reduce_max3A_318 = arith.xori %reduce_max3A_317, %reduce_max3A_315 : vector<16xi32>
    %reduce_max3A_319 = vector.extract %reduce_max3A_318[15] : i32 from vector<16xi32>
    %and3A = arith.constant 127 : i32
    %and3A_320 = arith.andi %reduce_max3A_319, %and3A : i32
    %broadcast_in_dim3A_321 = vector.broadcast %and3A_320 : i32 to vector<16xi32>
    %broadcast_in_dim3A_322 = arith.constant 495 : i32
    %broadcast_in_dim3A_323 = vector.broadcast %broadcast_in_dim3A_322 : i32 to vector<16xi32>
    %add3A_324 = arith.constant 0 : i32
    %add3A_325 = vector.broadcast %add3A_324 : i32 to vector<16xi32>
    %add3A_326 = arith.addi %iota3A, %add3A_325 : vector<16xi32>
    %gather3A = tpu.vector_load_idx %arg7[%add3A_326, %broadcast_in_dim3A_321] : memref<64x128xf32, #tpu.memory_space<vmem>>[vector<16xi32>, vector<16xi32>], vector<16xf32>,
    tpu.vector_store_idx %arg6[%add3A_326, %broadcast_in_dim3A_323], %gather3A : memref<64x512xf32, #tpu.memory_space<vmem>>[vector<16xi32>, vector<16xi32>], vector<16xf32>,
    %add3A_327 = arith.constant 16 : i32
    %add3A_328 = vector.broadcast %add3A_327 : i32 to vector<16xi32>
    %add3A_329 = arith.addi %iota3A, %add3A_328 : vector<16xi32>
    %gather3A_330 = tpu.vector_load_idx %arg7[%add3A_329, %broadcast_in_dim3A_321] : memref<64x128xf32, #tpu.memory_space<vmem>>[vector<16xi32>, vector<16xi32>], vector<16xf32>,
    tpu.vector_store_idx %arg6[%add3A_329, %broadcast_in_dim3A_323], %gather3A_330 : memref<64x512xf32, #tpu.memory_space<vmem>>[vector<16xi32>, vector<16xi32>], vector<16xf32>,
    %add3A_331 = arith.constant 32 : i32
    %add3A_332 = vector.broadcast %add3A_331 : i32 to vector<16xi32>
    %add3A_333 = arith.addi %iota3A, %add3A_332 : vector<16xi32>
    %gather3A_334 = tpu.vector_load_idx %arg7[%add3A_333, %broadcast_in_dim3A_321] : memref<64x128xf32, #tpu.memory_space<vmem>>[vector<16xi32>, vector<16xi32>], vector<16xf32>,
    tpu.vector_store_idx %arg6[%add3A_333, %broadcast_in_dim3A_323], %gather3A_334 : memref<64x512xf32, #tpu.memory_space<vmem>>[vector<16xi32>, vector<16xi32>], vector<16xf32>,
    %add3A_335 = arith.constant 48 : i32
    %add3A_336 = vector.broadcast %add3A_335 : i32 to vector<16xi32>
    %add3A_337 = arith.addi %iota3A, %add3A_336 : vector<16xi32>
    %gather3A_338 = tpu.vector_load_idx %arg7[%add3A_337, %broadcast_in_dim3A_321] : memref<64x128xf32, #tpu.memory_space<vmem>>[vector<16xi32>, vector<16xi32>], vector<16xf32>,
    tpu.vector_store_idx %arg6[%add3A_337, %broadcast_in_dim3A_323], %gather3A_338 : memref<64x512xf32, #tpu.memory_space<vmem>>[vector<16xi32>, vector<16xi32>], vector<16xf32>,
    %multiple_of3A_339 = arith.constant 496 : i32
    %multiple_of3A_340 = tpu.assume_multiple %multiple_of3A_339, 16 : i32
    %get3A_341 = arith.index_cast %multiple_of3A_340 : i32 to index
    %get3A_342 = tpu.vector_load %arg5[%get3A_341] {strides = array<i32>} : memref<512xi32, #tpu.memory_space<vmem>>, vector<16xi32>,
    %eq3A_343 = arith.constant 10 : i32
    %eq3A_344 = vector.broadcast %eq3A_343 : i32 to vector<16xi32>
    %eq3A_345 = arith.cmpi eq, %iota3A, %eq3A_344 : vector<16xi32>
    %jit3A_346 = arith.constant 0 : i32
    %broadcast_in_dim3A_347 = vector.broadcast %jit3A_346 : i32 to vector<16xi32>
    %select_n3A_348 = arith.select %eq3A_345, %get3A_342, %broadcast_in_dim3A_347 : vector<16xi1>, vector<16xi32>
    %reduce_max3A_349 = arith.constant true
    %reduce_max3A_350 = vector.broadcast %reduce_max3A_349 : i1 to vector<16xi1>
    %reduce_max3A_351 = arith.constant -2147483648 : i32
    %reduce_max3A_352 = vector.broadcast %reduce_max3A_351 : i32 to vector<16xi32>
    %reduce_max3A_353 = arith.xori %select_n3A_348, %reduce_max3A_352 : vector<16xi32>
    %reduce_max3A_354 = tpu.scan <max>, %reduce_max3A_353 masked %reduce_max3A_350 : vector<16xi32>, vector<16xi1> -> vector<16xi32>
    %reduce_max3A_355 = arith.xori %reduce_max3A_354, %reduce_max3A_352 : vector<16xi32>
    %reduce_max3A_356 = vector.extract %reduce_max3A_355[15] : i32 from vector<16xi32>
    %shift_right_arithmetic3A_357 = arith.constant 7 : i32
    %shift_right_arithmetic3A_358 = arith.shrsi %reduce_max3A_356, %shift_right_arithmetic3A_357 : i32
    %mul3A_359 = arith.constant 128 : i32
    %mul3A_360 = arith.muli %shift_right_arithmetic3A_358, %mul3A_359 : i32
    %multiple_of3A_361 = tpu.assume_multiple %mul3A_360, 128 : i32
    %dma_start3A_362 = arith.constant 0 : i32
    %dma_start3A_363 = tpu.memref_slice %arg2[%dma_start3A_362, %multiple_of3A_361] : memref<64x1000000xf32, #tpu.memory_space<hbm>> -> memref<64x128xf32, #tpu.memory_space<hbm>>
    %dma_start3A_364 = arith.constant 0 : i32
    %dma_start3A_365 = tpu.memref_slice %arg2[%dma_start3A_364, %multiple_of3A_361] : memref<64x1000000xf32, #tpu.memory_space<hbm>> -> memref<64x128xf32, #tpu.memory_space<hbm>>
    tpu.enqueue_dma source(%dma_start3A_365 : memref<64x128xf32, #tpu.memory_space<hbm>>) target(%arg7 : memref<64x128xf32, #tpu.memory_space<vmem>>) target_semaphore(%arg18 : memref<!tpu.dma_semaphore, #tpu.memory_space<semaphore_mem>>)
    %dma_wait3A_366 = arith.constant 0 : i32
    %dma_wait3A_367 = arith.constant 0 : i32
    %dma_wait3A_368 = tpu.memref_slice %arg2[%dma_wait3A_366, %dma_wait3A_367] : memref<64x1000000xf32, #tpu.memory_space<hbm>> -> memref<64x128xf32, #tpu.memory_space<hbm>>
    %dma_wait3A_369 = arith.constant 0 : i32
    %dma_wait3A_370 = arith.constant 0 : i32
    %dma_wait3A_371 = tpu.memref_slice %arg2[%dma_wait3A_369, %dma_wait3A_370] : memref<64x1000000xf32, #tpu.memory_space<hbm>> -> memref<64x128xf32, #tpu.memory_space<hbm>>
    tpu.wait_dma2 semaphore(%arg19 : memref<!tpu.dma_semaphore, #tpu.memory_space<semaphore_mem>>) src(%dma_wait3A_371 : memref<64x128xf32, #tpu.memory_space<hbm>>) dst(%arg8 : memref<64x128xf32, #tpu.memory_space<vmem>>)
    %multiple_of3A_372 = arith.constant 496 : i32
    %multiple_of3A_373 = tpu.assume_multiple %multiple_of3A_372, 16 : i32
    %get3A_374 = arith.index_cast %multiple_of3A_373 : i32 to index
    %get3A_375 = tpu.vector_load %arg5[%get3A_374] {strides = array<i32>} : memref<512xi32, #tpu.memory_space<vmem>>, vector<16xi32>,
    %eq3A_376 = arith.constant 0 : i32
    %eq3A_377 = vector.broadcast %eq3A_376 : i32 to vector<16xi32>
    %eq3A_378 = arith.cmpi eq, %iota3A, %eq3A_377 : vector<16xi32>
    %jit3A_379 = arith.constant 0 : i32
    %broadcast_in_dim3A_380 = vector.broadcast %jit3A_379 : i32 to vector<16xi32>
    %select_n3A_381 = arith.select %eq3A_378, %get3A_375, %broadcast_in_dim3A_380 : vector<16xi1>, vector<16xi32>
    %reduce_max3A_382 = arith.constant true
    %reduce_max3A_383 = vector.broadcast %reduce_max3A_382 : i1 to vector<16xi1>
    %reduce_max3A_384 = arith.constant -2147483648 : i32
    %reduce_max3A_385 = vector.broadcast %reduce_max3A_384 : i32 to vector<16xi32>
    %reduce_max3A_386 = arith.xori %select_n3A_381, %reduce_max3A_385 : vector<16xi32>
    %reduce_max3A_387 = tpu.scan <max>, %reduce_max3A_386 masked %reduce_max3A_383 : vector<16xi32>, vector<16xi1> -> vector<16xi32>
    %reduce_max3A_388 = arith.xori %reduce_max3A_387, %reduce_max3A_385 : vector<16xi32>
    %reduce_max3A_389 = vector.extract %reduce_max3A_388[15] : i32 from vector<16xi32>
    %and3A_390 = arith.constant 127 : i32
    %and3A_391 = arith.andi %reduce_max3A_389, %and3A_390 : i32
    %broadcast_in_dim3A_392 = vector.broadcast %and3A_391 : i32 to vector<16xi32>
    %broadcast_in_dim3A_393 = arith.constant 496 : i32
    %broadcast_in_dim3A_394 = vector.broadcast %broadcast_in_dim3A_393 : i32 to vector<16xi32>
    %add3A_395 = arith.constant 0 : i32
    %add3A_396 = vector.broadcast %add3A_395 : i32 to vector<16xi32>
    %add3A_397 = arith.addi %iota3A, %add3A_396 : vector<16xi32>
    %gather3A_398 = tpu.vector_load_idx %arg8[%add3A_397, %broadcast_in_dim3A_392] : memref<64x128xf32, #tpu.memory_space<vmem>>[vector<16xi32>, vector<16xi32>], vector<16xf32>,
    tpu.vector_store_idx %arg6[%add3A_397, %broadcast_in_dim3A_394], %gather3A_398 : memref<64x512xf32, #tpu.memory_space<vmem>>[vector<16xi32>, vector<16xi32>], vector<16xf32>,
    %add3A_399 = arith.constant 16 : i32
    %add3A_400 = vector.broadcast %add3A_399 : i32 to vector<16xi32>
    %add3A_401 = arith.addi %iota3A, %add3A_400 : vector<16xi32>
    %gather3A_402 = tpu.vector_load_idx %arg8[%add3A_401, %broadcast_in_dim3A_392] : memref<64x128xf32, #tpu.memory_space<vmem>>[vector<16xi32>, vector<16xi32>], vector<16xf32>,
    tpu.vector_store_idx %arg6[%add3A_401, %broadcast_in_dim3A_394], %gather3A_402 : memref<64x512xf32, #tpu.memory_space<vmem>>[vector<16xi32>, vector<16xi32>], vector<16xf32>,
    %add3A_403 = arith.constant 32 : i32
    %add3A_404 = vector.broadcast %add3A_403 : i32 to vector<16xi32>
    %add3A_405 = arith.addi %iota3A, %add3A_404 : vector<16xi32>
    %gather3A_406 = tpu.vector_load_idx %arg8[%add3A_405, %broadcast_in_dim3A_392] : memref<64x128xf32, #tpu.memory_space<vmem>>[vector<16xi32>, vector<16xi32>], vector<16xf32>,
    tpu.vector_store_idx %arg6[%add3A_405, %broadcast_in_dim3A_394], %gather3A_406 : memref<64x512xf32, #tpu.memory_space<vmem>>[vector<16xi32>, vector<16xi32>], vector<16xf32>,
    %add3A_407 = arith.constant 48 : i32
    %add3A_408 = vector.broadcast %add3A_407 : i32 to vector<16xi32>
    %add3A_409 = arith.addi %iota3A, %add3A_408 : vector<16xi32>
    %gather3A_410 = tpu.vector_load_idx %arg8[%add3A_409, %broadcast_in_dim3A_392] : memref<64x128xf32, #tpu.memory_space<vmem>>[vector<16xi32>, vector<16xi32>], vector<16xf32>,
    tpu.vector_store_idx %arg6[%add3A_409, %broadcast_in_dim3A_394], %gather3A_410 : memref<64x512xf32, #tpu.memory_space<vmem>>[vector<16xi32>, vector<16xi32>], vector<16xf32>,
    %multiple_of3A_411 = arith.constant 496 : i32
    %multiple_of3A_412 = tpu.assume_multiple %multiple_of3A_411, 16 : i32
    %get3A_413 = arith.index_cast %multiple_of3A_412 : i32 to index
    %get3A_414 = tpu.vector_load %arg5[%get3A_413] {strides = array<i32>} : memref<512xi32, #tpu.memory_space<vmem>>, vector<16xi32>,
    %eq3A_415 = arith.constant 11 : i32
    %eq3A_416 = vector.broadcast %eq3A_415 : i32 to vector<16xi32>
    %eq3A_417 = arith.cmpi eq, %iota3A, %eq3A_416 : vector<16xi32>
    %jit3A_418 = arith.constant 0 : i32
    %broadcast_in_dim3A_419 = vector.broadcast %jit3A_418 : i32 to vector<16xi32>
    %select_n3A_420 = arith.select %eq3A_417, %get3A_414, %broadcast_in_dim3A_419 : vector<16xi1>, vector<16xi32>
    %reduce_max3A_421 = arith.constant true
    %reduce_max3A_422 = vector.broadcast %reduce_max3A_421 : i1 to vector<16xi1>
    %reduce_max3A_423 = arith.constant -2147483648 : i32
    %reduce_max3A_424 = vector.broadcast %reduce_max3A_423 : i32 to vector<16xi32>
    %reduce_max3A_425 = arith.xori %select_n3A_420, %reduce_max3A_424 : vector<16xi32>
    %reduce_max3A_426 = tpu.scan <max>, %reduce_max3A_425 masked %reduce_max3A_422 : vector<16xi32>, vector<16xi1> -> vector<16xi32>
    %reduce_max3A_427 = arith.xori %reduce_max3A_426, %reduce_max3A_424 : vector<16xi32>
    %reduce_max3A_428 = vector.extract %reduce_max3A_427[15] : i32 from vector<16xi32>
    %shift_right_arithmetic3A_429 = arith.constant 7 : i32
    %shift_right_arithmetic3A_430 = arith.shrsi %reduce_max3A_428, %shift_right_arithmetic3A_429 : i32
    %mul3A_431 = arith.constant 128 : i32
    %mul3A_432 = arith.muli %shift_right_arithmetic3A_430, %mul3A_431 : i32
    %multiple_of3A_433 = tpu.assume_multiple %mul3A_432, 128 : i32
    %dma_start3A_434 = arith.constant 0 : i32
    %dma_start3A_435 = tpu.memref_slice %arg2[%dma_start3A_434, %multiple_of3A_433] : memref<64x1000000xf32, #tpu.memory_space<hbm>> -> memref<64x128xf32, #tpu.memory_space<hbm>>
    %dma_start3A_436 = arith.constant 0 : i32
    %dma_start3A_437 = tpu.memref_slice %arg2[%dma_start3A_436, %multiple_of3A_433] : memref<64x1000000xf32, #tpu.memory_space<hbm>> -> memref<64x128xf32, #tpu.memory_space<hbm>>
    tpu.enqueue_dma source(%dma_start3A_437 : memref<64x128xf32, #tpu.memory_space<hbm>>) target(%arg8 : memref<64x128xf32, #tpu.memory_space<vmem>>) target_semaphore(%arg19 : memref<!tpu.dma_semaphore, #tpu.memory_space<semaphore_mem>>)
    %dma_wait3A_438 = arith.constant 0 : i32
    %dma_wait3A_439 = arith.constant 0 : i32
    %dma_wait3A_440 = tpu.memref_slice %arg2[%dma_wait3A_438, %dma_wait3A_439] : memref<64x1000000xf32, #tpu.memory_space<hbm>> -> memref<64x128xf32, #tpu.memory_space<hbm>>
    %dma_wait3A_441 = arith.constant 0 : i32
    %dma_wait3A_442 = arith.constant 0 : i32
    %dma_wait3A_443 = tpu.memref_slice %arg2[%dma_wait3A_441, %dma_wait3A_442] : memref<64x1000000xf32, #tpu.memory_space<hbm>> -> memref<64x128xf32, #tpu.memory_space<hbm>>
    tpu.wait_dma2 semaphore(%arg20 : memref<!tpu.dma_semaphore, #tpu.memory_space<semaphore_mem>>) src(%dma_wait3A_443 : memref<64x128xf32, #tpu.memory_space<hbm>>) dst(%arg9 : memref<64x128xf32, #tpu.memory_space<vmem>>)
    %multiple_of3A_444 = arith.constant 496 : i32
    %multiple_of3A_445 = tpu.assume_multiple %multiple_of3A_444, 16 : i32
    %get3A_446 = arith.index_cast %multiple_of3A_445 : i32 to index
    %get3A_447 = tpu.vector_load %arg5[%get3A_446] {strides = array<i32>} : memref<512xi32, #tpu.memory_space<vmem>>, vector<16xi32>,
    %eq3A_448 = arith.constant 1 : i32
    %eq3A_449 = vector.broadcast %eq3A_448 : i32 to vector<16xi32>
    %eq3A_450 = arith.cmpi eq, %iota3A, %eq3A_449 : vector<16xi32>
    %jit3A_451 = arith.constant 0 : i32
    %broadcast_in_dim3A_452 = vector.broadcast %jit3A_451 : i32 to vector<16xi32>
    %select_n3A_453 = arith.select %eq3A_450, %get3A_447, %broadcast_in_dim3A_452 : vector<16xi1>, vector<16xi32>
    %reduce_max3A_454 = arith.constant true
    %reduce_max3A_455 = vector.broadcast %reduce_max3A_454 : i1 to vector<16xi1>
    %reduce_max3A_456 = arith.constant -2147483648 : i32
    %reduce_max3A_457 = vector.broadcast %reduce_max3A_456 : i32 to vector<16xi32>
    %reduce_max3A_458 = arith.xori %select_n3A_453, %reduce_max3A_457 : vector<16xi32>
    %reduce_max3A_459 = tpu.scan <max>, %reduce_max3A_458 masked %reduce_max3A_455 : vector<16xi32>, vector<16xi1> -> vector<16xi32>
    %reduce_max3A_460 = arith.xori %reduce_max3A_459, %reduce_max3A_457 : vector<16xi32>
    %reduce_max3A_461 = vector.extract %reduce_max3A_460[15] : i32 from vector<16xi32>
    %and3A_462 = arith.constant 127 : i32
    %and3A_463 = arith.andi %reduce_max3A_461, %and3A_462 : i32
    %broadcast_in_dim3A_464 = vector.broadcast %and3A_463 : i32 to vector<16xi32>
    %broadcast_in_dim3A_465 = arith.constant 497 : i32
    %broadcast_in_dim3A_466 = vector.broadcast %broadcast_in_dim3A_465 : i32 to vector<16xi32>
    %add3A_467 = arith.constant 0 : i32
    %add3A_468 = vector.broadcast %add3A_467 : i32 to vector<16xi32>
    %add3A_469 = arith.addi %iota3A, %add3A_468 : vector<16xi32>
    %gather3A_470 = tpu.vector_load_idx %arg9[%add3A_469, %broadcast_in_dim3A_464] : memref<64x128xf32, #tpu.memory_space<vmem>>[vector<16xi32>, vector<16xi32>], vector<16xf32>,
    tpu.vector_store_idx %arg6[%add3A_469, %broadcast_in_dim3A_466], %gather3A_470 : memref<64x512xf32, #tpu.memory_space<vmem>>[vector<16xi32>, vector<16xi32>], vector<16xf32>,
    %add3A_471 = arith.constant 16 : i32
    %add3A_472 = vector.broadcast %add3A_471 : i32 to vector<16xi32>
    %add3A_473 = arith.addi %iota3A, %add3A_472 : vector<16xi32>
    %gather3A_474 = tpu.vector_load_idx %arg9[%add3A_473, %broadcast_in_dim3A_464] : memref<64x128xf32, #tpu.memory_space<vmem>>[vector<16xi32>, vector<16xi32>], vector<16xf32>,
    tpu.vector_store_idx %arg6[%add3A_473, %broadcast_in_dim3A_466], %gather3A_474 : memref<64x512xf32, #tpu.memory_space<vmem>>[vector<16xi32>, vector<16xi32>], vector<16xf32>,
    %add3A_475 = arith.constant 32 : i32
    %add3A_476 = vector.broadcast %add3A_475 : i32 to vector<16xi32>
    %add3A_477 = arith.addi %iota3A, %add3A_476 : vector<16xi32>
    %gather3A_478 = tpu.vector_load_idx %arg9[%add3A_477, %broadcast_in_dim3A_464] : memref<64x128xf32, #tpu.memory_space<vmem>>[vector<16xi32>, vector<16xi32>], vector<16xf32>,
    tpu.vector_store_idx %arg6[%add3A_477, %broadcast_in_dim3A_466], %gather3A_478 : memref<64x512xf32, #tpu.memory_space<vmem>>[vector<16xi32>, vector<16xi32>], vector<16xf32>,
    %add3A_479 = arith.constant 48 : i32
    %add3A_480 = vector.broadcast %add3A_479 : i32 to vector<16xi32>
    %add3A_481 = arith.addi %iota3A, %add3A_480 : vector<16xi32>
    %gather3A_482 = tpu.vector_load_idx %arg9[%add3A_481, %broadcast_in_dim3A_464] : memref<64x128xf32, #tpu.memory_space<vmem>>[vector<16xi32>, vector<16xi32>], vector<16xf32>,
    tpu.vector_store_idx %arg6[%add3A_481, %broadcast_in_dim3A_466], %gather3A_482 : memref<64x512xf32, #tpu.memory_space<vmem>>[vector<16xi32>, vector<16xi32>], vector<16xf32>,
    %multiple_of3A_483 = arith.constant 496 : i32
    %multiple_of3A_484 = tpu.assume_multiple %multiple_of3A_483, 16 : i32
    %get3A_485 = arith.index_cast %multiple_of3A_484 : i32 to index
    %get3A_486 = tpu.vector_load %arg5[%get3A_485] {strides = array<i32>} : memref<512xi32, #tpu.memory_space<vmem>>, vector<16xi32>,
    %eq3A_487 = arith.constant 12 : i32
    %eq3A_488 = vector.broadcast %eq3A_487 : i32 to vector<16xi32>
    %eq3A_489 = arith.cmpi eq, %iota3A, %eq3A_488 : vector<16xi32>
    %jit3A_490 = arith.constant 0 : i32
    %broadcast_in_dim3A_491 = vector.broadcast %jit3A_490 : i32 to vector<16xi32>
    %select_n3A_492 = arith.select %eq3A_489, %get3A_486, %broadcast_in_dim3A_491 : vector<16xi1>, vector<16xi32>
    %reduce_max3A_493 = arith.constant true
    %reduce_max3A_494 = vector.broadcast %reduce_max3A_493 : i1 to vector<16xi1>
    %reduce_max3A_495 = arith.constant -2147483648 : i32
    %reduce_max3A_496 = vector.broadcast %reduce_max3A_495 : i32 to vector<16xi32>
    %reduce_max3A_497 = arith.xori %select_n3A_492, %reduce_max3A_496 : vector<16xi32>
    %reduce_max3A_498 = tpu.scan <max>, %reduce_max3A_497 masked %reduce_max3A_494 : vector<16xi32>, vector<16xi1> -> vector<16xi32>
    %reduce_max3A_499 = arith.xori %reduce_max3A_498, %reduce_max3A_496 : vector<16xi32>
    %reduce_max3A_500 = vector.extract %reduce_max3A_499[15] : i32 from vector<16xi32>
    %shift_right_arithmetic3A_501 = arith.constant 7 : i32
    %shift_right_arithmetic3A_502 = arith.shrsi %reduce_max3A_500, %shift_right_arithmetic3A_501 : i32
    %mul3A_503 = arith.constant 128 : i32
    %mul3A_504 = arith.muli %shift_right_arithmetic3A_502, %mul3A_503 : i32
    %multiple_of3A_505 = tpu.assume_multiple %mul3A_504, 128 : i32
    %dma_start3A_506 = arith.constant 0 : i32
    %dma_start3A_507 = tpu.memref_slice %arg2[%dma_start3A_506, %multiple_of3A_505] : memref<64x1000000xf32, #tpu.memory_space<hbm>> -> memref<64x128xf32, #tpu.memory_space<hbm>>
    %dma_start3A_508 = arith.constant 0 : i32
    %dma_start3A_509 = tpu.memref_slice %arg2[%dma_start3A_508, %multiple_of3A_505] : memref<64x1000000xf32, #tpu.memory_space<hbm>> -> memref<64x128xf32, #tpu.memory_space<hbm>>
    tpu.enqueue_dma source(%dma_start3A_509 : memref<64x128xf32, #tpu.memory_space<hbm>>) target(%arg9 : memref<64x128xf32, #tpu.memory_space<vmem>>) target_semaphore(%arg20 : memref<!tpu.dma_semaphore, #tpu.memory_space<semaphore_mem>>)
    %dma_wait3A_510 = arith.constant 0 : i32
    %dma_wait3A_511 = arith.constant 0 : i32
    %dma_wait3A_512 = tpu.memref_slice %arg2[%dma_wait3A_510, %dma_wait3A_511] : memref<64x1000000xf32, #tpu.memory_space<hbm>> -> memref<64x128xf32, #tpu.memory_space<hbm>>
    %dma_wait3A_513 = arith.constant 0 : i32
    %dma_wait3A_514 = arith.constant 0 : i32
    %dma_wait3A_515 = tpu.memref_slice %arg2[%dma_wait3A_513, %dma_wait3A_514] : memref<64x1000000xf32, #tpu.memory_space<hbm>> -> memref<64x128xf32, #tpu.memory_space<hbm>>
    tpu.wait_dma2 semaphore(%arg21 : memref<!tpu.dma_semaphore, #tpu.memory_space<semaphore_mem>>) src(%dma_wait3A_515 : memref<64x128xf32, #tpu.memory_space<hbm>>) dst(%arg10 : memref<64x128xf32, #tpu.memory_space<vmem>>)
    %multiple_of3A_516 = arith.constant 496 : i32
    %multiple_of3A_517 = tpu.assume_multiple %multiple_of3A_516, 16 : i32
    %get3A_518 = arith.index_cast %multiple_of3A_517 : i32 to index
    %get3A_519 = tpu.vector_load %arg5[%get3A_518] {strides = array<i32>} : memref<512xi32, #tpu.memory_space<vmem>>, vector<16xi32>,
    %eq3A_520 = arith.constant 2 : i32
    %eq3A_521 = vector.broadcast %eq3A_520 : i32 to vector<16xi32>
    %eq3A_522 = arith.cmpi eq, %iota3A, %eq3A_521 : vector<16xi32>
    %jit3A_523 = arith.constant 0 : i32
    %broadcast_in_dim3A_524 = vector.broadcast %jit3A_523 : i32 to vector<16xi32>
    %select_n3A_525 = arith.select %eq3A_522, %get3A_519, %broadcast_in_dim3A_524 : vector<16xi1>, vector<16xi32>
    %reduce_max3A_526 = arith.constant true
    %reduce_max3A_527 = vector.broadcast %reduce_max3A_526 : i1 to vector<16xi1>
    %reduce_max3A_528 = arith.constant -2147483648 : i32
    %reduce_max3A_529 = vector.broadcast %reduce_max3A_528 : i32 to vector<16xi32>
    %reduce_max3A_530 = arith.xori %select_n3A_525, %reduce_max3A_529 : vector<16xi32>
    %reduce_max3A_531 = tpu.scan <max>, %reduce_max3A_530 masked %reduce_max3A_527 : vector<16xi32>, vector<16xi1> -> vector<16xi32>
    %reduce_max3A_532 = arith.xori %reduce_max3A_531, %reduce_max3A_529 : vector<16xi32>
    %reduce_max3A_533 = vector.extract %reduce_max3A_532[15] : i32 from vector<16xi32>
    %and3A_534 = arith.constant 127 : i32
    %and3A_535 = arith.andi %reduce_max3A_533, %and3A_534 : i32
    %broadcast_in_dim3A_536 = vector.broadcast %and3A_535 : i32 to vector<16xi32>
    %broadcast_in_dim3A_537 = arith.constant 498 : i32
    %broadcast_in_dim3A_538 = vector.broadcast %broadcast_in_dim3A_537 : i32 to vector<16xi32>
    %add3A_539 = arith.constant 0 : i32
    %add3A_540 = vector.broadcast %add3A_539 : i32 to vector<16xi32>
    %add3A_541 = arith.addi %iota3A, %add3A_540 : vector<16xi32>
    %gather3A_542 = tpu.vector_load_idx %arg10[%add3A_541, %broadcast_in_dim3A_536] : memref<64x128xf32, #tpu.memory_space<vmem>>[vector<16xi32>, vector<16xi32>], vector<16xf32>,
    tpu.vector_store_idx %arg6[%add3A_541, %broadcast_in_dim3A_538], %gather3A_542 : memref<64x512xf32, #tpu.memory_space<vmem>>[vector<16xi32>, vector<16xi32>], vector<16xf32>,
    %add3A_543 = arith.constant 16 : i32
    %add3A_544 = vector.broadcast %add3A_543 : i32 to vector<16xi32>
    %add3A_545 = arith.addi %iota3A, %add3A_544 : vector<16xi32>
    %gather3A_546 = tpu.vector_load_idx %arg10[%add3A_545, %broadcast_in_dim3A_536] : memref<64x128xf32, #tpu.memory_space<vmem>>[vector<16xi32>, vector<16xi32>], vector<16xf32>,
    tpu.vector_store_idx %arg6[%add3A_545, %broadcast_in_dim3A_538], %gather3A_546 : memref<64x512xf32, #tpu.memory_space<vmem>>[vector<16xi32>, vector<16xi32>], vector<16xf32>,
    %add3A_547 = arith.constant 32 : i32
    %add3A_548 = vector.broadcast %add3A_547 : i32 to vector<16xi32>
    %add3A_549 = arith.addi %iota3A, %add3A_548 : vector<16xi32>
    %gather3A_550 = tpu.vector_load_idx %arg10[%add3A_549, %broadcast_in_dim3A_536] : memref<64x128xf32, #tpu.memory_space<vmem>>[vector<16xi32>, vector<16xi32>], vector<16xf32>,
    tpu.vector_store_idx %arg6[%add3A_549, %broadcast_in_dim3A_538], %gather3A_550 : memref<64x512xf32, #tpu.memory_space<vmem>>[vector<16xi32>, vector<16xi32>], vector<16xf32>,
    %add3A_551 = arith.constant 48 : i32
    %add3A_552 = vector.broadcast %add3A_551 : i32 to vector<16xi32>
    %add3A_553 = arith.addi %iota3A, %add3A_552 : vector<16xi32>
    %gather3A_554 = tpu.vector_load_idx %arg10[%add3A_553, %broadcast_in_dim3A_536] : memref<64x128xf32, #tpu.memory_space<vmem>>[vector<16xi32>, vector<16xi32>], vector<16xf32>,
    tpu.vector_store_idx %arg6[%add3A_553, %broadcast_in_dim3A_538], %gather3A_554 : memref<64x512xf32, #tpu.memory_space<vmem>>[vector<16xi32>, vector<16xi32>], vector<16xf32>,
    %multiple_of3A_555 = arith.constant 496 : i32
    %multiple_of3A_556 = tpu.assume_multiple %multiple_of3A_555, 16 : i32
    %get3A_557 = arith.index_cast %multiple_of3A_556 : i32 to index
    %get3A_558 = tpu.vector_load %arg5[%get3A_557] {strides = array<i32>} : memref<512xi32, #tpu.memory_space<vmem>>, vector<16xi32>,
    %eq3A_559 = arith.constant 13 : i32
    %eq3A_560 = vector.broadcast %eq3A_559 : i32 to vector<16xi32>
    %eq3A_561 = arith.cmpi eq, %iota3A, %eq3A_560 : vector<16xi32>
    %jit3A_562 = arith.constant 0 : i32
    %broadcast_in_dim3A_563 = vector.broadcast %jit3A_562 : i32 to vector<16xi32>
    %select_n3A_564 = arith.select %eq3A_561, %get3A_558, %broadcast_in_dim3A_563 : vector<16xi1>, vector<16xi32>
    %reduce_max3A_565 = arith.constant true
    %reduce_max3A_566 = vector.broadcast %reduce_max3A_565 : i1 to vector<16xi1>
    %reduce_max3A_567 = arith.constant -2147483648 : i32
    %reduce_max3A_568 = vector.broadcast %reduce_max3A_567 : i32 to vector<16xi32>
    %reduce_max3A_569 = arith.xori %select_n3A_564, %reduce_max3A_568 : vector<16xi32>
    %reduce_max3A_570 = tpu.scan <max>, %reduce_max3A_569 masked %reduce_max3A_566 : vector<16xi32>, vector<16xi1> -> vector<16xi32>
    %reduce_max3A_571 = arith.xori %reduce_max3A_570, %reduce_max3A_568 : vector<16xi32>
    %reduce_max3A_572 = vector.extract %reduce_max3A_571[15] : i32 from vector<16xi32>
    %shift_right_arithmetic3A_573 = arith.constant 7 : i32
    %shift_right_arithmetic3A_574 = arith.shrsi %reduce_max3A_572, %shift_right_arithmetic3A_573 : i32
    %mul3A_575 = arith.constant 128 : i32
    %mul3A_576 = arith.muli %shift_right_arithmetic3A_574, %mul3A_575 : i32
    %multiple_of3A_577 = tpu.assume_multiple %mul3A_576, 128 : i32
    %dma_start3A_578 = arith.constant 0 : i32
    %dma_start3A_579 = tpu.memref_slice %arg2[%dma_start3A_578, %multiple_of3A_577] : memref<64x1000000xf32, #tpu.memory_space<hbm>> -> memref<64x128xf32, #tpu.memory_space<hbm>>
    %dma_start3A_580 = arith.constant 0 : i32
    %dma_start3A_581 = tpu.memref_slice %arg2[%dma_start3A_580, %multiple_of3A_577] : memref<64x1000000xf32, #tpu.memory_space<hbm>> -> memref<64x128xf32, #tpu.memory_space<hbm>>
    tpu.enqueue_dma source(%dma_start3A_581 : memref<64x128xf32, #tpu.memory_space<hbm>>) target(%arg10 : memref<64x128xf32, #tpu.memory_space<vmem>>) target_semaphore(%arg21 : memref<!tpu.dma_semaphore, #tpu.memory_space<semaphore_mem>>)
    %dma_wait3A_582 = arith.constant 0 : i32
    %dma_wait3A_583 = arith.constant 0 : i32
    %dma_wait3A_584 = tpu.memref_slice %arg2[%dma_wait3A_582, %dma_wait3A_583] : memref<64x1000000xf32, #tpu.memory_space<hbm>> -> memref<64x128xf32, #tpu.memory_space<hbm>>
    %dma_wait3A_585 = arith.constant 0 : i32
    %dma_wait3A_586 = arith.constant 0 : i32
    %dma_wait3A_587 = tpu.memref_slice %arg2[%dma_wait3A_585, %dma_wait3A_586] : memref<64x1000000xf32, #tpu.memory_space<hbm>> -> memref<64x128xf32, #tpu.memory_space<hbm>>
    tpu.wait_dma2 semaphore(%arg22 : memref<!tpu.dma_semaphore, #tpu.memory_space<semaphore_mem>>) src(%dma_wait3A_587 : memref<64x128xf32, #tpu.memory_space<hbm>>) dst(%arg11 : memref<64x128xf32, #tpu.memory_space<vmem>>)
    %multiple_of3A_588 = arith.constant 496 : i32
    %multiple_of3A_589 = tpu.assume_multiple %multiple_of3A_588, 16 : i32
    %get3A_590 = arith.index_cast %multiple_of3A_589 : i32 to index
    %get3A_591 = tpu.vector_load %arg5[%get3A_590] {strides = array<i32>} : memref<512xi32, #tpu.memory_space<vmem>>, vector<16xi32>,
    %eq3A_592 = arith.constant 3 : i32
    %eq3A_593 = vector.broadcast %eq3A_592 : i32 to vector<16xi32>
    %eq3A_594 = arith.cmpi eq, %iota3A, %eq3A_593 : vector<16xi32>
    %jit3A_595 = arith.constant 0 : i32
    %broadcast_in_dim3A_596 = vector.broadcast %jit3A_595 : i32 to vector<16xi32>
    %select_n3A_597 = arith.select %eq3A_594, %get3A_591, %broadcast_in_dim3A_596 : vector<16xi1>, vector<16xi32>
    %reduce_max3A_598 = arith.constant true
    %reduce_max3A_599 = vector.broadcast %reduce_max3A_598 : i1 to vector<16xi1>
    %reduce_max3A_600 = arith.constant -2147483648 : i32
    %reduce_max3A_601 = vector.broadcast %reduce_max3A_600 : i32 to vector<16xi32>
    %reduce_max3A_602 = arith.xori %select_n3A_597, %reduce_max3A_601 : vector<16xi32>
    %reduce_max3A_603 = tpu.scan <max>, %reduce_max3A_602 masked %reduce_max3A_599 : vector<16xi32>, vector<16xi1> -> vector<16xi32>
    %reduce_max3A_604 = arith.xori %reduce_max3A_603, %reduce_max3A_601 : vector<16xi32>
    %reduce_max3A_605 = vector.extract %reduce_max3A_604[15] : i32 from vector<16xi32>
    %and3A_606 = arith.constant 127 : i32
    %and3A_607 = arith.andi %reduce_max3A_605, %and3A_606 : i32
    %broadcast_in_dim3A_608 = vector.broadcast %and3A_607 : i32 to vector<16xi32>
    %broadcast_in_dim3A_609 = arith.constant 499 : i32
    %broadcast_in_dim3A_610 = vector.broadcast %broadcast_in_dim3A_609 : i32 to vector<16xi32>
    %add3A_611 = arith.constant 0 : i32
    %add3A_612 = vector.broadcast %add3A_611 : i32 to vector<16xi32>
    %add3A_613 = arith.addi %iota3A, %add3A_612 : vector<16xi32>
    %gather3A_614 = tpu.vector_load_idx %arg11[%add3A_613, %broadcast_in_dim3A_608] : memref<64x128xf32, #tpu.memory_space<vmem>>[vector<16xi32>, vector<16xi32>], vector<16xf32>,
    tpu.vector_store_idx %arg6[%add3A_613, %broadcast_in_dim3A_610], %gather3A_614 : memref<64x512xf32, #tpu.memory_space<vmem>>[vector<16xi32>, vector<16xi32>], vector<16xf32>,
    %add3A_615 = arith.constant 16 : i32
    %add3A_616 = vector.broadcast %add3A_615 : i32 to vector<16xi32>
    %add3A_617 = arith.addi %iota3A, %add3A_616 : vector<16xi32>
    %gather3A_618 = tpu.vector_load_idx %arg11[%add3A_617, %broadcast_in_dim3A_608] : memref<64x128xf32, #tpu.memory_space<vmem>>[vector<16xi32>, vector<16xi32>], vector<16xf32>,
    tpu.vector_store_idx %arg6[%add3A_617, %broadcast_in_dim3A_610], %gather3A_618 : memref<64x512xf32, #tpu.memory_space<vmem>>[vector<16xi32>, vector<16xi32>], vector<16xf32>,
    %add3A_619 = arith.constant 32 : i32
    %add3A_620 = vector.broadcast %add3A_619 : i32 to vector<16xi32>
    %add3A_621 = arith.addi %iota3A, %add3A_620 : vector<16xi32>
    %gather3A_622 = tpu.vector_load_idx %arg11[%add3A_621, %broadcast_in_dim3A_608] : memref<64x128xf32, #tpu.memory_space<vmem>>[vector<16xi32>, vector<16xi32>], vector<16xf32>,
    tpu.vector_store_idx %arg6[%add3A_621, %broadcast_in_dim3A_610], %gather3A_622 : memref<64x512xf32, #tpu.memory_space<vmem>>[vector<16xi32>, vector<16xi32>], vector<16xf32>,
    %add3A_623 = arith.constant 48 : i32
    %add3A_624 = vector.broadcast %add3A_623 : i32 to vector<16xi32>
    %add3A_625 = arith.addi %iota3A, %add3A_624 : vector<16xi32>
    %gather3A_626 = tpu.vector_load_idx %arg11[%add3A_625, %broadcast_in_dim3A_608] : memref<64x128xf32, #tpu.memory_space<vmem>>[vector<16xi32>, vector<16xi32>], vector<16xf32>,
    tpu.vector_store_idx %arg6[%add3A_625, %broadcast_in_dim3A_610], %gather3A_626 : memref<64x512xf32, #tpu.memory_space<vmem>>[vector<16xi32>, vector<16xi32>], vector<16xf32>,
    %multiple_of3A_627 = arith.constant 496 : i32
    %multiple_of3A_628 = tpu.assume_multiple %multiple_of3A_627, 16 : i32
    %get3A_629 = arith.index_cast %multiple_of3A_628 : i32 to index
    %get3A_630 = tpu.vector_load %arg5[%get3A_629] {strides = array<i32>} : memref<512xi32, #tpu.memory_space<vmem>>, vector<16xi32>,
    %eq3A_631 = arith.constant 14 : i32
    %eq3A_632 = vector.broadcast %eq3A_631 : i32 to vector<16xi32>
    %eq3A_633 = arith.cmpi eq, %iota3A, %eq3A_632 : vector<16xi32>
    %jit3A_634 = arith.constant 0 : i32
    %broadcast_in_dim3A_635 = vector.broadcast %jit3A_634 : i32 to vector<16xi32>
    %select_n3A_636 = arith.select %eq3A_633, %get3A_630, %broadcast_in_dim3A_635 : vector<16xi1>, vector<16xi32>
    %reduce_max3A_637 = arith.constant true
    %reduce_max3A_638 = vector.broadcast %reduce_max3A_637 : i1 to vector<16xi1>
    %reduce_max3A_639 = arith.constant -2147483648 : i32
    %reduce_max3A_640 = vector.broadcast %reduce_max3A_639 : i32 to vector<16xi32>
    %reduce_max3A_641 = arith.xori %select_n3A_636, %reduce_max3A_640 : vector<16xi32>
    %reduce_max3A_642 = tpu.scan <max>, %reduce_max3A_641 masked %reduce_max3A_638 : vector<16xi32>, vector<16xi1> -> vector<16xi32>
    %reduce_max3A_643 = arith.xori %reduce_max3A_642, %reduce_max3A_640 : vector<16xi32>
    %reduce_max3A_644 = vector.extract %reduce_max3A_643[15] : i32 from vector<16xi32>
    %shift_right_arithmetic3A_645 = arith.constant 7 : i32
    %shift_right_arithmetic3A_646 = arith.shrsi %reduce_max3A_644, %shift_right_arithmetic3A_645 : i32
    %mul3A_647 = arith.constant 128 : i32
    %mul3A_648 = arith.muli %shift_right_arithmetic3A_646, %mul3A_647 : i32
    %multiple_of3A_649 = tpu.assume_multiple %mul3A_648, 128 : i32
    %dma_start3A_650 = arith.constant 0 : i32
    %dma_start3A_651 = tpu.memref_slice %arg2[%dma_start3A_650, %multiple_of3A_649] : memref<64x1000000xf32, #tpu.memory_space<hbm>> -> memref<64x128xf32, #tpu.memory_space<hbm>>
    %dma_start3A_652 = arith.constant 0 : i32
    %dma_start3A_653 = tpu.memref_slice %arg2[%dma_start3A_652, %multiple_of3A_649] : memref<64x1000000xf32, #tpu.memory_space<hbm>> -> memref<64x128xf32, #tpu.memory_space<hbm>>
    tpu.enqueue_dma source(%dma_start3A_653 : memref<64x128xf32, #tpu.memory_space<hbm>>) target(%arg11 : memref<64x128xf32, #tpu.memory_space<vmem>>) target_semaphore(%arg22 : memref<!tpu.dma_semaphore, #tpu.memory_space<semaphore_mem>>)
    %dma_wait3A_654 = arith.constant 0 : i32
    %dma_wait3A_655 = arith.constant 0 : i32
    %dma_wait3A_656 = tpu.memref_slice %arg2[%dma_wait3A_654, %dma_wait3A_655] : memref<64x1000000xf32, #tpu.memory_space<hbm>> -> memref<64x128xf32, #tpu.memory_space<hbm>>
    %dma_wait3A_657 = arith.constant 0 : i32
    %dma_wait3A_658 = arith.constant 0 : i32
    %dma_wait3A_659 = tpu.memref_slice %arg2[%dma_wait3A_657, %dma_wait3A_658] : memref<64x1000000xf32, #tpu.memory_space<hbm>> -> memref<64x128xf32, #tpu.memory_space<hbm>>
    tpu.wait_dma2 semaphore(%arg23 : memref<!tpu.dma_semaphore, #tpu.memory_space<semaphore_mem>>) src(%dma_wait3A_659 : memref<64x128xf32, #tpu.memory_space<hbm>>) dst(%arg12 : memref<64x128xf32, #tpu.memory_space<vmem>>)
    %multiple_of3A_660 = arith.constant 496 : i32
    %multiple_of3A_661 = tpu.assume_multiple %multiple_of3A_660, 16 : i32
    %get3A_662 = arith.index_cast %multiple_of3A_661 : i32 to index
    %get3A_663 = tpu.vector_load %arg5[%get3A_662] {strides = array<i32>} : memref<512xi32, #tpu.memory_space<vmem>>, vector<16xi32>,
    %eq3A_664 = arith.constant 4 : i32
    %eq3A_665 = vector.broadcast %eq3A_664 : i32 to vector<16xi32>
    %eq3A_666 = arith.cmpi eq, %iota3A, %eq3A_665 : vector<16xi32>
    %jit3A_667 = arith.constant 0 : i32
    %broadcast_in_dim3A_668 = vector.broadcast %jit3A_667 : i32 to vector<16xi32>
    %select_n3A_669 = arith.select %eq3A_666, %get3A_663, %broadcast_in_dim3A_668 : vector<16xi1>, vector<16xi32>
    %reduce_max3A_670 = arith.constant true
    %reduce_max3A_671 = vector.broadcast %reduce_max3A_670 : i1 to vector<16xi1>
    %reduce_max3A_672 = arith.constant -2147483648 : i32
    %reduce_max3A_673 = vector.broadcast %reduce_max3A_672 : i32 to vector<16xi32>
    %reduce_max3A_674 = arith.xori %select_n3A_669, %reduce_max3A_673 : vector<16xi32>
    %reduce_max3A_675 = tpu.scan <max>, %reduce_max3A_674 masked %reduce_max3A_671 : vector<16xi32>, vector<16xi1> -> vector<16xi32>
    %reduce_max3A_676 = arith.xori %reduce_max3A_675, %reduce_max3A_673 : vector<16xi32>
    %reduce_max3A_677 = vector.extract %reduce_max3A_676[15] : i32 from vector<16xi32>
    %and3A_678 = arith.constant 127 : i32
    %and3A_679 = arith.andi %reduce_max3A_677, %and3A_678 : i32
    %broadcast_in_dim3A_680 = vector.broadcast %and3A_679 : i32 to vector<16xi32>
    %broadcast_in_dim3A_681 = arith.constant 500 : i32
    %broadcast_in_dim3A_682 = vector.broadcast %broadcast_in_dim3A_681 : i32 to vector<16xi32>
    %add3A_683 = arith.constant 0 : i32
    %add3A_684 = vector.broadcast %add3A_683 : i32 to vector<16xi32>
    %add3A_685 = arith.addi %iota3A, %add3A_684 : vector<16xi32>
    %gather3A_686 = tpu.vector_load_idx %arg12[%add3A_685, %broadcast_in_dim3A_680] : memref<64x128xf32, #tpu.memory_space<vmem>>[vector<16xi32>, vector<16xi32>], vector<16xf32>,
    tpu.vector_store_idx %arg6[%add3A_685, %broadcast_in_dim3A_682], %gather3A_686 : memref<64x512xf32, #tpu.memory_space<vmem>>[vector<16xi32>, vector<16xi32>], vector<16xf32>,
    %add3A_687 = arith.constant 16 : i32
    %add3A_688 = vector.broadcast %add3A_687 : i32 to vector<16xi32>
    %add3A_689 = arith.addi %iota3A, %add3A_688 : vector<16xi32>
    %gather3A_690 = tpu.vector_load_idx %arg12[%add3A_689, %broadcast_in_dim3A_680] : memref<64x128xf32, #tpu.memory_space<vmem>>[vector<16xi32>, vector<16xi32>], vector<16xf32>,
    tpu.vector_store_idx %arg6[%add3A_689, %broadcast_in_dim3A_682], %gather3A_690 : memref<64x512xf32, #tpu.memory_space<vmem>>[vector<16xi32>, vector<16xi32>], vector<16xf32>,
    %add3A_691 = arith.constant 32 : i32
    %add3A_692 = vector.broadcast %add3A_691 : i32 to vector<16xi32>
    %add3A_693 = arith.addi %iota3A, %add3A_692 : vector<16xi32>
    %gather3A_694 = tpu.vector_load_idx %arg12[%add3A_693, %broadcast_in_dim3A_680] : memref<64x128xf32, #tpu.memory_space<vmem>>[vector<16xi32>, vector<16xi32>], vector<16xf32>,
    tpu.vector_store_idx %arg6[%add3A_693, %broadcast_in_dim3A_682], %gather3A_694 : memref<64x512xf32, #tpu.memory_space<vmem>>[vector<16xi32>, vector<16xi32>], vector<16xf32>,
    %add3A_695 = arith.constant 48 : i32
    %add3A_696 = vector.broadcast %add3A_695 : i32 to vector<16xi32>
    %add3A_697 = arith.addi %iota3A, %add3A_696 : vector<16xi32>
    %gather3A_698 = tpu.vector_load_idx %arg12[%add3A_697, %broadcast_in_dim3A_680] : memref<64x128xf32, #tpu.memory_space<vmem>>[vector<16xi32>, vector<16xi32>], vector<16xf32>,
    tpu.vector_store_idx %arg6[%add3A_697, %broadcast_in_dim3A_682], %gather3A_698 : memref<64x512xf32, #tpu.memory_space<vmem>>[vector<16xi32>, vector<16xi32>], vector<16xf32>,
    %multiple_of3A_699 = arith.constant 496 : i32
    %multiple_of3A_700 = tpu.assume_multiple %multiple_of3A_699, 16 : i32
    %get3A_701 = arith.index_cast %multiple_of3A_700 : i32 to index
    %get3A_702 = tpu.vector_load %arg5[%get3A_701] {strides = array<i32>} : memref<512xi32, #tpu.memory_space<vmem>>, vector<16xi32>,
    %eq3A_703 = arith.constant 15 : i32
    %eq3A_704 = vector.broadcast %eq3A_703 : i32 to vector<16xi32>
    %eq3A_705 = arith.cmpi eq, %iota3A, %eq3A_704 : vector<16xi32>
    %jit3A_706 = arith.constant 0 : i32
    %broadcast_in_dim3A_707 = vector.broadcast %jit3A_706 : i32 to vector<16xi32>
    %select_n3A_708 = arith.select %eq3A_705, %get3A_702, %broadcast_in_dim3A_707 : vector<16xi1>, vector<16xi32>
    %reduce_max3A_709 = arith.constant true
    %reduce_max3A_710 = vector.broadcast %reduce_max3A_709 : i1 to vector<16xi1>
    %reduce_max3A_711 = arith.constant -2147483648 : i32
    %reduce_max3A_712 = vector.broadcast %reduce_max3A_711 : i32 to vector<16xi32>
    %reduce_max3A_713 = arith.xori %select_n3A_708, %reduce_max3A_712 : vector<16xi32>
    %reduce_max3A_714 = tpu.scan <max>, %reduce_max3A_713 masked %reduce_max3A_710 : vector<16xi32>, vector<16xi1> -> vector<16xi32>
    %reduce_max3A_715 = arith.xori %reduce_max3A_714, %reduce_max3A_712 : vector<16xi32>
    %reduce_max3A_716 = vector.extract %reduce_max3A_715[15] : i32 from vector<16xi32>
    %shift_right_arithmetic3A_717 = arith.constant 7 : i32
    %shift_right_arithmetic3A_718 = arith.shrsi %reduce_max3A_716, %shift_right_arithmetic3A_717 : i32
    %mul3A_719 = arith.constant 128 : i32
    %mul3A_720 = arith.muli %shift_right_arithmetic3A_718, %mul3A_719 : i32
    %multiple_of3A_721 = tpu.assume_multiple %mul3A_720, 128 : i32
    %dma_start3A_722 = arith.constant 0 : i32
    %dma_start3A_723 = tpu.memref_slice %arg2[%dma_start3A_722, %multiple_of3A_721] : memref<64x1000000xf32, #tpu.memory_space<hbm>> -> memref<64x128xf32, #tpu.memory_space<hbm>>
    %dma_start3A_724 = arith.constant 0 : i32
    %dma_start3A_725 = tpu.memref_slice %arg2[%dma_start3A_724, %multiple_of3A_721] : memref<64x1000000xf32, #tpu.memory_space<hbm>> -> memref<64x128xf32, #tpu.memory_space<hbm>>
    tpu.enqueue_dma source(%dma_start3A_725 : memref<64x128xf32, #tpu.memory_space<hbm>>) target(%arg12 : memref<64x128xf32, #tpu.memory_space<vmem>>) target_semaphore(%arg23 : memref<!tpu.dma_semaphore, #tpu.memory_space<semaphore_mem>>)
    %dma_wait3A_726 = arith.constant 0 : i32
    %dma_wait3A_727 = arith.constant 0 : i32
    %dma_wait3A_728 = tpu.memref_slice %arg2[%dma_wait3A_726, %dma_wait3A_727] : memref<64x1000000xf32, #tpu.memory_space<hbm>> -> memref<64x128xf32, #tpu.memory_space<hbm>>
    %dma_wait3A_729 = arith.constant 0 : i32
    %dma_wait3A_730 = arith.constant 0 : i32
    %dma_wait3A_731 = tpu.memref_slice %arg2[%dma_wait3A_729, %dma_wait3A_730] : memref<64x1000000xf32, #tpu.memory_space<hbm>> -> memref<64x128xf32, #tpu.memory_space<hbm>>
    tpu.wait_dma2 semaphore(%arg24 : memref<!tpu.dma_semaphore, #tpu.memory_space<semaphore_mem>>) src(%dma_wait3A_731 : memref<64x128xf32, #tpu.memory_space<hbm>>) dst(%arg13 : memref<64x128xf32, #tpu.memory_space<vmem>>)
    %multiple_of3A_732 = arith.constant 496 : i32
    %multiple_of3A_733 = tpu.assume_multiple %multiple_of3A_732, 16 : i32
    %get3A_734 = arith.index_cast %multiple_of3A_733 : i32 to index
    %get3A_735 = tpu.vector_load %arg5[%get3A_734] {strides = array<i32>} : memref<512xi32, #tpu.memory_space<vmem>>, vector<16xi32>,
    %eq3A_736 = arith.constant 5 : i32
    %eq3A_737 = vector.broadcast %eq3A_736 : i32 to vector<16xi32>
    %eq3A_738 = arith.cmpi eq, %iota3A, %eq3A_737 : vector<16xi32>
    %jit3A_739 = arith.constant 0 : i32
    %broadcast_in_dim3A_740 = vector.broadcast %jit3A_739 : i32 to vector<16xi32>
    %select_n3A_741 = arith.select %eq3A_738, %get3A_735, %broadcast_in_dim3A_740 : vector<16xi1>, vector<16xi32>
    %reduce_max3A_742 = arith.constant true
    %reduce_max3A_743 = vector.broadcast %reduce_max3A_742 : i1 to vector<16xi1>
    %reduce_max3A_744 = arith.constant -2147483648 : i32
    %reduce_max3A_745 = vector.broadcast %reduce_max3A_744 : i32 to vector<16xi32>
    %reduce_max3A_746 = arith.xori %select_n3A_741, %reduce_max3A_745 : vector<16xi32>
    %reduce_max3A_747 = tpu.scan <max>, %reduce_max3A_746 masked %reduce_max3A_743 : vector<16xi32>, vector<16xi1> -> vector<16xi32>
    %reduce_max3A_748 = arith.xori %reduce_max3A_747, %reduce_max3A_745 : vector<16xi32>
    %reduce_max3A_749 = vector.extract %reduce_max3A_748[15] : i32 from vector<16xi32>
    %and3A_750 = arith.constant 127 : i32
    %and3A_751 = arith.andi %reduce_max3A_749, %and3A_750 : i32
    %broadcast_in_dim3A_752 = vector.broadcast %and3A_751 : i32 to vector<16xi32>
    %broadcast_in_dim3A_753 = arith.constant 501 : i32
    %broadcast_in_dim3A_754 = vector.broadcast %broadcast_in_dim3A_753 : i32 to vector<16xi32>
    %add3A_755 = arith.constant 0 : i32
    %add3A_756 = vector.broadcast %add3A_755 : i32 to vector<16xi32>
    %add3A_757 = arith.addi %iota3A, %add3A_756 : vector<16xi32>
    %gather3A_758 = tpu.vector_load_idx %arg13[%add3A_757, %broadcast_in_dim3A_752] : memref<64x128xf32, #tpu.memory_space<vmem>>[vector<16xi32>, vector<16xi32>], vector<16xf32>,
    tpu.vector_store_idx %arg6[%add3A_757, %broadcast_in_dim3A_754], %gather3A_758 : memref<64x512xf32, #tpu.memory_space<vmem>>[vector<16xi32>, vector<16xi32>], vector<16xf32>,
    %add3A_759 = arith.constant 16 : i32
    %add3A_760 = vector.broadcast %add3A_759 : i32 to vector<16xi32>
    %add3A_761 = arith.addi %iota3A, %add3A_760 : vector<16xi32>
    %gather3A_762 = tpu.vector_load_idx %arg13[%add3A_761, %broadcast_in_dim3A_752] : memref<64x128xf32, #tpu.memory_space<vmem>>[vector<16xi32>, vector<16xi32>], vector<16xf32>,
    tpu.vector_store_idx %arg6[%add3A_761, %broadcast_in_dim3A_754], %gather3A_762 : memref<64x512xf32, #tpu.memory_space<vmem>>[vector<16xi32>, vector<16xi32>], vector<16xf32>,
    %add3A_763 = arith.constant 32 : i32
    %add3A_764 = vector.broadcast %add3A_763 : i32 to vector<16xi32>
    %add3A_765 = arith.addi %iota3A, %add3A_764 : vector<16xi32>
    %gather3A_766 = tpu.vector_load_idx %arg13[%add3A_765, %broadcast_in_dim3A_752] : memref<64x128xf32, #tpu.memory_space<vmem>>[vector<16xi32>, vector<16xi32>], vector<16xf32>,
    tpu.vector_store_idx %arg6[%add3A_765, %broadcast_in_dim3A_754], %gather3A_766 : memref<64x512xf32, #tpu.memory_space<vmem>>[vector<16xi32>, vector<16xi32>], vector<16xf32>,
    %add3A_767 = arith.constant 48 : i32
    %add3A_768 = vector.broadcast %add3A_767 : i32 to vector<16xi32>
    %add3A_769 = arith.addi %iota3A, %add3A_768 : vector<16xi32>
    %gather3A_770 = tpu.vector_load_idx %arg13[%add3A_769, %broadcast_in_dim3A_752] : memref<64x128xf32, #tpu.memory_space<vmem>>[vector<16xi32>, vector<16xi32>], vector<16xf32>,
    tpu.vector_store_idx %arg6[%add3A_769, %broadcast_in_dim3A_754], %gather3A_770 : memref<64x512xf32, #tpu.memory_space<vmem>>[vector<16xi32>, vector<16xi32>], vector<16xf32>,
    %dma_wait3A_771 = arith.constant 0 : i32
    %dma_wait3A_772 = arith.constant 0 : i32
    %dma_wait3A_773 = tpu.memref_slice %arg2[%dma_wait3A_771, %dma_wait3A_772] : memref<64x1000000xf32, #tpu.memory_space<hbm>> -> memref<64x128xf32, #tpu.memory_space<hbm>>
    %dma_wait3A_774 = arith.constant 0 : i32
    %dma_wait3A_775 = arith.constant 0 : i32
    %dma_wait3A_776 = tpu.memref_slice %arg2[%dma_wait3A_774, %dma_wait3A_775] : memref<64x1000000xf32, #tpu.memory_space<hbm>> -> memref<64x128xf32, #tpu.memory_space<hbm>>
    tpu.wait_dma2 semaphore(%arg25 : memref<!tpu.dma_semaphore, #tpu.memory_space<semaphore_mem>>) src(%dma_wait3A_776 : memref<64x128xf32, #tpu.memory_space<hbm>>) dst(%arg14 : memref<64x128xf32, #tpu.memory_space<vmem>>)
    %multiple_of3A_777 = arith.constant 496 : i32
    %multiple_of3A_778 = tpu.assume_multiple %multiple_of3A_777, 16 : i32
    %get3A_779 = arith.index_cast %multiple_of3A_778 : i32 to index
    %get3A_780 = tpu.vector_load %arg5[%get3A_779] {strides = array<i32>} : memref<512xi32, #tpu.memory_space<vmem>>, vector<16xi32>,
    %eq3A_781 = arith.constant 6 : i32
    %eq3A_782 = vector.broadcast %eq3A_781 : i32 to vector<16xi32>
    %eq3A_783 = arith.cmpi eq, %iota3A, %eq3A_782 : vector<16xi32>
    %jit3A_784 = arith.constant 0 : i32
    %broadcast_in_dim3A_785 = vector.broadcast %jit3A_784 : i32 to vector<16xi32>
    %select_n3A_786 = arith.select %eq3A_783, %get3A_780, %broadcast_in_dim3A_785 : vector<16xi1>, vector<16xi32>
    %reduce_max3A_787 = arith.constant true
    %reduce_max3A_788 = vector.broadcast %reduce_max3A_787 : i1 to vector<16xi1>
    %reduce_max3A_789 = arith.constant -2147483648 : i32
    %reduce_max3A_790 = vector.broadcast %reduce_max3A_789 : i32 to vector<16xi32>
    %reduce_max3A_791 = arith.xori %select_n3A_786, %reduce_max3A_790 : vector<16xi32>
    %reduce_max3A_792 = tpu.scan <max>, %reduce_max3A_791 masked %reduce_max3A_788 : vector<16xi32>, vector<16xi1> -> vector<16xi32>
    %reduce_max3A_793 = arith.xori %reduce_max3A_792, %reduce_max3A_790 : vector<16xi32>
    %reduce_max3A_794 = vector.extract %reduce_max3A_793[15] : i32 from vector<16xi32>
    %and3A_795 = arith.constant 127 : i32
    %and3A_796 = arith.andi %reduce_max3A_794, %and3A_795 : i32
    %broadcast_in_dim3A_797 = vector.broadcast %and3A_796 : i32 to vector<16xi32>
    %broadcast_in_dim3A_798 = arith.constant 502 : i32
    %broadcast_in_dim3A_799 = vector.broadcast %broadcast_in_dim3A_798 : i32 to vector<16xi32>
    %add3A_800 = arith.constant 0 : i32
    %add3A_801 = vector.broadcast %add3A_800 : i32 to vector<16xi32>
    %add3A_802 = arith.addi %iota3A, %add3A_801 : vector<16xi32>
    %gather3A_803 = tpu.vector_load_idx %arg14[%add3A_802, %broadcast_in_dim3A_797] : memref<64x128xf32, #tpu.memory_space<vmem>>[vector<16xi32>, vector<16xi32>], vector<16xf32>,
    tpu.vector_store_idx %arg6[%add3A_802, %broadcast_in_dim3A_799], %gather3A_803 : memref<64x512xf32, #tpu.memory_space<vmem>>[vector<16xi32>, vector<16xi32>], vector<16xf32>,
    %add3A_804 = arith.constant 16 : i32
    %add3A_805 = vector.broadcast %add3A_804 : i32 to vector<16xi32>
    %add3A_806 = arith.addi %iota3A, %add3A_805 : vector<16xi32>
    %gather3A_807 = tpu.vector_load_idx %arg14[%add3A_806, %broadcast_in_dim3A_797] : memref<64x128xf32, #tpu.memory_space<vmem>>[vector<16xi32>, vector<16xi32>], vector<16xf32>,
    tpu.vector_store_idx %arg6[%add3A_806, %broadcast_in_dim3A_799], %gather3A_807 : memref<64x512xf32, #tpu.memory_space<vmem>>[vector<16xi32>, vector<16xi32>], vector<16xf32>,
    %add3A_808 = arith.constant 32 : i32
    %add3A_809 = vector.broadcast %add3A_808 : i32 to vector<16xi32>
    %add3A_810 = arith.addi %iota3A, %add3A_809 : vector<16xi32>
    %gather3A_811 = tpu.vector_load_idx %arg14[%add3A_810, %broadcast_in_dim3A_797] : memref<64x128xf32, #tpu.memory_space<vmem>>[vector<16xi32>, vector<16xi32>], vector<16xf32>,
    tpu.vector_store_idx %arg6[%add3A_810, %broadcast_in_dim3A_799], %gather3A_811 : memref<64x512xf32, #tpu.memory_space<vmem>>[vector<16xi32>, vector<16xi32>], vector<16xf32>,
    %add3A_812 = arith.constant 48 : i32
    %add3A_813 = vector.broadcast %add3A_812 : i32 to vector<16xi32>
    %add3A_814 = arith.addi %iota3A, %add3A_813 : vector<16xi32>
    %gather3A_815 = tpu.vector_load_idx %arg14[%add3A_814, %broadcast_in_dim3A_797] : memref<64x128xf32, #tpu.memory_space<vmem>>[vector<16xi32>, vector<16xi32>], vector<16xf32>,
    tpu.vector_store_idx %arg6[%add3A_814, %broadcast_in_dim3A_799], %gather3A_815 : memref<64x512xf32, #tpu.memory_space<vmem>>[vector<16xi32>, vector<16xi32>], vector<16xf32>,
    %dma_wait3A_816 = arith.constant 0 : i32
    %dma_wait3A_817 = arith.constant 0 : i32
    %dma_wait3A_818 = tpu.memref_slice %arg2[%dma_wait3A_816, %dma_wait3A_817] : memref<64x1000000xf32, #tpu.memory_space<hbm>> -> memref<64x128xf32, #tpu.memory_space<hbm>>
    %dma_wait3A_819 = arith.constant 0 : i32
    %dma_wait3A_820 = arith.constant 0 : i32
    %dma_wait3A_821 = tpu.memref_slice %arg2[%dma_wait3A_819, %dma_wait3A_820] : memref<64x1000000xf32, #tpu.memory_space<hbm>> -> memref<64x128xf32, #tpu.memory_space<hbm>>
    tpu.wait_dma2 semaphore(%arg26 : memref<!tpu.dma_semaphore, #tpu.memory_space<semaphore_mem>>) src(%dma_wait3A_821 : memref<64x128xf32, #tpu.memory_space<hbm>>) dst(%arg15 : memref<64x128xf32, #tpu.memory_space<vmem>>)
    %multiple_of3A_822 = arith.constant 496 : i32
    %multiple_of3A_823 = tpu.assume_multiple %multiple_of3A_822, 16 : i32
    %get3A_824 = arith.index_cast %multiple_of3A_823 : i32 to index
    %get3A_825 = tpu.vector_load %arg5[%get3A_824] {strides = array<i32>} : memref<512xi32, #tpu.memory_space<vmem>>, vector<16xi32>,
    %eq3A_826 = arith.constant 7 : i32
    %eq3A_827 = vector.broadcast %eq3A_826 : i32 to vector<16xi32>
    %eq3A_828 = arith.cmpi eq, %iota3A, %eq3A_827 : vector<16xi32>
    %jit3A_829 = arith.constant 0 : i32
    %broadcast_in_dim3A_830 = vector.broadcast %jit3A_829 : i32 to vector<16xi32>
    %select_n3A_831 = arith.select %eq3A_828, %get3A_825, %broadcast_in_dim3A_830 : vector<16xi1>, vector<16xi32>
    %reduce_max3A_832 = arith.constant true
    %reduce_max3A_833 = vector.broadcast %reduce_max3A_832 : i1 to vector<16xi1>
    %reduce_max3A_834 = arith.constant -2147483648 : i32
    %reduce_max3A_835 = vector.broadcast %reduce_max3A_834 : i32 to vector<16xi32>
    %reduce_max3A_836 = arith.xori %select_n3A_831, %reduce_max3A_835 : vector<16xi32>
    %reduce_max3A_837 = tpu.scan <max>, %reduce_max3A_836 masked %reduce_max3A_833 : vector<16xi32>, vector<16xi1> -> vector<16xi32>
    %reduce_max3A_838 = arith.xori %reduce_max3A_837, %reduce_max3A_835 : vector<16xi32>
    %reduce_max3A_839 = vector.extract %reduce_max3A_838[15] : i32 from vector<16xi32>
    %and3A_840 = arith.constant 127 : i32
    %and3A_841 = arith.andi %reduce_max3A_839, %and3A_840 : i32
    %broadcast_in_dim3A_842 = vector.broadcast %and3A_841 : i32 to vector<16xi32>
    %broadcast_in_dim3A_843 = arith.constant 503 : i32
    %broadcast_in_dim3A_844 = vector.broadcast %broadcast_in_dim3A_843 : i32 to vector<16xi32>
    %add3A_845 = arith.constant 0 : i32
    %add3A_846 = vector.broadcast %add3A_845 : i32 to vector<16xi32>
    %add3A_847 = arith.addi %iota3A, %add3A_846 : vector<16xi32>
    %gather3A_848 = tpu.vector_load_idx %arg15[%add3A_847, %broadcast_in_dim3A_842] : memref<64x128xf32, #tpu.memory_space<vmem>>[vector<16xi32>, vector<16xi32>], vector<16xf32>,
    tpu.vector_store_idx %arg6[%add3A_847, %broadcast_in_dim3A_844], %gather3A_848 : memref<64x512xf32, #tpu.memory_space<vmem>>[vector<16xi32>, vector<16xi32>], vector<16xf32>,
    %add3A_849 = arith.constant 16 : i32
    %add3A_850 = vector.broadcast %add3A_849 : i32 to vector<16xi32>
    %add3A_851 = arith.addi %iota3A, %add3A_850 : vector<16xi32>
    %gather3A_852 = tpu.vector_load_idx %arg15[%add3A_851, %broadcast_in_dim3A_842] : memref<64x128xf32, #tpu.memory_space<vmem>>[vector<16xi32>, vector<16xi32>], vector<16xf32>,
    tpu.vector_store_idx %arg6[%add3A_851, %broadcast_in_dim3A_844], %gather3A_852 : memref<64x512xf32, #tpu.memory_space<vmem>>[vector<16xi32>, vector<16xi32>], vector<16xf32>,
    %add3A_853 = arith.constant 32 : i32
    %add3A_854 = vector.broadcast %add3A_853 : i32 to vector<16xi32>
    %add3A_855 = arith.addi %iota3A, %add3A_854 : vector<16xi32>
    %gather3A_856 = tpu.vector_load_idx %arg15[%add3A_855, %broadcast_in_dim3A_842] : memref<64x128xf32, #tpu.memory_space<vmem>>[vector<16xi32>, vector<16xi32>], vector<16xf32>,
    tpu.vector_store_idx %arg6[%add3A_855, %broadcast_in_dim3A_844], %gather3A_856 : memref<64x512xf32, #tpu.memory_space<vmem>>[vector<16xi32>, vector<16xi32>], vector<16xf32>,
    %add3A_857 = arith.constant 48 : i32
    %add3A_858 = vector.broadcast %add3A_857 : i32 to vector<16xi32>
    %add3A_859 = arith.addi %iota3A, %add3A_858 : vector<16xi32>
    %gather3A_860 = tpu.vector_load_idx %arg15[%add3A_859, %broadcast_in_dim3A_842] : memref<64x128xf32, #tpu.memory_space<vmem>>[vector<16xi32>, vector<16xi32>], vector<16xf32>,
    tpu.vector_store_idx %arg6[%add3A_859, %broadcast_in_dim3A_844], %gather3A_860 : memref<64x512xf32, #tpu.memory_space<vmem>>[vector<16xi32>, vector<16xi32>], vector<16xf32>,
    %dma_wait3A_861 = arith.constant 0 : i32
    %dma_wait3A_862 = arith.constant 0 : i32
    %dma_wait3A_863 = tpu.memref_slice %arg2[%dma_wait3A_861, %dma_wait3A_862] : memref<64x1000000xf32, #tpu.memory_space<hbm>> -> memref<64x128xf32, #tpu.memory_space<hbm>>
    %dma_wait3A_864 = arith.constant 0 : i32
    %dma_wait3A_865 = arith.constant 0 : i32
    %dma_wait3A_866 = tpu.memref_slice %arg2[%dma_wait3A_864, %dma_wait3A_865] : memref<64x1000000xf32, #tpu.memory_space<hbm>> -> memref<64x128xf32, #tpu.memory_space<hbm>>
    tpu.wait_dma2 semaphore(%arg27 : memref<!tpu.dma_semaphore, #tpu.memory_space<semaphore_mem>>) src(%dma_wait3A_866 : memref<64x128xf32, #tpu.memory_space<hbm>>) dst(%arg16 : memref<64x128xf32, #tpu.memory_space<vmem>>)
    %multiple_of3A_867 = arith.constant 496 : i32
    %multiple_of3A_868 = tpu.assume_multiple %multiple_of3A_867, 16 : i32
    %get3A_869 = arith.index_cast %multiple_of3A_868 : i32 to index
    %get3A_870 = tpu.vector_load %arg5[%get3A_869] {strides = array<i32>} : memref<512xi32, #tpu.memory_space<vmem>>, vector<16xi32>,
    %eq3A_871 = arith.constant 8 : i32
    %eq3A_872 = vector.broadcast %eq3A_871 : i32 to vector<16xi32>
    %eq3A_873 = arith.cmpi eq, %iota3A, %eq3A_872 : vector<16xi32>
    %jit3A_874 = arith.constant 0 : i32
    %broadcast_in_dim3A_875 = vector.broadcast %jit3A_874 : i32 to vector<16xi32>
    %select_n3A_876 = arith.select %eq3A_873, %get3A_870, %broadcast_in_dim3A_875 : vector<16xi1>, vector<16xi32>
    %reduce_max3A_877 = arith.constant true
    %reduce_max3A_878 = vector.broadcast %reduce_max3A_877 : i1 to vector<16xi1>
    %reduce_max3A_879 = arith.constant -2147483648 : i32
    %reduce_max3A_880 = vector.broadcast %reduce_max3A_879 : i32 to vector<16xi32>
    %reduce_max3A_881 = arith.xori %select_n3A_876, %reduce_max3A_880 : vector<16xi32>
    %reduce_max3A_882 = tpu.scan <max>, %reduce_max3A_881 masked %reduce_max3A_878 : vector<16xi32>, vector<16xi1> -> vector<16xi32>
    %reduce_max3A_883 = arith.xori %reduce_max3A_882, %reduce_max3A_880 : vector<16xi32>
    %reduce_max3A_884 = vector.extract %reduce_max3A_883[15] : i32 from vector<16xi32>
    %and3A_885 = arith.constant 127 : i32
    %and3A_886 = arith.andi %reduce_max3A_884, %and3A_885 : i32
    %broadcast_in_dim3A_887 = vector.broadcast %and3A_886 : i32 to vector<16xi32>
    %broadcast_in_dim3A_888 = arith.constant 504 : i32
    %broadcast_in_dim3A_889 = vector.broadcast %broadcast_in_dim3A_888 : i32 to vector<16xi32>
    %add3A_890 = arith.constant 0 : i32
    %add3A_891 = vector.broadcast %add3A_890 : i32 to vector<16xi32>
    %add3A_892 = arith.addi %iota3A, %add3A_891 : vector<16xi32>
    %gather3A_893 = tpu.vector_load_idx %arg16[%add3A_892, %broadcast_in_dim3A_887] : memref<64x128xf32, #tpu.memory_space<vmem>>[vector<16xi32>, vector<16xi32>], vector<16xf32>,
    tpu.vector_store_idx %arg6[%add3A_892, %broadcast_in_dim3A_889], %gather3A_893 : memref<64x512xf32, #tpu.memory_space<vmem>>[vector<16xi32>, vector<16xi32>], vector<16xf32>,
    %add3A_894 = arith.constant 16 : i32
    %add3A_895 = vector.broadcast %add3A_894 : i32 to vector<16xi32>
    %add3A_896 = arith.addi %iota3A, %add3A_895 : vector<16xi32>
    %gather3A_897 = tpu.vector_load_idx %arg16[%add3A_896, %broadcast_in_dim3A_887] : memref<64x128xf32, #tpu.memory_space<vmem>>[vector<16xi32>, vector<16xi32>], vector<16xf32>,
    tpu.vector_store_idx %arg6[%add3A_896, %broadcast_in_dim3A_889], %gather3A_897 : memref<64x512xf32, #tpu.memory_space<vmem>>[vector<16xi32>, vector<16xi32>], vector<16xf32>,
    %add3A_898 = arith.constant 32 : i32
    %add3A_899 = vector.broadcast %add3A_898 : i32 to vector<16xi32>
    %add3A_900 = arith.addi %iota3A, %add3A_899 : vector<16xi32>
    %gather3A_901 = tpu.vector_load_idx %arg16[%add3A_900, %broadcast_in_dim3A_887] : memref<64x128xf32, #tpu.memory_space<vmem>>[vector<16xi32>, vector<16xi32>], vector<16xf32>,
    tpu.vector_store_idx %arg6[%add3A_900, %broadcast_in_dim3A_889], %gather3A_901 : memref<64x512xf32, #tpu.memory_space<vmem>>[vector<16xi32>, vector<16xi32>], vector<16xf32>,
    %add3A_902 = arith.constant 48 : i32
    %add3A_903 = vector.broadcast %add3A_902 : i32 to vector<16xi32>
    %add3A_904 = arith.addi %iota3A, %add3A_903 : vector<16xi32>
    %gather3A_905 = tpu.vector_load_idx %arg16[%add3A_904, %broadcast_in_dim3A_887] : memref<64x128xf32, #tpu.memory_space<vmem>>[vector<16xi32>, vector<16xi32>], vector<16xf32>,
    tpu.vector_store_idx %arg6[%add3A_904, %broadcast_in_dim3A_889], %gather3A_905 : memref<64x512xf32, #tpu.memory_space<vmem>>[vector<16xi32>, vector<16xi32>], vector<16xf32>,
    %dma_wait3A_906 = arith.constant 0 : i32
    %dma_wait3A_907 = arith.constant 0 : i32
    %dma_wait3A_908 = tpu.memref_slice %arg2[%dma_wait3A_906, %dma_wait3A_907] : memref<64x1000000xf32, #tpu.memory_space<hbm>> -> memref<64x128xf32, #tpu.memory_space<hbm>>
    %dma_wait3A_909 = arith.constant 0 : i32
    %dma_wait3A_910 = arith.constant 0 : i32
    %dma_wait3A_911 = tpu.memref_slice %arg2[%dma_wait3A_909, %dma_wait3A_910] : memref<64x1000000xf32, #tpu.memory_space<hbm>> -> memref<64x128xf32, #tpu.memory_space<hbm>>
    tpu.wait_dma2 semaphore(%arg28 : memref<!tpu.dma_semaphore, #tpu.memory_space<semaphore_mem>>) src(%dma_wait3A_911 : memref<64x128xf32, #tpu.memory_space<hbm>>) dst(%arg17 : memref<64x128xf32, #tpu.memory_space<vmem>>)
    %multiple_of3A_912 = arith.constant 496 : i32
    %multiple_of3A_913 = tpu.assume_multiple %multiple_of3A_912, 16 : i32
    %get3A_914 = arith.index_cast %multiple_of3A_913 : i32 to index
    %get3A_915 = tpu.vector_load %arg5[%get3A_914] {strides = array<i32>} : memref<512xi32, #tpu.memory_space<vmem>>, vector<16xi32>,
    %eq3A_916 = arith.constant 9 : i32
    %eq3A_917 = vector.broadcast %eq3A_916 : i32 to vector<16xi32>
    %eq3A_918 = arith.cmpi eq, %iota3A, %eq3A_917 : vector<16xi32>
    %jit3A_919 = arith.constant 0 : i32
    %broadcast_in_dim3A_920 = vector.broadcast %jit3A_919 : i32 to vector<16xi32>
    %select_n3A_921 = arith.select %eq3A_918, %get3A_915, %broadcast_in_dim3A_920 : vector<16xi1>, vector<16xi32>
    %reduce_max3A_922 = arith.constant true
    %reduce_max3A_923 = vector.broadcast %reduce_max3A_922 : i1 to vector<16xi1>
    %reduce_max3A_924 = arith.constant -2147483648 : i32
    %reduce_max3A_925 = vector.broadcast %reduce_max3A_924 : i32 to vector<16xi32>
    %reduce_max3A_926 = arith.xori %select_n3A_921, %reduce_max3A_925 : vector<16xi32>
    %reduce_max3A_927 = tpu.scan <max>, %reduce_max3A_926 masked %reduce_max3A_923 : vector<16xi32>, vector<16xi1> -> vector<16xi32>
    %reduce_max3A_928 = arith.xori %reduce_max3A_927, %reduce_max3A_925 : vector<16xi32>
    %reduce_max3A_929 = vector.extract %reduce_max3A_928[15] : i32 from vector<16xi32>
    %and3A_930 = arith.constant 127 : i32
    %and3A_931 = arith.andi %reduce_max3A_929, %and3A_930 : i32
    %broadcast_in_dim3A_932 = vector.broadcast %and3A_931 : i32 to vector<16xi32>
    %broadcast_in_dim3A_933 = arith.constant 505 : i32
    %broadcast_in_dim3A_934 = vector.broadcast %broadcast_in_dim3A_933 : i32 to vector<16xi32>
    %add3A_935 = arith.constant 0 : i32
    %add3A_936 = vector.broadcast %add3A_935 : i32 to vector<16xi32>
    %add3A_937 = arith.addi %iota3A, %add3A_936 : vector<16xi32>
    %gather3A_938 = tpu.vector_load_idx %arg17[%add3A_937, %broadcast_in_dim3A_932] : memref<64x128xf32, #tpu.memory_space<vmem>>[vector<16xi32>, vector<16xi32>], vector<16xf32>,
    tpu.vector_store_idx %arg6[%add3A_937, %broadcast_in_dim3A_934], %gather3A_938 : memref<64x512xf32, #tpu.memory_space<vmem>>[vector<16xi32>, vector<16xi32>], vector<16xf32>,
    %add3A_939 = arith.constant 16 : i32
    %add3A_940 = vector.broadcast %add3A_939 : i32 to vector<16xi32>
    %add3A_941 = arith.addi %iota3A, %add3A_940 : vector<16xi32>
    %gather3A_942 = tpu.vector_load_idx %arg17[%add3A_941, %broadcast_in_dim3A_932] : memref<64x128xf32, #tpu.memory_space<vmem>>[vector<16xi32>, vector<16xi32>], vector<16xf32>,
    tpu.vector_store_idx %arg6[%add3A_941, %broadcast_in_dim3A_934], %gather3A_942 : memref<64x512xf32, #tpu.memory_space<vmem>>[vector<16xi32>, vector<16xi32>], vector<16xf32>,
    %add3A_943 = arith.constant 32 : i32
    %add3A_944 = vector.broadcast %add3A_943 : i32 to vector<16xi32>
    %add3A_945 = arith.addi %iota3A, %add3A_944 : vector<16xi32>
    %gather3A_946 = tpu.vector_load_idx %arg17[%add3A_945, %broadcast_in_dim3A_932] : memref<64x128xf32, #tpu.memory_space<vmem>>[vector<16xi32>, vector<16xi32>], vector<16xf32>,
    tpu.vector_store_idx %arg6[%add3A_945, %broadcast_in_dim3A_934], %gather3A_946 : memref<64x512xf32, #tpu.memory_space<vmem>>[vector<16xi32>, vector<16xi32>], vector<16xf32>,
    %add3A_947 = arith.constant 48 : i32
    %add3A_948 = vector.broadcast %add3A_947 : i32 to vector<16xi32>
    %add3A_949 = arith.addi %iota3A, %add3A_948 : vector<16xi32>
    %gather3A_950 = tpu.vector_load_idx %arg17[%add3A_949, %broadcast_in_dim3A_932] : memref<64x128xf32, #tpu.memory_space<vmem>>[vector<16xi32>, vector<16xi32>], vector<16xf32>,
    tpu.vector_store_idx %arg6[%add3A_949, %broadcast_in_dim3A_934], %gather3A_950 : memref<64x512xf32, #tpu.memory_space<vmem>>[vector<16xi32>, vector<16xi32>], vector<16xf32>,
    %dma_wait3A_951 = arith.constant 0 : i32
    %dma_wait3A_952 = arith.constant 0 : i32
    %dma_wait3A_953 = tpu.memref_slice %arg2[%dma_wait3A_951, %dma_wait3A_952] : memref<64x1000000xf32, #tpu.memory_space<hbm>> -> memref<64x128xf32, #tpu.memory_space<hbm>>
    %dma_wait3A_954 = arith.constant 0 : i32
    %dma_wait3A_955 = arith.constant 0 : i32
    %dma_wait3A_956 = tpu.memref_slice %arg2[%dma_wait3A_954, %dma_wait3A_955] : memref<64x1000000xf32, #tpu.memory_space<hbm>> -> memref<64x128xf32, #tpu.memory_space<hbm>>
    tpu.wait_dma2 semaphore(%arg18 : memref<!tpu.dma_semaphore, #tpu.memory_space<semaphore_mem>>) src(%dma_wait3A_956 : memref<64x128xf32, #tpu.memory_space<hbm>>) dst(%arg7 : memref<64x128xf32, #tpu.memory_space<vmem>>)
    %multiple_of3A_957 = arith.constant 496 : i32
    %multiple_of3A_958 = tpu.assume_multiple %multiple_of3A_957, 16 : i32
    %get3A_959 = arith.index_cast %multiple_of3A_958 : i32 to index
    %get3A_960 = tpu.vector_load %arg5[%get3A_959] {strides = array<i32>} : memref<512xi32, #tpu.memory_space<vmem>>, vector<16xi32>,
    %eq3A_961 = arith.constant 10 : i32
    %eq3A_962 = vector.broadcast %eq3A_961 : i32 to vector<16xi32>
    %eq3A_963 = arith.cmpi eq, %iota3A, %eq3A_962 : vector<16xi32>
    %jit3A_964 = arith.constant 0 : i32
    %broadcast_in_dim3A_965 = vector.broadcast %jit3A_964 : i32 to vector<16xi32>
    %select_n3A_966 = arith.select %eq3A_963, %get3A_960, %broadcast_in_dim3A_965 : vector<16xi1>, vector<16xi32>
    %reduce_max3A_967 = arith.constant true
    %reduce_max3A_968 = vector.broadcast %reduce_max3A_967 : i1 to vector<16xi1>
    %reduce_max3A_969 = arith.constant -2147483648 : i32
    %reduce_max3A_970 = vector.broadcast %reduce_max3A_969 : i32 to vector<16xi32>
    %reduce_max3A_971 = arith.xori %select_n3A_966, %reduce_max3A_970 : vector<16xi32>
    %reduce_max3A_972 = tpu.scan <max>, %reduce_max3A_971 masked %reduce_max3A_968 : vector<16xi32>, vector<16xi1> -> vector<16xi32>
    %reduce_max3A_973 = arith.xori %reduce_max3A_972, %reduce_max3A_970 : vector<16xi32>
    %reduce_max3A_974 = vector.extract %reduce_max3A_973[15] : i32 from vector<16xi32>
    %and3A_975 = arith.constant 127 : i32
    %and3A_976 = arith.andi %reduce_max3A_974, %and3A_975 : i32
    %broadcast_in_dim3A_977 = vector.broadcast %and3A_976 : i32 to vector<16xi32>
    %broadcast_in_dim3A_978 = arith.constant 506 : i32
    %broadcast_in_dim3A_979 = vector.broadcast %broadcast_in_dim3A_978 : i32 to vector<16xi32>
    %add3A_980 = arith.constant 0 : i32
    %add3A_981 = vector.broadcast %add3A_980 : i32 to vector<16xi32>
    %add3A_982 = arith.addi %iota3A, %add3A_981 : vector<16xi32>
    %gather3A_983 = tpu.vector_load_idx %arg7[%add3A_982, %broadcast_in_dim3A_977] : memref<64x128xf32, #tpu.memory_space<vmem>>[vector<16xi32>, vector<16xi32>], vector<16xf32>,
    tpu.vector_store_idx %arg6[%add3A_982, %broadcast_in_dim3A_979], %gather3A_983 : memref<64x512xf32, #tpu.memory_space<vmem>>[vector<16xi32>, vector<16xi32>], vector<16xf32>,
    %add3A_984 = arith.constant 16 : i32
    %add3A_985 = vector.broadcast %add3A_984 : i32 to vector<16xi32>
    %add3A_986 = arith.addi %iota3A, %add3A_985 : vector<16xi32>
    %gather3A_987 = tpu.vector_load_idx %arg7[%add3A_986, %broadcast_in_dim3A_977] : memref<64x128xf32, #tpu.memory_space<vmem>>[vector<16xi32>, vector<16xi32>], vector<16xf32>,
    tpu.vector_store_idx %arg6[%add3A_986, %broadcast_in_dim3A_979], %gather3A_987 : memref<64x512xf32, #tpu.memory_space<vmem>>[vector<16xi32>, vector<16xi32>], vector<16xf32>,
    %add3A_988 = arith.constant 32 : i32
    %add3A_989 = vector.broadcast %add3A_988 : i32 to vector<16xi32>
    %add3A_990 = arith.addi %iota3A, %add3A_989 : vector<16xi32>
    %gather3A_991 = tpu.vector_load_idx %arg7[%add3A_990, %broadcast_in_dim3A_977] : memref<64x128xf32, #tpu.memory_space<vmem>>[vector<16xi32>, vector<16xi32>], vector<16xf32>,
    tpu.vector_store_idx %arg6[%add3A_990, %broadcast_in_dim3A_979], %gather3A_991 : memref<64x512xf32, #tpu.memory_space<vmem>>[vector<16xi32>, vector<16xi32>], vector<16xf32>,
    %add3A_992 = arith.constant 48 : i32
    %add3A_993 = vector.broadcast %add3A_992 : i32 to vector<16xi32>
    %add3A_994 = arith.addi %iota3A, %add3A_993 : vector<16xi32>
    %gather3A_995 = tpu.vector_load_idx %arg7[%add3A_994, %broadcast_in_dim3A_977] : memref<64x128xf32, #tpu.memory_space<vmem>>[vector<16xi32>, vector<16xi32>], vector<16xf32>,
    tpu.vector_store_idx %arg6[%add3A_994, %broadcast_in_dim3A_979], %gather3A_995 : memref<64x512xf32, #tpu.memory_space<vmem>>[vector<16xi32>, vector<16xi32>], vector<16xf32>,
    %dma_wait3A_996 = arith.constant 0 : i32
    %dma_wait3A_997 = arith.constant 0 : i32
    %dma_wait3A_998 = tpu.memref_slice %arg2[%dma_wait3A_996, %dma_wait3A_997] : memref<64x1000000xf32, #tpu.memory_space<hbm>> -> memref<64x128xf32, #tpu.memory_space<hbm>>
    %dma_wait3A_999 = arith.constant 0 : i32
    %dma_wait3A_1000 = arith.constant 0 : i32
    %dma_wait3A_1001 = tpu.memref_slice %arg2[%dma_wait3A_999, %dma_wait3A_1000] : memref<64x1000000xf32, #tpu.memory_space<hbm>> -> memref<64x128xf32, #tpu.memory_space<hbm>>
    tpu.wait_dma2 semaphore(%arg19 : memref<!tpu.dma_semaphore, #tpu.memory_space<semaphore_mem>>) src(%dma_wait3A_1001 : memref<64x128xf32, #tpu.memory_space<hbm>>) dst(%arg8 : memref<64x128xf32, #tpu.memory_space<vmem>>)
    %multiple_of3A_1002 = arith.constant 496 : i32
    %multiple_of3A_1003 = tpu.assume_multiple %multiple_of3A_1002, 16 : i32
    %get3A_1004 = arith.index_cast %multiple_of3A_1003 : i32 to index
    %get3A_1005 = tpu.vector_load %arg5[%get3A_1004] {strides = array<i32>} : memref<512xi32, #tpu.memory_space<vmem>>, vector<16xi32>,
    %eq3A_1006 = arith.constant 11 : i32
    %eq3A_1007 = vector.broadcast %eq3A_1006 : i32 to vector<16xi32>
    %eq3A_1008 = arith.cmpi eq, %iota3A, %eq3A_1007 : vector<16xi32>
    %jit3A_1009 = arith.constant 0 : i32
    %broadcast_in_dim3A_1010 = vector.broadcast %jit3A_1009 : i32 to vector<16xi32>
    %select_n3A_1011 = arith.select %eq3A_1008, %get3A_1005, %broadcast_in_dim3A_1010 : vector<16xi1>, vector<16xi32>
    %reduce_max3A_1012 = arith.constant true
    %reduce_max3A_1013 = vector.broadcast %reduce_max3A_1012 : i1 to vector<16xi1>
    %reduce_max3A_1014 = arith.constant -2147483648 : i32
    %reduce_max3A_1015 = vector.broadcast %reduce_max3A_1014 : i32 to vector<16xi32>
    %reduce_max3A_1016 = arith.xori %select_n3A_1011, %reduce_max3A_1015 : vector<16xi32>
    %reduce_max3A_1017 = tpu.scan <max>, %reduce_max3A_1016 masked %reduce_max3A_1013 : vector<16xi32>, vector<16xi1> -> vector<16xi32>
    %reduce_max3A_1018 = arith.xori %reduce_max3A_1017, %reduce_max3A_1015 : vector<16xi32>
    %reduce_max3A_1019 = vector.extract %reduce_max3A_1018[15] : i32 from vector<16xi32>
    %and3A_1020 = arith.constant 127 : i32
    %and3A_1021 = arith.andi %reduce_max3A_1019, %and3A_1020 : i32
    %broadcast_in_dim3A_1022 = vector.broadcast %and3A_1021 : i32 to vector<16xi32>
    %broadcast_in_dim3A_1023 = arith.constant 507 : i32
    %broadcast_in_dim3A_1024 = vector.broadcast %broadcast_in_dim3A_1023 : i32 to vector<16xi32>
    %add3A_1025 = arith.constant 0 : i32
    %add3A_1026 = vector.broadcast %add3A_1025 : i32 to vector<16xi32>
    %add3A_1027 = arith.addi %iota3A, %add3A_1026 : vector<16xi32>
    %gather3A_1028 = tpu.vector_load_idx %arg8[%add3A_1027, %broadcast_in_dim3A_1022] : memref<64x128xf32, #tpu.memory_space<vmem>>[vector<16xi32>, vector<16xi32>], vector<16xf32>,
    tpu.vector_store_idx %arg6[%add3A_1027, %broadcast_in_dim3A_1024], %gather3A_1028 : memref<64x512xf32, #tpu.memory_space<vmem>>[vector<16xi32>, vector<16xi32>], vector<16xf32>,
    %add3A_1029 = arith.constant 16 : i32
    %add3A_1030 = vector.broadcast %add3A_1029 : i32 to vector<16xi32>
    %add3A_1031 = arith.addi %iota3A, %add3A_1030 : vector<16xi32>
    %gather3A_1032 = tpu.vector_load_idx %arg8[%add3A_1031, %broadcast_in_dim3A_1022] : memref<64x128xf32, #tpu.memory_space<vmem>>[vector<16xi32>, vector<16xi32>], vector<16xf32>,
    tpu.vector_store_idx %arg6[%add3A_1031, %broadcast_in_dim3A_1024], %gather3A_1032 : memref<64x512xf32, #tpu.memory_space<vmem>>[vector<16xi32>, vector<16xi32>], vector<16xf32>,
    %add3A_1033 = arith.constant 32 : i32
    %add3A_1034 = vector.broadcast %add3A_1033 : i32 to vector<16xi32>
    %add3A_1035 = arith.addi %iota3A, %add3A_1034 : vector<16xi32>
    %gather3A_1036 = tpu.vector_load_idx %arg8[%add3A_1035, %broadcast_in_dim3A_1022] : memref<64x128xf32, #tpu.memory_space<vmem>>[vector<16xi32>, vector<16xi32>], vector<16xf32>,
    tpu.vector_store_idx %arg6[%add3A_1035, %broadcast_in_dim3A_1024], %gather3A_1036 : memref<64x512xf32, #tpu.memory_space<vmem>>[vector<16xi32>, vector<16xi32>], vector<16xf32>,
    %add3A_1037 = arith.constant 48 : i32
    %add3A_1038 = vector.broadcast %add3A_1037 : i32 to vector<16xi32>
    %add3A_1039 = arith.addi %iota3A, %add3A_1038 : vector<16xi32>
    %gather3A_1040 = tpu.vector_load_idx %arg8[%add3A_1039, %broadcast_in_dim3A_1022] : memref<64x128xf32, #tpu.memory_space<vmem>>[vector<16xi32>, vector<16xi32>], vector<16xf32>,
    tpu.vector_store_idx %arg6[%add3A_1039, %broadcast_in_dim3A_1024], %gather3A_1040 : memref<64x512xf32, #tpu.memory_space<vmem>>[vector<16xi32>, vector<16xi32>], vector<16xf32>,
    %dma_wait3A_1041 = arith.constant 0 : i32
    %dma_wait3A_1042 = arith.constant 0 : i32
    %dma_wait3A_1043 = tpu.memref_slice %arg2[%dma_wait3A_1041, %dma_wait3A_1042] : memref<64x1000000xf32, #tpu.memory_space<hbm>> -> memref<64x128xf32, #tpu.memory_space<hbm>>
    %dma_wait3A_1044 = arith.constant 0 : i32
    %dma_wait3A_1045 = arith.constant 0 : i32
    %dma_wait3A_1046 = tpu.memref_slice %arg2[%dma_wait3A_1044, %dma_wait3A_1045] : memref<64x1000000xf32, #tpu.memory_space<hbm>> -> memref<64x128xf32, #tpu.memory_space<hbm>>
    tpu.wait_dma2 semaphore(%arg20 : memref<!tpu.dma_semaphore, #tpu.memory_space<semaphore_mem>>) src(%dma_wait3A_1046 : memref<64x128xf32, #tpu.memory_space<hbm>>) dst(%arg9 : memref<64x128xf32, #tpu.memory_space<vmem>>)
    %multiple_of3A_1047 = arith.constant 496 : i32
    %multiple_of3A_1048 = tpu.assume_multiple %multiple_of3A_1047, 16 : i32
    %get3A_1049 = arith.index_cast %multiple_of3A_1048 : i32 to index
    %get3A_1050 = tpu.vector_load %arg5[%get3A_1049] {strides = array<i32>} : memref<512xi32, #tpu.memory_space<vmem>>, vector<16xi32>,
    %eq3A_1051 = arith.constant 12 : i32
    %eq3A_1052 = vector.broadcast %eq3A_1051 : i32 to vector<16xi32>
    %eq3A_1053 = arith.cmpi eq, %iota3A, %eq3A_1052 : vector<16xi32>
    %jit3A_1054 = arith.constant 0 : i32
    %broadcast_in_dim3A_1055 = vector.broadcast %jit3A_1054 : i32 to vector<16xi32>
    %select_n3A_1056 = arith.select %eq3A_1053, %get3A_1050, %broadcast_in_dim3A_1055 : vector<16xi1>, vector<16xi32>
    %reduce_max3A_1057 = arith.constant true
    %reduce_max3A_1058 = vector.broadcast %reduce_max3A_1057 : i1 to vector<16xi1>
    %reduce_max3A_1059 = arith.constant -2147483648 : i32
    %reduce_max3A_1060 = vector.broadcast %reduce_max3A_1059 : i32 to vector<16xi32>
    %reduce_max3A_1061 = arith.xori %select_n3A_1056, %reduce_max3A_1060 : vector<16xi32>
    %reduce_max3A_1062 = tpu.scan <max>, %reduce_max3A_1061 masked %reduce_max3A_1058 : vector<16xi32>, vector<16xi1> -> vector<16xi32>
    %reduce_max3A_1063 = arith.xori %reduce_max3A_1062, %reduce_max3A_1060 : vector<16xi32>
    %reduce_max3A_1064 = vector.extract %reduce_max3A_1063[15] : i32 from vector<16xi32>
    %and3A_1065 = arith.constant 127 : i32
    %and3A_1066 = arith.andi %reduce_max3A_1064, %and3A_1065 : i32
    %broadcast_in_dim3A_1067 = vector.broadcast %and3A_1066 : i32 to vector<16xi32>
    %broadcast_in_dim3A_1068 = arith.constant 508 : i32
    %broadcast_in_dim3A_1069 = vector.broadcast %broadcast_in_dim3A_1068 : i32 to vector<16xi32>
    %add3A_1070 = arith.constant 0 : i32
    %add3A_1071 = vector.broadcast %add3A_1070 : i32 to vector<16xi32>
    %add3A_1072 = arith.addi %iota3A, %add3A_1071 : vector<16xi32>
    %gather3A_1073 = tpu.vector_load_idx %arg9[%add3A_1072, %broadcast_in_dim3A_1067] : memref<64x128xf32, #tpu.memory_space<vmem>>[vector<16xi32>, vector<16xi32>], vector<16xf32>,
    tpu.vector_store_idx %arg6[%add3A_1072, %broadcast_in_dim3A_1069], %gather3A_1073 : memref<64x512xf32, #tpu.memory_space<vmem>>[vector<16xi32>, vector<16xi32>], vector<16xf32>,
    %add3A_1074 = arith.constant 16 : i32
    %add3A_1075 = vector.broadcast %add3A_1074 : i32 to vector<16xi32>
    %add3A_1076 = arith.addi %iota3A, %add3A_1075 : vector<16xi32>
    %gather3A_1077 = tpu.vector_load_idx %arg9[%add3A_1076, %broadcast_in_dim3A_1067] : memref<64x128xf32, #tpu.memory_space<vmem>>[vector<16xi32>, vector<16xi32>], vector<16xf32>,
    tpu.vector_store_idx %arg6[%add3A_1076, %broadcast_in_dim3A_1069], %gather3A_1077 : memref<64x512xf32, #tpu.memory_space<vmem>>[vector<16xi32>, vector<16xi32>], vector<16xf32>,
    %add3A_1078 = arith.constant 32 : i32
    %add3A_1079 = vector.broadcast %add3A_1078 : i32 to vector<16xi32>
    %add3A_1080 = arith.addi %iota3A, %add3A_1079 : vector<16xi32>
    %gather3A_1081 = tpu.vector_load_idx %arg9[%add3A_1080, %broadcast_in_dim3A_1067] : memref<64x128xf32, #tpu.memory_space<vmem>>[vector<16xi32>, vector<16xi32>], vector<16xf32>,
    tpu.vector_store_idx %arg6[%add3A_1080, %broadcast_in_dim3A_1069], %gather3A_1081 : memref<64x512xf32, #tpu.memory_space<vmem>>[vector<16xi32>, vector<16xi32>], vector<16xf32>,
    %add3A_1082 = arith.constant 48 : i32
    %add3A_1083 = vector.broadcast %add3A_1082 : i32 to vector<16xi32>
    %add3A_1084 = arith.addi %iota3A, %add3A_1083 : vector<16xi32>
    %gather3A_1085 = tpu.vector_load_idx %arg9[%add3A_1084, %broadcast_in_dim3A_1067] : memref<64x128xf32, #tpu.memory_space<vmem>>[vector<16xi32>, vector<16xi32>], vector<16xf32>,
    tpu.vector_store_idx %arg6[%add3A_1084, %broadcast_in_dim3A_1069], %gather3A_1085 : memref<64x512xf32, #tpu.memory_space<vmem>>[vector<16xi32>, vector<16xi32>], vector<16xf32>,
    %dma_wait3A_1086 = arith.constant 0 : i32
    %dma_wait3A_1087 = arith.constant 0 : i32
    %dma_wait3A_1088 = tpu.memref_slice %arg2[%dma_wait3A_1086, %dma_wait3A_1087] : memref<64x1000000xf32, #tpu.memory_space<hbm>> -> memref<64x128xf32, #tpu.memory_space<hbm>>
    %dma_wait3A_1089 = arith.constant 0 : i32
    %dma_wait3A_1090 = arith.constant 0 : i32
    %dma_wait3A_1091 = tpu.memref_slice %arg2[%dma_wait3A_1089, %dma_wait3A_1090] : memref<64x1000000xf32, #tpu.memory_space<hbm>> -> memref<64x128xf32, #tpu.memory_space<hbm>>
    tpu.wait_dma2 semaphore(%arg21 : memref<!tpu.dma_semaphore, #tpu.memory_space<semaphore_mem>>) src(%dma_wait3A_1091 : memref<64x128xf32, #tpu.memory_space<hbm>>) dst(%arg10 : memref<64x128xf32, #tpu.memory_space<vmem>>)
    %multiple_of3A_1092 = arith.constant 496 : i32
    %multiple_of3A_1093 = tpu.assume_multiple %multiple_of3A_1092, 16 : i32
    %get3A_1094 = arith.index_cast %multiple_of3A_1093 : i32 to index
    %get3A_1095 = tpu.vector_load %arg5[%get3A_1094] {strides = array<i32>} : memref<512xi32, #tpu.memory_space<vmem>>, vector<16xi32>,
    %eq3A_1096 = arith.constant 13 : i32
    %eq3A_1097 = vector.broadcast %eq3A_1096 : i32 to vector<16xi32>
    %eq3A_1098 = arith.cmpi eq, %iota3A, %eq3A_1097 : vector<16xi32>
    %jit3A_1099 = arith.constant 0 : i32
    %broadcast_in_dim3A_1100 = vector.broadcast %jit3A_1099 : i32 to vector<16xi32>
    %select_n3A_1101 = arith.select %eq3A_1098, %get3A_1095, %broadcast_in_dim3A_1100 : vector<16xi1>, vector<16xi32>
    %reduce_max3A_1102 = arith.constant true
    %reduce_max3A_1103 = vector.broadcast %reduce_max3A_1102 : i1 to vector<16xi1>
    %reduce_max3A_1104 = arith.constant -2147483648 : i32
    %reduce_max3A_1105 = vector.broadcast %reduce_max3A_1104 : i32 to vector<16xi32>
    %reduce_max3A_1106 = arith.xori %select_n3A_1101, %reduce_max3A_1105 : vector<16xi32>
    %reduce_max3A_1107 = tpu.scan <max>, %reduce_max3A_1106 masked %reduce_max3A_1103 : vector<16xi32>, vector<16xi1> -> vector<16xi32>
    %reduce_max3A_1108 = arith.xori %reduce_max3A_1107, %reduce_max3A_1105 : vector<16xi32>
    %reduce_max3A_1109 = vector.extract %reduce_max3A_1108[15] : i32 from vector<16xi32>
    %and3A_1110 = arith.constant 127 : i32
    %and3A_1111 = arith.andi %reduce_max3A_1109, %and3A_1110 : i32
    %broadcast_in_dim3A_1112 = vector.broadcast %and3A_1111 : i32 to vector<16xi32>
    %broadcast_in_dim3A_1113 = arith.constant 509 : i32
    %broadcast_in_dim3A_1114 = vector.broadcast %broadcast_in_dim3A_1113 : i32 to vector<16xi32>
    %add3A_1115 = arith.constant 0 : i32
    %add3A_1116 = vector.broadcast %add3A_1115 : i32 to vector<16xi32>
    %add3A_1117 = arith.addi %iota3A, %add3A_1116 : vector<16xi32>
    %gather3A_1118 = tpu.vector_load_idx %arg10[%add3A_1117, %broadcast_in_dim3A_1112] : memref<64x128xf32, #tpu.memory_space<vmem>>[vector<16xi32>, vector<16xi32>], vector<16xf32>,
    tpu.vector_store_idx %arg6[%add3A_1117, %broadcast_in_dim3A_1114], %gather3A_1118 : memref<64x512xf32, #tpu.memory_space<vmem>>[vector<16xi32>, vector<16xi32>], vector<16xf32>,
    %add3A_1119 = arith.constant 16 : i32
    %add3A_1120 = vector.broadcast %add3A_1119 : i32 to vector<16xi32>
    %add3A_1121 = arith.addi %iota3A, %add3A_1120 : vector<16xi32>
    %gather3A_1122 = tpu.vector_load_idx %arg10[%add3A_1121, %broadcast_in_dim3A_1112] : memref<64x128xf32, #tpu.memory_space<vmem>>[vector<16xi32>, vector<16xi32>], vector<16xf32>,
    tpu.vector_store_idx %arg6[%add3A_1121, %broadcast_in_dim3A_1114], %gather3A_1122 : memref<64x512xf32, #tpu.memory_space<vmem>>[vector<16xi32>, vector<16xi32>], vector<16xf32>,
    %add3A_1123 = arith.constant 32 : i32
    %add3A_1124 = vector.broadcast %add3A_1123 : i32 to vector<16xi32>
    %add3A_1125 = arith.addi %iota3A, %add3A_1124 : vector<16xi32>
    %gather3A_1126 = tpu.vector_load_idx %arg10[%add3A_1125, %broadcast_in_dim3A_1112] : memref<64x128xf32, #tpu.memory_space<vmem>>[vector<16xi32>, vector<16xi32>], vector<16xf32>,
    tpu.vector_store_idx %arg6[%add3A_1125, %broadcast_in_dim3A_1114], %gather3A_1126 : memref<64x512xf32, #tpu.memory_space<vmem>>[vector<16xi32>, vector<16xi32>], vector<16xf32>,
    %add3A_1127 = arith.constant 48 : i32
    %add3A_1128 = vector.broadcast %add3A_1127 : i32 to vector<16xi32>
    %add3A_1129 = arith.addi %iota3A, %add3A_1128 : vector<16xi32>
    %gather3A_1130 = tpu.vector_load_idx %arg10[%add3A_1129, %broadcast_in_dim3A_1112] : memref<64x128xf32, #tpu.memory_space<vmem>>[vector<16xi32>, vector<16xi32>], vector<16xf32>,
    tpu.vector_store_idx %arg6[%add3A_1129, %broadcast_in_dim3A_1114], %gather3A_1130 : memref<64x512xf32, #tpu.memory_space<vmem>>[vector<16xi32>, vector<16xi32>], vector<16xf32>,
    %dma_wait3A_1131 = arith.constant 0 : i32
    %dma_wait3A_1132 = arith.constant 0 : i32
    %dma_wait3A_1133 = tpu.memref_slice %arg2[%dma_wait3A_1131, %dma_wait3A_1132] : memref<64x1000000xf32, #tpu.memory_space<hbm>> -> memref<64x128xf32, #tpu.memory_space<hbm>>
    %dma_wait3A_1134 = arith.constant 0 : i32
    %dma_wait3A_1135 = arith.constant 0 : i32
    %dma_wait3A_1136 = tpu.memref_slice %arg2[%dma_wait3A_1134, %dma_wait3A_1135] : memref<64x1000000xf32, #tpu.memory_space<hbm>> -> memref<64x128xf32, #tpu.memory_space<hbm>>
    tpu.wait_dma2 semaphore(%arg22 : memref<!tpu.dma_semaphore, #tpu.memory_space<semaphore_mem>>) src(%dma_wait3A_1136 : memref<64x128xf32, #tpu.memory_space<hbm>>) dst(%arg11 : memref<64x128xf32, #tpu.memory_space<vmem>>)
    %multiple_of3A_1137 = arith.constant 496 : i32
    %multiple_of3A_1138 = tpu.assume_multiple %multiple_of3A_1137, 16 : i32
    %get3A_1139 = arith.index_cast %multiple_of3A_1138 : i32 to index
    %get3A_1140 = tpu.vector_load %arg5[%get3A_1139] {strides = array<i32>} : memref<512xi32, #tpu.memory_space<vmem>>, vector<16xi32>,
    %eq3A_1141 = arith.constant 14 : i32
    %eq3A_1142 = vector.broadcast %eq3A_1141 : i32 to vector<16xi32>
    %eq3A_1143 = arith.cmpi eq, %iota3A, %eq3A_1142 : vector<16xi32>
    %jit3A_1144 = arith.constant 0 : i32
    %broadcast_in_dim3A_1145 = vector.broadcast %jit3A_1144 : i32 to vector<16xi32>
    %select_n3A_1146 = arith.select %eq3A_1143, %get3A_1140, %broadcast_in_dim3A_1145 : vector<16xi1>, vector<16xi32>
    %reduce_max3A_1147 = arith.constant true
    %reduce_max3A_1148 = vector.broadcast %reduce_max3A_1147 : i1 to vector<16xi1>
    %reduce_max3A_1149 = arith.constant -2147483648 : i32
    %reduce_max3A_1150 = vector.broadcast %reduce_max3A_1149 : i32 to vector<16xi32>
    %reduce_max3A_1151 = arith.xori %select_n3A_1146, %reduce_max3A_1150 : vector<16xi32>
    %reduce_max3A_1152 = tpu.scan <max>, %reduce_max3A_1151 masked %reduce_max3A_1148 : vector<16xi32>, vector<16xi1> -> vector<16xi32>
    %reduce_max3A_1153 = arith.xori %reduce_max3A_1152, %reduce_max3A_1150 : vector<16xi32>
    %reduce_max3A_1154 = vector.extract %reduce_max3A_1153[15] : i32 from vector<16xi32>
    %and3A_1155 = arith.constant 127 : i32
    %and3A_1156 = arith.andi %reduce_max3A_1154, %and3A_1155 : i32
    %broadcast_in_dim3A_1157 = vector.broadcast %and3A_1156 : i32 to vector<16xi32>
    %broadcast_in_dim3A_1158 = arith.constant 510 : i32
    %broadcast_in_dim3A_1159 = vector.broadcast %broadcast_in_dim3A_1158 : i32 to vector<16xi32>
    %add3A_1160 = arith.constant 0 : i32
    %add3A_1161 = vector.broadcast %add3A_1160 : i32 to vector<16xi32>
    %add3A_1162 = arith.addi %iota3A, %add3A_1161 : vector<16xi32>
    %gather3A_1163 = tpu.vector_load_idx %arg11[%add3A_1162, %broadcast_in_dim3A_1157] : memref<64x128xf32, #tpu.memory_space<vmem>>[vector<16xi32>, vector<16xi32>], vector<16xf32>,
    tpu.vector_store_idx %arg6[%add3A_1162, %broadcast_in_dim3A_1159], %gather3A_1163 : memref<64x512xf32, #tpu.memory_space<vmem>>[vector<16xi32>, vector<16xi32>], vector<16xf32>,
    %add3A_1164 = arith.constant 16 : i32
    %add3A_1165 = vector.broadcast %add3A_1164 : i32 to vector<16xi32>
    %add3A_1166 = arith.addi %iota3A, %add3A_1165 : vector<16xi32>
    %gather3A_1167 = tpu.vector_load_idx %arg11[%add3A_1166, %broadcast_in_dim3A_1157] : memref<64x128xf32, #tpu.memory_space<vmem>>[vector<16xi32>, vector<16xi32>], vector<16xf32>,
    tpu.vector_store_idx %arg6[%add3A_1166, %broadcast_in_dim3A_1159], %gather3A_1167 : memref<64x512xf32, #tpu.memory_space<vmem>>[vector<16xi32>, vector<16xi32>], vector<16xf32>,
    %add3A_1168 = arith.constant 32 : i32
    %add3A_1169 = vector.broadcast %add3A_1168 : i32 to vector<16xi32>
    %add3A_1170 = arith.addi %iota3A, %add3A_1169 : vector<16xi32>
    %gather3A_1171 = tpu.vector_load_idx %arg11[%add3A_1170, %broadcast_in_dim3A_1157] : memref<64x128xf32, #tpu.memory_space<vmem>>[vector<16xi32>, vector<16xi32>], vector<16xf32>,
    tpu.vector_store_idx %arg6[%add3A_1170, %broadcast_in_dim3A_1159], %gather3A_1171 : memref<64x512xf32, #tpu.memory_space<vmem>>[vector<16xi32>, vector<16xi32>], vector<16xf32>,
    %add3A_1172 = arith.constant 48 : i32
    %add3A_1173 = vector.broadcast %add3A_1172 : i32 to vector<16xi32>
    %add3A_1174 = arith.addi %iota3A, %add3A_1173 : vector<16xi32>
    %gather3A_1175 = tpu.vector_load_idx %arg11[%add3A_1174, %broadcast_in_dim3A_1157] : memref<64x128xf32, #tpu.memory_space<vmem>>[vector<16xi32>, vector<16xi32>], vector<16xf32>,
    tpu.vector_store_idx %arg6[%add3A_1174, %broadcast_in_dim3A_1159], %gather3A_1175 : memref<64x512xf32, #tpu.memory_space<vmem>>[vector<16xi32>, vector<16xi32>], vector<16xf32>,
    %dma_wait3A_1176 = arith.constant 0 : i32
    %dma_wait3A_1177 = arith.constant 0 : i32
    %dma_wait3A_1178 = tpu.memref_slice %arg2[%dma_wait3A_1176, %dma_wait3A_1177] : memref<64x1000000xf32, #tpu.memory_space<hbm>> -> memref<64x128xf32, #tpu.memory_space<hbm>>
    %dma_wait3A_1179 = arith.constant 0 : i32
    %dma_wait3A_1180 = arith.constant 0 : i32
    %dma_wait3A_1181 = tpu.memref_slice %arg2[%dma_wait3A_1179, %dma_wait3A_1180] : memref<64x1000000xf32, #tpu.memory_space<hbm>> -> memref<64x128xf32, #tpu.memory_space<hbm>>
    tpu.wait_dma2 semaphore(%arg23 : memref<!tpu.dma_semaphore, #tpu.memory_space<semaphore_mem>>) src(%dma_wait3A_1181 : memref<64x128xf32, #tpu.memory_space<hbm>>) dst(%arg12 : memref<64x128xf32, #tpu.memory_space<vmem>>)
    %multiple_of3A_1182 = arith.constant 496 : i32
    %multiple_of3A_1183 = tpu.assume_multiple %multiple_of3A_1182, 16 : i32
    %get3A_1184 = arith.index_cast %multiple_of3A_1183 : i32 to index
    %get3A_1185 = tpu.vector_load %arg5[%get3A_1184] {strides = array<i32>} : memref<512xi32, #tpu.memory_space<vmem>>, vector<16xi32>,
    %eq3A_1186 = arith.constant 15 : i32
    %eq3A_1187 = vector.broadcast %eq3A_1186 : i32 to vector<16xi32>
    %eq3A_1188 = arith.cmpi eq, %iota3A, %eq3A_1187 : vector<16xi32>
    %jit3A_1189 = arith.constant 0 : i32
    %broadcast_in_dim3A_1190 = vector.broadcast %jit3A_1189 : i32 to vector<16xi32>
    %select_n3A_1191 = arith.select %eq3A_1188, %get3A_1185, %broadcast_in_dim3A_1190 : vector<16xi1>, vector<16xi32>
    %reduce_max3A_1192 = arith.constant true
    %reduce_max3A_1193 = vector.broadcast %reduce_max3A_1192 : i1 to vector<16xi1>
    %reduce_max3A_1194 = arith.constant -2147483648 : i32
    %reduce_max3A_1195 = vector.broadcast %reduce_max3A_1194 : i32 to vector<16xi32>
    %reduce_max3A_1196 = arith.xori %select_n3A_1191, %reduce_max3A_1195 : vector<16xi32>
    %reduce_max3A_1197 = tpu.scan <max>, %reduce_max3A_1196 masked %reduce_max3A_1193 : vector<16xi32>, vector<16xi1> -> vector<16xi32>
    %reduce_max3A_1198 = arith.xori %reduce_max3A_1197, %reduce_max3A_1195 : vector<16xi32>
    %reduce_max3A_1199 = vector.extract %reduce_max3A_1198[15] : i32 from vector<16xi32>
    %and3A_1200 = arith.constant 127 : i32
    %and3A_1201 = arith.andi %reduce_max3A_1199, %and3A_1200 : i32
    %broadcast_in_dim3A_1202 = vector.broadcast %and3A_1201 : i32 to vector<16xi32>
    %broadcast_in_dim3A_1203 = arith.constant 511 : i32
    %broadcast_in_dim3A_1204 = vector.broadcast %broadcast_in_dim3A_1203 : i32 to vector<16xi32>
    %add3A_1205 = arith.constant 0 : i32
    %add3A_1206 = vector.broadcast %add3A_1205 : i32 to vector<16xi32>
    %add3A_1207 = arith.addi %iota3A, %add3A_1206 : vector<16xi32>
    %gather3A_1208 = tpu.vector_load_idx %arg12[%add3A_1207, %broadcast_in_dim3A_1202] : memref<64x128xf32, #tpu.memory_space<vmem>>[vector<16xi32>, vector<16xi32>], vector<16xf32>,
    tpu.vector_store_idx %arg6[%add3A_1207, %broadcast_in_dim3A_1204], %gather3A_1208 : memref<64x512xf32, #tpu.memory_space<vmem>>[vector<16xi32>, vector<16xi32>], vector<16xf32>,
    %add3A_1209 = arith.constant 16 : i32
    %add3A_1210 = vector.broadcast %add3A_1209 : i32 to vector<16xi32>
    %add3A_1211 = arith.addi %iota3A, %add3A_1210 : vector<16xi32>
    %gather3A_1212 = tpu.vector_load_idx %arg12[%add3A_1211, %broadcast_in_dim3A_1202] : memref<64x128xf32, #tpu.memory_space<vmem>>[vector<16xi32>, vector<16xi32>], vector<16xf32>,
    tpu.vector_store_idx %arg6[%add3A_1211, %broadcast_in_dim3A_1204], %gather3A_1212 : memref<64x512xf32, #tpu.memory_space<vmem>>[vector<16xi32>, vector<16xi32>], vector<16xf32>,
    %add3A_1213 = arith.constant 32 : i32
    %add3A_1214 = vector.broadcast %add3A_1213 : i32 to vector<16xi32>
    %add3A_1215 = arith.addi %iota3A, %add3A_1214 : vector<16xi32>
    %gather3A_1216 = tpu.vector_load_idx %arg12[%add3A_1215, %broadcast_in_dim3A_1202] : memref<64x128xf32, #tpu.memory_space<vmem>>[vector<16xi32>, vector<16xi32>], vector<16xf32>,
    tpu.vector_store_idx %arg6[%add3A_1215, %broadcast_in_dim3A_1204], %gather3A_1216 : memref<64x512xf32, #tpu.memory_space<vmem>>[vector<16xi32>, vector<16xi32>], vector<16xf32>,
    %add3A_1217 = arith.constant 48 : i32
    %add3A_1218 = vector.broadcast %add3A_1217 : i32 to vector<16xi32>
    %add3A_1219 = arith.addi %iota3A, %add3A_1218 : vector<16xi32>
    %gather3A_1220 = tpu.vector_load_idx %arg12[%add3A_1219, %broadcast_in_dim3A_1202] : memref<64x128xf32, #tpu.memory_space<vmem>>[vector<16xi32>, vector<16xi32>], vector<16xf32>,
    tpu.vector_store_idx %arg6[%add3A_1219, %broadcast_in_dim3A_1204], %gather3A_1220 : memref<64x512xf32, #tpu.memory_space<vmem>>[vector<16xi32>, vector<16xi32>], vector<16xf32>,
    "tpu.region"() ({
      %run_scoped3A = tpu.sem_alloc : memref<!tpu.dma_semaphore, #tpu.memory_space<semaphore_mem>>
      %dma_start3A_1221 = arith.constant 0 : i32
      %dma_start3A_1222 = tpu.memref_slice %arg4[%dma_start3A_1221, %multiple_of3A] : memref<64x16384xf32, #tpu.memory_space<hbm>> -> memref<64x512xf32, #tpu.memory_space<hbm>>
      %dma_start3A_1223 = arith.constant 0 : i32
      %dma_start3A_1224 = tpu.memref_slice %arg4[%dma_start3A_1223, %multiple_of3A] : memref<64x16384xf32, #tpu.memory_space<hbm>> -> memref<64x512xf32, #tpu.memory_space<hbm>>
      tpu.enqueue_dma source(%arg6 : memref<64x512xf32, #tpu.memory_space<vmem>>) target(%dma_start3A_1224 : memref<64x512xf32, #tpu.memory_space<hbm>>) target_semaphore(%run_scoped3A : memref<!tpu.dma_semaphore, #tpu.memory_space<semaphore_mem>>)
      %dma_wait3A_1225 = arith.constant 0 : i32
      %dma_wait3A_1226 = tpu.memref_slice %arg4[%dma_wait3A_1225, %multiple_of3A] : memref<64x16384xf32, #tpu.memory_space<hbm>> -> memref<64x512xf32, #tpu.memory_space<hbm>>
      %dma_wait3A_1227 = arith.constant 0 : i32
      %dma_wait3A_1228 = tpu.memref_slice %arg4[%dma_wait3A_1227, %multiple_of3A] : memref<64x16384xf32, #tpu.memory_space<hbm>> -> memref<64x512xf32, #tpu.memory_space<hbm>>
      tpu.wait_dma2 semaphore(%run_scoped3A : memref<!tpu.dma_semaphore, #tpu.memory_space<semaphore_mem>>) src(%arg6 : memref<64x512xf32, #tpu.memory_space<vmem>>) dst(%dma_wait3A_1228 : memref<64x512xf32, #tpu.memory_space<hbm>>)
      tpu.yield
    }) : () -> ()
    return
  }
}

</mosaic_0001>

<sc_bundles>
// kernel: kernel.3.cloned.1.call-start
scs
__scs_entry_jumppad:
0x0: {  	(pc) =	sbr.rel $0x88, $3  }
0x1: {  	(tag) =	ssettag $0x0;
	lr =	simm.s32 $0x1  }
0x2: {  	[smem:$0x3F9F] =	sst lr;
	_ =	strace $0xD0000000  }
0x3: {  	_ = 	snop  }
0x4: {  	_ = 	snop  }
0x5: {  	_ = 	snop  }
0x6: {  	_ = 	snop  }
0x7: {  	_ = 	snop  }
__scs_overlays_trampoline_lowered:
0x8: {  	[smem:$0x3FAE] =	sst s0  }
0x9: {  	[smem:$0x3FAF] =	sst s1  }
0xa: {  	[smem:$0x3FB0] =	sst s2  }
0xb: {  	[smem:$0x3FB1] =	sst s3  }
0xc: {  	[smem:$0x3FB2] =	sst s4  }
0xd: {  	[smem:$0x3FB3] =	sst s5  }
0xe: {  	[smem:$0x3FB4] =	sst s6  }
0xf: {  	[smem:$0x3FB5] =	sst s7  }
0x10: {  	[smem:$0x3FB6] =	sst s8  }
0x11: {  	[smem:$0x3FB7] =	sst s9;
	s0 =	simm.s32 @!p0 $0x0  }
0x12: {  	s1 =	sld [smem:$0x3F9D];
	s0 =	simm.s32 @p0 $0x1  }
0x13: {  	[smem:$0x3FB8] =	sst s0;
	s0 =	simm.s32 @!p1 $0x0  }
0x14: {  	s2 =	sld [smem:$0x3F9C];
	s0 =	simm.s32 @p1 $0x1  }
0x15: {  	[smem:$0x3FB9] =	sst s0;
	s0 =	simm.s32 @!p2 $0x0  }
0x16: {  	s3 =	sld [smem:$0x3FDB];
	s0 =	simm.s32 @p2 $0x1  }
0x17: {  	s4 =	simm.s32 $0x1BF5;
	[smem:$0x3FBB] =	sst s0  }
0x18: {  	s0 =	sld [smem:$0x3F9E];
	_ =	swait.ge [sflag:s4], $0x0  }
0x19: {  	s7 =	sld [smem:$0x3F9F]  }
0x1a: {  	s8 =	sadd.s32 $0xFFFFE003, lr  }
0x1b: {  	s9 =	sadd.s32 $0xFFFFFEF7, lr;
	s5 =	simm.s32 $0xFFFFFFFF;
	p2 =	slt.u32 s8, $0xFFFFF086  }
0x1c: {  	p1 =	slt.u32 s9, $0xF7A;
	s5 =	simm.s32 @!p2 $0x0  }
0x1d: {  	s5 =	simm.s32 @p1 $0x1;
	p0 =	seq.s32 s7, s2  }
0x1e: {  	s7 =	smul.u32 @!p0 $0xF7A, s2;
	p2 =	seq.s32 @!p0 s5, $0x0  }
0x1f: {  	s9 =	smul.u32 $0xF7A, s1;
	s8 =	simm.s32 @!p0 $0x1BF5;
	p2 =	por !p2, p0  }
0x20: {  	[sflag:s8] =	ssyncset.s32 @!p0 $0xFFFFF086;
	s6 =	sadd.s32 @!p0 s3, s7;
	s7 =	simm.s32 @!p0 $0x108  }
0x21: {  	s3 =	sadd.s32 s3, s9;
	s6 =	sadd.s32 @!p0 $0x88, s6;
	s7 =	simm.s32 @p2 $0x1082  }
0x22: {  	[simem:s7], [sflag:s8] =	dma.local @!p0 [hbm:s6], $0xF7A  }
0x23: {  	s9 =	sor.u32 $0xD0000000, s2;
	s6 =	simm.s32 $0x108;
	_ =	swait.ge @!p0 [sflag:s8], $0x0  }
0x24: {  	s3 =	sadd.s32 $0x88, s3;
	s6 =	simm.s32 @!p1 $0x1082;
	[sflag:s4] =	ssyncset.s32 $0xFFFFF086  }
0x25: {  	[simem:s6], [sflag:s4] =	dma.local [hbm:s3], $0xF7A  }
0x26: {  	[smem:$0x3F9F] =	sst s1;
	(tag) =	ssettag s2;
	_ =	strace s9  }
0x27: {  	s1 =	sld [smem:$0x3FAF]  }
0x28: {  	s2 =	sld [smem:$0x3FB0]  }
0x29: {  	s4 =	sld [smem:$0x3FB2]  }
0x2a: {  	p0 =	seq.s32 s5, $0x0;
	s5 =	sld [smem:$0x3FB3]  }
0x2b: {  	s6 =	sld [smem:$0x3FB4]  }
0x2c: {  	s7 =	sld [smem:$0x3FB5]  }
0x2d: {  	s3 =	simm.s32 $0x108;
	s8 =	sld [smem:$0x3FB6]  }
0x2e: {  	s3 =	simm.s32 @!p0 $0x1082;
	s9 =	sld [smem:$0x3FB7]  }
0x2f: {  	lr =	sadd.s32 s0, s3;
	s0 =	sld [smem:$0x3FAE]  }
0x30: {  	s3 =	sld [smem:$0x3FB1]  }
0x31: {  	[smem:$0x3FBA] =	sst s10  }
0x32: {  	s10 =	sld [smem:$0x3FB8];
	_ =	sdelay $0x3  }
0x33: {  	p0 =	seq.s32 s10, $0x1;
	s10 =	sld [smem:$0x3FBA];
	_ =	sdelay $0x3  }
0x34: {  	[smem:$0x3FBA] =	sst s10  }
0x35: {  	s10 =	sld [smem:$0x3FB9];
	_ =	sdelay $0x3  }
0x36: {  	p1 =	seq.s32 s10, $0x1;
	s10 =	sld [smem:$0x3FBA];
	_ =	sdelay $0x3  }
0x37: {  	[smem:$0x3FBA] =	sst s10  }
0x38: {  	s10 =	sld [smem:$0x3FBB]  }
0x39: {  	_ = 	snop;
	(pc) =	sbr.ind lr, $3  }
0x3a: {  	_ = 	snop  }
0x3b: {  	_ = 	snop  }
0x3c: {  	p2 =	seq.s32 s10, $0x1;
	s10 =	sld [smem:$0x3FBA]  }
0x3d: {  	_ =	shalt  }
0x3e: {  	_ =	shalt  }
0x3f: {  	_ =	shalt  }
0x40: {  	_ =	shalt  }
0x41: {  	_ =	shalt  }
0x42: {  	_ =	shalt  }
0x43: {  	_ =	shalt  }
0x44: {  	_ =	shalt  }
0x45: {  	_ =	shalt  }
0x46: {  	_ =	shalt  }
0x47: {  	_ =	shalt  }
0x48: {  	_ =	shalt  }
0x49: {  	_ =	shalt  }
0x4a: {  	_ =	shalt  }
0x4b: {  	_ =	shalt  }
0x4c: {  	_ =	shalt  }
0x4d: {  	_ =	shalt  }
0x4e: {  	_ =	shalt  }
0x4f: {  	_ =	shalt  }
0x50: {  	_ =	shalt  }
0x51: {  	_ =	shalt  }
0x52: {  	_ =	shalt  }
0x53: {  	_ =	shalt  }
0x54: {  	_ =	shalt  }
0x55: {  	_ =	shalt  }
0x56: {  	_ =	shalt  }
0x57: {  	_ =	shalt  }
0x58: {  	_ =	shalt  }
0x59: {  	_ =	shalt  }
0x5a: {  	_ =	shalt  }
0x5b: {  	_ =	shalt  }
0x5c: {  	_ =	shalt  }
0x5d: {  	_ =	shalt  }
0x5e: {  	_ =	shalt  }
0x5f: {  	_ =	shalt  }
0x60: {  	_ =	shalt  }
0x61: {  	_ =	shalt  }
0x62: {  	_ =	shalt  }
0x63: {  	_ =	shalt  }
0x64: {  	_ =	shalt  }
0x65: {  	_ =	shalt  }
0x66: {  	_ =	shalt  }
0x67: {  	_ =	shalt  }
0x68: {  	_ =	shalt  }
0x69: {  	_ =	shalt  }
0x6a: {  	_ =	shalt  }
0x6b: {  	_ =	shalt  }
0x6c: {  	_ =	shalt  }
0x6d: {  	_ =	shalt  }
0x6e: {  	_ =	shalt  }
0x6f: {  	_ =	shalt  }
0x70: {  	_ =	shalt  }
0x71: {  	_ =	shalt  }
0x72: {  	_ =	shalt  }
0x73: {  	_ =	shalt  }
0x74: {  	_ =	shalt  }
0x75: {  	_ =	shalt  }
0x76: {  	_ =	shalt  }
0x77: {  	_ =	shalt  }
0x78: {  	_ =	shalt  }
0x79: {  	_ =	shalt  }
0x7a: {  	_ =	shalt  }
0x7b: {  	_ =	shalt  }
0x7c: {  	_ =	shalt  }
0x7d: {  	_ =	shalt  }
0x7e: {  	_ =	shalt  }
0x7f: {  	_ =	shalt  }
0x80: {  	_ =	shalt  }
0x81: {  	_ =	shalt  }
0x82: {  	_ =	shalt  }
0x83: {  	_ =	shalt  }
0x84: {  	_ =	shalt  }
0x85: {  	_ =	shalt  }
0x86: {  	_ =	shalt  }
0x87: {  	_ =	shalt  }
.Lfunc_end0:
.L_simem_size_0:
called_computation_lowered:
.L_overlay_start_0:
0x88: {  	s2 =	sld [smem:$0x3FD9]  }
0x89: {  	s3 =	sld [smem:$0x3FFE];
	_ =	sdelay $0x1  }
0x8a: {  	s1 =	srdreg.scid  }
0x8b: {  	s0 =	sand.u32 $0x1, s1  }
0x8c: {  	s18 =	sshll.u32 s0, $0xA;
	s2 =	sadd.s32 s3, s2  }
0x8d: {  	s2 =	sadd.s32 s2, s18  }
0x8e: {  	[smem:$0x3FC6] =	sst s2  }
0x8f: {  	_ = 	snop  }
0x90: {  	s2 =	sld [smem:$0x3FC9]  }
0x91: {  	s19 =	sld [smem:$0x3FC8]  }
0x92: {  	s4 =	sld [smem:$0x3FD0];
	(tm) =	ssettm $0x1  }
0x93: {  	s5 =	sld [smem:$0x3FFB];
	_ =	sdelay $0x3  }
0x94: {  	_ =	strace s5  }
0x95: {  	s5 =	sld [smem:$0x3FFC];
	_ =	sdelay $0x3  }
0x96: {  	_ =	strace s5  }
0x97: {  	s5 =	sld [smem:$0x3FFD];
	_ =	sdelay $0x3  }
0x98: {  	_ =	strace s5  }
0x99: {  	_ =	strace $0x8FFFFFFF  }
0x9a: {  	s20 =	sld [smem:$0x3FDB];
	_ =	sdelay $0x1  }
0x9b: {  	s6 =	simm.s32 $_scs_section_size  }
0x9c: {  	s7 =	simm.s32 $_size__tile_overlayer_lowered;
	s8 =	simm.s32 $_tile_overlayer_lowered  }
0x9d: {  	s23 =	simm.s32 $0x1BFF;
	s22 =	sshll.u32 s8, $0x1;
	s5 =	sadd.s32 s6, s20  }
0x9e: {  	s9 =	simm.s32 $0x0;
	s21 =	sshll.u32 s7, $0x1;
	s7 =	sadd.s32 s22, s5  }
0x9f: {  	[timem:s9], [sflag:s23] =	dma.local [hbm:s7], s21  }
0xa0: {  	_ =	swait.ge [sflag:s23], s21  }
0xa1: {  	s6 =	ssub.s32 $0x0, s21;
	[sflag:s23] =	ssyncset.done $0x0  }
0xa2: {  	[sflag:s23] =	ssyncadd.s32 s6;
	_ =	sdelay $0x1  }
0xa3: {  	s24 =	simm.s32 $0x1B8B  }
0xa4: {  	_ =	swait.ge [sflag:s24], $0x1  }
0xa5: {  	[sflag:s24] =	ssyncset.done $0x0  }
0xa6: {  	s25 =	simm.s32 $0x1B8E;
	[sflag:s24] =	ssyncadd.s32 $0xFFFFFFFF  }
0xa7: {  	s26 =	simm.s32 $execute0_lowered;
	[smem:$0x3FD2] =	sst s25  }
0xa8: {  	s6 =	sshll.u32 s26, $0x1;
	_ =	strace $0x80000046;
	[dreg:$0x1] =	wrdreg $0xFFFFFFFF  }
0xa9: {  	s28 =	simm.s32 $_size_execute0_lowered;
	s5 =	sadd.s32 s5, s6;
	[dreg:$0x0] =	wrdreg $0x0  }
0xaa: {  	s6 =	sshll.u32 s28, $0x1;
	[dreg:$0x2] =	wrdreg s5  }
0xab: {  	[dreg:$0x3] =	wrdreg s6  }
0xac: {  	[dreg:$0x4] =	wrdreg $0xC0  }
0xad: {  	_ =	task [dreg:s9], $0x5FFFF  }
0xae: {  	[dreg:$0x1] =	wrdreg $0xFFFFFFFF  }
0xaf: {  	[dreg:$0x0] =	wrdreg $0x60  }
0xb0: {  	[dreg:$0x2] =	wrdreg s19  }
0xb1: {  	[dreg:$0x3] =	wrdreg s2  }
0xb2: {  	[dreg:$0x4] =	wrdreg s4  }
0xb3: {  	[dreg:$0x5] =	wrdreg $0x9  }
0xb4: {  	_ =	task.clear_ibuf [dreg:s9], $0x6FFFF;
	_ =	strace $0x90000046  }
0xb5: {  	s29 =	simm.s32 $0x9;
	_ =	strace $0x80000048  }
0xb6: {  	_ =	swait.ge [sflag:s29], $0x1  }
0xb7: {  	[sflag:s29] =	ssyncadd.s32 $0xFFFFFFFF  }
0xb8: {  	_ =	strace $0x90000048  }
0xb9: {  	_ =	sfence  }
0xba: {  	s30 =	sld [smem:$0x0];
	_ =	sdelay $0x2  }
0xbb: {  	s31 =	sshll.u32 s1, $0xD;
	s1 =	sshrl.u32 s1, $0x2  }
0xbc: {  	s3 =	sand.u32 $0x4000, s31;
	s1 =	sadd.s32 s1, s30  }
0xbd: {  	s0 =	sor.u32 s3, s0;
	s1 =	sshll.u32 s1, $0x11  }
0xbe: {  	s0 =	sor.u32 s1, s0  }
0xbf: {  	s0 =	sadd.s32 $0x8F2B, s0  }
0xc0: {  	[sflag:s0] =	ssyncadd.remote.s32 $0x1  }
0xc1: {  	_ =	sfence.sel $0xFFFF  }
0xc2: {  	[dreg:$0x0] =	wrdreg $0xFFFFFFFF;
	(pc) =	sbr.abs _section_cstart, $3  }
0xc3: {  	[dreg:$0x1] =	wrdreg $0xFFFFFFFF  }
0xc4: {  	_ =	task.clear_ibuf [dreg:s9], $0x2FFFF;
	_ =	strace $0x9FFFFFFF  }
0xc5: {  	(tm) =	ssettm $0x7FFFFFFF  }
tec
execute0_lowered:
.L_overlay_start_1:
0x0: {  	(tag) =	ssettag $0x1  }
0x1: {  	v0 =	vimm.s32 $0x1380;
	vm7 =	vcmask $0x300  }
0x2: {  	vm12 =	vcmask $0x704;
	v0 =	vsel vm7, $0x0, v0  }
0x3: {  	vm8 =	vcmask $0xB08;
	v0 =	vsel vm12, $0x80, v0  }
0x4: {  	vm1 =	vcmask $0xF0C;
	v0 =	vsel vm8, $0x100, v0  }
0x5: {  	vm14 =	vcmask $0x1310;
	v0 =	vsel vm1, $0x180, v0  }
0x6: {  	vm11 =	vcmask $0x1714;
	v0 =	vsel vm14, $0x200, v0  }
0x7: {  	vm9 =	vcmask $0x1B18;
	v0 =	vsel vm11, $0x280, v0  }
0x8: {  	v1 =	vimm.s32 $0x3380;
	v0 =	vsel vm9, $0x300, v0  }
0x9: {  	v4 =	vimm.s32 $0x1FEF;
	[tilespmem:$0x1F350] =	vst v0;
	v0 =	vsel vm7, $0x2000, v1  }
0xa: {  	v7 =	vimm.s32 $0x7FEF;
	[tilespmem:$0x1F360] =	vst v0;
	v0 =	vsel vm7, $0xC6F, v4  }
0xb: {  	v8 =	vimm.s32 $0x1FF0;
	[tilespmem:$0x1F370] =	vst v0;
	v0 =	vsel vm7, $0x6C6F, v7  }
0xc: {  	v9 =	vimm.s32 $0x3FF0;
	[tilespmem:$0x1F380] =	vst v0;
	v0 =	vsel vm7, $0xC70, v8  }
0xd: {  	v10 =	vimm.s32 $0x5FF0;
	[tilespmem:$0x1F390] =	vst v0;
	v0 =	vsel vm7, $0x2C70, v9  }
0xe: {  	v11 =	vimm.s32 $0x7FF0;
	[tilespmem:$0x1F3A0] =	vst v0;
	v0 =	vsel vm7, $0x4C70, v10  }
0xf: {  	v12 =	vimm.s32 $0x1FF1;
	[tilespmem:$0x1F3B0] =	vst v0;
	v0 =	vsel vm7, $0x6C70, v11  }
0x10: {  	v13 =	vimm.s32 $0x3FF1;
	[tilespmem:$0x1F3C0] =	vst v0;
	v0 =	vsel vm7, $0xC71, v12  }
0x11: {  	v14 =	vimm.s32 $0x5FF1;
	[tilespmem:$0x1F3D0] =	vst v0;
	v0 =	vsel vm7, $0x2C71, v13  }
0x12: {  	v15 =	vimm.s32 $0x7FF1;
	[tilespmem:$0x1F3E0] =	vst v0;
	v0 =	vsel vm7, $0x4C71, v14  }
0x13: {  	v16 =	vimm.s32 $0x1FF2;
	[tilespmem:$0x1F3F0] =	vst v0;
	v0 =	vsel vm7, $0x6C71, v15  }
0x14: {  	v17 =	vimm.s32 $0x3FF2;
	[tilespmem:$0x1F400] =	vst v0;
	v0 =	vsel vm7, $0xC72, v16  }
0x15: {  	v18 =	vimm.s32 $0x5FF2;
	[tilespmem:$0x1F410] =	vst v0;
	v0 =	vsel vm7, $0x2C72, v17  }
0x16: {  	v19 =	vimm.s32 $0x7FF2;
	[tilespmem:$0x1F420] =	vst v0;
	v0 =	vsel vm7, $0x4C72, v18  }
0x17: {  	v20 =	vimm.s32 $0x1FF3;
	[tilespmem:$0x1F430] =	vst v0;
	v0 =	vsel vm7, $0x6C72, v19  }
0x18: {  	v21 =	vimm.s32 $0x3FF3;
	[tilespmem:$0x1F440] =	vst v0;
	v0 =	vsel vm7, $0xC73, v20  }
0x19: {  	v22 =	vimm.s32 $0x5FF3;
	[tilespmem:$0x1F450] =	vst v0;
	v0 =	vsel vm7, $0x2C73, v21  }
0x1a: {  	v23 =	vimm.s32 $0x7FF3;
	[tilespmem:$0x1F460] =	vst v0;
	v0 =	vsel vm7, $0x4C73, v22  }
0x1b: {  	v24 =	vimm.s32 $0x1FF4;
	[tilespmem:$0x1F470] =	vst v0;
	v0 =	vsel vm7, $0x6C73, v23  }
0x1c: {  	v25 =	vimm.s32 $0x3FF4;
	[tilespmem:$0x1F480] =	vst v0;
	v0 =	vsel vm7, $0xC74, v24  }
0x1d: {  	v26 =	vimm.s32 $0x5FF4;
	[tilespmem:$0x1F490] =	vst v0;
	v0 =	vsel vm7, $0x2C74, v25  }
0x1e: {  	v27 =	vimm.s32 $0x7FF4;
	[tilespmem:$0x1F4A0] =	vst v0;
	v0 =	vsel vm7, $0x4C74, v26  }
0x1f: {  	v28 =	vimm.s32 $0x1FF5;
	[tilespmem:$0x1F4B0] =	vst v0;
	v0 =	vsel vm7, $0x6C74, v27  }
0x20: {  	v29 =	vimm.s32 $0x3FF5;
	[tilespmem:$0x1F4C0] =	vst v0;
	v0 =	vsel vm7, $0xC75, v28  }
0x21: {  	v30 =	vimm.s32 $0x5FF5;
	[tilespmem:$0x1F4D0] =	vst v0;
	v0 =	vsel vm7, $0x2C75, v29  }
0x22: {  	v31 =	vimm.s32 $0x7FF5;
	[tilespmem:$0x1F4E0] =	vst v0;
	v0 =	vsel vm7, $0x4C75, v30  }
0x23: {  	v32 =	vimm.s32 $0x1FF6;
	[tilespmem:$0x1F4F0] =	vst v0;
	v0 =	vsel vm7, $0x6C75, v31  }
0x24: {  	v33 =	vimm.s32 $0x3FF6;
	[tilespmem:$0x1F500] =	vst v0;
	v0 =	vsel vm7, $0xC76, v32  }
0x25: {  	v34 =	vimm.s32 $0x5FF6;
	[tilespmem:$0x1F510] =	vst v0;
	v0 =	vsel vm7, $0x2C76, v33  }
0x26: {  	v35 =	vimm.s32 $0x7FF6;
	[tilespmem:$0x1F520] =	vst v0;
	v0 =	vsel vm7, $0x4C76, v34  }
0x27: {  	v36 =	vimm.s32 $0x1FF7;
	[tilespmem:$0x1F530] =	vst v0;
	v0 =	vsel vm7, $0x6C76, v35  }
0x28: {  	v37 =	vimm.s32 $0x3FF7;
	[tilespmem:$0x1F540] =	vst v0;
	v0 =	vsel vm7, $0xC77, v36  }
0x29: {  	v38 =	vimm.s32 $0x5FF7;
	[tilespmem:$0x1F550] =	vst v0;
	v0 =	vsel vm7, $0x2C77, v37  }
0x2a: {  	v39 =	vimm.s32 $0x7FF7;
	[tilespmem:$0x1F560] =	vst v0;
	v0 =	vsel vm7, $0x4C77, v38  }
0x2b: {  	v40 =	vimm.s32 $0x1FF8;
	[tilespmem:$0x1F570] =	vst v0;
	v0 =	vsel vm7, $0x6C77, v39  }
0x2c: {  	v41 =	vimm.s32 $0x3FF8;
	[tilespmem:$0x1F580] =	vst v0;
	v0 =	vsel vm7, $0xC78, v40  }
0x2d: {  	v42 =	vimm.s32 $0x5FF8;
	[tilespmem:$0x1F590] =	vst v0;
	v0 =	vsel vm7, $0x2C78, v41  }
0x2e: {  	v43 =	vimm.s32 $0x7FF8;
	[tilespmem:$0x1F5A0] =	vst v0;
	v0 =	vsel vm7, $0x4C78, v42  }
0x2f: {  	v44 =	vimm.s32 $0x1FF9;
	[tilespmem:$0x1F5B0] =	vst v0;
	v0 =	vsel vm7, $0x6C78, v43  }
0x30: {  	v45 =	vimm.s32 $0x3FF9;
	[tilespmem:$0x1F5C0] =	vst v0;
	v0 =	vsel vm7, $0xC79, v44  }
0x31: {  	v46 =	vimm.s32 $0x5FF9;
	[tilespmem:$0x1F5D0] =	vst v0;
	v0 =	vsel vm7, $0x2C79, v45  }
0x32: {  	v47 =	vimm.s32 $0x7FF9;
	[tilespmem:$0x1F5E0] =	vst v0;
	v0 =	vsel vm7, $0x4C79, v46  }
0x33: {  	v48 =	vimm.s32 $0x1FFA;
	[tilespmem:$0x1F5F0] =	vst v0;
	v0 =	vsel vm7, $0x6C79, v47  }
0x34: {  	v49 =	vimm.s32 $0x3FFA;
	[tilespmem:$0x1F600] =	vst v0;
	v0 =	vsel vm7, $0xC7A, v48  }
0x35: {  	v50 =	vimm.s32 $0x5FFA;
	[tilespmem:$0x1F610] =	vst v0;
	v0 =	vsel vm7, $0x2C7A, v49  }
0x36: {  	v51 =	vimm.s32 $0x7FFA;
	[tilespmem:$0x1F620] =	vst v0;
	v0 =	vsel vm7, $0x4C7A, v50  }
0x37: {  	v52 =	vimm.s32 $0x1FFB;
	[tilespmem:$0x1F630] =	vst v0;
	v0 =	vsel vm7, $0x6C7A, v51  }
0x38: {  	v53 =	vimm.s32 $0x3FFB;
	[tilespmem:$0x1F640] =	vst v0;
	v0 =	vsel vm7, $0xC7B, v52  }
0x39: {  	v54 =	vimm.s32 $0x5FFB;
	[tilespmem:$0x1F650] =	vst v0;
	v0 =	vsel vm7, $0x2C7B, v53  }
0x3a: {  	v55 =	vimm.s32 $0x7FFB;
	[tilespmem:$0x1F660] =	vst v0;
	v0 =	vsel vm7, $0x4C7B, v54  }
0x3b: {  	v56 =	vimm.s32 $0x1FFC;
	[tilespmem:$0x1F670] =	vst v0;
	v0 =	vsel vm7, $0x6C7B, v55  }
0x3c: {  	v57 =	vimm.s32 $0x3FFC;
	[tilespmem:$0x1F680] =	vst v0;
	v0 =	vsel vm7, $0xC7C, v56  }
0x3d: {  	v58 =	vimm.s32 $0x5FFC;
	[tilespmem:$0x1F690] =	vst v0;
	v0 =	vsel vm7, $0x2C7C, v57  }
0x3e: {  	v59 =	vimm.s32 $0x7FFC;
	[tilespmem:$0x1F6A0] =	vst v0;
	v0 =	vsel vm7, $0x4C7C, v58  }
0x3f: {  	v60 =	vimm.s32 $0x1FFD;
	[tilespmem:$0x1F6B0] =	vst v0;
	v0 =	vsel vm7, $0x6C7C, v59  }
0x40: {  	v61 =	vimm.s32 $0x3FFD;
	[tilespmem:$0x1F6C0] =	vst v0;
	v0 =	vsel vm7, $0xC7D, v60  }
0x41: {  	v62 =	vimm.s32 $0x5FFD;
	[tilespmem:$0x1F6D0] =	vst v0;
	v0 =	vsel vm7, $0x2C7D, v61  }
0x42: {  	v63 =	vimm.s32 $0x7FFD;
	[tilespmem:$0x1F6E0] =	vst v0;
	v0 =	vsel vm7, $0x4C7D, v62  }
0x43: {  	v1 =	vsel vm7, $0x6C7D, v63;
	[tilespmem:$0x1F6F0] =	vst v0;
	v0 =	vimm.s32 $0x1FFE  }
0x44: {  	[tilespmem:$0x1F700] =	vst v1;
	v1 =	vimm.s32 $0x3FFE;
	v0 =	vsel vm7, $0xC7E, v0  }
0x45: {  	[tilespmem:$0x1F710] =	vst v0;
	v0 =	vsel vm7, $0x2C7E, v1  }
0x46: {  	[tilespmem:$0x1F720] =	vst v0;
	v0 =	vimm.s32 $0x5FFE  }
0x47: {  	v1 =	vimm.s32 $0x7FFE;
	v0 =	vsel vm7, $0x4C7E, v0  }
0x48: {  	v4 =	vimm.s32 $0x1FFF;
	[tilespmem:$0x1F730] =	vst v0;
	v0 =	vsel vm7, $0x6C7E, v1  }
0x49: {  	[tilespmem:$0x1F740] =	vst v0;
	v0 =	vsel vm7, $0xC7F, v4  }
0x4a: {  	[tilespmem:$0x1F750] =	vst v0;
	v0 =	vimm.s32 $0x3FFF  }
0x4b: {  	v1 =	vimm.s32 $0x5FFF;
	v0 =	vsel vm7, $0x2C7F, v0  }
0x4c: {  	[tilespmem:$0x1F760] =	vst v0;
	v0 =	vsel vm7, $0x4C7F, v1  }
0x4d: {  	[tilespmem:$0x1F770] =	vst v0;
	v0 =	vld [tilespmem:$0x1F350];
	_ =	sdelay $0x3  }
0x4e: {  	vm10 =	vcmask $0x1F1C  }
0x4f: {  	v0 =	vsel vm10, $0x380, v0  }
0x50: {  	[tilespmem:$0x1F780] =	vst v0;
	v0 =	vld [tilespmem:$0x1F700];
	_ =	sdelay $0x4  }
0x51: {  	v0 =	vsel vm12, $0x6CFD, v0  }
0x52: {  	[tilespmem:$0x1F790] =	vst v0;
	v0 =	vld [tilespmem:$0x1F710];
	_ =	sdelay $0x4  }
0x53: {  	v0 =	vsel vm12, $0xCFE, v0  }
0x54: {  	[tilespmem:$0x1F7A0] =	vst v0;
	v0 =	vld [tilespmem:$0x1F720];
	_ =	sdelay $0x4  }
0x55: {  	v0 =	vsel vm12, $0x2CFE, v0  }
0x56: {  	[tilespmem:$0x1F7B0] =	vst v0;
	v0 =	vld [tilespmem:$0x1F730];
	_ =	sdelay $0x4  }
0x57: {  	v0 =	vsel vm12, $0x4CFE, v0  }
0x58: {  	[tilespmem:$0x1F7C0] =	vst v0;
	v0 =	vld [tilespmem:$0x1F740];
	_ =	sdelay $0x4  }
0x59: {  	v0 =	vsel vm12, $0x6CFE, v0  }
0x5a: {  	[tilespmem:$0x1F7D0] =	vst v0;
	v0 =	vld [tilespmem:$0x1F750];
	_ =	sdelay $0x4  }
0x5b: {  	v0 =	vsel vm12, $0xCFF, v0  }
0x5c: {  	[tilespmem:$0x1F7E0] =	vst v0;
	v0 =	vld [tilespmem:$0x1F760];
	_ =	sdelay $0x4  }
0x5d: {  	v0 =	vsel vm12, $0x2CFF, v0  }
0x5e: {  	[tilespmem:$0x1F7F0] =	vst v0;
	v0 =	vld [tilespmem:$0x1F770];
	_ =	sdelay $0x3  }
0x5f: {  	v7 =	vimm.s32 $0x7FFF  }
0x60: {  	v7 =	vsel vm7, $0x6C7F, v7;
	v0 =	vsel vm12, $0x4CFF, v0  }
0x61: {  	[tilespmem:$0x1F800] =	vst v0;
	v0 =	vsel vm12, $0x6CFF, v7  }
0x62: {  	[tilespmem:$0x1F810] =	vst v0;
	v0 =	vld [tilespmem:$0x1F780];
	_ =	sdelay $0x3  }
0x63: {  	vm13 =	vcmask $0x2320  }
0x64: {  	v0 =	vsel vm13, $0x1000, v0  }
0x65: {  	[tilespmem:$0x1F8A0] =	vst v0;
	v0 =	vld [tilespmem:$0x1F790];
	_ =	sdelay $0x4  }
0x66: {  	v0 =	vsel vm8, $0x6D7D, v0  }
0x67: {  	[tilespmem:$0x1F820] =	vst v0;
	v0 =	vld [tilespmem:$0x1F7B0];
	_ =	sdelay $0x4  }
0x68: {  	v0 =	vsel vm8, $0x2D7E, v0  }
0x69: {  	[tilespmem:$0x1F830] =	vst v0;
	v0 =	vld [tilespmem:$0x1F7C0];
	_ =	sdelay $0x4  }
0x6a: {  	v0 =	vsel vm8, $0x4D7E, v0  }
0x6b: {  	[tilespmem:$0x1F840] =	vst v0;
	v0 =	vld [tilespmem:$0x1F7D0];
	_ =	sdelay $0x4  }
0x6c: {  	v0 =	vsel vm8, $0x6D7E, v0  }
0x6d: {  	[tilespmem:$0x1F850] =	vst v0;
	v0 =	vld [tilespmem:$0x1F7E0];
	_ =	sdelay $0x2  }
0x6e: {  	v8 =	vld [tilespmem:$0x1F380]  }
0x6f: {  	v9 =	vld [tilespmem:$0x1F390]  }
0x70: {  	v10 =	vld [tilespmem:$0x1F3A0];
	v0 =	vsel vm8, $0xD7F, v0  }
0x71: {  	[tilespmem:$0x1F860] =	vst v0;
	v0 =	vld [tilespmem:$0x1F7F0]  }
0x72: {  	v11 =	vld [tilespmem:$0x1F3B0]  }
0x73: {  	v12 =	vld [tilespmem:$0x1F3C0]  }
0x74: {  	v13 =	vld [tilespmem:$0x1F3D0]  }
0x75: {  	v14 =	vld [tilespmem:$0x1F3E0]  }
0x76: {  	v15 =	vld [tilespmem:$0x1F3F0];
	v0 =	vsel vm8, $0x2D7F, v0  }
0x77: {  	[tilespmem:$0x1F870] =	vst v0;
	v0 =	vld [tilespmem:$0x1F800]  }
0x78: {  	v16 =	vld [tilespmem:$0x1F400]  }
0x79: {  	v17 =	vld [tilespmem:$0x1F410]  }
0x7a: {  	v18 =	vld [tilespmem:$0x1F420]  }
0x7b: {  	v19 =	vld [tilespmem:$0x1F430]  }
0x7c: {  	v20 =	vld [tilespmem:$0x1F440];
	v0 =	vsel vm8, $0x4D7F, v0  }
0x7d: {  	[tilespmem:$0x1F880] =	vst v0;
	v0 =	vld [tilespmem:$0x1F810]  }
0x7e: {  	v21 =	vld [tilespmem:$0x1F450]  }
0x7f: {  	v22 =	vld [tilespmem:$0x1F460]  }
0x80: {  	v23 =	vld [tilespmem:$0x1F470]  }
0x81: {  	v24 =	vld [tilespmem:$0x1F480]  }
0x82: {  	v25 =	vld [tilespmem:$0x1F490];
	v0 =	vsel vm8, $0x6D7F, v0  }
0x83: {  	[tilespmem:$0x1F890] =	vst v0;
	v0 =	vld [tilespmem:$0x1F820]  }
0x84: {  	v26 =	vld [tilespmem:$0x1F4A0]  }
0x85: {  	v27 =	vld [tilespmem:$0x1F4B0]  }
0x86: {  	v28 =	vld [tilespmem:$0x1F4C0]  }
0x87: {  	v29 =	vld [tilespmem:$0x1F4D0]  }
0x88: {  	v30 =	vld [tilespmem:$0x1F4E0];
	v0 =	vsel vm1, $0x6DFD, v0  }
0x89: {  	[tilespmem:$0x1F8B0] =	vst v0;
	v0 =	vld [tilespmem:$0x1F830]  }
0x8a: {  	v31 =	vld [tilespmem:$0x1F4F0]  }
0x8b: {  	v36 =	vld [tilespmem:$0x1F500]  }
0x8c: {  	v37 =	vld [tilespmem:$0x1F510]  }
0x8d: {  	v38 =	vld [tilespmem:$0x1F520]  }
0x8e: {  	v39 =	vld [tilespmem:$0x1F530];
	v0 =	vsel vm1, $0x2DFE, v0  }
0x8f: {  	[tilespmem:$0x1F8C0] =	vst v0;
	v0 =	vld [tilespmem:$0x1F840]  }
0x90: {  	v40 =	vld [tilespmem:$0x1F540]  }
0x91: {  	v41 =	vld [tilespmem:$0x1F550]  }
0x92: {  	v42 =	vld [tilespmem:$0x1F560]  }
0x93: {  	v43 =	vld [tilespmem:$0x1F570]  }
0x94: {  	v44 =	vld [tilespmem:$0x1F580];
	v0 =	vsel vm1, $0x4DFE, v0  }
0x95: {  	[tilespmem:$0x1F8D0] =	vst v0;
	v0 =	vld [tilespmem:$0x1F850]  }
0x96: {  	v45 =	vld [tilespmem:$0x1F590]  }
0x97: {  	v46 =	vld [tilespmem:$0x1F5A0]  }
0x98: {  	v47 =	vld [tilespmem:$0x1F5B0]  }
0x99: {  	v48 =	vld [tilespmem:$0x1F5C0]  }
0x9a: {  	v49 =	vld [tilespmem:$0x1F5D0];
	v0 =	vsel vm1, $0x6DFE, v0  }
0x9b: {  	[tilespmem:$0x1F8E0] =	vst v0;
	v0 =	vld [tilespmem:$0x1F860]  }
0x9c: {  	v50 =	vld [tilespmem:$0x1F5E0]  }
0x9d: {  	v51 =	vld [tilespmem:$0x1F5F0]  }
0x9e: {  	v52 =	vld [tilespmem:$0x1F600]  }
0x9f: {  	v2 =	vimm.s32 $0x5380;
	v3 =	vimm.s32 $0x7380;
	v5 =	vimm.s32 $0x3FEF;
	v53 =	vld [tilespmem:$0x1F610]  }
0xa0: {  	v6 =	vimm.s32 $0x5FEF;
	v2 =	vsel vm7, $0x4000, v2;
	v54 =	vld [tilespmem:$0x1F620];
	v0 =	vsel vm1, $0xDFF, v0  }
0xa1: {  	v3 =	vsel vm7, $0x6000, v3;
	v5 =	vsel vm7, $0x2C6F, v5;
	v6 =	vsel vm7, $0x4C6F, v6;
	[tilespmem:$0x1F8F0] =	vst v0;
	v0 =	vld [tilespmem:$0x1F870]  }
0xa2: {  	v2 =	vsel vm12, $0x4080, v2;
	v3 =	vsel vm12, $0x6080, v3;
	v5 =	vsel vm12, $0x2CEF, v5;
	v55 =	vld [tilespmem:$0x1F630]  }
0xa3: {  	v6 =	vsel vm12, $0x4CEF, v6;
	v8 =	vsel vm12, $0x6CEF, v8;
	v9 =	vsel vm12, $0xCF0, v9;
	v56 =	vld [tilespmem:$0x1F640]  }
0xa4: {  	v10 =	vsel vm12, $0x2CF0, v10;
	v11 =	vsel vm12, $0x4CF0, v11;
	v12 =	vsel vm12, $0x6CF0, v12;
	v57 =	vld [tilespmem:$0x1F650]  }
0xa5: {  	v13 =	vsel vm12, $0xCF1, v13;
	v14 =	vsel vm12, $0x2CF1, v14;
	v15 =	vsel vm12, $0x4CF1, v15;
	v58 =	vld [tilespmem:$0x1F660]  }
0xa6: {  	v16 =	vsel vm12, $0x6CF1, v16;
	v17 =	vsel vm12, $0xCF2, v17;
	v60 =	vld [tilespmem:$0x1F680];
	v0 =	vsel vm1, $0x2DFF, v0  }
0xa7: {  	v18 =	vsel vm12, $0x2CF2, v18;
	v32 =	vsel vm12, $0x6CF5, v36;
	v33 =	vsel vm12, $0xCF6, v37;
	[tilespmem:$0x1F900] =	vst v0;
	v0 =	vld [tilespmem:$0x1F880]  }
0xa8: {  	v34 =	vsel vm12, $0x2CF6, v38;
	v35 =	vsel vm12, $0x4CF6, v39;
	v36 =	vsel vm12, $0x6CF6, v40;
	v59 =	vld [tilespmem:$0x1F670]  }
0xa9: {  	v37 =	vsel vm12, $0xCF7, v41;
	v38 =	vsel vm12, $0x2CF7, v42;
	v39 =	vsel vm12, $0x4CF7, v43;
	v63 =	vld [tilespmem:$0x1F6B0]  }
0xaa: {  	v40 =	vsel vm12, $0x6CF7, v44;
	v41 =	vsel vm12, $0xCF8, v45;
	v42 =	vsel vm12, $0x2CF8, v46;
	v61 =	vld [tilespmem:$0x1F690]  }
0xab: {  	v43 =	vsel vm12, $0x4CF8, v47;
	v44 =	vsel vm12, $0x6CF8, v48;
	v48 =	vsel vm12, $0x6CF9, v52;
	v62 =	vld [tilespmem:$0x1F6A0]  }
0xac: {  	v52 =	vsel vm12, $0x6CFA, v56;
	v56 =	vsel vm12, $0x6CFB, v60;
	v60 =	vld [tilespmem:$0x1F6C0];
	v0 =	vsel vm1, $0x4DFF, v0  }
0xad: {  	v45 =	vsel vm12, $0xCF9, v49;
	v46 =	vsel vm12, $0x2CF9, v50;
	v47 =	vsel vm12, $0x4CF9, v51;
	[tilespmem:$0x1F910] =	vst v0;
	v0 =	vld [tilespmem:$0x1F890]  }
0xae: {  	v51 =	vsel vm12, $0x4CFA, v55;
	v55 =	vsel vm12, $0x4CFB, v59;
	v59 =	vsel vm12, $0x4CFC, v63;
	v63 =	vld [tilespmem:$0x1F6F0]  }
0xaf: {  	v49 =	vsel vm12, $0xCFA, v53;
	v53 =	vsel vm12, $0xCFB, v57;
	v57 =	vsel vm12, $0xCFC, v61;
	v61 =	vld [tilespmem:$0x1F6D0]  }
0xb0: {  	v50 =	vsel vm12, $0x2CFA, v54;
	v54 =	vsel vm12, $0x2CFB, v58;
	v58 =	vsel vm12, $0x2CFC, v62;
	v62 =	vld [tilespmem:$0x1F6E0]  }
0xb1: {  	v19 =	vsel vm12, $0x4CF2, v19;
	v20 =	vsel vm12, $0x6CF2, v20;
	v21 =	vsel vm12, $0xCF3, v21;
	v4 =	vld [tilespmem:$0x1F370]  }
0xb2: {  	v22 =	vsel vm12, $0x2CF3, v22;
	v23 =	vsel vm12, $0x4CF3, v23;
	v1 =	vld [tilespmem:$0x1F360];
	v0 =	vsel vm1, $0x6DFF, v0  }
0xb3: {  	v24 =	vsel vm12, $0x6CF3, v24;
	v25 =	vsel vm12, $0xCF4, v25;
	v26 =	vsel vm12, $0x2CF4, v26;
	[tilespmem:$0x1F920] =	vst v0;
	v0 =	vld [tilespmem:$0x1F8A0]  }
0xb4: {  	v27 =	vsel vm12, $0x4CF4, v27;
	v28 =	vsel vm12, $0x6CF4, v28;
	v29 =	vsel vm12, $0xCF5, v29  }
0xb5: {  	v30 =	vsel vm12, $0x2CF5, v30;
	v31 =	vsel vm12, $0x4CF5, v31;
	v60 =	vsel vm12, $0x6CFC, v60  }
0xb6: {  	v63 =	vsel vm12, $0x4CFD, v63;
	v61 =	vsel vm12, $0xCFD, v61;
	v62 =	vsel vm12, $0x2CFD, v62  }
0xb7: {  	v4 =	vsel vm12, $0xCEF, v4;
	v1 =	vsel vm12, $0x2080, v1;
	vm12 =	vcmask $0x2724  }
0xb8: {  	v0 =	vsel vm12, $0x1080, v0  }
0xb9: {  	[tilespmem:$0x1F930] =	vst v0;
	v0 =	vld [tilespmem:$0x1F8B0];
	_ =	sdelay $0x4  }
0xba: {  	v0 =	vsel vm14, $0x6E7D, v0  }
0xbb: {  	[tilespmem:$0x1F940] =	vst v0;
	v0 =	vld [tilespmem:$0x1F8C0];
	_ =	sdelay $0x4  }
0xbc: {  	v0 =	vsel vm14, $0x2E7E, v0  }
0xbd: {  	[tilespmem:$0x1F950] =	vst v0;
	v0 =	vld [tilespmem:$0x1F8D0];
	_ =	sdelay $0x4  }
0xbe: {  	vm15 =	vcmask $0x3B38;
	v0 =	vsel vm14, $0x4E7E, v0  }
0xbf: {  	v2 =	vsel vm8, $0x4100, v2;
	v3 =	vsel vm8, $0x6100, v3;
	v5 =	vsel vm8, $0x2D6F, v5;
	[tilespmem:$0x1F960] =	vst v0;
	v0 =	vld [tilespmem:$0x1F8E0]  }
0xc0: {  	v6 =	vsel vm8, $0x4D6F, v6;
	v2 =	vsel vm1, $0x4180, v2;
	v3 =	vsel vm1, $0x6180, v3  }
0xc1: {  	v5 =	vsel vm1, $0x2DEF, v5;
	v6 =	vsel vm1, $0x4DEF, v6;
	v2 =	vsel vm14, $0x4200, v2  }
0xc2: {  	v3 =	vsel vm14, $0x6200, v3;
	v5 =	vsel vm14, $0x2E6F, v5;
	v6 =	vsel vm14, $0x4E6F, v6  }
0xc3: {  	v2 =	vsel vm11, $0x4280, v2;
	v3 =	vsel vm11, $0x6280, v3;
	v5 =	vsel vm11, $0x2EEF, v5  }
0xc4: {  	v6 =	vsel vm11, $0x4EEF, v6;
	v2 =	vsel vm9, $0x4300, v2;
	v0 =	vsel vm14, $0x6E7E, v0  }
0xc5: {  	v3 =	vsel vm9, $0x6300, v3;
	v5 =	vsel vm9, $0x2F6F, v5;
	v6 =	vsel vm9, $0x4F6F, v6;
	[tilespmem:$0x1F970] =	vst v0;
	v0 =	vld [tilespmem:$0x1F8F0]  }
0xc6: {  	v2 =	vsel vm10, $0x4380, v2;
	v3 =	vsel vm10, $0x6380, v3;
	v5 =	vsel vm10, $0x2FEF, v5  }
0xc7: {  	v6 =	vsel vm10, $0x4FEF, v6;
	v2 =	vsel vm13, $0x5000, v2;
	v3 =	vsel vm13, $0x7000, v3  }
0xc8: {  	v5 =	vsel vm13, $0x3C6F, v5;
	v6 =	vsel vm13, $0x5C6F, v6;
	v8 =	vsel vm8, $0x6D6F, v8  }
0xc9: {  	v9 =	vsel vm8, $0xD70, v9;
	v8 =	vsel vm1, $0x6DEF, v8;
	v10 =	vsel vm8, $0x2D70, v10  }
0xca: {  	v9 =	vsel vm1, $0xDF0, v9;
	v8 =	vsel vm14, $0x6E6F, v8;
	v0 =	vsel vm14, $0xE7F, v0  }
0xcb: {  	v11 =	vsel vm8, $0x4D70, v11;
	v10 =	vsel vm1, $0x2DF0, v10;
	v9 =	vsel vm14, $0xE70, v9;
	[tilespmem:$0x1F980] =	vst v0;
	v0 =	vld [tilespmem:$0x1F900]  }
0xcc: {  	v8 =	vsel vm11, $0x6EEF, v8;
	v12 =	vsel vm8, $0x6D70, v12;
	v11 =	vsel vm1, $0x4DF0, v11  }
0xcd: {  	v10 =	vsel vm14, $0x2E70, v10;
	v9 =	vsel vm11, $0xEF0, v9;
	v8 =	vsel vm9, $0x6F6F, v8  }
0xce: {  	v13 =	vsel vm8, $0xD71, v13;
	v12 =	vsel vm1, $0x6DF0, v12;
	v11 =	vsel vm14, $0x4E70, v11  }
0xcf: {  	v10 =	vsel vm11, $0x2EF0, v10;
	v9 =	vsel vm9, $0xF70, v9;
	v8 =	vsel vm10, $0x6FEF, v8  }
0xd0: {  	v14 =	vsel vm8, $0x2D71, v14;
	v13 =	vsel vm1, $0xDF1, v13;
	v0 =	vsel vm14, $0x2E7F, v0  }
0xd1: {  	v12 =	vsel vm14, $0x6E70, v12;
	v11 =	vsel vm11, $0x4EF0, v11;
	v10 =	vsel vm9, $0x2F70, v10;
	[tilespmem:$0x1F990] =	vst v0;
	v0 =	vld [tilespmem:$0x1F910]  }
0xd2: {  	v9 =	vsel vm10, $0xFF0, v9;
	v8 =	vsel vm13, $0x7C6F, v8;
	v15 =	vsel vm8, $0x4D71, v15  }
0xd3: {  	v14 =	vsel vm1, $0x2DF1, v14;
	v13 =	vsel vm14, $0xE71, v13;
	v12 =	vsel vm11, $0x6EF0, v12  }
0xd4: {  	v11 =	vsel vm9, $0x4F70, v11;
	v10 =	vsel vm10, $0x2FF0, v10;
	v9 =	vsel vm13, $0x1C70, v9  }
0xd5: {  	v16 =	vsel vm8, $0x6D71, v16;
	v15 =	vsel vm1, $0x4DF1, v15;
	v14 =	vsel vm14, $0x2E71, v14  }
0xd6: {  	v17 =	vsel vm8, $0xD72, v17;
	v16 =	vsel vm1, $0x6DF1, v16;
	v0 =	vsel vm14, $0x4E7F, v0  }
0xd7: {  	v15 =	vsel vm14, $0x4E71, v15;
	v18 =	vsel vm8, $0x2D72, v18;
	v17 =	vsel vm1, $0xDF2, v17;
	[tilespmem:$0x1F9A0] =	vst v0;
	v0 =	vld [tilespmem:$0x1F920]  }
0xd8: {  	v16 =	vsel vm14, $0x6E71, v16;
	v19 =	vsel vm8, $0x4D72, v19;
	v18 =	vsel vm1, $0x2DF2, v18  }
0xd9: {  	v17 =	vsel vm14, $0xE72, v17;
	v20 =	vsel vm8, $0x6D72, v20;
	v19 =	vsel vm1, $0x4DF2, v19  }
0xda: {  	v18 =	vsel vm14, $0x2E72, v18;
	v21 =	vsel vm8, $0xD73, v21;
	v1 =	vsel vm8, $0x2100, v1  }
0xdb: {  	v20 =	vsel vm1, $0x6DF2, v20;
	v19 =	vsel vm14, $0x4E72, v19;
	v1 =	vsel vm1, $0x2180, v1  }
0xdc: {  	v22 =	vsel vm8, $0x2D73, v22;
	v1 =	vsel vm14, $0x2200, v1;
	v0 =	vsel vm14, $0x6E7F, v0  }
0xdd: {  	v21 =	vsel vm1, $0xDF3, v21;
	v20 =	vsel vm14, $0x6E72, v20;
	[tilespmem:$0x1F9B0] =	vst v0;
	v0 =	vsel vm11, $0x2280, v1  }
0xde: {  	v23 =	vsel vm8, $0x4D73, v23;
	v22 =	vsel vm1, $0x2DF3, v22;
	v0 =	vsel vm9, $0x2300, v0  }
0xdf: {  	v21 =	vsel vm14, $0xE73, v21;
	v24 =	vsel vm8, $0x6D73, v24;
	v23 =	vsel vm1, $0x4DF3, v23;
	[tilespmem:$0x1F9C0] =	vst v0;
	v0 =	vld [tilespmem:$0x1F950]  }
0xe0: {  	v22 =	vsel vm14, $0x2E73, v22;
	v25 =	vsel vm8, $0xD74, v25;
	v24 =	vsel vm1, $0x6DF3, v24  }
0xe1: {  	v23 =	vsel vm14, $0x4E73, v23;
	v26 =	vsel vm8, $0x2D74, v26;
	v25 =	vsel vm1, $0xDF4, v25  }
0xe2: {  	v24 =	vsel vm14, $0x6E73, v24;
	v27 =	vsel vm8, $0x4D74, v27;
	v26 =	vsel vm1, $0x2DF4, v26  }
0xe3: {  	v25 =	vsel vm14, $0xE74, v25;
	v28 =	vsel vm8, $0x6D74, v28;
	v27 =	vsel vm1, $0x4DF4, v27  }
0xe4: {  	v26 =	vsel vm14, $0x2E74, v26;
	v29 =	vsel vm8, $0xD75, v29;
	v0 =	vsel vm11, $0x2EFE, v0  }
0xe5: {  	v28 =	vsel vm1, $0x6DF4, v28;
	v27 =	vsel vm14, $0x4E74, v27;
	v30 =	vsel vm8, $0x2D75, v30;
	[tilespmem:$0x1F9D0] =	vst v0;
	v0 =	vld [tilespmem:$0x1F960]  }
0xe6: {  	v29 =	vsel vm1, $0xDF5, v29;
	v28 =	vsel vm14, $0x6E74, v28;
	v31 =	vsel vm8, $0x4D75, v31  }
0xe7: {  	v30 =	vsel vm1, $0x2DF5, v30;
	v29 =	vsel vm14, $0xE75, v29;
	v31 =	vsel vm1, $0x4DF5, v31  }
0xe8: {  	v30 =	vsel vm14, $0x2E75, v30;
	v31 =	vsel vm14, $0x4E75, v31;
	v32 =	vsel vm8, $0x6D75, v32  }
0xe9: {  	v33 =	vsel vm8, $0xD76, v33;
	v32 =	vsel vm1, $0x6DF5, v32;
	v34 =	vsel vm8, $0x2D76, v34  }
0xea: {  	v33 =	vsel vm1, $0xDF6, v33;
	v32 =	vsel vm14, $0x6E75, v32;
	v0 =	vsel vm11, $0x4EFE, v0  }
0xeb: {  	v35 =	vsel vm8, $0x4D76, v35;
	v34 =	vsel vm1, $0x2DF6, v34;
	v33 =	vsel vm14, $0xE76, v33;
	[tilespmem:$0x1F9E0] =	vst v0;
	v0 =	vld [tilespmem:$0x1F970]  }
0xec: {  	v36 =	vsel vm8, $0x6D76, v36;
	v35 =	vsel vm1, $0x4DF6, v35;
	v34 =	vsel vm14, $0x2E76, v34  }
0xed: {  	v37 =	vsel vm8, $0xD77, v37;
	v36 =	vsel vm1, $0x6DF6, v36;
	v35 =	vsel vm14, $0x4E76, v35  }
0xee: {  	v38 =	vsel vm8, $0x2D77, v38;
	v37 =	vsel vm1, $0xDF7, v37;
	v36 =	vsel vm14, $0x6E76, v36  }
0xef: {  	v39 =	vsel vm8, $0x4D77, v39;
	v38 =	vsel vm1, $0x2DF7, v38;
	v37 =	vsel vm14, $0xE77, v37  }
0xf0: {  	v40 =	vsel vm8, $0x6D77, v40;
	v39 =	vsel vm1, $0x4DF7, v39;
	v0 =	vsel vm11, $0x6EFE, v0  }
0xf1: {  	v38 =	vsel vm14, $0x2E77, v38;
	v41 =	vsel vm8, $0xD78, v41;
	v40 =	vsel vm1, $0x6DF7, v40;
	[tilespmem:$0x1F9F0] =	vst v0;
	v0 =	vld [tilespmem:$0x1F980]  }
0xf2: {  	v39 =	vsel vm14, $0x4E77, v39;
	v42 =	vsel vm8, $0x2D78, v42;
	v41 =	vsel vm1, $0xDF8, v41  }
0xf3: {  	v40 =	vsel vm14, $0x6E77, v40;
	v43 =	vsel vm8, $0x4D78, v43;
	v42 =	vsel vm1, $0x2DF8, v42  }
0xf4: {  	v41 =	vsel vm14, $0xE78, v41;
	v44 =	vsel vm8, $0x6D78, v44;
	v43 =	vsel vm1, $0x4DF8, v43  }
0xf5: {  	v42 =	vsel vm14, $0x2E78, v42;
	v45 =	vsel vm8, $0xD79, v45;
	v44 =	vsel vm1, $0x6DF8, v44  }
0xf6: {  	v43 =	vsel vm14, $0x4E78, v43;
	v46 =	vsel vm8, $0x2D79, v46;
	v0 =	vsel vm11, $0xEFF, v0  }
0xf7: {  	v45 =	vsel vm1, $0xDF9, v45;
	v44 =	vsel vm14, $0x6E78, v44;
	v47 =	vsel vm8, $0x4D79, v47;
	[tilespmem:$0x1FA00] =	vst v0;
	v0 =	vld [tilespmem:$0x1F990]  }
0xf8: {  	v46 =	vsel vm1, $0x2DF9, v46;
	v45 =	vsel vm14, $0xE79, v45;
	v48 =	vsel vm8, $0x6D79, v48  }
0xf9: {  	v47 =	vsel vm1, $0x4DF9, v47;
	v46 =	vsel vm14, $0x2E79, v46;
	v49 =	vsel vm8, $0xD7A, v49  }
0xfa: {  	v48 =	vsel vm1, $0x6DF9, v48;
	v47 =	vsel vm14, $0x4E79, v47;
	v50 =	vsel vm8, $0x2D7A, v50  }
0xfb: {  	v49 =	vsel vm1, $0xDFA, v49;
	v48 =	vsel vm14, $0x6E79, v48;
	v51 =	vsel vm8, $0x4D7A, v51  }
0xfc: {  	v50 =	vsel vm1, $0x2DFA, v50;
	v49 =	vsel vm14, $0xE7A, v49;
	v0 =	vsel vm11, $0x2EFF, v0  }
0xfd: {  	v52 =	vsel vm8, $0x6D7A, v52;
	v51 =	vsel vm1, $0x4DFA, v51;
	v50 =	vsel vm14, $0x2E7A, v50;
	[tilespmem:$0x1FA10] =	vst v0;
	v0 =	vld [tilespmem:$0x1F9A0]  }
0xfe: {  	v53 =	vsel vm8, $0xD7B, v53;
	v52 =	vsel vm1, $0x6DFA, v52;
	v51 =	vsel vm14, $0x4E7A, v51  }
0xff: {  	v54 =	vsel vm8, $0x2D7B, v54;
	v53 =	vsel vm1, $0xDFB, v53;
	v52 =	vsel vm14, $0x6E7A, v52  }
0x100: {  	v55 =	vsel vm8, $0x4D7B, v55;
	v54 =	vsel vm1, $0x2DFB, v54;
	v53 =	vsel vm14, $0xE7B, v53  }
0x101: {  	v56 =	vsel vm8, $0x6D7B, v56;
	v59 =	vsel vm8, $0x4D7C, v59;
	v55 =	vsel vm1, $0x4DFB, v55  }
0x102: {  	v54 =	vsel vm14, $0x2E7B, v54;
	v57 =	vsel vm8, $0xD7C, v57;
	v0 =	vsel vm11, $0x4EFF, v0  }
0x103: {  	v56 =	vsel vm1, $0x6DFB, v56;
	v59 =	vsel vm1, $0x4DFC, v59;
	v55 =	vsel vm14, $0x4E7B, v55;
	[tilespmem:$0x1FA20] =	vst v0;
	v0 =	vld [tilespmem:$0x1F9B0]  }
0x104: {  	v58 =	vsel vm8, $0x2D7C, v58;
	v57 =	vsel vm1, $0xDFC, v57;
	v56 =	vsel vm14, $0x6E7B, v56  }
0x105: {  	v59 =	vsel vm14, $0x4E7C, v59;
	v58 =	vsel vm1, $0x2DFC, v58;
	v57 =	vsel vm14, $0xE7C, v57;
	v7 =	vld [tilespmem:$0x1F7A0]  }
0x106: {  	v58 =	vsel vm14, $0x2E7C, v58;
	v60 =	vsel vm8, $0x6D7C, v60;
	v63 =	vsel vm8, $0x4D7D, v63  }
0x107: {  	v61 =	vsel vm8, $0xD7D, v61;
	v60 =	vsel vm1, $0x6DFC, v60;
	v63 =	vsel vm1, $0x4DFD, v63  }
0x108: {  	v62 =	vsel vm8, $0x2D7D, v62;
	v61 =	vsel vm1, $0xDFD, v61;
	v1 =	vld [tilespmem:$0x1F930];
	v0 =	vsel vm11, $0x6EFF, v0  }
0x109: {  	v60 =	vsel vm14, $0x6E7C, v60;
	v63 =	vsel vm14, $0x4E7D, v63;
	v62 =	vsel vm1, $0x2DFD, v62;
	[tilespmem:$0x1FA30] =	vst v0;
	v0 =	vld [tilespmem:$0x1F9C0]  }
0x10a: {  	v61 =	vsel vm14, $0xE7D, v61;
	v4 =	vsel vm8, $0xD6F, v4;
	v7 =	vsel vm8, $0xD7E, v7  }
0x10b: {  	v62 =	vsel vm14, $0x2E7D, v62;
	v4 =	vsel vm1, $0xDEF, v4;
	v7 =	vsel vm1, $0xDFE, v7  }
0x10c: {  	v4 =	vsel vm14, $0xE6F, v4;
	v7 =	vsel vm14, $0xE7E, v7;
	vm14 =	vcmask $0x2B28  }
0x10d: {  	v13 =	vsel vm11, $0xEF1, v13;
	v12 =	vsel vm9, $0x6F70, v12;
	v1 =	vsel vm14, $0x1100, v1  }
0x10e: {  	v11 =	vsel vm10, $0x4FF0, v11;
	v10 =	vsel vm13, $0x3C70, v10;
	[tilespmem:$0x1FA40] =	vst v1;
	v1 =	vld [tilespmem:$0x1F940];
	v0 =	vsel vm10, $0x2380, v0  }
0x10f: {  	v14 =	vsel vm11, $0x2EF1, v14;
	v13 =	vsel vm9, $0xF71, v13;
	v12 =	vsel vm10, $0x6FF0, v12;
	[tilespmem:$0x1FA50] =	vst v0;
	v0 =	vld [tilespmem:$0x1F9D0]  }
0x110: {  	v11 =	vsel vm13, $0x5C70, v11;
	v15 =	vsel vm11, $0x4EF1, v15;
	v14 =	vsel vm9, $0x2F71, v14  }
0x111: {  	v13 =	vsel vm10, $0xFF1, v13;
	v12 =	vsel vm13, $0x7C70, v12;
	v16 =	vsel vm11, $0x6EF1, v16  }
0x112: {  	v15 =	vsel vm9, $0x4F71, v15;
	v14 =	vsel vm10, $0x2FF1, v14;
	v13 =	vsel vm13, $0x1C71, v13  }
0x113: {  	v17 =	vsel vm11, $0xEF2, v17;
	v16 =	vsel vm9, $0x6F71, v16;
	v1 =	vsel vm11, $0x6EFD, v1  }
0x114: {  	v15 =	vsel vm10, $0x4FF1, v15;
	v1 =	vsel vm9, $0x6F7D, v1;
	v0 =	vsel vm9, $0x2F7E, v0  }
0x115: {  	v14 =	vsel vm13, $0x3C71, v14;
	v18 =	vsel vm11, $0x2EF2, v18;
	v1 =	vsel vm10, $0x6FFD, v1;
	[tilespmem:$0x1FA60] =	vst v0;
	v0 =	vld [tilespmem:$0x1F9E0]  }
0x116: {  	v17 =	vsel vm9, $0xF72, v17;
	v16 =	vsel vm10, $0x6FF1, v16;
	v15 =	vsel vm13, $0x5C71, v15;
	[tilespmem:$0x1FAE0] =	vst v1;
	v1 =	vld [tilespmem:$0x1FA60]  }
0x117: {  	v19 =	vsel vm11, $0x4EF2, v19;
	v18 =	vsel vm9, $0x2F72, v18;
	v17 =	vsel vm10, $0xFF2, v17  }
0x118: {  	v16 =	vsel vm13, $0x7C71, v16;
	v20 =	vsel vm11, $0x6EF2, v20;
	v19 =	vsel vm9, $0x4F72, v19  }
0x119: {  	v18 =	vsel vm10, $0x2FF2, v18;
	v17 =	vsel vm13, $0x1C72, v17;
	v21 =	vsel vm11, $0xEF3, v21  }
0x11a: {  	v20 =	vsel vm9, $0x6F72, v20;
	v19 =	vsel vm10, $0x4FF2, v19;
	v0 =	vsel vm9, $0x4F7E, v0  }
0x11b: {  	v18 =	vsel vm13, $0x3C72, v18;
	v22 =	vsel vm11, $0x2EF3, v22;
	[tilespmem:$0x1FA70] =	vst v0;
	v0 =	vld [tilespmem:$0x1F9F0];
	v1 =	vsel vm10, $0x2FFE, v1  }
0x11c: {  	v21 =	vsel vm9, $0xF73, v21;
	v20 =	vsel vm10, $0x6FF2, v20;
	v19 =	vsel vm13, $0x5C72, v19;
	[tilespmem:$0x1FAF0] =	vst v1;
	v1 =	vld [tilespmem:$0x1FA70]  }
0x11d: {  	v23 =	vsel vm11, $0x4EF3, v23;
	v22 =	vsel vm9, $0x2F73, v22;
	v21 =	vsel vm10, $0xFF3, v21  }
0x11e: {  	v20 =	vsel vm13, $0x7C72, v20;
	v24 =	vsel vm11, $0x6EF3, v24;
	v23 =	vsel vm9, $0x4F73, v23  }
0x11f: {  	v22 =	vsel vm10, $0x2FF3, v22;
	v21 =	vsel vm13, $0x1C73, v21;
	v25 =	vsel vm11, $0xEF4, v25  }
0x120: {  	v24 =	vsel vm9, $0x6F73, v24;
	v23 =	vsel vm10, $0x4FF3, v23;
	v0 =	vsel vm9, $0x6F7E, v0  }
0x121: {  	v22 =	vsel vm13, $0x3C73, v22;
	v26 =	vsel vm11, $0x2EF4, v26;
	[tilespmem:$0x1FA80] =	vst v0;
	v0 =	vld [tilespmem:$0x1FA00];
	v1 =	vsel vm10, $0x4FFE, v1  }
0x122: {  	v25 =	vsel vm9, $0xF74, v25;
	v24 =	vsel vm10, $0x6FF3, v24;
	v23 =	vsel vm13, $0x5C73, v23;
	[tilespmem:$0x1FB00] =	vst v1;
	v1 =	vld [tilespmem:$0x1FA80]  }
0x123: {  	v27 =	vsel vm11, $0x4EF4, v27;
	v26 =	vsel vm9, $0x2F74, v26;
	v25 =	vsel vm10, $0xFF4, v25  }
0x124: {  	v24 =	vsel vm13, $0x7C73, v24;
	v28 =	vsel vm11, $0x6EF4, v28;
	v27 =	vsel vm9, $0x4F74, v27  }
0x125: {  	v26 =	vsel vm10, $0x2FF4, v26;
	v25 =	vsel vm13, $0x1C74, v25;
	v29 =	vsel vm11, $0xEF5, v29  }
0x126: {  	v28 =	vsel vm9, $0x6F74, v28;
	v27 =	vsel vm10, $0x4FF4, v27;
	v0 =	vsel vm9, $0xF7F, v0  }
0x127: {  	v26 =	vsel vm13, $0x3C74, v26;
	v30 =	vsel vm11, $0x2EF5, v30;
	[tilespmem:$0x1FA90] =	vst v0;
	v0 =	vld [tilespmem:$0x1FA10];
	v1 =	vsel vm10, $0x6FFE, v1  }
0x128: {  	v29 =	vsel vm9, $0xF75, v29;
	v28 =	vsel vm10, $0x6FF4, v28;
	v27 =	vsel vm13, $0x5C74, v27;
	[tilespmem:$0x1FB10] =	vst v1;
	v1 =	vld [tilespmem:$0x1FA90]  }
0x129: {  	v31 =	vsel vm11, $0x4EF5, v31;
	v30 =	vsel vm9, $0x2F75, v30;
	v29 =	vsel vm10, $0xFF5, v29  }
0x12a: {  	v28 =	vsel vm13, $0x7C74, v28;
	v31 =	vsel vm9, $0x4F75, v31;
	v30 =	vsel vm10, $0x2FF5, v30  }
0x12b: {  	v29 =	vsel vm13, $0x1C75, v29;
	v31 =	vsel vm10, $0x4FF5, v31;
	v30 =	vsel vm13, $0x3C75, v30  }
0x12c: {  	v31 =	vsel vm13, $0x5C75, v31;
	v32 =	vsel vm11, $0x6EF5, v32;
	v0 =	vsel vm9, $0x2F7F, v0  }
0x12d: {  	v33 =	vsel vm11, $0xEF6, v33;
	v32 =	vsel vm9, $0x6F75, v32;
	[tilespmem:$0x1FAA0] =	vst v0;
	v0 =	vld [tilespmem:$0x1FA20];
	v1 =	vsel vm10, $0xFFF, v1  }
0x12e: {  	v34 =	vsel vm11, $0x2EF6, v34;
	v33 =	vsel vm9, $0xF76, v33;
	v32 =	vsel vm10, $0x6FF5, v32;
	[tilespmem:$0x1FB20] =	vst v1;
	v1 =	vld [tilespmem:$0x1FAA0]  }
0x12f: {  	v35 =	vsel vm11, $0x4EF6, v35;
	v34 =	vsel vm9, $0x2F76, v34;
	v33 =	vsel vm10, $0xFF6, v33  }
0x130: {  	v32 =	vsel vm13, $0x7C75, v32;
	v36 =	vsel vm11, $0x6EF6, v36;
	v35 =	vsel vm9, $0x4F76, v35  }
0x131: {  	v34 =	vsel vm10, $0x2FF6, v34;
	v33 =	vsel vm13, $0x1C76, v33;
	v37 =	vsel vm11, $0xEF7, v37  }
0x132: {  	v36 =	vsel vm9, $0x6F76, v36;
	v35 =	vsel vm10, $0x4FF6, v35;
	v0 =	vsel vm9, $0x4F7F, v0  }
0x133: {  	v34 =	vsel vm13, $0x3C76, v34;
	v38 =	vsel vm11, $0x2EF7, v38;
	[tilespmem:$0x1FAB0] =	vst v0;
	v0 =	vld [tilespmem:$0x1FA30];
	v1 =	vsel vm10, $0x2FFF, v1  }
0x134: {  	v39 =	vsel vm11, $0x4EF7, v39;
	v40 =	vsel vm11, $0x6EF7, v40;
	v41 =	vsel vm11, $0xEF8, v41;
	[tilespmem:$0x1FB30] =	vst v1;
	v1 =	vld [tilespmem:$0x1FAB0]  }
0x135: {  	v42 =	vsel vm11, $0x2EF8, v42;
	v43 =	vsel vm11, $0x4EF8, v43;
	v44 =	vsel vm11, $0x6EF8, v44  }
0x136: {  	v45 =	vsel vm11, $0xEF9, v45;
	v46 =	vsel vm11, $0x2EF9, v46;
	v47 =	vsel vm11, $0x4EF9, v47  }
0x137: {  	v48 =	vsel vm11, $0x6EF9, v48;
	v49 =	vsel vm11, $0xEFA, v49;
	v50 =	vsel vm11, $0x2EFA, v50  }
0x138: {  	v51 =	vsel vm11, $0x4EFA, v51;
	v52 =	vsel vm11, $0x6EFA, v52;
	v0 =	vsel vm9, $0x6F7F, v0  }
0x139: {  	v53 =	vsel vm11, $0xEFB, v53;
	v54 =	vsel vm11, $0x2EFB, v54;
	[tilespmem:$0x1FAC0] =	vst v0;
	v0 =	vld [tilespmem:$0x1FA40];
	v1 =	vsel vm10, $0x4FFF, v1  }
0x13a: {  	v55 =	vsel vm11, $0x4EFB, v55;
	v56 =	vsel vm11, $0x6EFB, v56;
	v59 =	vsel vm11, $0x4EFC, v59;
	[tilespmem:$0x1FB40] =	vst v1;
	v1 =	vld [tilespmem:$0x1FAC0]  }
0x13b: {  	v57 =	vsel vm11, $0xEFC, v57;
	v58 =	vsel vm11, $0x2EFC, v58;
	v60 =	vsel vm11, $0x6EFC, v60  }
0x13c: {  	v63 =	vsel vm11, $0x4EFD, v63;
	v61 =	vsel vm11, $0xEFD, v61;
	v62 =	vsel vm11, $0x2EFD, v62  }
0x13d: {  	v4 =	vsel vm11, $0xEEF, v4;
	v7 =	vsel vm11, $0xEFE, v7;
	vm11 =	vcmask $0x2F2C  }
0x13e: {  	v37 =	vsel vm9, $0xF77, v37;
	v36 =	vsel vm10, $0x6FF6, v36;
	v0 =	vsel vm11, $0x1180, v0  }
0x13f: {  	v35 =	vsel vm13, $0x5C76, v35;
	v38 =	vsel vm9, $0x2F77, v38;
	[tilespmem:$0x1FAD0] =	vst v0;
	v1 =	vsel vm10, $0x6FFF, v1  }
0x140: {  	v37 =	vsel vm10, $0xFF7, v37;
	v36 =	vsel vm13, $0x7C76, v36;
	v39 =	vsel vm9, $0x4F77, v39;
	[tilespmem:$0x1FB50] =	vst v1;
	v1 =	vld [tilespmem:$0x1FAD0]  }
0x141: {  	v38 =	vsel vm10, $0x2FF7, v38;
	v37 =	vsel vm13, $0x1C77, v37;
	v40 =	vsel vm9, $0x6F77, v40  }
0x142: {  	v39 =	vsel vm10, $0x4FF7, v39;
	v38 =	vsel vm13, $0x3C77, v38;
	v41 =	vsel vm9, $0xF78, v41  }
0x143: {  	v40 =	vsel vm10, $0x6FF7, v40;
	v39 =	vsel vm13, $0x5C77, v39;
	v42 =	vsel vm9, $0x2F78, v42  }
0x144: {  	v41 =	vsel vm10, $0xFF8, v41;
	v40 =	vsel vm13, $0x7C77, v40;
	vm1 =	vcmask $0x3330  }
0x145: {  	v43 =	vsel vm9, $0x4F78, v43;
	v42 =	vsel vm10, $0x2FF8, v42;
	v1 =	vsel vm1, $0x1200, v1  }
0x146: {  	v41 =	vsel vm13, $0x1C78, v41;
	v44 =	vsel vm9, $0x6F78, v44;
	v43 =	vsel vm10, $0x4FF8, v43;
	[tilespmem:$0x1FB60] =	vst v1;
	v1 =	vld [tilespmem:$0x1FAE0]  }
0x147: {  	v42 =	vsel vm13, $0x3C78, v42;
	v45 =	vsel vm9, $0xF79, v45;
	v44 =	vsel vm10, $0x6FF8, v44  }
0x148: {  	v43 =	vsel vm13, $0x5C78, v43;
	v46 =	vsel vm9, $0x2F79, v46;
	v45 =	vsel vm10, $0xFF9, v45  }
0x149: {  	v44 =	vsel vm13, $0x7C78, v44;
	v47 =	vsel vm9, $0x4F79, v47;
	v46 =	vsel vm10, $0x2FF9, v46  }
0x14a: {  	v45 =	vsel vm13, $0x1C79, v45;
	v48 =	vsel vm9, $0x6F79, v48;
	v47 =	vsel vm10, $0x4FF9, v47  }
0x14b: {  	v46 =	vsel vm13, $0x3C79, v46;
	v49 =	vsel vm9, $0xF7A, v49;
	v1 =	vsel vm13, $0x7C7D, v1  }
0x14c: {  	v48 =	vsel vm10, $0x6FF9, v48;
	v47 =	vsel vm13, $0x5C79, v47;
	v50 =	vsel vm9, $0x2F7A, v50;
	[tilespmem:$0x1FB70] =	vst v1;
	v1 =	vld [tilespmem:$0x1FAF0]  }
0x14d: {  	v49 =	vsel vm10, $0xFFA, v49;
	v48 =	vsel vm13, $0x7C79, v48;
	v51 =	vsel vm9, $0x4F7A, v51  }
0x14e: {  	v50 =	vsel vm10, $0x2FFA, v50;
	v49 =	vsel vm13, $0x1C7A, v49;
	v52 =	vsel vm9, $0x6F7A, v52  }
0x14f: {  	v51 =	vsel vm10, $0x4FFA, v51;
	v50 =	vsel vm13, $0x3C7A, v50;
	v53 =	vsel vm9, $0xF7B, v53  }
0x150: {  	v52 =	vsel vm10, $0x6FFA, v52;
	v51 =	vsel vm13, $0x5C7A, v51;
	v54 =	vsel vm9, $0x2F7B, v54  }
0x151: {  	v53 =	vsel vm10, $0xFFB, v53;
	v52 =	vsel vm13, $0x7C7A, v52;
	v1 =	vsel vm13, $0x3C7E, v1  }
0x152: {  	v55 =	vsel vm9, $0x4F7B, v55;
	v54 =	vsel vm10, $0x2FFB, v54;
	v53 =	vsel vm13, $0x1C7B, v53;
	[tilespmem:$0x1FB80] =	vst v1;
	v1 =	vld [tilespmem:$0x1FB00]  }
0x153: {  	v56 =	vsel vm9, $0x6F7B, v56;
	v59 =	vsel vm9, $0x4F7C, v59;
	v55 =	vsel vm10, $0x4FFB, v55  }
0x154: {  	v54 =	vsel vm13, $0x3C7B, v54;
	v57 =	vsel vm9, $0xF7C, v57;
	v56 =	vsel vm10, $0x6FFB, v56  }
0x155: {  	v59 =	vsel vm10, $0x4FFC, v59;
	v55 =	vsel vm13, $0x5C7B, v55;
	v58 =	vsel vm9, $0x2F7C, v58  }
0x156: {  	v57 =	vsel vm10, $0xFFC, v57;
	v56 =	vsel vm13, $0x7C7B, v56;
	v59 =	vsel vm13, $0x5C7C, v59  }
0x157: {  	v58 =	vsel vm10, $0x2FFC, v58;
	v57 =	vsel vm13, $0x1C7C, v57;
	v1 =	vsel vm13, $0x5C7E, v1  }
0x158: {  	v58 =	vsel vm13, $0x3C7C, v58;
	v60 =	vsel vm9, $0x6F7C, v60;
	v63 =	vsel vm9, $0x4F7D, v63;
	[tilespmem:$0x1FB90] =	vst v1;
	v1 =	vld [tilespmem:$0x1FB10]  }
0x159: {  	v61 =	vsel vm9, $0xF7D, v61;
	v60 =	vsel vm10, $0x6FFC, v60;
	v63 =	vsel vm10, $0x4FFD, v63  }
0x15a: {  	v62 =	vsel vm9, $0x2F7D, v62;
	v61 =	vsel vm10, $0xFFD, v61;
	v4 =	vsel vm9, $0xF6F, v4  }
0x15b: {  	v60 =	vsel vm13, $0x7C7C, v60;
	v63 =	vsel vm13, $0x5C7D, v63;
	v4 =	vsel vm10, $0xFEF, v4  }
0x15c: {  	v62 =	vsel vm10, $0x2FFD, v62;
	v61 =	vsel vm13, $0x1C7D, v61;
	v4 =	vsel vm13, $0x1C6F, v4  }
0x15d: {  	v62 =	vsel vm13, $0x3C7D, v62;
	v4 =	vsel vm12, $0x1CEF, v4;
	v1 =	vsel vm13, $0x7C7E, v1  }
0x15e: {  	v5 =	vsel vm12, $0x3CEF, v5;
	v6 =	vsel vm12, $0x5CEF, v6;
	v8 =	vsel vm12, $0x7CEF, v8;
	[tilespmem:$0x1FBA0] =	vst v1;
	v1 =	vld [tilespmem:$0x1FB20]  }
0x15f: {  	v9 =	vsel vm12, $0x1CF0, v9;
	v10 =	vsel vm12, $0x3CF0, v10;
	v11 =	vsel vm12, $0x5CF0, v11  }
0x160: {  	v12 =	vsel vm12, $0x7CF0, v12;
	v13 =	vsel vm12, $0x1CF1, v13;
	v14 =	vsel vm12, $0x3CF1, v14  }
0x161: {  	v15 =	vsel vm12, $0x5CF1, v15;
	v16 =	vsel vm12, $0x7CF1, v16;
	v17 =	vsel vm12, $0x1CF2, v17  }
0x162: {  	v18 =	vsel vm12, $0x3CF2, v18;
	v19 =	vsel vm12, $0x5CF2, v19;
	v20 =	vsel vm12, $0x7CF2, v20  }
0x163: {  	v21 =	vsel vm12, $0x1CF3, v21;
	v22 =	vsel vm12, $0x3CF3, v22;
	v1 =	vsel vm13, $0x1C7F, v1  }
0x164: {  	v23 =	vsel vm12, $0x5CF3, v23;
	v24 =	vsel vm12, $0x7CF3, v24;
	v25 =	vsel vm12, $0x1CF4, v25;
	[tilespmem:$0x1FBB0] =	vst v1;
	v1 =	vld [tilespmem:$0x1FB30]  }
0x165: {  	v26 =	vsel vm12, $0x3CF4, v26;
	v27 =	vsel vm12, $0x5CF4, v27;
	v28 =	vsel vm12, $0x7CF4, v28  }
0x166: {  	v29 =	vsel vm12, $0x1CF5, v29;
	v30 =	vsel vm12, $0x3CF5, v30;
	v31 =	vsel vm12, $0x5CF5, v31  }
0x167: {  	v32 =	vsel vm12, $0x7CF5, v32;
	v33 =	vsel vm12, $0x1CF6, v33;
	v34 =	vsel vm12, $0x3CF6, v34  }
0x168: {  	v35 =	vsel vm12, $0x5CF6, v35;
	v36 =	vsel vm12, $0x7CF6, v36;
	v37 =	vsel vm12, $0x1CF7, v37  }
0x169: {  	v38 =	vsel vm12, $0x3CF7, v38;
	v39 =	vsel vm12, $0x5CF7, v39;
	v1 =	vsel vm13, $0x3C7F, v1  }
0x16a: {  	v40 =	vsel vm12, $0x7CF7, v40;
	v41 =	vsel vm12, $0x1CF8, v41;
	v42 =	vsel vm12, $0x3CF8, v42;
	[tilespmem:$0x1FBC0] =	vst v1;
	v1 =	vld [tilespmem:$0x1FB40]  }
0x16b: {  	v43 =	vsel vm12, $0x5CF8, v43;
	v44 =	vsel vm12, $0x7CF8, v44;
	v45 =	vsel vm12, $0x1CF9, v45  }
0x16c: {  	v46 =	vsel vm12, $0x3CF9, v46;
	v47 =	vsel vm12, $0x5CF9, v47;
	v48 =	vsel vm12, $0x7CF9, v48  }
0x16d: {  	v49 =	vsel vm12, $0x1CFA, v49;
	v50 =	vsel vm12, $0x3CFA, v50;
	v51 =	vsel vm12, $0x5CFA, v51  }
0x16e: {  	v52 =	vsel vm12, $0x7CFA, v52;
	v53 =	vsel vm12, $0x1CFB, v53;
	v54 =	vsel vm12, $0x3CFB, v54  }
0x16f: {  	v55 =	vsel vm12, $0x5CFB, v55;
	v56 =	vsel vm12, $0x7CFB, v56;
	v0 =	vld [tilespmem:$0x1FA50];
	v1 =	vsel vm13, $0x5C7F, v1  }
0x170: {  	v57 =	vsel vm12, $0x1CFC, v57;
	v58 =	vsel vm12, $0x3CFC, v58;
	v59 =	vsel vm12, $0x5CFC, v59;
	[tilespmem:$0x1FBD0] =	vst v1;
	v1 =	vld [tilespmem:$0x1FB50]  }
0x171: {  	v60 =	vsel vm12, $0x7CFC, v60;
	v61 =	vsel vm12, $0x1CFD, v61;
	v7 =	vsel vm9, $0xF7E, v7  }
0x172: {  	v62 =	vsel vm12, $0x3CFD, v62;
	v7 =	vsel vm10, $0xFFE, v7;
	v4 =	vsel vm14, $0x1D6F, v4  }
0x173: {  	v63 =	vsel vm12, $0x5CFD, v63;
	v7 =	vsel vm13, $0x1C7E, v7;
	v4 =	vsel vm11, $0x1DEF, v4  }
0x174: {  	v7 =	vsel vm12, $0x1CFE, v7;
	v4 =	vsel vm1, $0x1E6F, v4;
	v0 =	vsel vm13, $0x3000, v0  }
0x175: {  	v0 =	vsel vm12, $0x3080, v0;
	v1 =	vsel vm13, $0x7C7F, v1;
	vm13 =	vcmask $0x3734  }
0x176: {  	v5 =	vsel vm14, $0x3D6F, v5;
	v0 =	vsel vm14, $0x3100, v0;
	v4 =	vsel vm13, $0x1EEF, v4  }
0x177: {  	v5 =	vsel vm11, $0x3DEF, v5;
	v0 =	vsel vm11, $0x3180, v0;
	v4 =	vsel vm15, $0x1F6F, v4  }
0x178: {  	v7 =	vsel vm14, $0x1D7E, v7;
	v0 =	vsel vm1, $0x3200, v0;
	[tilespmem:$0x1FC00] =	vst v4;
	v4 =	vsel vm1, $0x3E6F, v5  }
0x179: {  	[tilespmem:$0x1FBE0] =	vst v1;
	v1 =	vld [tilespmem:$0x1FB60];
	v5 =	vsel vm14, $0x5D6F, v6;
	v6 =	vsel vm14, $0x7D6F, v8;
	v8 =	vsel vm14, $0x7D70, v12  }
0x17a: {  	v12 =	vsel vm14, $0x7D71, v16;
	v16 =	vsel vm14, $0x7D72, v20;
	v20 =	vsel vm14, $0x7D73, v24  }
0x17b: {  	v24 =	vsel vm14, $0x7D74, v28;
	v28 =	vsel vm14, $0x7D75, v32;
	v32 =	vsel vm14, $0x7D76, v36  }
0x17c: {  	v36 =	vsel vm14, $0x7D77, v40;
	v40 =	vsel vm14, $0x7D78, v44;
	v44 =	vsel vm14, $0x7D79, v48  }
0x17d: {  	v48 =	vsel vm14, $0x7D7A, v52;
	v52 =	vsel vm14, $0x7D7B, v56;
	v4 =	vsel vm13, $0x3EEF, v4  }
0x17e: {  	v56 =	vsel vm14, $0x7D7C, v60;
	v4 =	vsel vm15, $0x3F6F, v4;
	v1 =	vsel vm13, $0x1280, v1  }
0x17f: {  	[tilespmem:$0x1FC10] =	vst v4;
	v4 =	vsel vm11, $0x5DEF, v5;
	v5 =	vsel vm11, $0x7DEF, v6;
	v6 =	vsel vm14, $0x1D70, v9  }
0x180: {  	v9 =	vsel vm14, $0x1D71, v13;
	v13 =	vsel vm14, $0x1D72, v17;
	v17 =	vsel vm14, $0x1D73, v21  }
0x181: {  	v21 =	vsel vm14, $0x1D74, v25;
	v25 =	vsel vm14, $0x1D75, v29;
	v29 =	vsel vm14, $0x1D76, v33  }
0x182: {  	v33 =	vsel vm14, $0x1D77, v37;
	v37 =	vsel vm14, $0x1D78, v41;
	v4 =	vsel vm1, $0x5E6F, v4  }
0x183: {  	v41 =	vsel vm14, $0x1D79, v45;
	v5 =	vsel vm1, $0x7E6F, v5;
	v4 =	vsel vm13, $0x5EEF, v4  }
0x184: {  	v45 =	vsel vm14, $0x1D7A, v49;
	v5 =	vsel vm13, $0x7EEF, v5;
	v4 =	vsel vm15, $0x5F6F, v4  }
0x185: {  	v6 =	vsel vm11, $0x1DF0, v6;
	[tilespmem:$0x1FC20] =	vst v4;
	v4 =	vsel vm15, $0x7F6F, v5;
	v5 =	vsel vm14, $0x3D70, v10  }
0x186: {  	v10 =	vsel vm14, $0x3D71, v14;
	v14 =	vsel vm14, $0x3D72, v18;
	v18 =	vsel vm14, $0x3D73, v22  }
0x187: {  	[tilespmem:$0x1FBF0] =	vst v1;
	v1 =	vld [tilespmem:$0x1FB70];
	v22 =	vsel vm14, $0x3D74, v26;
	v26 =	vsel vm14, $0x3D75, v30;
	v30 =	vsel vm14, $0x3D76, v34  }
0x188: {  	v34 =	vsel vm14, $0x3D77, v38;
	[tilespmem:$0x1FC30] =	vst v4;
	v4 =	vsel vm1, $0x1E70, v6;
	v6 =	vsel vm14, $0x5D70, v11  }
0x189: {  	v11 =	vsel vm14, $0x5D71, v15;
	v15 =	vsel vm14, $0x5D72, v19;
	v19 =	vsel vm14, $0x5D73, v23  }
0x18a: {  	v23 =	vsel vm14, $0x5D74, v27;
	v27 =	vsel vm14, $0x5D75, v31;
	v4 =	vsel vm13, $0x1EF0, v4  }
0x18b: {  	v31 =	vsel vm14, $0x5D76, v35;
	v5 =	vsel vm11, $0x3DF0, v5;
	v4 =	vsel vm15, $0x1F70, v4  }
0x18c: {  	v1 =	vsel vm12, $0x7CFD, v1;
	[tilespmem:$0x1FCC0] =	vst v4;
	v4 =	vsel vm1, $0x3E70, v5;
	v5 =	vsel vm11, $0x5DF0, v6  }
0x18d: {  	v6 =	vsel vm11, $0x7DF0, v8;
	v8 =	vsel vm11, $0x7DF1, v12;
	v12 =	vsel vm11, $0x7DF2, v16  }
0x18e: {  	[tilespmem:$0x1FC40] =	vst v1;
	v1 =	vld [tilespmem:$0x1FB80];
	v16 =	vsel vm11, $0x7DF3, v20;
	v20 =	vsel vm11, $0x7DF4, v24;
	v4 =	vsel vm13, $0x3EF0, v4  }
0x18f: {  	v24 =	vsel vm11, $0x7DF5, v28;
	v5 =	vsel vm1, $0x5E70, v5;
	v4 =	vsel vm15, $0x3F70, v4  }
0x190: {  	[tilespmem:$0x1FCD0] =	vst v4;
	v4 =	vsel vm13, $0x5EF0, v5;
	v5 =	vsel vm1, $0x7E70, v6;
	v6 =	vsel vm11, $0x5DF1, v11  }
0x191: {  	v11 =	vsel vm11, $0x5DF2, v15;
	v15 =	vsel vm11, $0x5DF3, v19;
	v19 =	vsel vm11, $0x5DF4, v23  }
0x192: {  	v23 =	vsel vm11, $0x5DF5, v27;
	v27 =	vsel vm11, $0x5DF6, v31;
	v4 =	vsel vm15, $0x5F70, v4  }
0x193: {  	v1 =	vsel vm12, $0x3CFE, v1;
	[tilespmem:$0x1FCE0] =	vst v4;
	v4 =	vsel vm13, $0x7EF0, v5;
	v5 =	vsel vm11, $0x1DF1, v9  }
0x194: {  	[tilespmem:$0x1FC50] =	vst v1;
	v1 =	vld [tilespmem:$0x1FB90];
	v9 =	vsel vm11, $0x1DF2, v13;
	v13 =	vsel vm11, $0x1DF3, v17;
	v17 =	vsel vm11, $0x1DF4, v21  }
0x195: {  	v21 =	vsel vm11, $0x1DF5, v25;
	v25 =	vsel vm11, $0x1DF6, v29;
	v4 =	vsel vm15, $0x7F70, v4  }
0x196: {  	[tilespmem:$0x1FCF0] =	vst v4;
	v4 =	vsel vm1, $0x1E71, v5;
	v5 =	vsel vm11, $0x3DF1, v10;
	v10 =	vsel vm11, $0x3DF2, v14  }
0x197: {  	v14 =	vsel vm11, $0x3DF3, v18;
	v18 =	vsel vm11, $0x3DF4, v22;
	v4 =	vsel vm13, $0x1EF1, v4  }
0x198: {  	v22 =	vsel vm11, $0x3DF5, v26;
	v5 =	vsel vm1, $0x3E71, v5;
	v4 =	vsel vm15, $0x1F71, v4  }
0x199: {  	v26 =	vsel vm11, $0x3DF6, v30;
	v1 =	vsel vm12, $0x5CFE, v1;
	[tilespmem:$0x1FD50] =	vst v4;
	v4 =	vsel vm13, $0x3EF1, v5  }
0x19a: {  	v5 =	vsel vm1, $0x7E71, v8;
	v8 =	vsel vm1, $0x7E72, v12;
	v12 =	vsel vm1, $0x7E73, v16  }
0x19b: {  	v16 =	vsel vm1, $0x7E74, v20;
	v20 =	vsel vm1, $0x1E75, v21;
	v4 =	vsel vm15, $0x3F71, v4  }
0x19c: {  	v21 =	vsel vm1, $0x3E75, v22;
	v22 =	vsel vm1, $0x5E75, v23;
	[tilespmem:$0x1FD60] =	vst v4;
	v4 =	vsel vm1, $0x5E71, v6  }
0x19d: {  	v23 =	vsel vm1, $0x7E75, v24;
	v24 =	vsel vm1, $0x1E76, v25;
	v4 =	vsel vm13, $0x5EF1, v4  }
0x19e: {  	v25 =	vsel vm1, $0x3E76, v26;
	[tilespmem:$0x1FC60] =	vst v1;
	v5 =	vsel vm13, $0x7EF1, v5;
	v4 =	vsel vm15, $0x5F71, v4  }
0x19f: {  	v6 =	vsel vm1, $0x1E72, v9;
	v9 =	vsel vm1, $0x1E73, v13;
	[tilespmem:$0x1FD70] =	vst v4;
	v4 =	vsel vm15, $0x7F71, v5  }
0x1a0: {  	v13 =	vsel vm1, $0x1E74, v17;
	v17 =	vsel vm13, $0x3EF6, v25;
	[tilespmem:$0x1FD80] =	vst v4;
	v4 =	vsel vm13, $0x1EF2, v6  }
0x1a1: {  	v26 =	vsel vm1, $0x5E76, v27;
	[tilespmem:$0x1FDE0] =	vst v17;
	v5 =	vsel vm1, $0x3E72, v10;
	v4 =	vsel vm15, $0x1F72, v4  }
0x1a2: {  	v17 =	vsel vm13, $0x5EF6, v26;
	v6 =	vsel vm1, $0x5E72, v11;
	[tilespmem:$0x1FD90] =	vst v4;
	v4 =	vsel vm13, $0x3EF2, v5  }
0x1a3: {  	v38 =	vsel vm14, $0x3D78, v42;
	[tilespmem:$0x1FDF0] =	vst v17;
	v5 =	vsel vm13, $0x5EF2, v6;
	v4 =	vsel vm15, $0x3F72, v4  }
0x1a4: {  	v28 =	vsel vm11, $0x7DF6, v32;
	v6 =	vsel vm13, $0x7EF2, v8;
	[tilespmem:$0x1FDA0] =	vst v4;
	v4 =	vsel vm15, $0x5F72, v5  }
0x1a5: {  	v35 =	vsel vm14, $0x5D77, v39;
	v27 =	vsel vm1, $0x7E76, v28;
	[tilespmem:$0x1FDB0] =	vst v4;
	v4 =	vsel vm15, $0x7F72, v6  }
0x1a6: {  	v29 =	vsel vm11, $0x1DF7, v33;
	v17 =	vsel vm13, $0x7EF6, v27;
	[tilespmem:$0x1FDC0] =	vst v4;
	v4 =	vsel vm13, $0x1EF3, v9  }
0x1a7: {  	v30 =	vsel vm11, $0x3DF7, v34;
	v28 =	vsel vm1, $0x1E77, v29;
	v1 =	vld [tilespmem:$0x1FBA0];
	[tilespmem:$0x1FE00] =	vst v17;
	v4 =	vsel vm15, $0x1F73, v4  }
0x1a8: {  	v31 =	vsel vm11, $0x5DF7, v35;
	v29 =	vsel vm1, $0x3E77, v30;
	v17 =	vsel vm13, $0x1EF7, v28;
	[tilespmem:$0x1FDD0] =	vst v4;
	v4 =	vld [tilespmem:$0x1FDE0]  }
0x1a9: {  	v32 =	vsel vm11, $0x7DF7, v36;
	v30 =	vsel vm1, $0x5E77, v31;
	[tilespmem:$0x1FE10] =	vst v17;
	v17 =	vsel vm13, $0x3EF7, v29  }
0x1aa: {  	v33 =	vsel vm11, $0x1DF8, v37;
	v31 =	vsel vm1, $0x7E77, v32;
	[tilespmem:$0x1FE20] =	vst v17;
	v17 =	vsel vm13, $0x5EF7, v30  }
0x1ab: {  	v34 =	vsel vm11, $0x3DF8, v38;
	v32 =	vsel vm1, $0x1E78, v33;
	[tilespmem:$0x1FE30] =	vst v17;
	v17 =	vsel vm13, $0x7EF7, v31  }
0x1ac: {  	v49 =	vsel vm14, $0x1D7B, v53;
	v33 =	vsel vm1, $0x3E78, v34;
	[tilespmem:$0x1FE40] =	vst v17;
	v17 =	vsel vm13, $0x1EF8, v32  }
0x1ad: {  	v1 =	vsel vm12, $0x7CFE, v1;
	[tilespmem:$0x1FE50] =	vst v17;
	v17 =	vsel vm13, $0x3EF8, v33;
	v33 =	vsel vm15, $0x3F76, v4;
	v4 =	vld [tilespmem:$0x1FDF0]  }
0x1ae: {  	v53 =	vsel vm14, $0x1D7C, v57;
	v57 =	vsel vm14, $0x1D7D, v61;
	v42 =	vsel vm14, $0x3D79, v46;
	[tilespmem:$0x1FC70] =	vst v1;
	v1 =	vld [tilespmem:$0x1FBB0]  }
0x1af: {  	v46 =	vsel vm14, $0x3D7A, v50;
	v50 =	vsel vm14, $0x3D7B, v54;
	v39 =	vsel vm14, $0x5D78, v43  }
0x1b0: {  	v54 =	vsel vm14, $0x3D7C, v58;
	v58 =	vsel vm14, $0x3D7D, v62;
	v35 =	vsel vm11, $0x5DF8, v39  }
0x1b1: {  	[tilespmem:$0x1FD00] =	vst v7;
	v43 =	vsel vm14, $0x5D79, v47;
	v36 =	vsel vm11, $0x7DF8, v40;
	v34 =	vsel vm1, $0x5E78, v35  }
0x1b2: {  	v40 =	vsel vm11, $0x7DF9, v44;
	[tilespmem:$0x1FE60] =	vst v17;
	v17 =	vsel vm13, $0x5EF8, v34;
	v34 =	vsel vm15, $0x5F76, v4;
	v4 =	vld [tilespmem:$0x1FE00]  }
0x1b3: {  	v37 =	vsel vm11, $0x1DF9, v41;
	v35 =	vsel vm1, $0x7E78, v36;
	v1 =	vsel vm12, $0x1CFF, v1;
	[tilespmem:$0x1FE70] =	vst v17  }
0x1b4: {  	v38 =	vsel vm11, $0x3DF9, v42;
	v36 =	vsel vm1, $0x1E79, v37;
	v17 =	vsel vm13, $0x7EF8, v35;
	[tilespmem:$0x1FC80] =	vst v1  }
0x1b5: {  	v39 =	vsel vm11, $0x5DF9, v43;
	v37 =	vsel vm1, $0x3E79, v38;
	v1 =	vld [tilespmem:$0x1FBC0];
	[tilespmem:$0x1FE80] =	vst v17;
	v17 =	vsel vm13, $0x1EF9, v36  }
0x1b6: {  	v41 =	vsel vm11, $0x1DFA, v45;
	v38 =	vsel vm1, $0x5E79, v39;
	v7 =	vld [tilespmem:$0x1FC80];
	[tilespmem:$0x1FE90] =	vst v17;
	v17 =	vsel vm13, $0x3EF9, v37  }
0x1b7: {  	v39 =	vsel vm1, $0x7E79, v40;
	[tilespmem:$0x1FEA0] =	vst v17;
	v17 =	vsel vm13, $0x5EF9, v38;
	v35 =	vsel vm15, $0x7F76, v4;
	v4 =	vld [tilespmem:$0x1FE10]  }
0x1b8: {  	v47 =	vsel vm14, $0x5D7A, v51;
	v40 =	vsel vm1, $0x1E7A, v41;
	[tilespmem:$0x1FEB0] =	vst v17;
	v17 =	vsel vm13, $0x7EF9, v39  }
0x1b9: {  	v51 =	vsel vm14, $0x5D7B, v55;
	v42 =	vsel vm11, $0x3DFA, v46;
	[tilespmem:$0x1FEC0] =	vst v17;
	v17 =	vsel vm13, $0x1EFA, v40  }
0x1ba: {  	v55 =	vsel vm14, $0x5D7C, v59;
	v41 =	vsel vm1, $0x3E7A, v42;
	v1 =	vsel vm12, $0x3CFF, v1;
	[tilespmem:$0x1FED0] =	vst v17  }
0x1bb: {  	v44 =	vsel vm11, $0x7DFA, v48;
	v43 =	vsel vm11, $0x5DFA, v47;
	v17 =	vsel vm13, $0x3EFA, v41;
	[tilespmem:$0x1FC90] =	vst v1  }
0x1bc: {  	v42 =	vsel vm1, $0x5E7A, v43;
	v7 =	vsel vm14, $0x1D7F, v7;
	[tilespmem:$0x1FEE0] =	vst v17;
	v36 =	vsel vm15, $0x1F77, v4;
	v4 =	vld [tilespmem:$0x1FE20]  }
0x1bd: {  	v45 =	vsel vm11, $0x1DFB, v49;
	v43 =	vsel vm1, $0x7E7A, v44;
	v1 =	vld [tilespmem:$0x1FBD0];
	v17 =	vsel vm13, $0x5EFA, v42;
	[tilespmem:$0x1FD10] =	vst v7  }
0x1be: {  	v46 =	vsel vm11, $0x3DFB, v50;
	v44 =	vsel vm1, $0x1E7B, v45;
	[tilespmem:$0x1FEF0] =	vst v17;
	v17 =	vsel vm13, $0x7EFA, v43  }
0x1bf: {  	v47 =	vsel vm11, $0x5DFB, v51;
	v45 =	vsel vm1, $0x3E7B, v46;
	v7 =	vld [tilespmem:$0x1FC90];
	[tilespmem:$0x1FF00] =	vst v17;
	v17 =	vsel vm13, $0x1EFB, v44  }
0x1c0: {  	v59 =	vsel vm14, $0x5D7D, v63;
	v46 =	vsel vm1, $0x5E7B, v47;
	[tilespmem:$0x1FF10] =	vst v17;
	v17 =	vsel vm13, $0x3EFB, v45  }
0x1c1: {  	v48 =	vsel vm11, $0x7DFB, v52;
	[tilespmem:$0x1FF20] =	vst v17;
	v17 =	vsel vm13, $0x5EFB, v46;
	v37 =	vsel vm15, $0x3F77, v4;
	v4 =	vld [tilespmem:$0x1FE30]  }
0x1c2: {  	v52 =	vsel vm11, $0x7DFC, v56;
	v47 =	vsel vm1, $0x7E7B, v48;
	v1 =	vsel vm12, $0x5CFF, v1;
	[tilespmem:$0x1FF30] =	vst v17  }
0x1c3: {  	v60 =	vld [tilespmem:$0x1FC40];
	v51 =	vsel vm11, $0x5DFC, v55;
	v49 =	vsel vm11, $0x1DFC, v53;
	v17 =	vsel vm13, $0x7EFB, v47;
	[tilespmem:$0x1FCA0] =	vst v1  }
0x1c4: {  	v61 =	vld [tilespmem:$0x1FC50];
	v50 =	vsel vm11, $0x3DFC, v54;
	v48 =	vsel vm1, $0x1E7C, v49;
	v7 =	vsel vm14, $0x3D7F, v7;
	[tilespmem:$0x1FF40] =	vst v17  }
0x1c5: {  	v55 =	vsel vm11, $0x5DFD, v59;
	v49 =	vsel vm1, $0x3E7C, v50;
	v1 =	vld [tilespmem:$0x1FBE0];
	v17 =	vsel vm13, $0x1EFC, v48;
	[tilespmem:$0x1FD20] =	vst v7  }
0x1c6: {  	v50 =	vsel vm1, $0x5E7C, v51;
	[tilespmem:$0x1FF50] =	vst v17;
	v17 =	vsel vm13, $0x3EFC, v49;
	v38 =	vsel vm15, $0x5F77, v4;
	v4 =	vld [tilespmem:$0x1FE40]  }
0x1c7: {  	v53 =	vsel vm11, $0x1DFD, v57;
	v51 =	vsel vm1, $0x7E7C, v52;
	v7 =	vld [tilespmem:$0x1FCA0];
	[tilespmem:$0x1FF60] =	vst v17;
	v17 =	vsel vm13, $0x5EFC, v50  }
0x1c8: {  	v60 =	vsel vm14, $0x7D7D, v60;
	v52 =	vsel vm1, $0x1E7D, v53;
	v62 =	vld [tilespmem:$0x1FC60];
	[tilespmem:$0x1FF70] =	vst v17;
	v17 =	vsel vm13, $0x7EFC, v51  }
0x1c9: {  	v56 =	vsel vm11, $0x7DFD, v60;
	v54 =	vsel vm11, $0x3DFD, v58;
	v63 =	vld [tilespmem:$0x1FC70];
	[tilespmem:$0x1FF80] =	vst v17;
	v17 =	vsel vm13, $0x1EFD, v52  }
0x1ca: {  	v53 =	vsel vm1, $0x3E7D, v54;
	v54 =	vsel vm1, $0x5E7D, v55;
	v1 =	vsel vm12, $0x7CFF, v1;
	[tilespmem:$0x1FF90] =	vst v17  }
0x1cb: {  	v61 =	vsel vm14, $0x3D7E, v61;
	v17 =	vsel vm13, $0x3EFD, v53;
	[tilespmem:$0x1FCB0] =	vst v1;
	v39 =	vsel vm15, $0x7F77, v4;
	v4 =	vld [tilespmem:$0x1FE50]  }
0x1cc: {  	v55 =	vsel vm1, $0x7E7D, v56;
	v57 =	vsel vm11, $0x3DFE, v61;
	v7 =	vsel vm14, $0x5D7F, v7;
	[tilespmem:$0x1FFA0] =	vst v17  }
0x1cd: {  	v56 =	vsel vm1, $0x3E7E, v57;
	v62 =	vsel vm14, $0x5D7E, v62;
	v17 =	vsel vm13, $0x5EFD, v54;
	[tilespmem:$0x1FD30] =	vst v7;
	v7 =	vld [tilespmem:$0x1FCB0]  }
0x1ce: {  	v58 =	vsel vm11, $0x5DFE, v62;
	v63 =	vsel vm14, $0x7D7E, v63;
	v60 =	vld [tilespmem:$0x1FD10];
	[tilespmem:$0x1FFB0] =	vst v17;
	v17 =	vsel vm13, $0x7EFD, v55  }
0x1cf: {  	v57 =	vsel vm1, $0x5E7E, v58;
	v59 =	vsel vm11, $0x7DFE, v63;
	v61 =	vld [tilespmem:$0x1FD20];
	[tilespmem:$0x1FFC0] =	vst v17;
	v17 =	vsel vm13, $0x3EFE, v56  }
0x1d0: {  	v58 =	vsel vm1, $0x7E7E, v59;
	[tilespmem:$0x1FFD0] =	vst v17;
	v17 =	vsel vm13, $0x5EFE, v57;
	v40 =	vsel vm15, $0x1F78, v4;
	v4 =	vld [tilespmem:$0x1FE60]  }
0x1d1: {  	s0 =	rddreg [dreg:$0x0];
	v1 =	vsel vm13, $0x3280, v0;
	v0 =	vld [tilespmem:$0x1FBF0];
	[tilespmem:$0x1FFE0] =	vst v17;
	v17 =	vsel vm13, $0x7EFE, v58  }
0x1d2: {  	s1 =	rddreg [dreg:$0x1];
	s6 =	simm.s32 $0x0;
	v62 =	vld [tilespmem:$0x1FD30];
	[tilespmem:$0x1FFF0] =	vst v17;
	v7 =	vsel vm14, $0x7D7F, v7  }
0x1d3: {  	[smem:$0x7FF] =	sst s6;
	[tilespmem:$0x1FD40] =	vst v7;
	v7 =	vld [tilespmem:$0x1FD00]  }
0x1d4: {  	s2 =	rddreg [dreg:$0x2];
	v63 =	vld [tilespmem:$0x1FD40];
	_ =	strace $0x80000047  }
0x1d5: {  	v41 =	vsel vm15, $0x3F78, v4;
	v4 =	vld [tilespmem:$0x1FE70];
	_ =	sdelay $0x4  }
0x1d6: {  	v42 =	vsel vm15, $0x5F78, v4;
	v4 =	vld [tilespmem:$0x1FE80];
	_ =	sdelay $0x4  }
0x1d7: {  	v43 =	vsel vm15, $0x7F78, v4;
	v4 =	vld [tilespmem:$0x1FE90];
	_ =	sdelay $0x4  }
0x1d8: {  	v44 =	vsel vm15, $0x1F79, v4;
	v4 =	vld [tilespmem:$0x1FEA0];
	_ =	sdelay $0x4  }
0x1d9: {  	v45 =	vsel vm15, $0x3F79, v4;
	v4 =	vld [tilespmem:$0x1FEB0];
	_ =	sdelay $0x4  }
0x1da: {  	v46 =	vsel vm15, $0x5F79, v4;
	v4 =	vld [tilespmem:$0x1FEC0];
	_ =	sdelay $0x4  }
0x1db: {  	v47 =	vsel vm15, $0x7F79, v4;
	v4 =	vld [tilespmem:$0x1FED0];
	_ =	sdelay $0x4  }
0x1dc: {  	v48 =	vsel vm15, $0x1F7A, v4;
	v4 =	vld [tilespmem:$0x1FEE0];
	_ =	sdelay $0x4  }
0x1dd: {  	v49 =	vsel vm15, $0x3F7A, v4;
	v4 =	vld [tilespmem:$0x1FEF0];
	_ =	sdelay $0x4  }
0x1de: {  	v50 =	vsel vm15, $0x5F7A, v4;
	v4 =	vld [tilespmem:$0x1FF00];
	_ =	sdelay $0x4  }
0x1df: {  	v51 =	vsel vm15, $0x7F7A, v4;
	v4 =	vld [tilespmem:$0x1FF10];
	_ =	sdelay $0x4  }
0x1e0: {  	v52 =	vsel vm15, $0x1F7B, v4;
	v4 =	vld [tilespmem:$0x1FF20];
	_ =	sdelay $0x4  }
0x1e1: {  	v53 =	vsel vm15, $0x3F7B, v4;
	v4 =	vld [tilespmem:$0x1FF30];
	_ =	sdelay $0x4  }
0x1e2: {  	v54 =	vsel vm15, $0x5F7B, v4;
	v4 =	vld [tilespmem:$0x1FF40];
	_ =	sdelay $0x4  }
0x1e3: {  	v55 =	vsel vm15, $0x7F7B, v4;
	v4 =	vld [tilespmem:$0x1FF50];
	_ =	sdelay $0x4  }
0x1e4: {  	v56 =	vsel vm15, $0x1F7C, v4;
	v4 =	vld [tilespmem:$0x1FF60];
	_ =	sdelay $0x4  }
0x1e5: {  	v57 =	vsel vm15, $0x3F7C, v4;
	v4 =	vld [tilespmem:$0x1FF70];
	_ =	sdelay $0x4  }
0x1e6: {  	v58 =	vsel vm15, $0x5F7C, v4;
	v4 =	vld [tilespmem:$0x1FF80]  }
0x1e7: {  	vm0 =	vmmov $0x1  }
0x1e8: {  	vm2 =	vcmask $0x70C;
	vm3 =	vcmask $0xB10;
	vm4 =	vcmask $0xF14  }
0x1e9: {  	vm5 =	vcmask $0x1318;
	vm6 =	vcmask $0x171C;
	v60 =	vsel vm11, $0x1DFF, v60  }
0x1ea: {  	v2 =	vsel vm12, $0x5080, v2;
	v11 =	vsel vm1, $0x5E73, v15;
	v59 =	vsel vm1, $0x1E7F, v60  }
0x1eb: {  	v15 =	vsel vm1, $0x5E74, v19;
	v19 =	vsel vm13, $0x1EFF, v59;
	v59 =	vsel vm15, $0x7F7C, v4;
	v4 =	vld [tilespmem:$0x1FF90]  }
0x1ec: {  	vm7 =	vcmask $0x1B20;
	v3 =	vsel vm12, $0x7080, v3;
	v2 =	vsel vm14, $0x5100, v2  }
0x1ed: {  	vm8 =	vcmask $0x1F24;
	v3 =	vsel vm14, $0x7100, v3;
	v2 =	vsel vm11, $0x5180, v2  }
0x1ee: {  	v3 =	vsel vm11, $0x7180, v3;
	v2 =	vsel vm1, $0x5200, v2;
	v61 =	vsel vm11, $0x3DFF, v61  }
0x1ef: {  	v3 =	vsel vm1, $0x7200, v3;
	v9 =	vsel vm13, $0x1EF4, v13;
	v60 =	vsel vm1, $0x3E7F, v61  }
0x1f0: {  	v13 =	vsel vm13, $0x1EF5, v20;
	v20 =	vsel vm13, $0x3EFF, v60;
	v60 =	vsel vm15, $0x1F7D, v4;
	v4 =	vld [tilespmem:$0x1FFA0]  }
0x1f1: {  	vm9 =	vcmask $0x2328;
	v2 =	vsel vm13, $0x5280, v2;
	v3 =	vsel vm13, $0x7280, v3  }
0x1f2: {  	v2 =	vsel vm15, $0x5300, v2;
	v3 =	vsel vm15, $0x7300, v3;
	v10 =	vsel vm1, $0x3E73, v14  }
0x1f3: {  	v14 =	vsel vm1, $0x3E74, v18;
	v8 =	vsel vm13, $0x7EF3, v12;
	v62 =	vsel vm11, $0x5DFF, v62  }
0x1f4: {  	v12 =	vsel vm13, $0x7EF4, v16;
	v16 =	vsel vm13, $0x7EF5, v23;
	v61 =	vsel vm1, $0x5E7F, v62  }
0x1f5: {  	v23 =	vsel vm15, $0x7F73, v8;
	v17 =	vsel vm13, $0x5EFF, v61;
	v61 =	vsel vm15, $0x3F7D, v4;
	v4 =	vld [tilespmem:$0x1FFB0]  }
0x1f6: {  	v27 =	vsel vm15, $0x7F74, v12;
	v31 =	vsel vm15, $0x7F75, v16;
	v8 =	vlaneseq.u32  }
0x1f7: {  	s8 =	simm.s32 $0x7A1400;
	v5 =	vsel vm13, $0x3EF3, v10;
	v10 =	vsel vm13, $0x3EF4, v14;
	v14 =	vsel vm13, $0x3EF5, v21  }
0x1f8: {  	s3 =	srdreg.scid;
	s9 =	simm.s32 $0x400;
	s10 =	simm.s32 $0x8200;
	v6 =	vsel vm13, $0x5EF3, v11;
	v11 =	vsel vm13, $0x5EF4, v15;
	v63 =	vsel vm11, $0x7DFF, v63  }
0x1f9: {  	s11 =	simm.s32 $0xA200;
	s12 =	simm.s32 $0xC200;
	s13 =	simm.s32 $0xE200;
	v15 =	vsel vm13, $0x5EF5, v22;
	v21 =	vsel vm15, $0x3F73, v5;
	v62 =	vsel vm1, $0x7E7F, v63  }
0x1fa: {  	s4 =	stileid.u32;
	s14 =	simm.s32 $0x10200;
	s15 =	simm.s32 $0x12200;
	v25 =	vsel vm15, $0x3F74, v10;
	v18 =	vsel vm13, $0x7EFF, v62;
	v62 =	vsel vm15, $0x5F7D, v4;
	v4 =	vld [tilespmem:$0x1FFC0]  }
0x1fb: {  	s16 =	simm.s32 $0x14200;
	s17 =	simm.s32 $0x16200;
	s18 =	simm.s32 $0x18200;
	v29 =	vsel vm15, $0x3F75, v14;
	v26 =	vsel vm15, $0x5F74, v11;
	v11 =	vmul.u32 $0x80, v8  }
0x1fc: {  	s19 =	simm.s32 $0x1A200;
	s20 =	simm.s32 $0x1C200;
	s21 =	simm.s32 $0x1;
	v22 =	vsel vm15, $0x5F73, v6;
	v30 =	vsel vm15, $0x5F75, v15;
	v7 =	vsel vm11, $0x1DFE, v7  }
0x1fd: {  	s22 =	simm.s32 $0x200;
	s23 =	simm.s32 $0x2;
	s3 =	sand.u32 $0x1, s3;
	v28 =	vsel vm15, $0x1F75, v13;
	v14 =	vor.u32 $0x800, v11;
	v7 =	vsel vm1, $0x1E7E, v7;
	v5 =	vld [tilespmem:$0x1FFD0]  }
0x1fe: {  	s28 =	simm.s32 $0x6;
	s4 =	sshll.u32 s4, $0xA;
	s5 =	sshll.u32 s3, $0x9;
	v15 =	vor.u32 $0x1000, v11;
	v63 =	vsel vm13, $0x1EF6, v24;
	v7 =	vsel vm13, $0x1EFE, v7;
	v6 =	vld [tilespmem:$0x1FFE0]  }
0x1ff: {  	s30 =	simm.s32 $0x7;
	s3 =	ssub.s32 $0x2, s3;
	s4 =	sor.u32 s5, s4;
	v32 =	vsel vm15, $0x1F76, v63;
	v63 =	vsel vm15, $0x7F7D, v4;
	v4 =	vsel vm15, $0x1F7E, v7;
	v7 =	vld [tilespmem:$0x1FFF0]  }
0x200: {  	s31 =	simm.s32 $0x8;
	s24 =	sshrl.u32 s3, $0x1;
	s25 =	sshrl.u32 s4, $0x3;
	v16 =	vor.u32 $0x1800, v11;
	vm12 =	vcmask $0x2B30;
	v1 =	vsel vm15, $0x3300, v1  }
0x201: {  	s5 =	simm.s32 $0xC;
	s3 =	ssub.s32 s3, s24;
	s1 =	sadd.s32 s1, s25;
	v10 =	vsel vm15, $0x3F7F, v20;
	v0 =	vsel vm15, $0x1300, v0;
	v12 =	vsel vm15, $0x5F7F, v17  }
0x202: {  	s26 =	sadd.s32 s2, s4;
	s24 =	simm.s32 $0x3;
	vm11 =	vcmask $0x272C;
	vm1 =	vcmask $0x308;
	v24 =	vsel vm15, $0x1F74, v9;
	[dreg:$0x4] =	wrdreg s1  }
0x203: {  	s29 =	smax.u32 s3, $0x1;
	s25 =	simm.s32 $0x4;
	v9 =	vsel vm15, $0x1F7F, v19;
	vm13 =	vcmask $0x2F34;
	v13 =	vsel vm15, $0x7F7F, v18;
	[dreg:$0x5] =	wrdreg s26  }
0x204: {  	[dreg:$0x6] =	wrdreg s29;
	s26 =	simm.s32 $0x5;
	s1 =	simm.s32 $0x0;
	v5 =	vsel vm15, $0x3F7E, v5;
	v6 =	vsel vm15, $0x5F7E, v6;
	v7 =	vsel vm15, $0x7F7E, v7  }
.LBB2_1:
0x205: {  	[dreg:$0x7] =	wrdreg s1  }
0x206: {  	s3 =	simm.s32 $0x0;
	s4 =	rddreg [dreg:$0x4]  }
0x207: {  	[tilespmem:s3], [sflag:$0xC] =	stream.linear.gather [hbm4b:s4+s3], $0x200, $0x38;
	[tilespmem:$0x1E200] =	vst v63  }
0x208: {  	_ =	swait.ge [sflag:s5], $0x200  }
0x209: {  	[sflag:s5] =	ssyncset.done $0x0  }
0x20a: {  	[sflag:s5] =	ssyncadd.s32 $0xFFFFFE00  }
0x20b: {  	v17 =	vld [tilespmem:$0x0];
	_ =	sdelay $0x4  }
0x20c: {  	v17 =	vnsel vm0, $0x0, v17  }
0x20d: {  	v17 =	vxor.u32 $0x80000000, v17  }
0x20e: {  	(xrf0) =	vmax.scan.msk.u32 $0xffff, v17;
	_ =	sdelay $0x5  }
0x20f: {  	v17, _, _ =	vpop (xrf0)  }
0x210: {  	(v2sf) =	vpush v17, $0xF;
	_ =	sdelay $0xe  }
0x211: {  	s3 =	spop (v2sf)  }
0x212: {  	s4 =	sand.u32 $0x1FFFFF80, s3  }
0x213: {  	s4 =	sadd.s32 s0, s4  }
0x214: {  	[tilespmem:s10], [sflag:$0x1] =	stream.strided.gather [hbm4b:s4+s9], $0x2000, s8, s9, $0x38;
	[tilespmem:$0x1E200] =	vst v63  }
0x215: {  	v17 =	vld [tilespmem:$0x0];
	_ =	sdelay $0x4  }
0x216: {  	v17 =	vsel vm1, $0x0, v17  }
0x217: {  	v17 =	vxor.u32 $0x80000000, v17  }
0x218: {  	(xrf0) =	vmax.scan.msk.u32 $0xffff, v17;
	_ =	sdelay $0x5  }
0x219: {  	v17, _, _ =	vpop (xrf0)  }
0x21a: {  	(v2sf) =	vpush v17, $0xF;
	_ =	sdelay $0xe  }
0x21b: {  	s5 =	spop (v2sf)  }
0x21c: {  	s4 =	sand.u32 $0x1FFFFF80, s5  }
0x21d: {  	s4 =	sadd.s32 s0, s4  }
0x21e: {  	[tilespmem:s11], [sflag:$0x2] =	stream.strided.gather [hbm4b:s4+s9], $0x2000, s8, s9, $0x38;
	[tilespmem:$0x1E200] =	vst v63  }
0x21f: {  	v17 =	vld [tilespmem:$0x0];
	_ =	sdelay $0x3  }
0x220: {  	vm15 =	vmmov vm2  }
0x221: {  	v17 =	vsel vm15, $0x0, v17  }
0x222: {  	v17 =	vxor.u32 $0x80000000, v17  }
0x223: {  	(xrf0) =	vmax.scan.msk.u32 $0xffff, v17;
	_ =	sdelay $0x5  }
0x224: {  	v17, _, _ =	vpop (xrf0)  }
0x225: {  	(v2sf) =	vpush v17, $0xF;
	_ =	sdelay $0xe  }
0x226: {  	s6 =	spop (v2sf)  }
0x227: {  	s4 =	sand.u32 $0x1FFFFF80, s6  }
0x228: {  	s4 =	sadd.s32 s0, s4  }
0x229: {  	[tilespmem:s12], [sflag:$0x3] =	stream.strided.gather [hbm4b:s4+s9], $0x2000, s8, s9, $0x38;
	[tilespmem:$0x1E200] =	vst v63  }
0x22a: {  	v17 =	vld [tilespmem:$0x0];
	_ =	sdelay $0x3  }
0x22b: {  	vm2 =	vmmov vm1;
	vm1 =	vmmov vm3  }
0x22c: {  	v17 =	vsel vm1, $0x0, v17  }
0x22d: {  	v17 =	vxor.u32 $0x80000000, v17  }
0x22e: {  	(xrf0) =	vmax.scan.msk.u32 $0xffff, v17;
	_ =	sdelay $0x5  }
0x22f: {  	v17, _, _ =	vpop (xrf0)  }
0x230: {  	(v2sf) =	vpush v17, $0xF;
	_ =	sdelay $0xe  }
0x231: {  	s7 =	spop (v2sf)  }
0x232: {  	s4 =	sand.u32 $0x1FFFFF80, s7  }
0x233: {  	s4 =	sadd.s32 s0, s4  }
0x234: {  	[tilespmem:s13], [sflag:$0x4] =	stream.strided.gather [hbm4b:s4+s9], $0x2000, s8, s9, $0x38;
	[tilespmem:$0x1E200] =	vst v63  }
0x235: {  	v17 =	vld [tilespmem:$0x0];
	_ =	sdelay $0x3  }
0x236: {  	vm3 =	vmmov vm15;
	vm15 =	vmmov vm4  }
0x237: {  	v17 =	vsel vm15, $0x0, v17  }
0x238: {  	v17 =	vxor.u32 $0x80000000, v17  }
0x239: {  	(xrf0) =	vmax.scan.msk.u32 $0xffff, v17;
	_ =	sdelay $0x5  }
0x23a: {  	v17, _, _ =	vpop (xrf0)  }
0x23b: {  	(v2sf) =	vpush v17, $0xF;
	_ =	sdelay $0xe  }
0x23c: {  	s29 =	spop (v2sf)  }
0x23d: {  	s4 =	sand.u32 $0x1FFFFF80, s29  }
0x23e: {  	s4 =	sadd.s32 s0, s4  }
0x23f: {  	[tilespmem:s14], [sflag:$0x5] =	stream.strided.gather [hbm4b:s4+s9], $0x2000, s8, s9, $0x38;
	[tilespmem:$0x1E200] =	vst v63  }
0x240: {  	v17 =	vld [tilespmem:$0x0];
	_ =	sdelay $0x3  }
0x241: {  	vm4 =	vmmov vm1;
	vm1 =	vmmov vm5  }
0x242: {  	v17 =	vsel vm1, $0x0, v17  }
0x243: {  	v17 =	vxor.u32 $0x80000000, v17  }
0x244: {  	(xrf0) =	vmax.scan.msk.u32 $0xffff, v17;
	_ =	sdelay $0x5  }
0x245: {  	v17, _, _ =	vpop (xrf0)  }
0x246: {  	(v2sf) =	vpush v17, $0xF;
	_ =	sdelay $0xe  }
0x247: {  	s3 =	spop (v2sf)  }
0x248: {  	s4 =	sand.u32 $0x1FFFFF80, s3  }
0x249: {  	s4 =	sadd.s32 s0, s4  }
0x24a: {  	[tilespmem:s15], [sflag:$0x6] =	stream.strided.gather [hbm4b:s4+s9], $0x2000, s8, s9, $0x38;
	[tilespmem:$0x1E200] =	vst v63  }
0x24b: {  	v17 =	vld [tilespmem:$0x0];
	_ =	sdelay $0x3  }
0x24c: {  	vm5 =	vmmov vm15;
	vm15 =	vmmov vm6  }
0x24d: {  	v17 =	vsel vm15, $0x0, v17  }
0x24e: {  	v17 =	vxor.u32 $0x80000000, v17  }
0x24f: {  	(xrf0) =	vmax.scan.msk.u32 $0xffff, v17;
	_ =	sdelay $0x5  }
0x250: {  	v17, _, _ =	vpop (xrf0)  }
0x251: {  	(v2sf) =	vpush v17, $0xF;
	_ =	sdelay $0xe  }
0x252: {  	s5 =	spop (v2sf)  }
0x253: {  	s4 =	sand.u32 $0x1FFFFF80, s5  }
0x254: {  	s4 =	sadd.s32 s0, s4  }
0x255: {  	[tilespmem:s16], [sflag:$0x7] =	stream.strided.gather [hbm4b:s4+s9], $0x2000, s8, s9, $0x38;
	[tilespmem:$0x1E200] =	vst v63  }
0x256: {  	v17 =	vld [tilespmem:$0x0];
	_ =	sdelay $0x3  }
0x257: {  	vm6 =	vmmov vm1;
	vm1 =	vmmov vm7  }
0x258: {  	v17 =	vsel vm1, $0x0, v17  }
0x259: {  	v17 =	vxor.u32 $0x80000000, v17  }
0x25a: {  	(xrf0) =	vmax.scan.msk.u32 $0xffff, v17;
	_ =	sdelay $0x5  }
0x25b: {  	v17, _, _ =	vpop (xrf0)  }
0x25c: {  	(v2sf) =	vpush v17, $0xF;
	_ =	sdelay $0xe  }
0x25d: {  	s6 =	spop (v2sf)  }
0x25e: {  	s4 =	sand.u32 $0x1FFFFF80, s6  }
0x25f: {  	s4 =	sadd.s32 s0, s4  }
0x260: {  	[tilespmem:s17], [sflag:$0x8] =	stream.strided.gather [hbm4b:s4+s9], $0x2000, s8, s9, $0x38;
	[tilespmem:$0x1E200] =	vst v63  }
0x261: {  	v17 =	vld [tilespmem:$0x0];
	_ =	sdelay $0x3  }
0x262: {  	vm10 =	vmmov vm8  }
0x263: {  	v17 =	vsel vm10, $0x0, v17  }
0x264: {  	v17 =	vxor.u32 $0x80000000, v17  }
0x265: {  	(xrf0) =	vmax.scan.msk.u32 $0xffff, v17;
	_ =	sdelay $0x5  }
0x266: {  	v17, _, _ =	vpop (xrf0)  }
0x267: {  	(v2sf) =	vpush v17, $0xF;
	_ =	sdelay $0xe  }
0x268: {  	s7 =	spop (v2sf)  }
0x269: {  	s4 =	sand.u32 $0x1FFFFF80, s7  }
0x26a: {  	s4 =	sadd.s32 s0, s4  }
0x26b: {  	[tilespmem:s18], [sflag:$0x9] =	stream.strided.gather [hbm4b:s4+s9], $0x2000, s8, s9, $0x38;
	[tilespmem:$0x1E200] =	vst v63  }
0x26c: {  	v17 =	vld [tilespmem:$0x0];
	_ =	sdelay $0x4  }
0x26d: {  	v17 =	vsel vm9, $0x0, v17  }
0x26e: {  	v17 =	vxor.u32 $0x80000000, v17  }
0x26f: {  	(xrf0) =	vmax.scan.msk.u32 $0xffff, v17;
	_ =	sdelay $0x5  }
0x270: {  	v17, _, _ =	vpop (xrf0)  }
0x271: {  	(v2sf) =	vpush v17, $0xF;
	_ =	sdelay $0xe  }
0x272: {  	s29 =	spop (v2sf)  }
0x273: {  	s4 =	sand.u32 $0x1FFFFF80, s29  }
0x274: {  	s4 =	sadd.s32 s0, s4  }
0x275: {  	[tilespmem:s19], [sflag:$0xA] =	stream.strided.gather [hbm4b:s4+s9], $0x2000, s8, s9, $0x38;
	[tilespmem:$0x1E200] =	vst v63  }
0x276: {  	s2 =	simm.s32 $0xA;
	s1 =	simm.s32 $0x9;
	vm7 =	vmmov vm15;
	vm8 =	vmmov vm1;
	s4 =	simm.s32 $0x0  }
.LBB2_2:
0x277: {  	s5 =	sadd.s32 $0xA, s4  }
0x278: {  	s6 =	sand.u32 $0xFFFFFFF0, s5  }
0x279: {  	v17 =	vld [tilespmem:s6+$0x0];
	_ =	sdelay $0x2  }
0x27a: {  	s7 =	sand.u32 $0xF, s5  }
0x27b: {  	v18 =	vmov s7  }
0x27c: {  	vm15 =	veq.s32 v18, v8;
	v17 =	vxor.u32 $0x80000000, v17  }
0x27d: {  	v17 =	vnsel vm15, $0x80000000, v17  }
0x27e: {  	(xrf0) =	vmax.scan.msk.u32 $0xffff, v17;
	_ =	sdelay $0x5  }
0x27f: {  	v17, _, _ =	vpop (xrf0)  }
0x280: {  	(v2sf) =	vpush v17, $0xF;
	_ =	sdelay $0xe  }
0x281: {  	s3 =	spop (v2sf)  }
0x282: {  	s7 =	sand.u32 $0x1FFFFF80, s3  }
0x283: {  	s7 =	sadd.s32 s0, s7  }
0x284: {  	[tilespmem:s20], [sflag:$0xB] =	stream.strided.gather [hbm4b:s7+s9], $0x2000, s8, s9, $0x38;
	[tilespmem:$0x1E200] =	vst v63  }
0x285: {  	_ =	swait.ge [sflag:s21], $0x2000  }
0x286: {  	[sflag:s21] =	ssyncset.done $0x0  }
0x287: {  	s3 =	sand.u32 $0xFFFFFFF0, s4;
	[sflag:s21] =	ssyncadd.s32 $0xFFFFE000  }
0x288: {  	v17 =	vld [tilespmem:s3+$0x0];
	_ =	sdelay $0x2  }
0x289: {  	s3 =	sand.u32 $0xF, s4  }
0x28a: {  	v18 =	vmov s3  }
0x28b: {  	vm1 =	veq.s32 v18, v8;
	v17 =	vxor.u32 $0x80000000, v17  }
0x28c: {  	v17 =	vnsel vm1, $0x80000000, v17  }
0x28d: {  	(xrf0) =	vmax.scan.msk.u32 $0xffff, v17;
	_ =	sdelay $0x5  }
0x28e: {  	v17, _, _ =	vpop (xrf0)  }
0x28f: {  	(v2sf) =	vpush v17, $0xF;
	_ =	sdelay $0xe  }
0x290: {  	s3 =	spop (v2sf)  }
0x291: {  	s7 =	sand.u32 $0x7F, s3  }
0x292: {  	v17 =	vor.u32 s7, v11  }
0x293: {  	v18 =	vmov s4  }
0x294: {  	v19 =	vshll.u32 v18, $0x3  }
0x295: {  	v18 =	vand.u32 $0x7F, v18;
	v19 =	vand.u32 $0xFFFFFC00, v19  }
0x296: {  	v18 =	vor.u32 v18, v19  }
0x297: {  	v19 =	vadd.s32 v0, v18;
	v17 =	vld.idx.msk [tilespmem:v17+s10+$0x0], $0xffff  }
0x298: {  	v20 =	vor.u32 s7, v14;
	_ =	sdelay $0x3  }
0x299: {  	[tilespmem:v19+s22+$0x0] =	vst.idx.msk $0xffff, v17  }
0x29a: {  	v19 =	vadd.s32 v1, v18;
	v17 =	vld.idx.msk [tilespmem:v20+s10+$0x0], $0xffff  }
0x29b: {  	v20 =	vor.u32 s7, v15;
	_ =	sdelay $0x3  }
0x29c: {  	[tilespmem:v19+s22+$0x0] =	vst.idx.msk $0xffff, v17  }
0x29d: {  	v19 =	vadd.s32 v2, v18;
	v17 =	vld.idx.msk [tilespmem:v20+s10+$0x0], $0xffff  }
0x29e: {  	v20 =	vor.u32 s7, v16;
	_ =	sdelay $0x3  }
0x29f: {  	[tilespmem:v19+s22+$0x0] =	vst.idx.msk $0xffff, v17  }
0x2a0: {  	v18 =	vadd.s32 v3, v18;
	v17 =	vld.idx.msk [tilespmem:v20+s10+$0x0], $0xffff;
	_ =	sdelay $0x3  }
0x2a1: {  	s7 =	sadd.s32 $0xB, s4  }
0x2a2: {  	s3 =	sand.u32 $0x3F0, s7;
	[tilespmem:v18+s22+$0x0] =	vst.idx.msk $0xffff, v17  }
0x2a3: {  	v17 =	vld [tilespmem:s3+$0x0];
	_ =	sdelay $0x2  }
0x2a4: {  	s3 =	sand.u32 $0xF, s7  }
0x2a5: {  	v18 =	vmov s3  }
0x2a6: {  	vm1 =	veq.s32 v18, v8;
	v17 =	vxor.u32 $0x80000000, v17  }
0x2a7: {  	v17 =	vnsel vm1, $0x80000000, v17  }
0x2a8: {  	(xrf0) =	vmax.scan.msk.u32 $0xffff, v17;
	_ =	sdelay $0x5  }
0x2a9: {  	v17, _, _ =	vpop (xrf0)  }
0x2aa: {  	(v2sf) =	vpush v17, $0xF;
	_ =	sdelay $0xe  }
0x2ab: {  	s3 =	spop (v2sf)  }
0x2ac: {  	s3 =	sand.u32 $0x1FFFFF80, s3  }
0x2ad: {  	s3 =	sadd.s32 s0, s3  }
0x2ae: {  	[tilespmem:s10], [sflag:$0x1] =	stream.strided.gather [hbm4b:s3+s9], $0x2000, s8, s9, $0x38;
	[tilespmem:$0x1E200] =	vst v63  }
0x2af: {  	_ =	swait.ge [sflag:s23], $0x2000  }
0x2b0: {  	s3 =	sadd.s32 $0x1, s4;
	[sflag:s23] =	ssyncset.done $0x0  }
0x2b1: {  	s29 =	sand.u32 $0xFFFFFFF0, s3;
	[sflag:s23] =	ssyncadd.s32 $0xFFFFE000  }
0x2b2: {  	v17 =	vld [tilespmem:s29+$0x0];
	_ =	sdelay $0x2  }
0x2b3: {  	s29 =	sand.u32 $0xF, s3  }
0x2b4: {  	v18 =	vmov s29  }
0x2b5: {  	vm1 =	veq.s32 v18, v8;
	v17 =	vxor.u32 $0x80000000, v17  }
0x2b6: {  	v17 =	vnsel vm1, $0x80000000, v17  }
0x2b7: {  	(xrf0) =	vmax.scan.msk.u32 $0xffff, v17;
	_ =	sdelay $0x5  }
0x2b8: {  	v17, _, _ =	vpop (xrf0)  }
0x2b9: {  	(v2sf) =	vpush v17, $0xF;
	_ =	sdelay $0xe  }
0x2ba: {  	s29 =	spop (v2sf)  }
0x2bb: {  	s29 =	sand.u32 $0x7F, s29  }
0x2bc: {  	v17 =	vor.u32 s29, v11  }
0x2bd: {  	v18 =	vmov s3  }
0x2be: {  	v19 =	vshll.u32 v18, $0x3  }
0x2bf: {  	v18 =	vand.u32 $0x7F, v18;
	v19 =	vand.u32 $0xFFFFFC00, v19  }
0x2c0: {  	v18 =	vor.u32 v18, v19  }
0x2c1: {  	v19 =	vadd.s32 v0, v18;
	v17 =	vld.idx.msk [tilespmem:v17+s11+$0x0], $0xffff  }
0x2c2: {  	v20 =	vor.u32 s29, v14;
	_ =	sdelay $0x3  }
0x2c3: {  	[tilespmem:v19+s22+$0x0] =	vst.idx.msk $0xffff, v17  }
0x2c4: {  	v19 =	vadd.s32 v1, v18;
	v17 =	vld.idx.msk [tilespmem:v20+s11+$0x0], $0xffff  }
0x2c5: {  	v20 =	vor.u32 s29, v15;
	_ =	sdelay $0x3  }
0x2c6: {  	[tilespmem:v19+s22+$0x0] =	vst.idx.msk $0xffff, v17  }
0x2c7: {  	v19 =	vadd.s32 v2, v18;
	v17 =	vld.idx.msk [tilespmem:v20+s11+$0x0], $0xffff  }
0x2c8: {  	v20 =	vor.u32 s29, v16;
	_ =	sdelay $0x3  }
0x2c9: {  	[tilespmem:v19+s22+$0x0] =	vst.idx.msk $0xffff, v17  }
0x2ca: {  	v18 =	vadd.s32 v3, v18;
	v17 =	vld.idx.msk [tilespmem:v20+s11+$0x0], $0xffff;
	_ =	sdelay $0x3  }
0x2cb: {  	s3 =	sadd.s32 $0xC, s4  }
0x2cc: {  	s29 =	sand.u32 $0x7F0, s3;
	[tilespmem:v18+s22+$0x0] =	vst.idx.msk $0xffff, v17  }
0x2cd: {  	v17 =	vld [tilespmem:s29+$0x0];
	_ =	sdelay $0x2  }
0x2ce: {  	s3 =	sand.u32 $0xF, s3  }
0x2cf: {  	v18 =	vmov s3  }
0x2d0: {  	vm1 =	veq.s32 v18, v8;
	v17 =	vxor.u32 $0x80000000, v17  }
0x2d1: {  	v17 =	vnsel vm1, $0x80000000, v17  }
0x2d2: {  	(xrf0) =	vmax.scan.msk.u32 $0xffff, v17;
	_ =	sdelay $0x5  }
0x2d3: {  	v17, _, _ =	vpop (xrf0)  }
0x2d4: {  	(v2sf) =	vpush v17, $0xF;
	_ =	sdelay $0xe  }
0x2d5: {  	s3 =	spop (v2sf)  }
0x2d6: {  	s3 =	sand.u32 $0x1FFFFF80, s3  }
0x2d7: {  	s3 =	sadd.s32 s0, s3  }
0x2d8: {  	[tilespmem:s11], [sflag:$0x2] =	stream.strided.gather [hbm4b:s3+s9], $0x2000, s8, s9, $0x38;
	[tilespmem:$0x1E200] =	vst v63  }
0x2d9: {  	_ =	swait.ge [sflag:s24], $0x2000  }
0x2da: {  	s3 =	sadd.s32 $0x2, s4;
	[sflag:s24] =	ssyncset.done $0x0  }
0x2db: {  	s29 =	sand.u32 $0xFFFFFFF0, s3;
	[sflag:s24] =	ssyncadd.s32 $0xFFFFE000  }
0x2dc: {  	v17 =	vld [tilespmem:s29+$0x0];
	_ =	sdelay $0x2  }
0x2dd: {  	s29 =	sand.u32 $0xF, s3  }
0x2de: {  	v18 =	vmov s29  }
0x2df: {  	vm1 =	veq.s32 v18, v8;
	v17 =	vxor.u32 $0x80000000, v17  }
0x2e0: {  	v17 =	vnsel vm1, $0x80000000, v17  }
0x2e1: {  	(xrf0) =	vmax.scan.msk.u32 $0xffff, v17;
	_ =	sdelay $0x5  }
0x2e2: {  	v17, _, _ =	vpop (xrf0)  }
0x2e3: {  	(v2sf) =	vpush v17, $0xF;
	_ =	sdelay $0xe  }
0x2e4: {  	s29 =	spop (v2sf)  }
0x2e5: {  	s29 =	sand.u32 $0x7F, s29  }
0x2e6: {  	v17 =	vor.u32 s29, v11  }
0x2e7: {  	v18 =	vmov s3  }
0x2e8: {  	v19 =	vshll.u32 v18, $0x3  }
0x2e9: {  	v18 =	vand.u32 $0x7F, v18;
	v19 =	vand.u32 $0xFFFFFC00, v19  }
0x2ea: {  	v18 =	vor.u32 v18, v19  }
0x2eb: {  	v19 =	vadd.s32 v0, v18;
	v17 =	vld.idx.msk [tilespmem:v17+s12+$0x0], $0xffff  }
0x2ec: {  	v20 =	vor.u32 s29, v14;
	_ =	sdelay $0x3  }
0x2ed: {  	[tilespmem:v19+s22+$0x0] =	vst.idx.msk $0xffff, v17  }
0x2ee: {  	v19 =	vadd.s32 v1, v18;
	v17 =	vld.idx.msk [tilespmem:v20+s12+$0x0], $0xffff  }
0x2ef: {  	v20 =	vor.u32 s29, v15;
	_ =	sdelay $0x3  }
0x2f0: {  	[tilespmem:v19+s22+$0x0] =	vst.idx.msk $0xffff, v17  }
0x2f1: {  	v19 =	vadd.s32 v2, v18;
	v17 =	vld.idx.msk [tilespmem:v20+s12+$0x0], $0xffff  }
0x2f2: {  	v20 =	vor.u32 s29, v16;
	_ =	sdelay $0x3  }
0x2f3: {  	[tilespmem:v19+s22+$0x0] =	vst.idx.msk $0xffff, v17  }
0x2f4: {  	v18 =	vadd.s32 v3, v18;
	v17 =	vld.idx.msk [tilespmem:v20+s12+$0x0], $0xffff;
	_ =	sdelay $0x3  }
0x2f5: {  	s3 =	sadd.s32 $0xD, s4  }
0x2f6: {  	s29 =	sand.u32 $0x7F0, s3;
	[tilespmem:v18+s22+$0x0] =	vst.idx.msk $0xffff, v17  }
0x2f7: {  	v17 =	vld [tilespmem:s29+$0x0];
	_ =	sdelay $0x2  }
0x2f8: {  	s3 =	sand.u32 $0xF, s3  }
0x2f9: {  	v18 =	vmov s3  }
0x2fa: {  	vm1 =	veq.s32 v18, v8;
	v17 =	vxor.u32 $0x80000000, v17  }
0x2fb: {  	v17 =	vnsel vm1, $0x80000000, v17  }
0x2fc: {  	(xrf0) =	vmax.scan.msk.u32 $0xffff, v17;
	_ =	sdelay $0x5  }
0x2fd: {  	v17, _, _ =	vpop (xrf0)  }
0x2fe: {  	(v2sf) =	vpush v17, $0xF;
	_ =	sdelay $0xe  }
0x2ff: {  	s3 =	spop (v2sf)  }
0x300: {  	s3 =	sand.u32 $0x1FFFFF80, s3  }
0x301: {  	s3 =	sadd.s32 s0, s3  }
0x302: {  	[tilespmem:s12], [sflag:$0x3] =	stream.strided.gather [hbm4b:s3+s9], $0x2000, s8, s9, $0x38;
	[tilespmem:$0x1E200] =	vst v63  }
0x303: {  	_ =	swait.ge [sflag:s25], $0x2000  }
0x304: {  	s3 =	sadd.s32 $0x3, s4;
	[sflag:s25] =	ssyncset.done $0x0  }
0x305: {  	s29 =	sand.u32 $0xFFFFFFF0, s3;
	[sflag:s25] =	ssyncadd.s32 $0xFFFFE000  }
0x306: {  	v17 =	vld [tilespmem:s29+$0x0];
	_ =	sdelay $0x2  }
0x307: {  	s29 =	sand.u32 $0xF, s3  }
0x308: {  	v18 =	vmov s29  }
0x309: {  	vm1 =	veq.s32 v18, v8;
	v17 =	vxor.u32 $0x80000000, v17  }
0x30a: {  	v17 =	vnsel vm1, $0x80000000, v17  }
0x30b: {  	(xrf0) =	vmax.scan.msk.u32 $0xffff, v17;
	_ =	sdelay $0x5  }
0x30c: {  	v17, _, _ =	vpop (xrf0)  }
0x30d: {  	(v2sf) =	vpush v17, $0xF;
	_ =	sdelay $0xe  }
0x30e: {  	s29 =	spop (v2sf)  }
0x30f: {  	s29 =	sand.u32 $0x7F, s29  }
0x310: {  	v17 =	vor.u32 s29, v11  }
0x311: {  	v18 =	vmov s3  }
0x312: {  	v19 =	vshll.u32 v18, $0x3  }
0x313: {  	v18 =	vand.u32 $0x7F, v18;
	v19 =	vand.u32 $0xFFFFFC00, v19  }
0x314: {  	v18 =	vor.u32 v18, v19  }
0x315: {  	v19 =	vadd.s32 v0, v18;
	v17 =	vld.idx.msk [tilespmem:v17+s13+$0x0], $0xffff  }
0x316: {  	v20 =	vor.u32 s29, v14;
	_ =	sdelay $0x3  }
0x317: {  	[tilespmem:v19+s22+$0x0] =	vst.idx.msk $0xffff, v17  }
0x318: {  	v19 =	vadd.s32 v1, v18;
	v17 =	vld.idx.msk [tilespmem:v20+s13+$0x0], $0xffff  }
0x319: {  	v20 =	vor.u32 s29, v15;
	_ =	sdelay $0x3  }
0x31a: {  	[tilespmem:v19+s22+$0x0] =	vst.idx.msk $0xffff, v17  }
0x31b: {  	v19 =	vadd.s32 v2, v18;
	v17 =	vld.idx.msk [tilespmem:v20+s13+$0x0], $0xffff  }
0x31c: {  	v20 =	vor.u32 s29, v16;
	_ =	sdelay $0x3  }
0x31d: {  	[tilespmem:v19+s22+$0x0] =	vst.idx.msk $0xffff, v17  }
0x31e: {  	v18 =	vadd.s32 v3, v18;
	v17 =	vld.idx.msk [tilespmem:v20+s13+$0x0], $0xffff;
	_ =	sdelay $0x3  }
0x31f: {  	s3 =	sadd.s32 $0xE, s4  }
0x320: {  	s29 =	sand.u32 $0x7F0, s3;
	[tilespmem:v18+s22+$0x0] =	vst.idx.msk $0xffff, v17  }
0x321: {  	v17 =	vld [tilespmem:s29+$0x0];
	_ =	sdelay $0x2  }
0x322: {  	s3 =	sand.u32 $0xF, s3  }
0x323: {  	v18 =	vmov s3  }
0x324: {  	vm1 =	veq.s32 v18, v8;
	v17 =	vxor.u32 $0x80000000, v17  }
0x325: {  	v17 =	vnsel vm1, $0x80000000, v17  }
0x326: {  	(xrf0) =	vmax.scan.msk.u32 $0xffff, v17;
	_ =	sdelay $0x5  }
0x327: {  	v17, _, _ =	vpop (xrf0)  }
0x328: {  	(v2sf) =	vpush v17, $0xF;
	_ =	sdelay $0xe  }
0x329: {  	s3 =	spop (v2sf)  }
0x32a: {  	s3 =	sand.u32 $0x1FFFFF80, s3  }
0x32b: {  	s3 =	sadd.s32 s0, s3  }
0x32c: {  	[tilespmem:s13], [sflag:$0x4] =	stream.strided.gather [hbm4b:s3+s9], $0x2000, s8, s9, $0x38;
	[tilespmem:$0x1E200] =	vst v63  }
0x32d: {  	_ =	swait.ge [sflag:s26], $0x2000  }
0x32e: {  	s3 =	sadd.s32 $0x4, s4;
	[sflag:s26] =	ssyncset.done $0x0  }
0x32f: {  	s29 =	sand.u32 $0xFFFFFFF0, s3;
	[sflag:s26] =	ssyncadd.s32 $0xFFFFE000  }
0x330: {  	v17 =	vld [tilespmem:s29+$0x0];
	_ =	sdelay $0x2  }
0x331: {  	s29 =	sand.u32 $0xF, s3  }
0x332: {  	v18 =	vmov s29  }
0x333: {  	vm1 =	veq.s32 v18, v8;
	v17 =	vxor.u32 $0x80000000, v17  }
0x334: {  	v17 =	vnsel vm1, $0x80000000, v17  }
0x335: {  	(xrf0) =	vmax.scan.msk.u32 $0xffff, v17;
	_ =	sdelay $0x5  }
0x336: {  	v17, _, _ =	vpop (xrf0)  }
0x337: {  	(v2sf) =	vpush v17, $0xF;
	_ =	sdelay $0xe  }
0x338: {  	s29 =	spop (v2sf)  }
0x339: {  	s29 =	sand.u32 $0x7F, s29  }
0x33a: {  	v17 =	vor.u32 s29, v11  }
0x33b: {  	v18 =	vmov s3  }
0x33c: {  	v19 =	vshll.u32 v18, $0x3  }
0x33d: {  	v18 =	vand.u32 $0x7F, v18;
	v19 =	vand.u32 $0xFFFFFC00, v19  }
0x33e: {  	v18 =	vor.u32 v18, v19  }
0x33f: {  	v19 =	vadd.s32 v0, v18;
	v17 =	vld.idx.msk [tilespmem:v17+s14+$0x0], $0xffff  }
0x340: {  	v20 =	vor.u32 s29, v14;
	_ =	sdelay $0x3  }
0x341: {  	[tilespmem:v19+s22+$0x0] =	vst.idx.msk $0xffff, v17  }
0x342: {  	v19 =	vadd.s32 v1, v18;
	v17 =	vld.idx.msk [tilespmem:v20+s14+$0x0], $0xffff  }
0x343: {  	v20 =	vor.u32 s29, v15;
	_ =	sdelay $0x3  }
0x344: {  	[tilespmem:v19+s22+$0x0] =	vst.idx.msk $0xffff, v17  }
0x345: {  	v19 =	vadd.s32 v2, v18;
	v17 =	vld.idx.msk [tilespmem:v20+s14+$0x0], $0xffff  }
0x346: {  	v20 =	vor.u32 s29, v16;
	_ =	sdelay $0x3  }
0x347: {  	[tilespmem:v19+s22+$0x0] =	vst.idx.msk $0xffff, v17  }
0x348: {  	v18 =	vadd.s32 v3, v18;
	v17 =	vld.idx.msk [tilespmem:v20+s14+$0x0], $0xffff;
	_ =	sdelay $0x3  }
0x349: {  	s3 =	sadd.s32 $0xF, s4  }
0x34a: {  	s29 =	sand.u32 $0x7F0, s3;
	[tilespmem:v18+s22+$0x0] =	vst.idx.msk $0xffff, v17  }
0x34b: {  	v17 =	vld [tilespmem:s29+$0x0];
	_ =	sdelay $0x2  }
0x34c: {  	s3 =	sand.u32 $0xF, s3  }
0x34d: {  	v18 =	vmov s3  }
0x34e: {  	vm1 =	veq.s32 v18, v8;
	v17 =	vxor.u32 $0x80000000, v17  }
0x34f: {  	v17 =	vnsel vm1, $0x80000000, v17  }
0x350: {  	(xrf0) =	vmax.scan.msk.u32 $0xffff, v17;
	_ =	sdelay $0x5  }
0x351: {  	v17, _, _ =	vpop (xrf0)  }
0x352: {  	(v2sf) =	vpush v17, $0xF;
	_ =	sdelay $0xe  }
0x353: {  	s3 =	spop (v2sf)  }
0x354: {  	s3 =	sand.u32 $0x1FFFFF80, s3  }
0x355: {  	s3 =	sadd.s32 s0, s3  }
0x356: {  	[tilespmem:s14], [sflag:$0x5] =	stream.strided.gather [hbm4b:s3+s9], $0x2000, s8, s9, $0x38;
	[tilespmem:$0x1E200] =	vst v63  }
0x357: {  	_ =	swait.ge [sflag:s28], $0x2000  }
0x358: {  	s3 =	sadd.s32 $0x5, s4;
	[sflag:s28] =	ssyncset.done $0x0  }
0x359: {  	s29 =	sand.u32 $0xFFFFFFF0, s3;
	[sflag:s28] =	ssyncadd.s32 $0xFFFFE000  }
0x35a: {  	v17 =	vld [tilespmem:s29+$0x0];
	_ =	sdelay $0x2  }
0x35b: {  	s29 =	sand.u32 $0xF, s3  }
0x35c: {  	v18 =	vmov s29  }
0x35d: {  	vm1 =	veq.s32 v18, v8;
	v17 =	vxor.u32 $0x80000000, v17  }
0x35e: {  	v17 =	vnsel vm1, $0x80000000, v17  }
0x35f: {  	(xrf0) =	vmax.scan.msk.u32 $0xffff, v17;
	_ =	sdelay $0x5  }
0x360: {  	v17, _, _ =	vpop (xrf0)  }
0x361: {  	(v2sf) =	vpush v17, $0xF;
	_ =	sdelay $0xe  }
0x362: {  	s29 =	spop (v2sf)  }
0x363: {  	s29 =	sand.u32 $0x7F, s29  }
0x364: {  	v17 =	vor.u32 s29, v11  }
0x365: {  	v18 =	vmov s3  }
0x366: {  	v19 =	vshll.u32 v18, $0x3  }
0x367: {  	v18 =	vand.u32 $0x7F, v18;
	v19 =	vand.u32 $0xFFFFFC00, v19  }
0x368: {  	v18 =	vor.u32 v18, v19  }
0x369: {  	v19 =	vadd.s32 v0, v18;
	v17 =	vld.idx.msk [tilespmem:v17+s15+$0x0], $0xffff  }
0x36a: {  	v20 =	vor.u32 s29, v14;
	_ =	sdelay $0x3  }
0x36b: {  	[tilespmem:v19+s22+$0x0] =	vst.idx.msk $0xffff, v17  }
0x36c: {  	v19 =	vadd.s32 v1, v18;
	v17 =	vld.idx.msk [tilespmem:v20+s15+$0x0], $0xffff  }
0x36d: {  	v20 =	vor.u32 s29, v15;
	_ =	sdelay $0x3  }
0x36e: {  	[tilespmem:v19+s22+$0x0] =	vst.idx.msk $0xffff, v17  }
0x36f: {  	v19 =	vadd.s32 v2, v18;
	v17 =	vld.idx.msk [tilespmem:v20+s15+$0x0], $0xffff  }
0x370: {  	v20 =	vor.u32 s29, v16;
	_ =	sdelay $0x3  }
0x371: {  	[tilespmem:v19+s22+$0x0] =	vst.idx.msk $0xffff, v17  }
0x372: {  	v18 =	vadd.s32 v3, v18;
	v17 =	vld.idx.msk [tilespmem:v20+s15+$0x0], $0xffff;
	_ =	sdelay $0x3  }
0x373: {  	s3 =	sadd.s32 $0x10, s4  }
0x374: {  	s29 =	sand.u32 $0x7F0, s3;
	[tilespmem:v18+s22+$0x0] =	vst.idx.msk $0xffff, v17  }
0x375: {  	v17 =	vld [tilespmem:s29+$0x0];
	_ =	sdelay $0x2  }
0x376: {  	s3 =	sand.u32 $0xF, s3  }
0x377: {  	v18 =	vmov s3  }
0x378: {  	vm1 =	veq.s32 v18, v8;
	v17 =	vxor.u32 $0x80000000, v17  }
0x379: {  	v17 =	vnsel vm1, $0x80000000, v17  }
0x37a: {  	(xrf0) =	vmax.scan.msk.u32 $0xffff, v17;
	_ =	sdelay $0x5  }
0x37b: {  	v17, _, _ =	vpop (xrf0)  }
0x37c: {  	(v2sf) =	vpush v17, $0xF;
	_ =	sdelay $0xe  }
0x37d: {  	s3 =	spop (v2sf)  }
0x37e: {  	s3 =	sand.u32 $0x1FFFFF80, s3  }
0x37f: {  	s3 =	sadd.s32 s0, s3  }
0x380: {  	[tilespmem:s15], [sflag:$0x6] =	stream.strided.gather [hbm4b:s3+s9], $0x2000, s8, s9, $0x38;
	[tilespmem:$0x1E200] =	vst v63  }
0x381: {  	_ =	swait.ge [sflag:s30], $0x2000  }
0x382: {  	s3 =	sadd.s32 $0x6, s4;
	[sflag:s30] =	ssyncset.done $0x0  }
0x383: {  	s29 =	sand.u32 $0xFFFFFFF0, s3;
	[sflag:s30] =	ssyncadd.s32 $0xFFFFE000  }
0x384: {  	v17 =	vld [tilespmem:s29+$0x0];
	_ =	sdelay $0x2  }
0x385: {  	s29 =	sand.u32 $0xF, s3  }
0x386: {  	v18 =	vmov s29  }
0x387: {  	vm1 =	veq.s32 v18, v8;
	v17 =	vxor.u32 $0x80000000, v17  }
0x388: {  	v17 =	vnsel vm1, $0x80000000, v17  }
0x389: {  	(xrf0) =	vmax.scan.msk.u32 $0xffff, v17;
	_ =	sdelay $0x5  }
0x38a: {  	v17, _, _ =	vpop (xrf0)  }
0x38b: {  	(v2sf) =	vpush v17, $0xF;
	_ =	sdelay $0xe  }
0x38c: {  	s29 =	spop (v2sf)  }
0x38d: {  	s29 =	sand.u32 $0x7F, s29  }
0x38e: {  	v17 =	vor.u32 s29, v11  }
0x38f: {  	v18 =	vmov s3  }
0x390: {  	v19 =	vshll.u32 v18, $0x3  }
0x391: {  	v18 =	vand.u32 $0x7F, v18;
	v19 =	vand.u32 $0xFFFFFC00, v19  }
0x392: {  	v18 =	vor.u32 v18, v19  }
0x393: {  	v19 =	vadd.s32 v0, v18;
	v17 =	vld.idx.msk [tilespmem:v17+s16+$0x0], $0xffff  }
0x394: {  	v20 =	vor.u32 s29, v14;
	_ =	sdelay $0x3  }
0x395: {  	[tilespmem:v19+s22+$0x0] =	vst.idx.msk $0xffff, v17  }
0x396: {  	v19 =	vadd.s32 v1, v18;
	v17 =	vld.idx.msk [tilespmem:v20+s16+$0x0], $0xffff  }
0x397: {  	v20 =	vor.u32 s29, v15;
	_ =	sdelay $0x3  }
0x398: {  	[tilespmem:v19+s22+$0x0] =	vst.idx.msk $0xffff, v17  }
0x399: {  	v19 =	vadd.s32 v2, v18;
	v17 =	vld.idx.msk [tilespmem:v20+s16+$0x0], $0xffff  }
0x39a: {  	v20 =	vor.u32 s29, v16;
	_ =	sdelay $0x3  }
0x39b: {  	[tilespmem:v19+s22+$0x0] =	vst.idx.msk $0xffff, v17  }
0x39c: {  	v18 =	vadd.s32 v3, v18;
	v17 =	vld.idx.msk [tilespmem:v20+s16+$0x0], $0xffff;
	_ =	sdelay $0x3  }
0x39d: {  	s3 =	sadd.s32 $0x11, s4  }
0x39e: {  	s29 =	sand.u32 $0x7F0, s3;
	[tilespmem:v18+s22+$0x0] =	vst.idx.msk $0xffff, v17  }
0x39f: {  	v17 =	vld [tilespmem:s29+$0x0];
	_ =	sdelay $0x2  }
0x3a0: {  	s3 =	sand.u32 $0xF, s3  }
0x3a1: {  	v18 =	vmov s3  }
0x3a2: {  	vm1 =	veq.s32 v18, v8;
	v17 =	vxor.u32 $0x80000000, v17  }
0x3a3: {  	v17 =	vnsel vm1, $0x80000000, v17  }
0x3a4: {  	(xrf0) =	vmax.scan.msk.u32 $0xffff, v17;
	_ =	sdelay $0x5  }
0x3a5: {  	v17, _, _ =	vpop (xrf0)  }
0x3a6: {  	(v2sf) =	vpush v17, $0xF;
	_ =	sdelay $0xe  }
0x3a7: {  	s3 =	spop (v2sf)  }
0x3a8: {  	s3 =	sand.u32 $0x1FFFFF80, s3  }
0x3a9: {  	s3 =	sadd.s32 s0, s3  }
0x3aa: {  	[tilespmem:s16], [sflag:$0x7] =	stream.strided.gather [hbm4b:s3+s9], $0x2000, s8, s9, $0x38;
	[tilespmem:$0x1E200] =	vst v63  }
0x3ab: {  	_ =	swait.ge [sflag:s31], $0x2000  }
0x3ac: {  	s3 =	sadd.s32 $0x7, s4;
	[sflag:s31] =	ssyncset.done $0x0  }
0x3ad: {  	s29 =	sand.u32 $0xFFFFFFF0, s3;
	[sflag:s31] =	ssyncadd.s32 $0xFFFFE000  }
0x3ae: {  	v17 =	vld [tilespmem:s29+$0x0];
	_ =	sdelay $0x2  }
0x3af: {  	s29 =	sand.u32 $0xF, s3  }
0x3b0: {  	v18 =	vmov s29  }
0x3b1: {  	vm1 =	veq.s32 v18, v8;
	v17 =	vxor.u32 $0x80000000, v17  }
0x3b2: {  	v17 =	vnsel vm1, $0x80000000, v17  }
0x3b3: {  	(xrf0) =	vmax.scan.msk.u32 $0xffff, v17;
	_ =	sdelay $0x5  }
0x3b4: {  	v17, _, _ =	vpop (xrf0)  }
0x3b5: {  	(v2sf) =	vpush v17, $0xF;
	_ =	sdelay $0xe  }
0x3b6: {  	s29 =	spop (v2sf)  }
0x3b7: {  	s29 =	sand.u32 $0x7F, s29  }
0x3b8: {  	v17 =	vor.u32 s29, v11  }
0x3b9: {  	v18 =	vmov s3  }
0x3ba: {  	v19 =	vshll.u32 v18, $0x3  }
0x3bb: {  	v18 =	vand.u32 $0x7F, v18;
	v19 =	vand.u32 $0xFFFFFC00, v19  }
0x3bc: {  	v18 =	vor.u32 v18, v19  }
0x3bd: {  	v19 =	vadd.s32 v0, v18;
	v17 =	vld.idx.msk [tilespmem:v17+s17+$0x0], $0xffff  }
0x3be: {  	v20 =	vor.u32 s29, v14;
	_ =	sdelay $0x3  }
0x3bf: {  	[tilespmem:v19+s22+$0x0] =	vst.idx.msk $0xffff, v17  }
0x3c0: {  	v19 =	vadd.s32 v1, v18;
	v17 =	vld.idx.msk [tilespmem:v20+s17+$0x0], $0xffff  }
0x3c1: {  	v20 =	vor.u32 s29, v15;
	_ =	sdelay $0x3  }
0x3c2: {  	[tilespmem:v19+s22+$0x0] =	vst.idx.msk $0xffff, v17  }
0x3c3: {  	v19 =	vadd.s32 v2, v18;
	v17 =	vld.idx.msk [tilespmem:v20+s17+$0x0], $0xffff  }
0x3c4: {  	v20 =	vor.u32 s29, v16;
	_ =	sdelay $0x3  }
0x3c5: {  	[tilespmem:v19+s22+$0x0] =	vst.idx.msk $0xffff, v17  }
0x3c6: {  	v18 =	vadd.s32 v3, v18;
	v17 =	vld.idx.msk [tilespmem:v20+s17+$0x0], $0xffff;
	_ =	sdelay $0x3  }
0x3c7: {  	s3 =	sadd.s32 $0x12, s4  }
0x3c8: {  	s29 =	sand.u32 $0x7F0, s3;
	[tilespmem:v18+s22+$0x0] =	vst.idx.msk $0xffff, v17  }
0x3c9: {  	v17 =	vld [tilespmem:s29+$0x0];
	_ =	sdelay $0x2  }
0x3ca: {  	s3 =	sand.u32 $0xF, s3  }
0x3cb: {  	v18 =	vmov s3  }
0x3cc: {  	vm1 =	veq.s32 v18, v8;
	v17 =	vxor.u32 $0x80000000, v17  }
0x3cd: {  	v17 =	vnsel vm1, $0x80000000, v17  }
0x3ce: {  	(xrf0) =	vmax.scan.msk.u32 $0xffff, v17;
	_ =	sdelay $0x5  }
0x3cf: {  	v17, _, _ =	vpop (xrf0)  }
0x3d0: {  	(v2sf) =	vpush v17, $0xF;
	_ =	sdelay $0xe  }
0x3d1: {  	s3 =	spop (v2sf)  }
0x3d2: {  	s3 =	sand.u32 $0x1FFFFF80, s3  }
0x3d3: {  	s3 =	sadd.s32 s0, s3  }
0x3d4: {  	[tilespmem:s17], [sflag:$0x8] =	stream.strided.gather [hbm4b:s3+s9], $0x2000, s8, s9, $0x38;
	[tilespmem:$0x1E200] =	vst v63  }
0x3d5: {  	_ =	swait.ge [sflag:s1], $0x2000  }
0x3d6: {  	s3 =	sadd.s32 $0x8, s4;
	[sflag:s1] =	ssyncset.done $0x0  }
0x3d7: {  	s29 =	sand.u32 $0xFFFFFFF0, s3;
	[sflag:s1] =	ssyncadd.s32 $0xFFFFE000  }
0x3d8: {  	v17 =	vld [tilespmem:s29+$0x0];
	_ =	sdelay $0x2  }
0x3d9: {  	s29 =	sand.u32 $0xF, s3  }
0x3da: {  	v18 =	vmov s29  }
0x3db: {  	vm1 =	veq.s32 v18, v8;
	v17 =	vxor.u32 $0x80000000, v17  }
0x3dc: {  	v17 =	vnsel vm1, $0x80000000, v17  }
0x3dd: {  	(xrf0) =	vmax.scan.msk.u32 $0xffff, v17;
	_ =	sdelay $0x5  }
0x3de: {  	v17, _, _ =	vpop (xrf0)  }
0x3df: {  	(v2sf) =	vpush v17, $0xF;
	_ =	sdelay $0xe  }
0x3e0: {  	s29 =	spop (v2sf)  }
0x3e1: {  	s29 =	sand.u32 $0x7F, s29  }
0x3e2: {  	v17 =	vor.u32 s29, v11  }
0x3e3: {  	v18 =	vmov s3  }
0x3e4: {  	v19 =	vshll.u32 v18, $0x3  }
0x3e5: {  	v18 =	vand.u32 $0x7F, v18;
	v19 =	vand.u32 $0xFFFFFC00, v19  }
0x3e6: {  	v18 =	vor.u32 v18, v19  }
0x3e7: {  	v19 =	vadd.s32 v0, v18;
	v17 =	vld.idx.msk [tilespmem:v17+s18+$0x0], $0xffff  }
0x3e8: {  	v20 =	vor.u32 s29, v14;
	_ =	sdelay $0x3  }
0x3e9: {  	[tilespmem:v19+s22+$0x0] =	vst.idx.msk $0xffff, v17  }
0x3ea: {  	v19 =	vadd.s32 v1, v18;
	v17 =	vld.idx.msk [tilespmem:v20+s18+$0x0], $0xffff  }
0x3eb: {  	v20 =	vor.u32 s29, v15;
	_ =	sdelay $0x3  }
0x3ec: {  	[tilespmem:v19+s22+$0x0] =	vst.idx.msk $0xffff, v17  }
0x3ed: {  	v19 =	vadd.s32 v2, v18;
	v17 =	vld.idx.msk [tilespmem:v20+s18+$0x0], $0xffff  }
0x3ee: {  	v20 =	vor.u32 s29, v16;
	_ =	sdelay $0x3  }
0x3ef: {  	[tilespmem:v19+s22+$0x0] =	vst.idx.msk $0xffff, v17  }
0x3f0: {  	v18 =	vadd.s32 v3, v18;
	v17 =	vld.idx.msk [tilespmem:v20+s18+$0x0], $0xffff;
	_ =	sdelay $0x3  }
0x3f1: {  	s3 =	sadd.s32 $0x13, s4  }
0x3f2: {  	s29 =	sand.u32 $0x7F0, s3;
	[tilespmem:v18+s22+$0x0] =	vst.idx.msk $0xffff, v17  }
0x3f3: {  	v17 =	vld [tilespmem:s29+$0x0];
	_ =	sdelay $0x2  }
0x3f4: {  	s3 =	sand.u32 $0xF, s3  }
0x3f5: {  	v18 =	vmov s3  }
0x3f6: {  	vm1 =	veq.s32 v18, v8;
	v17 =	vxor.u32 $0x80000000, v17  }
0x3f7: {  	v17 =	vnsel vm1, $0x80000000, v17  }
0x3f8: {  	(xrf0) =	vmax.scan.msk.u32 $0xffff, v17;
	_ =	sdelay $0x5  }
0x3f9: {  	v17, _, _ =	vpop (xrf0)  }
0x3fa: {  	(v2sf) =	vpush v17, $0xF;
	_ =	sdelay $0xe  }
0x3fb: {  	s3 =	spop (v2sf)  }
0x3fc: {  	s3 =	sand.u32 $0x1FFFFF80, s3  }
0x3fd: {  	s3 =	sadd.s32 s0, s3  }
0x3fe: {  	[tilespmem:s18], [sflag:$0x9] =	stream.strided.gather [hbm4b:s3+s9], $0x2000, s8, s9, $0x38;
	[tilespmem:$0x1E200] =	vst v63  }
0x3ff: {  	_ =	swait.ge [sflag:s2], $0x2000  }
0x400: {  	s3 =	sadd.s32 $0x9, s4;
	[sflag:s2] =	ssyncset.done $0x0  }
0x401: {  	s29 =	sand.u32 $0xFFFFFFF0, s3;
	[sflag:s2] =	ssyncadd.s32 $0xFFFFE000  }
0x402: {  	v17 =	vld [tilespmem:s29+$0x0];
	_ =	sdelay $0x2  }
0x403: {  	s29 =	sand.u32 $0xF, s3  }
0x404: {  	v18 =	vmov s29  }
0x405: {  	vm1 =	veq.s32 v18, v8;
	v17 =	vxor.u32 $0x80000000, v17  }
0x406: {  	v17 =	vnsel vm1, $0x80000000, v17  }
0x407: {  	(xrf0) =	vmax.scan.msk.u32 $0xffff, v17;
	_ =	sdelay $0x5  }
0x408: {  	v17, _, _ =	vpop (xrf0)  }
0x409: {  	(v2sf) =	vpush v17, $0xF;
	_ =	sdelay $0xe  }
0x40a: {  	s29 =	spop (v2sf)  }
0x40b: {  	s29 =	sand.u32 $0x7F, s29  }
0x40c: {  	v17 =	vor.u32 s29, v11  }
0x40d: {  	v18 =	vmov s3  }
0x40e: {  	v19 =	vshll.u32 v18, $0x3  }
0x40f: {  	v18 =	vand.u32 $0x7F, v18;
	v19 =	vand.u32 $0xFFFFFC00, v19  }
0x410: {  	v18 =	vor.u32 v18, v19  }
0x411: {  	v19 =	vadd.s32 v0, v18;
	v17 =	vld.idx.msk [tilespmem:v17+s19+$0x0], $0xffff  }
0x412: {  	v20 =	vor.u32 s29, v14;
	_ =	sdelay $0x3  }
0x413: {  	[tilespmem:v19+s22+$0x0] =	vst.idx.msk $0xffff, v17  }
0x414: {  	v19 =	vadd.s32 v1, v18;
	v17 =	vld.idx.msk [tilespmem:v20+s19+$0x0], $0xffff  }
0x415: {  	v20 =	vor.u32 s29, v15;
	_ =	sdelay $0x3  }
0x416: {  	[tilespmem:v19+s22+$0x0] =	vst.idx.msk $0xffff, v17  }
0x417: {  	v19 =	vadd.s32 v2, v18;
	v17 =	vld.idx.msk [tilespmem:v20+s19+$0x0], $0xffff  }
0x418: {  	v20 =	vor.u32 s29, v16;
	_ =	sdelay $0x3  }
0x419: {  	[tilespmem:v19+s22+$0x0] =	vst.idx.msk $0xffff, v17  }
0x41a: {  	v18 =	vadd.s32 v3, v18;
	v17 =	vld.idx.msk [tilespmem:v20+s19+$0x0], $0xffff;
	_ =	sdelay $0x3  }
0x41b: {  	s3 =	sadd.s32 $0x14, s4  }
0x41c: {  	s29 =	sand.u32 $0x7F0, s3;
	[tilespmem:v18+s22+$0x0] =	vst.idx.msk $0xffff, v17  }
0x41d: {  	v17 =	vld [tilespmem:s29+$0x0];
	_ =	sdelay $0x2  }
0x41e: {  	s3 =	sand.u32 $0xF, s3  }
0x41f: {  	v18 =	vmov s3  }
0x420: {  	vm1 =	veq.s32 v18, v8;
	v17 =	vxor.u32 $0x80000000, v17  }
0x421: {  	v17 =	vnsel vm1, $0x80000000, v17  }
0x422: {  	(xrf0) =	vmax.scan.msk.u32 $0xffff, v17;
	_ =	sdelay $0x5  }
0x423: {  	v17, _, _ =	vpop (xrf0)  }
0x424: {  	(v2sf) =	vpush v17, $0xF;
	_ =	sdelay $0xe  }
0x425: {  	s3 =	spop (v2sf)  }
0x426: {  	s3 =	sand.u32 $0x1FFFFF80, s3  }
0x427: {  	s29 =	simm.s32 $0xB;
	s3 =	sadd.s32 s0, s3  }
0x428: {  	[tilespmem:s19], [sflag:$0xA] =	stream.strided.gather [hbm4b:s3+s9], $0x2000, s8, s9, $0x38;
	[tilespmem:$0x1E200] =	vst v63  }
0x429: {  	_ =	swait.ge [sflag:s29], $0x2000  }
0x42a: {  	[sflag:s29] =	ssyncset.done $0x0  }
0x42b: {  	[sflag:s29] =	ssyncadd.s32 $0xFFFFE000  }
0x42c: {  	v17 =	vld [tilespmem:s6+$0x0];
	_ =	sdelay $0x4  }
0x42d: {  	v17 =	vxor.u32 $0x80000000, v17  }
0x42e: {  	v17 =	vnsel vm15, $0x80000000, v17  }
0x42f: {  	(xrf0) =	vmax.scan.msk.u32 $0xffff, v17;
	_ =	sdelay $0x5  }
0x430: {  	v17, _, _ =	vpop (xrf0)  }
0x431: {  	(v2sf) =	vpush v17, $0xF;
	_ =	sdelay $0xe  }
0x432: {  	s6 =	spop (v2sf)  }
0x433: {  	s3 =	sand.u32 $0x7F, s6  }
0x434: {  	v17 =	vor.u32 s3, v11  }
0x435: {  	v18 =	vmov s5  }
0x436: {  	v19 =	vshll.u32 v18, $0x3  }
0x437: {  	v18 =	vand.u32 $0x7F, v18;
	v19 =	vand.u32 $0xFFFFFC00, v19  }
0x438: {  	v18 =	vor.u32 v18, v19  }
0x439: {  	v19 =	vadd.s32 v0, v18;
	v17 =	vld.idx.msk [tilespmem:v17+s20+$0x0], $0xffff  }
0x43a: {  	v20 =	vor.u32 s3, v14;
	_ =	sdelay $0x3  }
0x43b: {  	[tilespmem:v19+s22+$0x0] =	vst.idx.msk $0xffff, v17  }
0x43c: {  	v19 =	vadd.s32 v1, v18;
	v17 =	vld.idx.msk [tilespmem:v20+s20+$0x0], $0xffff  }
0x43d: {  	v20 =	vor.u32 s3, v15;
	_ =	sdelay $0x3  }
0x43e: {  	[tilespmem:v19+s22+$0x0] =	vst.idx.msk $0xffff, v17  }
0x43f: {  	v19 =	vadd.s32 v2, v18;
	v17 =	vld.idx.msk [tilespmem:v20+s20+$0x0], $0xffff  }
0x440: {  	v20 =	vor.u32 s3, v16;
	_ =	sdelay $0x3  }
0x441: {  	[tilespmem:v19+s22+$0x0] =	vst.idx.msk $0xffff, v17  }
0x442: {  	p0 =	sne.s32 s4, $0x1E4;
	v18 =	vadd.s32 v3, v18;
	v17 =	vld.idx.msk [tilespmem:v20+s20+$0x0], $0xffff  }
.Ltmp0:
0x443: {  	_ = 	snop;
	(pc) =	sbr.rel @p0 .LBB2_2-.Ltmp0, $2  }
0x444: {  	_ =	sdelay $0x2  }
0x445: {  	s4 =	smov.u32 s7;
	[tilespmem:v18+s22+$0x0] =	vst.idx.msk $0xffff, v17  }
0x446: {  	v17 =	vld [tilespmem:$0x1F0];
	_ =	sdelay $0x4  }
0x447: {  	v17 =	vsel vm9, $0x0, v17  }
0x448: {  	v17 =	vxor.u32 $0x80000000, v17  }
0x449: {  	(xrf0) =	vmax.scan.msk.u32 $0xffff, v17;
	_ =	sdelay $0x5  }
0x44a: {  	v17, _, _ =	vpop (xrf0)  }
0x44b: {  	(v2sf) =	vpush v17, $0xF;
	_ =	sdelay $0xe  }
0x44c: {  	s3 =	spop (v2sf)  }
0x44d: {  	s3 =	sand.u32 $0x1FFFFF80, s3  }
0x44e: {  	s3 =	sadd.s32 s0, s3  }
0x44f: {  	[tilespmem:s20], [sflag:$0xB] =	stream.strided.gather [hbm4b:s3+s9], $0x2000, s8, s9, $0x38;
	[tilespmem:$0x1E200] =	vst v63  }
0x450: {  	_ =	swait.ge [sflag:s21], $0x2000  }
0x451: {  	[sflag:s21] =	ssyncset.done $0x0  }
0x452: {  	[sflag:s21] =	ssyncadd.s32 $0xFFFFE000  }
0x453: {  	v17 =	vld [tilespmem:$0x1E0];
	_ =	sdelay $0x3  }
0x454: {  	vm15 =	vmmov $0x7fff  }
0x455: {  	v17 =	vsel vm15, $0x0, v17  }
0x456: {  	v17 =	vxor.u32 $0x80000000, v17  }
0x457: {  	(xrf0) =	vmax.scan.msk.u32 $0xffff, v17;
	_ =	sdelay $0x5  }
0x458: {  	v17, _, _ =	vpop (xrf0)  }
0x459: {  	(v2sf) =	vpush v17, $0xF;
	_ =	sdelay $0xe  }
0x45a: {  	s6 =	spop (v2sf)  }
0x45b: {  	s3 =	sand.u32 $0x7F, s6  }
0x45c: {  	v17 =	vor.u32 s3, v11;
	_ =	sdelay $0x1  }
0x45d: {  	v19 =	vld [tilespmem:$0x1FC00];
	_ =	sdelay $0x2  }
0x45e: {  	v17 =	vld.idx.msk [tilespmem:v17+s10+$0x0], $0xffff;
	_ =	sdelay $0x2  }
0x45f: {  	v18 =	vor.u32 s3, v14;
	_ =	sdelay $0x1  }
0x460: {  	[tilespmem:v19+s22+$0x0] =	vst.idx.msk $0xffff, v17;
	v19 =	vld [tilespmem:$0x1FC10];
	_ =	sdelay $0x2  }
0x461: {  	v17 =	vld.idx.msk [tilespmem:v18+s10+$0x0], $0xffff;
	_ =	sdelay $0x2  }
0x462: {  	v18 =	vor.u32 s3, v15;
	_ =	sdelay $0x1  }
0x463: {  	[tilespmem:v19+s22+$0x0] =	vst.idx.msk $0xffff, v17;
	v19 =	vld [tilespmem:$0x1FC20];
	_ =	sdelay $0x2  }
0x464: {  	v17 =	vld.idx.msk [tilespmem:v18+s10+$0x0], $0xffff  }
0x465: {  	v18 =	vor.u32 s3, v16;
	_ =	sdelay $0x3  }
0x466: {  	[tilespmem:v19+s22+$0x0] =	vst.idx.msk $0xffff, v17  }
0x467: {  	v17 =	vld.idx.msk [tilespmem:v18+s10+$0x0], $0xffff  }
0x468: {  	v18 =	vld [tilespmem:$0x1FC30];
	_ =	sdelay $0x7  }
0x469: {  	[tilespmem:v18+s22+$0x0] =	vst.idx.msk $0xffff, v17  }
0x46a: {  	v17 =	vld [tilespmem:$0x1F0];
	_ =	sdelay $0x4  }
0x46b: {  	v17 =	vsel vm11, $0x0, v17  }
0x46c: {  	v17 =	vxor.u32 $0x80000000, v17  }
0x46d: {  	(xrf0) =	vmax.scan.msk.u32 $0xffff, v17;
	_ =	sdelay $0x5  }
0x46e: {  	v17, _, _ =	vpop (xrf0)  }
0x46f: {  	(v2sf) =	vpush v17, $0xF;
	_ =	sdelay $0xe  }
0x470: {  	s7 =	spop (v2sf)  }
0x471: {  	s3 =	sand.u32 $0x1FFFFF80, s7  }
0x472: {  	s3 =	sadd.s32 s0, s3  }
0x473: {  	[tilespmem:s10], [sflag:$0x1] =	stream.strided.gather [hbm4b:s3+s9], $0x2000, s8, s9, $0x38;
	[tilespmem:$0x1E200] =	vst v63  }
0x474: {  	_ =	swait.ge [sflag:s23], $0x2000  }
0x475: {  	[sflag:s23] =	ssyncset.done $0x0  }
0x476: {  	[sflag:s23] =	ssyncadd.s32 $0xFFFFE000  }
0x477: {  	v17 =	vld [tilespmem:$0x1F0];
	_ =	sdelay $0x4  }
0x478: {  	v17 =	vnsel vm0, $0x0, v17  }
0x479: {  	v17 =	vxor.u32 $0x80000000, v17  }
0x47a: {  	(xrf0) =	vmax.scan.msk.u32 $0xffff, v17;
	_ =	sdelay $0x5  }
0x47b: {  	v17, _, _ =	vpop (xrf0)  }
0x47c: {  	(v2sf) =	vpush v17, $0xF;
	_ =	sdelay $0xe  }
0x47d: {  	s4 =	spop (v2sf)  }
0x47e: {  	s3 =	sand.u32 $0x7F, s4  }
0x47f: {  	v17 =	vor.u32 s3, v11;
	_ =	sdelay $0x1  }
0x480: {  	v19 =	vld [tilespmem:$0x1FCC0];
	_ =	sdelay $0x2  }
0x481: {  	v17 =	vld.idx.msk [tilespmem:v17+s11+$0x0], $0xffff;
	_ =	sdelay $0x2  }
0x482: {  	v18 =	vor.u32 s3, v14;
	_ =	sdelay $0x1  }
0x483: {  	[tilespmem:v19+s22+$0x0] =	vst.idx.msk $0xffff, v17;
	v19 =	vld [tilespmem:$0x1FCD0];
	_ =	sdelay $0x2  }
0x484: {  	v17 =	vld.idx.msk [tilespmem:v18+s11+$0x0], $0xffff;
	_ =	sdelay $0x2  }
0x485: {  	v18 =	vor.u32 s3, v15;
	_ =	sdelay $0x1  }
0x486: {  	[tilespmem:v19+s22+$0x0] =	vst.idx.msk $0xffff, v17;
	v19 =	vld [tilespmem:$0x1FCE0];
	_ =	sdelay $0x2  }
0x487: {  	v17 =	vld.idx.msk [tilespmem:v18+s11+$0x0], $0xffff  }
0x488: {  	v18 =	vor.u32 s3, v16;
	_ =	sdelay $0x3  }
0x489: {  	[tilespmem:v19+s22+$0x0] =	vst.idx.msk $0xffff, v17  }
0x48a: {  	v17 =	vld.idx.msk [tilespmem:v18+s11+$0x0], $0xffff  }
0x48b: {  	v18 =	vld [tilespmem:$0x1FCF0];
	_ =	sdelay $0x7  }
0x48c: {  	[tilespmem:v18+s22+$0x0] =	vst.idx.msk $0xffff, v17  }
0x48d: {  	v17 =	vld [tilespmem:$0x1F0];
	_ =	sdelay $0x4  }
0x48e: {  	v17 =	vsel vm12, $0x0, v17  }
0x48f: {  	v17 =	vxor.u32 $0x80000000, v17  }
0x490: {  	(xrf0) =	vmax.scan.msk.u32 $0xffff, v17;
	_ =	sdelay $0x5  }
0x491: {  	v17, _, _ =	vpop (xrf0)  }
0x492: {  	(v2sf) =	vpush v17, $0xF;
	_ =	sdelay $0xe  }
0x493: {  	s5 =	spop (v2sf)  }
0x494: {  	s3 =	sand.u32 $0x1FFFFF80, s5  }
0x495: {  	s3 =	sadd.s32 s0, s3  }
0x496: {  	[tilespmem:s11], [sflag:$0x2] =	stream.strided.gather [hbm4b:s3+s9], $0x2000, s8, s9, $0x38;
	[tilespmem:$0x1E200] =	vst v63  }
0x497: {  	_ =	swait.ge [sflag:s24], $0x2000  }
0x498: {  	[sflag:s24] =	ssyncset.done $0x0  }
0x499: {  	[sflag:s24] =	ssyncadd.s32 $0xFFFFE000  }
0x49a: {  	v17 =	vld [tilespmem:$0x1F0];
	_ =	sdelay $0x4  }
0x49b: {  	v17 =	vsel vm2, $0x0, v17  }
0x49c: {  	v17 =	vxor.u32 $0x80000000, v17  }
0x49d: {  	(xrf0) =	vmax.scan.msk.u32 $0xffff, v17;
	_ =	sdelay $0x5  }
0x49e: {  	v17, _, _ =	vpop (xrf0)  }
0x49f: {  	(v2sf) =	vpush v17, $0xF;
	_ =	sdelay $0xe  }
0x4a0: {  	s6 =	spop (v2sf)  }
0x4a1: {  	s3 =	sand.u32 $0x7F, s6  }
0x4a2: {  	v17 =	vor.u32 s3, v11;
	_ =	sdelay $0x1  }
0x4a3: {  	v19 =	vld [tilespmem:$0x1FD50];
	_ =	sdelay $0x2  }
0x4a4: {  	v17 =	vld.idx.msk [tilespmem:v17+s12+$0x0], $0xffff;
	_ =	sdelay $0x2  }
0x4a5: {  	v18 =	vor.u32 s3, v14;
	_ =	sdelay $0x1  }
0x4a6: {  	[tilespmem:v19+s22+$0x0] =	vst.idx.msk $0xffff, v17;
	v19 =	vld [tilespmem:$0x1FD60];
	_ =	sdelay $0x2  }
0x4a7: {  	v17 =	vld.idx.msk [tilespmem:v18+s12+$0x0], $0xffff;
	_ =	sdelay $0x2  }
0x4a8: {  	v18 =	vor.u32 s3, v15;
	_ =	sdelay $0x1  }
0x4a9: {  	[tilespmem:v19+s22+$0x0] =	vst.idx.msk $0xffff, v17;
	v19 =	vld [tilespmem:$0x1FD70];
	_ =	sdelay $0x2  }
0x4aa: {  	v17 =	vld.idx.msk [tilespmem:v18+s12+$0x0], $0xffff  }
0x4ab: {  	v18 =	vor.u32 s3, v16;
	_ =	sdelay $0x3  }
0x4ac: {  	[tilespmem:v19+s22+$0x0] =	vst.idx.msk $0xffff, v17  }
0x4ad: {  	v17 =	vld.idx.msk [tilespmem:v18+s12+$0x0], $0xffff  }
0x4ae: {  	v18 =	vld [tilespmem:$0x1FD80];
	_ =	sdelay $0x7  }
0x4af: {  	[tilespmem:v18+s22+$0x0] =	vst.idx.msk $0xffff, v17  }
0x4b0: {  	v17 =	vld [tilespmem:$0x1F0];
	_ =	sdelay $0x4  }
0x4b1: {  	v17 =	vsel vm13, $0x0, v17  }
0x4b2: {  	v17 =	vxor.u32 $0x80000000, v17  }
0x4b3: {  	(xrf0) =	vmax.scan.msk.u32 $0xffff, v17;
	_ =	sdelay $0x5  }
0x4b4: {  	v17, _, _ =	vpop (xrf0)  }
0x4b5: {  	(v2sf) =	vpush v17, $0xF;
	_ =	sdelay $0xe  }
0x4b6: {  	s7 =	spop (v2sf)  }
0x4b7: {  	s3 =	sand.u32 $0x1FFFFF80, s7  }
0x4b8: {  	s3 =	sadd.s32 s0, s3  }
0x4b9: {  	[tilespmem:s12], [sflag:$0x3] =	stream.strided.gather [hbm4b:s3+s9], $0x2000, s8, s9, $0x38;
	[tilespmem:$0x1E200] =	vst v63  }
0x4ba: {  	_ =	swait.ge [sflag:s25], $0x2000  }
0x4bb: {  	[sflag:s25] =	ssyncset.done $0x0  }
0x4bc: {  	[sflag:s25] =	ssyncadd.s32 $0xFFFFE000  }
0x4bd: {  	v17 =	vld [tilespmem:$0x1F0];
	_ =	sdelay $0x4  }
0x4be: {  	v17 =	vsel vm3, $0x0, v17  }
0x4bf: {  	v17 =	vxor.u32 $0x80000000, v17  }
0x4c0: {  	(xrf0) =	vmax.scan.msk.u32 $0xffff, v17;
	_ =	sdelay $0x5  }
0x4c1: {  	v17, _, _ =	vpop (xrf0)  }
0x4c2: {  	(v2sf) =	vpush v17, $0xF;
	_ =	sdelay $0xe  }
0x4c3: {  	s4 =	spop (v2sf)  }
0x4c4: {  	s3 =	sand.u32 $0x7F, s4  }
0x4c5: {  	v17 =	vor.u32 s3, v11;
	_ =	sdelay $0x1  }
0x4c6: {  	v19 =	vld [tilespmem:$0x1FD90];
	_ =	sdelay $0x2  }
0x4c7: {  	v17 =	vld.idx.msk [tilespmem:v17+s13+$0x0], $0xffff;
	_ =	sdelay $0x2  }
0x4c8: {  	v18 =	vor.u32 s3, v14;
	_ =	sdelay $0x1  }
0x4c9: {  	[tilespmem:v19+s22+$0x0] =	vst.idx.msk $0xffff, v17;
	v19 =	vld [tilespmem:$0x1FDA0];
	_ =	sdelay $0x2  }
0x4ca: {  	v17 =	vld.idx.msk [tilespmem:v18+s13+$0x0], $0xffff;
	_ =	sdelay $0x2  }
0x4cb: {  	v18 =	vor.u32 s3, v15;
	_ =	sdelay $0x1  }
0x4cc: {  	[tilespmem:v19+s22+$0x0] =	vst.idx.msk $0xffff, v17;
	v19 =	vld [tilespmem:$0x1FDB0];
	_ =	sdelay $0x2  }
0x4cd: {  	v17 =	vld.idx.msk [tilespmem:v18+s13+$0x0], $0xffff  }
0x4ce: {  	v18 =	vor.u32 s3, v16;
	_ =	sdelay $0x3  }
0x4cf: {  	[tilespmem:v19+s22+$0x0] =	vst.idx.msk $0xffff, v17  }
0x4d0: {  	v17 =	vld.idx.msk [tilespmem:v18+s13+$0x0], $0xffff  }
0x4d1: {  	v18 =	vld [tilespmem:$0x1FDC0];
	_ =	sdelay $0x7  }
0x4d2: {  	[tilespmem:v18+s22+$0x0] =	vst.idx.msk $0xffff, v17  }
0x4d3: {  	v17 =	vld [tilespmem:$0x1F0];
	_ =	sdelay $0x3  }
0x4d4: {  	vm14 =	vmmov vm0;
	vm0 =	vmmov vm9;
	vm9 =	vcmask $0x3338  }
0x4d5: {  	v17 =	vsel vm9, $0x0, v17  }
0x4d6: {  	v17 =	vxor.u32 $0x80000000, v17  }
0x4d7: {  	(xrf0) =	vmax.scan.msk.u32 $0xffff, v17;
	_ =	sdelay $0x5  }
0x4d8: {  	v17, _, _ =	vpop (xrf0)  }
0x4d9: {  	(v2sf) =	vpush v17, $0xF;
	_ =	sdelay $0xe  }
0x4da: {  	s5 =	spop (v2sf)  }
0x4db: {  	s3 =	sand.u32 $0x1FFFFF80, s5  }
0x4dc: {  	s3 =	sadd.s32 s0, s3  }
0x4dd: {  	[tilespmem:s13], [sflag:$0x4] =	stream.strided.gather [hbm4b:s3+s9], $0x2000, s8, s9, $0x38;
	[tilespmem:$0x1E200] =	vst v63  }
0x4de: {  	_ =	swait.ge [sflag:s26], $0x2000  }
0x4df: {  	[sflag:s26] =	ssyncset.done $0x0  }
0x4e0: {  	[sflag:s26] =	ssyncadd.s32 $0xFFFFE000  }
0x4e1: {  	v17 =	vld [tilespmem:$0x1F0];
	_ =	sdelay $0x4  }
0x4e2: {  	v17 =	vsel vm4, $0x0, v17  }
0x4e3: {  	v17 =	vxor.u32 $0x80000000, v17  }
0x4e4: {  	(xrf0) =	vmax.scan.msk.u32 $0xffff, v17;
	_ =	sdelay $0x5  }
0x4e5: {  	v17, _, _ =	vpop (xrf0)  }
0x4e6: {  	(v2sf) =	vpush v17, $0xF;
	_ =	sdelay $0xe  }
0x4e7: {  	s6 =	spop (v2sf)  }
0x4e8: {  	s3 =	sand.u32 $0x7F, s6  }
0x4e9: {  	v17 =	vor.u32 s3, v11;
	_ =	sdelay $0x1  }
0x4ea: {  	v19 =	vld [tilespmem:$0x1FDD0];
	_ =	sdelay $0x2  }
0x4eb: {  	v17 =	vld.idx.msk [tilespmem:v17+s14+$0x0], $0xffff  }
0x4ec: {  	v18 =	vor.u32 s3, v14;
	_ =	sdelay $0x3  }
0x4ed: {  	[tilespmem:v19+s22+$0x0] =	vst.idx.msk $0xffff, v17  }
0x4ee: {  	v17 =	vld.idx.msk [tilespmem:v18+s14+$0x0], $0xffff  }
0x4ef: {  	v18 =	vor.u32 s3, v15;
	_ =	sdelay $0x3  }
0x4f0: {  	[tilespmem:v21+s22+$0x0] =	vst.idx.msk $0xffff, v17  }
0x4f1: {  	v17 =	vld.idx.msk [tilespmem:v18+s14+$0x0], $0xffff  }
0x4f2: {  	v18 =	vor.u32 s3, v16;
	_ =	sdelay $0x3  }
0x4f3: {  	[tilespmem:v22+s22+$0x0] =	vst.idx.msk $0xffff, v17  }
0x4f4: {  	v17 =	vld.idx.msk [tilespmem:v18+s14+$0x0], $0xffff;
	_ =	sdelay $0x4  }
0x4f5: {  	[tilespmem:v23+s22+$0x0] =	vst.idx.msk $0xffff, v17  }
0x4f6: {  	v17 =	vld [tilespmem:$0x1F0];
	_ =	sdelay $0x3  }
0x4f7: {  	vm10 =	vcmask $0x373C  }
0x4f8: {  	v17 =	vsel vm10, $0x0, v17  }
0x4f9: {  	v17 =	vxor.u32 $0x80000000, v17  }
0x4fa: {  	(xrf0) =	vmax.scan.msk.u32 $0xffff, v17;
	_ =	sdelay $0x5  }
0x4fb: {  	v17, _, _ =	vpop (xrf0)  }
0x4fc: {  	(v2sf) =	vpush v17, $0xF;
	_ =	sdelay $0xe  }
0x4fd: {  	s7 =	spop (v2sf)  }
0x4fe: {  	s3 =	sand.u32 $0x1FFFFF80, s7  }
0x4ff: {  	s3 =	sadd.s32 s0, s3  }
0x500: {  	[tilespmem:s14], [sflag:$0x5] =	stream.strided.gather [hbm4b:s3+s9], $0x2000, s8, s9, $0x38;
	[tilespmem:$0x1E200] =	vst v63  }
0x501: {  	_ =	swait.ge [sflag:s28], $0x2000  }
0x502: {  	[sflag:s28] =	ssyncset.done $0x0  }
0x503: {  	[sflag:s28] =	ssyncadd.s32 $0xFFFFE000  }
0x504: {  	v17 =	vld [tilespmem:$0x1F0];
	_ =	sdelay $0x4  }
0x505: {  	v17 =	vsel vm5, $0x0, v17  }
0x506: {  	v17 =	vxor.u32 $0x80000000, v17  }
0x507: {  	(xrf0) =	vmax.scan.msk.u32 $0xffff, v17;
	_ =	sdelay $0x5  }
0x508: {  	v17, _, _ =	vpop (xrf0)  }
0x509: {  	(v2sf) =	vpush v17, $0xF;
	_ =	sdelay $0xe  }
0x50a: {  	s4 =	spop (v2sf)  }
0x50b: {  	s3 =	sand.u32 $0x7F, s4  }
0x50c: {  	v17 =	vor.u32 s3, v11;
	_ =	sdelay $0x4  }
0x50d: {  	v17 =	vld.idx.msk [tilespmem:v17+s15+$0x0], $0xffff  }
0x50e: {  	v18 =	vor.u32 s3, v14;
	_ =	sdelay $0x3  }
0x50f: {  	[tilespmem:v24+s22+$0x0] =	vst.idx.msk $0xffff, v17  }
0x510: {  	v17 =	vld.idx.msk [tilespmem:v18+s15+$0x0], $0xffff  }
0x511: {  	v18 =	vor.u32 s3, v15;
	_ =	sdelay $0x3  }
0x512: {  	[tilespmem:v25+s22+$0x0] =	vst.idx.msk $0xffff, v17  }
0x513: {  	v17 =	vld.idx.msk [tilespmem:v18+s15+$0x0], $0xffff  }
0x514: {  	v18 =	vor.u32 s3, v16;
	_ =	sdelay $0x3  }
0x515: {  	[tilespmem:v26+s22+$0x0] =	vst.idx.msk $0xffff, v17  }
0x516: {  	v17 =	vld.idx.msk [tilespmem:v18+s15+$0x0], $0xffff;
	_ =	sdelay $0x4  }
0x517: {  	[tilespmem:v27+s22+$0x0] =	vst.idx.msk $0xffff, v17  }
0x518: {  	v17 =	vld [tilespmem:$0x1F0];
	_ =	sdelay $0x4  }
0x519: {  	v17 =	vsel vm15, $0x0, v17  }
0x51a: {  	v17 =	vxor.u32 $0x80000000, v17  }
0x51b: {  	(xrf0) =	vmax.scan.msk.u32 $0xffff, v17;
	_ =	sdelay $0x5  }
0x51c: {  	v17, _, _ =	vpop (xrf0)  }
0x51d: {  	(v2sf) =	vpush v17, $0xF;
	_ =	sdelay $0xe  }
0x51e: {  	s5 =	spop (v2sf)  }
0x51f: {  	s3 =	sand.u32 $0x1FFFFF80, s5  }
0x520: {  	s3 =	sadd.s32 s0, s3  }
0x521: {  	[tilespmem:s15], [sflag:$0x6] =	stream.strided.gather [hbm4b:s3+s9], $0x2000, s8, s9, $0x38;
	[tilespmem:$0x1E200] =	vst v63  }
0x522: {  	_ =	swait.ge [sflag:s30], $0x2000  }
0x523: {  	[sflag:s30] =	ssyncset.done $0x0  }
0x524: {  	[sflag:s30] =	ssyncadd.s32 $0xFFFFE000  }
0x525: {  	v17 =	vld [tilespmem:$0x1F0];
	_ =	sdelay $0x4  }
0x526: {  	v17 =	vsel vm6, $0x0, v17  }
0x527: {  	v17 =	vxor.u32 $0x80000000, v17  }
0x528: {  	(xrf0) =	vmax.scan.msk.u32 $0xffff, v17;
	_ =	sdelay $0x5  }
0x529: {  	v17, _, _ =	vpop (xrf0)  }
0x52a: {  	(v2sf) =	vpush v17, $0xF;
	_ =	sdelay $0xe  }
0x52b: {  	s6 =	spop (v2sf)  }
0x52c: {  	s3 =	sand.u32 $0x7F, s6  }
0x52d: {  	v17 =	vor.u32 s3, v11;
	_ =	sdelay $0x4  }
0x52e: {  	v17 =	vld.idx.msk [tilespmem:v17+s16+$0x0], $0xffff  }
0x52f: {  	v18 =	vor.u32 s3, v14;
	_ =	sdelay $0x3  }
0x530: {  	[tilespmem:v28+s22+$0x0] =	vst.idx.msk $0xffff, v17  }
0x531: {  	v17 =	vld.idx.msk [tilespmem:v18+s16+$0x0], $0xffff  }
0x532: {  	v18 =	vor.u32 s3, v15;
	_ =	sdelay $0x3  }
0x533: {  	[tilespmem:v29+s22+$0x0] =	vst.idx.msk $0xffff, v17  }
0x534: {  	v17 =	vld.idx.msk [tilespmem:v18+s16+$0x0], $0xffff  }
0x535: {  	v18 =	vor.u32 s3, v16;
	_ =	sdelay $0x3  }
0x536: {  	[tilespmem:v30+s22+$0x0] =	vst.idx.msk $0xffff, v17  }
0x537: {  	v17 =	vld.idx.msk [tilespmem:v18+s16+$0x0], $0xffff;
	_ =	sdelay $0x4  }
0x538: {  	[tilespmem:v31+s22+$0x0] =	vst.idx.msk $0xffff, v17  }
0x539: {  	_ =	swait.ge [sflag:s31], $0x2000  }
0x53a: {  	[sflag:s31] =	ssyncset.done $0x0  }
0x53b: {  	[sflag:s31] =	ssyncadd.s32 $0xFFFFE000  }
0x53c: {  	v17 =	vld [tilespmem:$0x1F0];
	_ =	sdelay $0x4  }
0x53d: {  	v17 =	vsel vm7, $0x0, v17  }
0x53e: {  	v17 =	vxor.u32 $0x80000000, v17  }
0x53f: {  	(xrf0) =	vmax.scan.msk.u32 $0xffff, v17;
	_ =	sdelay $0x5  }
0x540: {  	v17, _, _ =	vpop (xrf0)  }
0x541: {  	(v2sf) =	vpush v17, $0xF;
	_ =	sdelay $0xe  }
0x542: {  	s7 =	spop (v2sf)  }
0x543: {  	s3 =	sand.u32 $0x7F, s7  }
0x544: {  	v17 =	vor.u32 s3, v11;
	_ =	sdelay $0x4  }
0x545: {  	v17 =	vld.idx.msk [tilespmem:v17+s17+$0x0], $0xffff  }
0x546: {  	v18 =	vor.u32 s3, v14;
	_ =	sdelay $0x3  }
0x547: {  	[tilespmem:v32+s22+$0x0] =	vst.idx.msk $0xffff, v17  }
0x548: {  	v17 =	vld.idx.msk [tilespmem:v18+s17+$0x0], $0xffff  }
0x549: {  	v18 =	vor.u32 s3, v15;
	_ =	sdelay $0x3  }
0x54a: {  	[tilespmem:v33+s22+$0x0] =	vst.idx.msk $0xffff, v17  }
0x54b: {  	v17 =	vld.idx.msk [tilespmem:v18+s17+$0x0], $0xffff  }
0x54c: {  	v18 =	vor.u32 s3, v16;
	_ =	sdelay $0x3  }
0x54d: {  	[tilespmem:v34+s22+$0x0] =	vst.idx.msk $0xffff, v17  }
0x54e: {  	v17 =	vld.idx.msk [tilespmem:v18+s17+$0x0], $0xffff;
	_ =	sdelay $0x4  }
0x54f: {  	[tilespmem:v35+s22+$0x0] =	vst.idx.msk $0xffff, v17  }
0x550: {  	_ =	swait.ge [sflag:s1], $0x2000  }
0x551: {  	[sflag:s1] =	ssyncset.done $0x0  }
0x552: {  	[sflag:s1] =	ssyncadd.s32 $0xFFFFE000  }
0x553: {  	v17 =	vld [tilespmem:$0x1F0];
	_ =	sdelay $0x4  }
0x554: {  	v17 =	vsel vm8, $0x0, v17  }
0x555: {  	v17 =	vxor.u32 $0x80000000, v17  }
0x556: {  	(xrf0) =	vmax.scan.msk.u32 $0xffff, v17;
	_ =	sdelay $0x5  }
0x557: {  	v17, _, _ =	vpop (xrf0)  }
0x558: {  	(v2sf) =	vpush v17, $0xF;
	_ =	sdelay $0xe  }
0x559: {  	s1 =	spop (v2sf)  }
0x55a: {  	s3 =	sand.u32 $0x7F, s1  }
0x55b: {  	v17 =	vor.u32 s3, v11;
	_ =	sdelay $0x4  }
0x55c: {  	v17 =	vld.idx.msk [tilespmem:v17+s18+$0x0], $0xffff  }
0x55d: {  	v18 =	vor.u32 s3, v14;
	_ =	sdelay $0x3  }
0x55e: {  	[tilespmem:v36+s22+$0x0] =	vst.idx.msk $0xffff, v17  }
0x55f: {  	v17 =	vld.idx.msk [tilespmem:v18+s18+$0x0], $0xffff  }
0x560: {  	v18 =	vor.u32 s3, v15;
	_ =	sdelay $0x3  }
0x561: {  	[tilespmem:v37+s22+$0x0] =	vst.idx.msk $0xffff, v17  }
0x562: {  	v17 =	vld.idx.msk [tilespmem:v18+s18+$0x0], $0xffff  }
0x563: {  	v18 =	vor.u32 s3, v16;
	_ =	sdelay $0x3  }
0x564: {  	[tilespmem:v38+s22+$0x0] =	vst.idx.msk $0xffff, v17  }
0x565: {  	v17 =	vld.idx.msk [tilespmem:v18+s18+$0x0], $0xffff;
	_ =	sdelay $0x4  }
0x566: {  	[tilespmem:v39+s22+$0x0] =	vst.idx.msk $0xffff, v17  }
0x567: {  	_ =	swait.ge [sflag:s2], $0x2000  }
0x568: {  	[sflag:s2] =	ssyncset.done $0x0  }
0x569: {  	[sflag:s2] =	ssyncadd.s32 $0xFFFFE000  }
0x56a: {  	v17 =	vld [tilespmem:$0x1F0];
	_ =	sdelay $0x1  }
0x56b: {  	vm1 =	vmmov vm2;
	vm2 =	vmmov vm3  }
0x56c: {  	vm3 =	vmmov vm4;
	vm4 =	vmmov vm5;
	vm5 =	vmmov vm6  }
0x56d: {  	vm6 =	vmmov vm7;
	vm7 =	vmmov vm8;
	vm8 =	vcmask $0x1F24  }
0x56e: {  	v17 =	vsel vm8, $0x0, v17  }
0x56f: {  	v17 =	vxor.u32 $0x80000000, v17  }
0x570: {  	(xrf0) =	vmax.scan.msk.u32 $0xffff, v17;
	_ =	sdelay $0x5  }
0x571: {  	v17, _, _ =	vpop (xrf0)  }
0x572: {  	(v2sf) =	vpush v17, $0xF;
	_ =	sdelay $0xe  }
0x573: {  	s2 =	spop (v2sf)  }
0x574: {  	s3 =	sand.u32 $0x7F, s2  }
0x575: {  	v17 =	vor.u32 s3, v11;
	_ =	sdelay $0x4  }
0x576: {  	v17 =	vld.idx.msk [tilespmem:v17+s19+$0x0], $0xffff  }
0x577: {  	v18 =	vor.u32 s3, v14;
	_ =	sdelay $0x3  }
0x578: {  	[tilespmem:v40+s22+$0x0] =	vst.idx.msk $0xffff, v17  }
0x579: {  	v17 =	vld.idx.msk [tilespmem:v18+s19+$0x0], $0xffff  }
0x57a: {  	v18 =	vor.u32 s3, v15;
	_ =	sdelay $0x3  }
0x57b: {  	[tilespmem:v41+s22+$0x0] =	vst.idx.msk $0xffff, v17  }
0x57c: {  	v17 =	vld.idx.msk [tilespmem:v18+s19+$0x0], $0xffff  }
0x57d: {  	v18 =	vor.u32 s3, v16;
	_ =	sdelay $0x3  }
0x57e: {  	[tilespmem:v42+s22+$0x0] =	vst.idx.msk $0xffff, v17  }
0x57f: {  	v17 =	vld.idx.msk [tilespmem:v18+s19+$0x0], $0xffff;
	_ =	sdelay $0x4  }
0x580: {  	[tilespmem:v43+s22+$0x0] =	vst.idx.msk $0xffff, v17  }
0x581: {  	_ =	swait.ge [sflag:s29], $0x2000  }
0x582: {  	[sflag:s29] =	ssyncset.done $0x0  }
0x583: {  	[sflag:s29] =	ssyncadd.s32 $0xFFFFE000  }
0x584: {  	v17 =	vld [tilespmem:$0x1F0];
	_ =	sdelay $0x4  }
0x585: {  	v17 =	vsel vm0, $0x0, v17  }
0x586: {  	v17 =	vxor.u32 $0x80000000, v17  }
0x587: {  	(xrf0) =	vmax.scan.msk.u32 $0xffff, v17;
	_ =	sdelay $0x5  }
0x588: {  	v17, _, _ =	vpop (xrf0)  }
0x589: {  	(v2sf) =	vpush v17, $0xF;
	_ =	sdelay $0xe  }
0x58a: {  	s4 =	spop (v2sf)  }
0x58b: {  	s3 =	sand.u32 $0x7F, s4  }
0x58c: {  	v17 =	vor.u32 s3, v11;
	_ =	sdelay $0x4  }
0x58d: {  	v17 =	vld.idx.msk [tilespmem:v17+s20+$0x0], $0xffff  }
0x58e: {  	v18 =	vor.u32 s3, v14;
	_ =	sdelay $0x3  }
0x58f: {  	[tilespmem:v44+s22+$0x0] =	vst.idx.msk $0xffff, v17  }
0x590: {  	v17 =	vld.idx.msk [tilespmem:v18+s20+$0x0], $0xffff  }
0x591: {  	v18 =	vor.u32 s3, v15;
	_ =	sdelay $0x3  }
0x592: {  	[tilespmem:v45+s22+$0x0] =	vst.idx.msk $0xffff, v17  }
0x593: {  	v17 =	vld.idx.msk [tilespmem:v18+s20+$0x0], $0xffff  }
0x594: {  	v18 =	vor.u32 s3, v16;
	_ =	sdelay $0x3  }
0x595: {  	[tilespmem:v46+s22+$0x0] =	vst.idx.msk $0xffff, v17  }
0x596: {  	v17 =	vld.idx.msk [tilespmem:v18+s20+$0x0], $0xffff;
	_ =	sdelay $0x4  }
0x597: {  	[tilespmem:v47+s22+$0x0] =	vst.idx.msk $0xffff, v17  }
0x598: {  	_ =	swait.ge [sflag:s21], $0x2000  }
0x599: {  	[sflag:s21] =	ssyncset.done $0x0  }
0x59a: {  	[sflag:s21] =	ssyncadd.s32 $0xFFFFE000  }
0x59b: {  	v17 =	vld [tilespmem:$0x1F0];
	_ =	sdelay $0x4  }
0x59c: {  	v17 =	vsel vm11, $0x0, v17  }
0x59d: {  	v17 =	vxor.u32 $0x80000000, v17  }
0x59e: {  	(xrf0) =	vmax.scan.msk.u32 $0xffff, v17;
	_ =	sdelay $0x5  }
0x59f: {  	v17, _, _ =	vpop (xrf0)  }
0x5a0: {  	(v2sf) =	vpush v17, $0xF;
	_ =	sdelay $0xe  }
0x5a1: {  	s5 =	spop (v2sf)  }
0x5a2: {  	s3 =	sand.u32 $0x7F, s5  }
0x5a3: {  	v17 =	vor.u32 s3, v11;
	_ =	sdelay $0x4  }
0x5a4: {  	v17 =	vld.idx.msk [tilespmem:v17+s10+$0x0], $0xffff  }
0x5a5: {  	v18 =	vor.u32 s3, v14;
	_ =	sdelay $0x3  }
0x5a6: {  	[tilespmem:v48+s22+$0x0] =	vst.idx.msk $0xffff, v17  }
0x5a7: {  	v17 =	vld.idx.msk [tilespmem:v18+s10+$0x0], $0xffff  }
0x5a8: {  	v18 =	vor.u32 s3, v15;
	_ =	sdelay $0x3  }
0x5a9: {  	[tilespmem:v49+s22+$0x0] =	vst.idx.msk $0xffff, v17  }
0x5aa: {  	v17 =	vld.idx.msk [tilespmem:v18+s10+$0x0], $0xffff  }
0x5ab: {  	v18 =	vor.u32 s3, v16;
	_ =	sdelay $0x3  }
0x5ac: {  	[tilespmem:v50+s22+$0x0] =	vst.idx.msk $0xffff, v17  }
0x5ad: {  	v17 =	vld.idx.msk [tilespmem:v18+s10+$0x0], $0xffff;
	_ =	sdelay $0x4  }
0x5ae: {  	[tilespmem:v51+s22+$0x0] =	vst.idx.msk $0xffff, v17  }
0x5af: {  	_ =	swait.ge [sflag:s23], $0x2000  }
0x5b0: {  	[sflag:s23] =	ssyncset.done $0x0  }
0x5b1: {  	[sflag:s23] =	ssyncadd.s32 $0xFFFFE000  }
0x5b2: {  	v17 =	vld [tilespmem:$0x1F0];
	_ =	sdelay $0x4  }
0x5b3: {  	v17 =	vsel vm12, $0x0, v17  }
0x5b4: {  	v17 =	vxor.u32 $0x80000000, v17  }
0x5b5: {  	(xrf0) =	vmax.scan.msk.u32 $0xffff, v17;
	_ =	sdelay $0x5  }
0x5b6: {  	v17, _, _ =	vpop (xrf0)  }
0x5b7: {  	(v2sf) =	vpush v17, $0xF;
	_ =	sdelay $0xe  }
0x5b8: {  	s6 =	spop (v2sf)  }
0x5b9: {  	s3 =	sand.u32 $0x7F, s6  }
0x5ba: {  	v17 =	vor.u32 s3, v11;
	_ =	sdelay $0x4  }
0x5bb: {  	v17 =	vld.idx.msk [tilespmem:v17+s11+$0x0], $0xffff  }
0x5bc: {  	v18 =	vor.u32 s3, v14;
	_ =	sdelay $0x3  }
0x5bd: {  	[tilespmem:v52+s22+$0x0] =	vst.idx.msk $0xffff, v17  }
0x5be: {  	v17 =	vld.idx.msk [tilespmem:v18+s11+$0x0], $0xffff  }
0x5bf: {  	v18 =	vor.u32 s3, v15;
	_ =	sdelay $0x3  }
0x5c0: {  	[tilespmem:v53+s22+$0x0] =	vst.idx.msk $0xffff, v17  }
0x5c1: {  	v17 =	vld.idx.msk [tilespmem:v18+s11+$0x0], $0xffff  }
0x5c2: {  	v18 =	vor.u32 s3, v16;
	_ =	sdelay $0x3  }
0x5c3: {  	[tilespmem:v54+s22+$0x0] =	vst.idx.msk $0xffff, v17  }
0x5c4: {  	v17 =	vld.idx.msk [tilespmem:v18+s11+$0x0], $0xffff;
	_ =	sdelay $0x4  }
0x5c5: {  	[tilespmem:v55+s22+$0x0] =	vst.idx.msk $0xffff, v17  }
0x5c6: {  	_ =	swait.ge [sflag:s24], $0x2000  }
0x5c7: {  	[sflag:s24] =	ssyncset.done $0x0  }
0x5c8: {  	[sflag:s24] =	ssyncadd.s32 $0xFFFFE000  }
0x5c9: {  	v17 =	vld [tilespmem:$0x1F0];
	_ =	sdelay $0x4  }
0x5ca: {  	v17 =	vsel vm13, $0x0, v17  }
0x5cb: {  	v17 =	vxor.u32 $0x80000000, v17  }
0x5cc: {  	(xrf0) =	vmax.scan.msk.u32 $0xffff, v17;
	_ =	sdelay $0x5  }
0x5cd: {  	v17, _, _ =	vpop (xrf0)  }
0x5ce: {  	(v2sf) =	vpush v17, $0xF;
	_ =	sdelay $0xe  }
0x5cf: {  	s7 =	spop (v2sf)  }
0x5d0: {  	s3 =	sand.u32 $0x7F, s7  }
0x5d1: {  	v17 =	vor.u32 s3, v11;
	_ =	sdelay $0x4  }
0x5d2: {  	v17 =	vld.idx.msk [tilespmem:v17+s12+$0x0], $0xffff  }
0x5d3: {  	v18 =	vor.u32 s3, v14;
	_ =	sdelay $0x3  }
0x5d4: {  	[tilespmem:v56+s22+$0x0] =	vst.idx.msk $0xffff, v17  }
0x5d5: {  	v17 =	vld.idx.msk [tilespmem:v18+s12+$0x0], $0xffff  }
0x5d6: {  	v18 =	vor.u32 s3, v15;
	_ =	sdelay $0x3  }
0x5d7: {  	[tilespmem:v57+s22+$0x0] =	vst.idx.msk $0xffff, v17  }
0x5d8: {  	v17 =	vld.idx.msk [tilespmem:v18+s12+$0x0], $0xffff  }
0x5d9: {  	v18 =	vor.u32 s3, v16;
	_ =	sdelay $0x3  }
0x5da: {  	[tilespmem:v58+s22+$0x0] =	vst.idx.msk $0xffff, v17  }
0x5db: {  	v17 =	vld.idx.msk [tilespmem:v18+s12+$0x0], $0xffff;
	_ =	sdelay $0x4  }
0x5dc: {  	[tilespmem:v59+s22+$0x0] =	vst.idx.msk $0xffff, v17  }
0x5dd: {  	_ =	swait.ge [sflag:s25], $0x2000  }
0x5de: {  	[sflag:s25] =	ssyncset.done $0x0  }
0x5df: {  	[sflag:s25] =	ssyncadd.s32 $0xFFFFE000  }
0x5e0: {  	v17 =	vld [tilespmem:$0x1F0];
	_ =	sdelay $0x4  }
0x5e1: {  	v17 =	vsel vm9, $0x0, v17  }
0x5e2: {  	v17 =	vxor.u32 $0x80000000, v17  }
0x5e3: {  	(xrf0) =	vmax.scan.msk.u32 $0xffff, v17;
	_ =	sdelay $0x5  }
0x5e4: {  	v17, _, _ =	vpop (xrf0)  }
0x5e5: {  	(v2sf) =	vpush v17, $0xF;
	_ =	sdelay $0xe  }
0x5e6: {  	s29 =	spop (v2sf)  }
0x5e7: {  	s3 =	sand.u32 $0x7F, s29  }
0x5e8: {  	v17 =	vor.u32 s3, v11;
	_ =	sdelay $0x4  }
0x5e9: {  	v17 =	vld.idx.msk [tilespmem:v17+s13+$0x0], $0xffff  }
0x5ea: {  	v18 =	vor.u32 s3, v14;
	_ =	sdelay $0x3  }
0x5eb: {  	[tilespmem:v60+s22+$0x0] =	vst.idx.msk $0xffff, v17  }
0x5ec: {  	v17 =	vld.idx.msk [tilespmem:v18+s13+$0x0], $0xffff  }
0x5ed: {  	v18 =	vor.u32 s3, v15;
	_ =	sdelay $0x3  }
0x5ee: {  	[tilespmem:v61+s22+$0x0] =	vst.idx.msk $0xffff, v17  }
0x5ef: {  	v17 =	vld.idx.msk [tilespmem:v18+s13+$0x0], $0xffff  }
0x5f0: {  	v18 =	vor.u32 s3, v16;
	_ =	sdelay $0x3  }
0x5f1: {  	[tilespmem:v62+s22+$0x0] =	vst.idx.msk $0xffff, v17  }
0x5f2: {  	v17 =	vld.idx.msk [tilespmem:v18+s13+$0x0], $0xffff;
	_ =	sdelay $0x4  }
0x5f3: {  	[tilespmem:v63+s22+$0x0] =	vst.idx.msk $0xffff, v17  }
0x5f4: {  	_ =	swait.ge [sflag:s26], $0x2000  }
0x5f5: {  	[sflag:s26] =	ssyncset.done $0x0  }
0x5f6: {  	[sflag:s26] =	ssyncadd.s32 $0xFFFFE000  }
0x5f7: {  	v17 =	vld [tilespmem:$0x1F0];
	_ =	sdelay $0x4  }
0x5f8: {  	v17 =	vsel vm10, $0x0, v17  }
0x5f9: {  	v17 =	vxor.u32 $0x80000000, v17  }
0x5fa: {  	(xrf0) =	vmax.scan.msk.u32 $0xffff, v17;
	_ =	sdelay $0x5  }
0x5fb: {  	v17, _, _ =	vpop (xrf0)  }
0x5fc: {  	(v2sf) =	vpush v17, $0xF;
	_ =	sdelay $0xe  }
0x5fd: {  	s1 =	spop (v2sf)  }
0x5fe: {  	s3 =	sand.u32 $0x7F, s1  }
0x5ff: {  	v17 =	vor.u32 s3, v11;
	_ =	sdelay $0x4  }
0x600: {  	v17 =	vld.idx.msk [tilespmem:v17+s14+$0x0], $0xffff  }
0x601: {  	v18 =	vor.u32 s3, v14;
	_ =	sdelay $0x3  }
0x602: {  	[tilespmem:v4+s22+$0x0] =	vst.idx.msk $0xffff, v17  }
0x603: {  	v17 =	vld.idx.msk [tilespmem:v18+s14+$0x0], $0xffff  }
0x604: {  	v18 =	vor.u32 s3, v15;
	_ =	sdelay $0x3  }
0x605: {  	[tilespmem:v5+s22+$0x0] =	vst.idx.msk $0xffff, v17  }
0x606: {  	v17 =	vld.idx.msk [tilespmem:v18+s14+$0x0], $0xffff  }
0x607: {  	v18 =	vor.u32 s3, v16;
	_ =	sdelay $0x3  }
0x608: {  	[tilespmem:v6+s22+$0x0] =	vst.idx.msk $0xffff, v17  }
0x609: {  	v17 =	vld.idx.msk [tilespmem:v18+s14+$0x0], $0xffff;
	_ =	sdelay $0x4  }
0x60a: {  	[tilespmem:v7+s22+$0x0] =	vst.idx.msk $0xffff, v17  }
0x60b: {  	_ =	swait.ge [sflag:s28], $0x2000  }
0x60c: {  	[sflag:s28] =	ssyncset.done $0x0  }
0x60d: {  	[sflag:s28] =	ssyncadd.s32 $0xFFFFE000  }
0x60e: {  	v17 =	vld [tilespmem:$0x1F0];
	_ =	sdelay $0x4  }
0x60f: {  	v17 =	vsel vm15, $0x0, v17  }
0x610: {  	v17 =	vxor.u32 $0x80000000, v17  }
0x611: {  	(xrf0) =	vmax.scan.msk.u32 $0xffff, v17;
	_ =	sdelay $0x5  }
0x612: {  	v17, _, _ =	vpop (xrf0)  }
0x613: {  	(v2sf) =	vpush v17, $0xF;
	_ =	sdelay $0xe  }
0x614: {  	s2 =	spop (v2sf)  }
0x615: {  	s3 =	sand.u32 $0x7F, s2  }
0x616: {  	v17 =	vor.u32 s3, v11;
	_ =	sdelay $0x4  }
0x617: {  	v17 =	vld.idx.msk [tilespmem:v17+s15+$0x0], $0xffff  }
0x618: {  	v18 =	vor.u32 s3, v14;
	_ =	sdelay $0x3  }
0x619: {  	[tilespmem:v9+s22+$0x0] =	vst.idx.msk $0xffff, v17  }
0x61a: {  	v17 =	vld.idx.msk [tilespmem:v18+s15+$0x0], $0xffff  }
0x61b: {  	v18 =	vor.u32 s3, v15;
	_ =	sdelay $0x3  }
0x61c: {  	[tilespmem:v10+s22+$0x0] =	vst.idx.msk $0xffff, v17  }
0x61d: {  	v17 =	vld.idx.msk [tilespmem:v18+s15+$0x0], $0xffff  }
0x61e: {  	v18 =	vor.u32 s3, v16;
	_ =	sdelay $0x3  }
0x61f: {  	[tilespmem:v12+s22+$0x0] =	vst.idx.msk $0xffff, v17  }
0x620: {  	v17 =	vld.idx.msk [tilespmem:v18+s15+$0x0], $0xffff;
	_ =	sdelay $0x4  }
0x621: {  	s5 =	simm.s32 $0x1000;
	s6 =	simm.s32 $0x20000;
	s4 =	rddreg [dreg:$0x5];
	[tilespmem:v13+s22+$0x0] =	vst.idx.msk $0xffff, v17  }
0x622: {  	[hbm4b:s4+s5] =	stream.strided.scatter [tilespmem:s22], [sflag:$0xC], $0x8000, s6, s5, $0x38;
	[tilespmem:$0x1E200] =	vst v63  }
0x623: {  	s5 =	simm.s32 $0xC  }
0x624: {  	_ =	swait.ge [sflag:s5], $0x8000  }
0x625: {  	s7 =	rddreg [dreg:$0x7]  }
0x626: {  	s29 =	rddreg [dreg:$0x6];
	s1 =	sadd.s32 $0x1, s7  }
0x627: {  	p0 =	sne.s32 s1, s29  }
.Ltmp1:
0x628: {  	_ = 	snop;
	(pc) =	sbr.rel @p0 .LBB2_1-.Ltmp1, $3  }
0x629: {  	_ =	sdelay $0x1  }
0x62a: {  	[sflag:s5] =	ssyncset.done $0x0  }
0x62b: {  	vm9 =	vmmov vm0;
	vm0 =	vmmov vm14;
	[sflag:s5] =	ssyncadd.s32 $0xFFFF8000  }
0x62c: {  	_ =	sfence.sel $0x180000  }
0x62d: {  	[bflag:$0x0] =	sbarrier.arrive $0xFFFF  }
0x62e: {  	_ =	strace $0x90000047  }
0x62f: {  	s0 =	stileid.u32;
	[bflag:$0x2] =	sbarrier.arrive $0xFFFF  }
0x630: {  	p0 =	sne.s32 s0, $0x0;
	s0 =	rddreg [dreg:$0x3]  }
0x631: {  	s0 =	sadd.s32 @!p0 $0x100000, s0  }
0x632: {  	[sflag:s0] =	ssyncadd.tile.s32 @!p0 $0x1;
	_ =	shalt  }
.Lfunc_end2:
_tile_overlayer_lowered:
.L_overlay_start_2:
0x633: {  	(tag) =	ssettag $0x2  }
0x634: {  	s0 =	rddreg [dreg:$0x0];
	s2 =	stileid.u32  }
0x635: {  	s1 =	rddreg [dreg:$0x1];
	p0 =	sne.s32 s2, $0x0  }
0x636: {  	s3 =	rddreg [dreg:$0x2];
	[bflag:$0x3] =	sbarrier.arrive $0xFFFF;
	s2 =	simm.s32 @!p0 $0x1C0C  }
0x637: {  	[timem:s3], [sflag:s2] =	dma.local @!p0 [hbm:s0], s1  }
0x638: {  	s0 =	simm.s32 @!p0 $0xC  }
0x639: {  	_ =	swait.ge @!p0 [sflag:s0], s1  }
0x63a: {  	s1 =	ssub.s32 @!p0 $0x0, s1;
	[sflag:s0] =	ssyncset.done @!p0 $0x0  }
0x63b: {  	[sflag:s0] =	ssyncadd.s32 @!p0 s1  }
0x63c: {  	[bflag:$0x3] =	sbarrier.arrive $0xFFFF  }
0x63d: {  	_ =	shalt  }

</sc_bundles>
